<compile_context>
chip_gen: v7x
topology: tpu7x:2x2x1
jax: 0.10.2.dev20260603
libtpu: 0.0.44.dev20260713+nightly
codegen_flags: <defaults>
</compile_context>

<pallas_src>
import jax
import jax.numpy as jnp
from jax.experimental import pallas as pl
from jax.experimental.pallas import tpu as pltpu

N, V, R = 2000, 3, 116
NODE_C, INST_C = 2, 2
H, ATTN = 128, 64
B = 256
SLOPE = 0.2
THRESH = 1.0


CB = 16
NSTEPS = B // CB


def _rtgnn_kernel(idx_ref, *refs):
    x_refs = refs[:CB]
    a_refs = refs[CB:2 * CB]
    (fnnW_ref, fnnb_ref, intraW_ref, Wa_ref, q_ref, Wout_ref, bout_ref,
     ep_ref, bf_ref, gp_ref, hmean_ref, svec_ref) = refs[2 * CB:]
    b = pl.program_id(0)

    @pl.when(b == 0)
    def _init():
        svec_ref[...] = jnp.zeros_like(svec_ref)

    q = q_ref[...]
    Wa = Wa_ref[...]
    xm = [[None] * CB for _ in range(V)]
    for v in range(V):
        W1 = fnnW_ref[v]
        b1 = fnnb_ref[v:v + 1, :]
        for c in range(CB):
            X = x_refs[c][0, v]
            logits = jnp.dot(X, W1, preferred_element_type=jnp.float32) + b1
            ep = jnp.tanh(logits)
            ep_ref[c, v] = ep
            ns = jnp.max(ep, axis=1, keepdims=True)
            m = (ns >= (1.0 - THRESH)).astype(jnp.float32)
            xm[v][c] = X * m
    msg = [[None] * CB for _ in range(V)]
    for v in range(V):
        for c in range(CB):
            A = a_refs[c][0, v]
            msg[v][c] = jnp.dot(A.astype(jnp.bfloat16),
                                xm[v][c].astype(jnp.bfloat16),
                                preferred_element_type=jnp.float32)
    hs = [[None] * CB for _ in range(V)]
    for v in range(V):
        Wi = intraW_ref[v].astype(jnp.bfloat16)
        for c in range(CB):
            hpre = jnp.dot(msg[v][c].astype(jnp.bfloat16), Wi,
                           preferred_element_type=jnp.float32)
            h = jnp.where(hpre >= 0.0, hpre, SLOPE * hpre)
            hmean_ref[v, b * CB + c] = jnp.mean(h, axis=0)
            hs[v][c] = h
    Wab = Wa.astype(jnp.bfloat16)
    sacc = [jnp.zeros((1, ATTN), dtype=jnp.float32) for _ in range(V)]
    for v in range(V):
        for c in range(CB):
            ap = jnp.tanh(jnp.dot(hs[v][c].astype(jnp.bfloat16), Wab,
                                  preferred_element_type=jnp.float32))
            sacc[v] = sacc[v] + jnp.sum(ap, axis=0, keepdims=True) * q
    svec_ref[...] += jnp.concatenate(sacc, axis=0)

    @pl.when(b == NSTEPS - 1)
    def _finish():
        s = jnp.sum(svec_ref[...], axis=1, keepdims=True) / (B * R)
        smax = jnp.max(s, axis=0, keepdims=True)
        e = jnp.exp(s - smax)
        alpha = e / jnp.sum(e, axis=0, keepdims=True)
        hm = hmean_ref[...]
        bf = jnp.sum(alpha[:, :, None] * hm, axis=0)
        bf_ref[...] = bf
        gp_ref[...] = jnp.dot(bf, Wout_ref[...],
                              preferred_element_type=jnp.float32) + bout_ref[...]


def _tc_kernel(features, weights, batch_idx, batch_labels, regions_labels,
           fnn_W, fnn_b, intra_W, Wa, q, Wout, bout,
           train_flag, epoch, iter_, num_batchs):
    q2 = q.reshape(1, ATTN)
    bout2 = bout.reshape(1, INST_C)

    def _row_spec(c):
        return pl.BlockSpec((1, V, R, R),
                            lambda b, idx, c=c: (idx[b * CB + c], 0, 0, 0))

    grid_spec = pltpu.PrefetchScalarGridSpec(
        num_scalar_prefetch=1,
        grid=(NSTEPS,),
        in_specs=(
            [_row_spec(c) for c in range(CB)]
            + [_row_spec(c) for c in range(CB)]
            + [
                pl.BlockSpec((V, R, NODE_C), lambda b, idx: (0, 0, 0)),
                pl.BlockSpec((V, NODE_C), lambda b, idx: (0, 0)),
                pl.BlockSpec((V, R, H), lambda b, idx: (0, 0, 0)),
                pl.BlockSpec((H, ATTN), lambda b, idx: (0, 0)),
                pl.BlockSpec((1, ATTN), lambda b, idx: (0, 0)),
                pl.BlockSpec((H, INST_C), lambda b, idx: (0, 0)),
                pl.BlockSpec((1, INST_C), lambda b, idx: (0, 0)),
            ]
        ),
        out_specs=[
            pl.BlockSpec((CB, V, R, NODE_C), lambda b, idx: (b, 0, 0, 0)),
            pl.BlockSpec((B, H), lambda b, idx: (0, 0)),
            pl.BlockSpec((B, INST_C), lambda b, idx: (0, 0)),
        ],
        scratch_shapes=[
            pltpu.VMEM((V, B, H), jnp.float32),
            pltpu.VMEM((V, ATTN), jnp.float32),
        ],
    )
    ep, bf, gp = pl.pallas_call(
        _rtgnn_kernel,
        grid_spec=grid_spec,
        out_shape=[
            jax.ShapeDtypeStruct((B, V, R, NODE_C), jnp.float32),
            jax.ShapeDtypeStruct((B, H), jnp.float32),
            jax.ShapeDtypeStruct((B, INST_C), jnp.float32),
        ],
    )(batch_idx, *([features] * CB), *([weights] * CB),
      fnn_W, fnn_b, intra_W, Wa, q2, Wout, bout2)

    return (bf, batch_labels, regions_labels, gp, ep, jnp.asarray(train_flag))



import functools
from jax import lax
from jax.experimental.pallas import tpu_sc as plsc

NC_SC = 2
NS_SC = 16
NW_SC = NC_SC * NS_SC
RPW_SC = B // NW_SC


@functools.partial(
    pl.kernel,
    mesh=plsc.VectorSubcoreMesh(core_axis_name="c", subcore_axis_name="s"),
    out_type=jax.ShapeDtypeStruct((2 * B, V, R, R), jnp.float32),
    scratch_types=[
        pltpu.VMEM((1, V, R, R), jnp.float32),
        pltpu.VMEM((1, V, R, R), jnp.float32),
        pltpu.SemaphoreType.DMA,
        pltpu.SemaphoreType.DMA,
    ],
)
def _sc_probe(feat, wt, out, buf0, buf1, sem0, sem1):
    wid = lax.axis_index("s") * NC_SC + lax.axis_index("c")
    base = wid * RPW_SC
    bufs = [buf0, buf1]
    sems = [sem0, sem1]
    copies = [None, None]

    def start_read(j):
        slot = j % 2
        src = feat if j < RPW_SC else wt
        row = base + (j % RPW_SC)
        copies[slot] = pltpu.async_copy(src.at[pl.ds(row, 1)],
                                        bufs[slot], sems[slot])

    start_read(0)
    for j in range(2 * RPW_SC):
        if j + 1 < 2 * RPW_SC:
            start_read(j + 1)
        copies[j % 2].wait()
        orow = base + j if j < RPW_SC else B + base + (j - RPW_SC)
        pltpu.sync_copy(bufs[j % 2], out.at[pl.ds(orow, 1)])


def kernel(features, weights, batch_idx, batch_labels, regions_labels,
           fnn_W, fnn_b, intra_W, Wa, q, Wout, bout,
           train_flag, epoch, iter_, num_batchs):
    staged = _sc_probe(features, weights)
    outs = _tc_kernel(features, weights, batch_idx, batch_labels,
                      regions_labels, fnn_W, fnn_b, intra_W, Wa, q, Wout,
                      bout, train_flag, epoch, iter_, num_batchs)
    return outs + (jnp.sum(staged[:, 0, 0, :1]),)

# --- scband reference (transcript-rebuilt; emitter-appended) ---
"""Pipeline reference for scband-one-layer-rtgnn-16853451670060 (READ-ONLY COPY).

The authoritative reference and input builder live on the scoring server;
editing this copy changes nothing except your own understanding.
"""

import jax, jax.numpy as jnp
import numpy as np

N, V, R = 2000, 3, 116
NODE_C, INST_C = 2, 2
H, ATTN = 128, 64
B = 256
SLOPE = 0.2
THRESH = 1.0  # threshold_start; RL disabled (train_flag=False)


def setup_inputs(seed: int = 0) -> dict:
    key = jax.random.key(seed)
    ks = jax.random.split(key, 12)
    features = jax.random.normal(ks[0], (N, V, R, R), dtype=jnp.float32)
    weights = jax.random.uniform(ks[1], (N, V, R, R), dtype=jnp.float32)
    batch_idx = jax.random.randint(ks[2], (B,), 0, N)
    batch_labels = jax.random.randint(ks[3], (B,), 0, INST_C)
    regions_labels = jax.random.randint(ks[4], (R,), 0, NODE_C)
    # learned params
    fnn_W = jax.random.normal(ks[5], (V, R, NODE_C), dtype=jnp.float32) * (1.0 / np.sqrt(R))
    fnn_b = jnp.zeros((V, NODE_C), dtype=jnp.float32)
    intra_W = jax.random.normal(ks[6], (V, R, H), dtype=jnp.float32) * (1.0 / np.sqrt(R))
    Wa = jax.random.normal(ks[7], (H, ATTN), dtype=jnp.float32) * (1.0 / np.sqrt(H))
    q = jax.random.normal(ks[8], (ATTN,), dtype=jnp.float32) * (1.0 / np.sqrt(ATTN))
    Wout = jax.random.normal(ks[9], (H, INST_C), dtype=jnp.float32) * (1.0 / np.sqrt(H))
    bout = jnp.zeros((INST_C,), dtype=jnp.float32)
    return {
        'features': features, 'weights': weights,
        'batch_idx': batch_idx, 'batch_labels': batch_labels, 'regions_labels': regions_labels,
        'fnn_W': fnn_W, 'fnn_b': fnn_b, 'intra_W': intra_W,
        'Wa': Wa, 'q': q, 'Wout': Wout, 'bout': bout,
        'train_flag': 0, 'epoch': 0, 'iter_': 0, 'num_batchs': 10,
    }


def reference(features, weights, batch_idx, batch_labels, regions_labels,
              fnn_W, fnn_b, intra_W, Wa, q, Wout, bout,
              train_flag, epoch, iter_, num_batchs):
    # gather batch rows from large instance tables (memory-bound)
    Xb = jnp.take(features, batch_idx, axis=0)   # [B, V, R, R]
    Ab = jnp.take(weights, batch_idx, axis=0)    # [B, V, R, R]
    # per-view edge/node predictors: tanh(Linear(features[batch_idx][:, i]))
    edge_predicts = jnp.tanh(jnp.einsum('bvrf,vfc->bvrc', Xb, fnn_W) + fnn_b[None, :, None, :])  # [B,V,R,NODE_C]
    # IntraGNN per view: RL-threshold mask from detached edge scores, then A@X@W with LeakyReLU
    node_score = jnp.max(jax.lax.stop_gradient(edge_predicts), axis=-1)  # [B,V,R]  (.clone().detach())
    mask = (node_score >= (1.0 - THRESH)).astype(jnp.float32)
    Am = Ab * mask[:, :, None, :]                          # mask incoming columns
    msg = jnp.einsum('bvij,bvjf->bvif', Am, Xb)            # [B,V,R,R]
    h = jax.nn.leaky_relu(jnp.einsum('bvif,vfh->bvih', msg, intra_W), negative_slope=SLOPE)  # [B,V,R,H]
    view_scores = jnp.mean(node_score, axis=(0, 2))        # [V] RL view scores (unused: eval)
    # InterGNN: attention fusion across views
    attn_proj = jnp.tanh(jnp.einsum('bvrh,ha->bvra', h, Wa))
    s = jnp.mean(jnp.einsum('bvra,a->bvr', attn_proj, q), axis=(0, 2))  # [V]
    alpha = jax.nn.softmax(s)
    fused = jnp.einsum('v,bvrh->brh', alpha, h)            # [B,R,H]
    # mat2vec == 'mean' -> output_fnn
    batch_features = jnp.mean(fused, axis=1)               # [B,H]
    gnn_predicts = batch_features @ Wout + bout            # [B,INST_C]
    return (batch_features, batch_labels, regions_labels, gnn_predicts, edge_predicts,
            jnp.asarray(train_flag))

if __name__ == "__main__":
    import jax
    _d = setup_inputs()
    print(jax.jit(kernel)(*tuple(_d.values())))

</pallas_src>

<mosaic_0001>
#map = affine_map<(d0, d1) -> (0, 0, 0, 0)>
module attributes {stable_mosaic.version = 14 : i64} {
  func.func @_sc_probe(%arg0: i32, %arg1: i32, %arg2: memref<2000x3x116x116xf32, #tpu.memory_space<hbm>>, %arg3: memref<2000x3x116x116xf32, #tpu.memory_space<hbm>>, %arg4: memref<512x3x116x116xf32, #tpu.memory_space<hbm>>, %arg5: memref<1x3x116x116xf32, #tpu.memory_space<vmem>>, %arg6: memref<1x3x116x116xf32, #tpu.memory_space<vmem>>, %arg7: memref<!tpu.dma_semaphore, #tpu.memory_space<semaphore_mem>>, %arg8: memref<!tpu.dma_semaphore, #tpu.memory_space<semaphore_mem>>) attributes {dimension_semantics = [#tpu.dimension_semantics<core_parallel>, #tpu.dimension_semantics<subcore_parallel>], iteration_bounds = array<i64: 2, 16>, scalar_prefetch = 0 : i64, scratch_operands = 4 : i64, tpu.core_type = #tpu.core_type<sc_vector_subcore>, window_params = [{transform_indices = #map}, {transform_indices = #map}, {transform_indices = #map}]} {
    %mul3A = arith.constant 2 : i32
    %mul3A_0 = arith.muli %arg1, %mul3A : i32
    %add3A = arith.addi %mul3A_0, %arg0 : i32
    %mul3A_1 = arith.constant 8 : i32
    %mul3A_2 = arith.muli %add3A, %mul3A_1 : i32
    %add3A_3 = arith.constant 0 : i32
    %add3A_4 = arith.addi %mul3A_2, %add3A_3 : i32
    %dma_start3A = arith.constant 0 : i32
    %dma_start3A_5 = arith.constant 0 : i32
    %dma_start3A_6 = arith.constant 0 : i32
    %dma_start3A_7 = tpu.memref_slice %arg2[%add3A_4, %dma_start3A, %dma_start3A_5, %dma_start3A_6] : memref<2000x3x116x116xf32, #tpu.memory_space<hbm>> -> memref<1x3x116x116xf32, #tpu.memory_space<hbm>>
    %dma_start3A_8 = arith.constant 0 : i32
    %dma_start3A_9 = arith.constant 0 : i32
    %dma_start3A_10 = arith.constant 0 : i32
    %dma_start3A_11 = tpu.memref_slice %arg2[%add3A_4, %dma_start3A_8, %dma_start3A_9, %dma_start3A_10] : memref<2000x3x116x116xf32, #tpu.memory_space<hbm>> -> memref<1x3x116x116xf32, #tpu.memory_space<hbm>>
    tpu.enqueue_dma source(%dma_start3A_11 : memref<1x3x116x116xf32, #tpu.memory_space<hbm>>) target(%arg5 : memref<1x3x116x116xf32, #tpu.memory_space<vmem>>) target_semaphore(%arg7 : memref<!tpu.dma_semaphore, #tpu.memory_space<semaphore_mem>>)
    %add3A_12 = arith.constant 1 : i32
    %add3A_13 = arith.addi %mul3A_2, %add3A_12 : i32
    %dma_start3A_14 = arith.constant 0 : i32
    %dma_start3A_15 = arith.constant 0 : i32
    %dma_start3A_16 = arith.constant 0 : i32
    %dma_start3A_17 = tpu.memref_slice %arg2[%add3A_13, %dma_start3A_14, %dma_start3A_15, %dma_start3A_16] : memref<2000x3x116x116xf32, #tpu.memory_space<hbm>> -> memref<1x3x116x116xf32, #tpu.memory_space<hbm>>
    %dma_start3A_18 = arith.constant 0 : i32
    %dma_start3A_19 = arith.constant 0 : i32
    %dma_start3A_20 = arith.constant 0 : i32
    %dma_start3A_21 = tpu.memref_slice %arg2[%add3A_13, %dma_start3A_18, %dma_start3A_19, %dma_start3A_20] : memref<2000x3x116x116xf32, #tpu.memory_space<hbm>> -> memref<1x3x116x116xf32, #tpu.memory_space<hbm>>
    tpu.enqueue_dma source(%dma_start3A_21 : memref<1x3x116x116xf32, #tpu.memory_space<hbm>>) target(%arg6 : memref<1x3x116x116xf32, #tpu.memory_space<vmem>>) target_semaphore(%arg8 : memref<!tpu.dma_semaphore, #tpu.memory_space<semaphore_mem>>)
    %dma_wait3A = arith.constant 0 : i32
    %dma_wait3A_22 = arith.constant 0 : i32
    %dma_wait3A_23 = arith.constant 0 : i32
    %dma_wait3A_24 = tpu.memref_slice %arg2[%add3A_4, %dma_wait3A, %dma_wait3A_22, %dma_wait3A_23] : memref<2000x3x116x116xf32, #tpu.memory_space<hbm>> -> memref<1x3x116x116xf32, #tpu.memory_space<hbm>>
    %dma_wait3A_25 = arith.constant 0 : i32
    %dma_wait3A_26 = arith.constant 0 : i32
    %dma_wait3A_27 = arith.constant 0 : i32
    %dma_wait3A_28 = tpu.memref_slice %arg2[%add3A_4, %dma_wait3A_25, %dma_wait3A_26, %dma_wait3A_27] : memref<2000x3x116x116xf32, #tpu.memory_space<hbm>> -> memref<1x3x116x116xf32, #tpu.memory_space<hbm>>
    tpu.wait_dma2 semaphore(%arg7 : memref<!tpu.dma_semaphore, #tpu.memory_space<semaphore_mem>>) src(%dma_wait3A_28 : memref<1x3x116x116xf32, #tpu.memory_space<hbm>>) dst(%arg5 : memref<1x3x116x116xf32, #tpu.memory_space<vmem>>)
    %add3A_29 = arith.constant 0 : i32
    %add3A_30 = arith.addi %mul3A_2, %add3A_29 : i32
    "tpu.region"() ({
      %run_scoped3A = tpu.sem_alloc : memref<!tpu.dma_semaphore, #tpu.memory_space<semaphore_mem>>
      %dma_start3A_337 = arith.constant 0 : i32
      %dma_start3A_338 = arith.constant 0 : i32
      %dma_start3A_339 = arith.constant 0 : i32
      %dma_start3A_340 = tpu.memref_slice %arg4[%add3A_30, %dma_start3A_337, %dma_start3A_338, %dma_start3A_339] : memref<512x3x116x116xf32, #tpu.memory_space<hbm>> -> memref<1x3x116x116xf32, #tpu.memory_space<hbm>>
      %dma_start3A_341 = arith.constant 0 : i32
      %dma_start3A_342 = arith.constant 0 : i32
      %dma_start3A_343 = arith.constant 0 : i32
      %dma_start3A_344 = tpu.memref_slice %arg4[%add3A_30, %dma_start3A_341, %dma_start3A_342, %dma_start3A_343] : memref<512x3x116x116xf32, #tpu.memory_space<hbm>> -> memref<1x3x116x116xf32, #tpu.memory_space<hbm>>
      tpu.enqueue_dma source(%arg5 : memref<1x3x116x116xf32, #tpu.memory_space<vmem>>) target(%dma_start3A_344 : memref<1x3x116x116xf32, #tpu.memory_space<hbm>>) target_semaphore(%run_scoped3A : memref<!tpu.dma_semaphore, #tpu.memory_space<semaphore_mem>>)
      %dma_wait3A_345 = arith.constant 0 : i32
      %dma_wait3A_346 = arith.constant 0 : i32
      %dma_wait3A_347 = arith.constant 0 : i32
      %dma_wait3A_348 = tpu.memref_slice %arg4[%add3A_30, %dma_wait3A_345, %dma_wait3A_346, %dma_wait3A_347] : memref<512x3x116x116xf32, #tpu.memory_space<hbm>> -> memref<1x3x116x116xf32, #tpu.memory_space<hbm>>
      %dma_wait3A_349 = arith.constant 0 : i32
      %dma_wait3A_350 = arith.constant 0 : i32
      %dma_wait3A_351 = arith.constant 0 : i32
      %dma_wait3A_352 = tpu.memref_slice %arg4[%add3A_30, %dma_wait3A_349, %dma_wait3A_350, %dma_wait3A_351] : memref<512x3x116x116xf32, #tpu.memory_space<hbm>> -> memref<1x3x116x116xf32, #tpu.memory_space<hbm>>
      tpu.wait_dma2 semaphore(%run_scoped3A : memref<!tpu.dma_semaphore, #tpu.memory_space<semaphore_mem>>) src(%arg5 : memref<1x3x116x116xf32, #tpu.memory_space<vmem>>) dst(%dma_wait3A_352 : memref<1x3x116x116xf32, #tpu.memory_space<hbm>>)
      tpu.yield
    }) : () -> ()
    %add3A_31 = arith.constant 2 : i32
    %add3A_32 = arith.addi %mul3A_2, %add3A_31 : i32
    %dma_start3A_33 = arith.constant 0 : i32
    %dma_start3A_34 = arith.constant 0 : i32
    %dma_start3A_35 = arith.constant 0 : i32
    %dma_start3A_36 = tpu.memref_slice %arg2[%add3A_32, %dma_start3A_33, %dma_start3A_34, %dma_start3A_35] : memref<2000x3x116x116xf32, #tpu.memory_space<hbm>> -> memref<1x3x116x116xf32, #tpu.memory_space<hbm>>
    %dma_start3A_37 = arith.constant 0 : i32
    %dma_start3A_38 = arith.constant 0 : i32
    %dma_start3A_39 = arith.constant 0 : i32
    %dma_start3A_40 = tpu.memref_slice %arg2[%add3A_32, %dma_start3A_37, %dma_start3A_38, %dma_start3A_39] : memref<2000x3x116x116xf32, #tpu.memory_space<hbm>> -> memref<1x3x116x116xf32, #tpu.memory_space<hbm>>
    tpu.enqueue_dma source(%dma_start3A_40 : memref<1x3x116x116xf32, #tpu.memory_space<hbm>>) target(%arg5 : memref<1x3x116x116xf32, #tpu.memory_space<vmem>>) target_semaphore(%arg7 : memref<!tpu.dma_semaphore, #tpu.memory_space<semaphore_mem>>)
    %dma_wait3A_41 = arith.constant 0 : i32
    %dma_wait3A_42 = arith.constant 0 : i32
    %dma_wait3A_43 = arith.constant 0 : i32
    %dma_wait3A_44 = tpu.memref_slice %arg2[%add3A_13, %dma_wait3A_41, %dma_wait3A_42, %dma_wait3A_43] : memref<2000x3x116x116xf32, #tpu.memory_space<hbm>> -> memref<1x3x116x116xf32, #tpu.memory_space<hbm>>
    %dma_wait3A_45 = arith.constant 0 : i32
    %dma_wait3A_46 = arith.constant 0 : i32
    %dma_wait3A_47 = arith.constant 0 : i32
    %dma_wait3A_48 = tpu.memref_slice %arg2[%add3A_13, %dma_wait3A_45, %dma_wait3A_46, %dma_wait3A_47] : memref<2000x3x116x116xf32, #tpu.memory_space<hbm>> -> memref<1x3x116x116xf32, #tpu.memory_space<hbm>>
    tpu.wait_dma2 semaphore(%arg8 : memref<!tpu.dma_semaphore, #tpu.memory_space<semaphore_mem>>) src(%dma_wait3A_48 : memref<1x3x116x116xf32, #tpu.memory_space<hbm>>) dst(%arg6 : memref<1x3x116x116xf32, #tpu.memory_space<vmem>>)
    %add3A_49 = arith.constant 1 : i32
    %add3A_50 = arith.addi %mul3A_2, %add3A_49 : i32
    "tpu.region"() ({
      %run_scoped3A = tpu.sem_alloc : memref<!tpu.dma_semaphore, #tpu.memory_space<semaphore_mem>>
      %dma_start3A_337 = arith.constant 0 : i32
      %dma_start3A_338 = arith.constant 0 : i32
      %dma_start3A_339 = arith.constant 0 : i32
      %dma_start3A_340 = tpu.memref_slice %arg4[%add3A_50, %dma_start3A_337, %dma_start3A_338, %dma_start3A_339] : memref<512x3x116x116xf32, #tpu.memory_space<hbm>> -> memref<1x3x116x116xf32, #tpu.memory_space<hbm>>
      %dma_start3A_341 = arith.constant 0 : i32
      %dma_start3A_342 = arith.constant 0 : i32
      %dma_start3A_343 = arith.constant 0 : i32
      %dma_start3A_344 = tpu.memref_slice %arg4[%add3A_50, %dma_start3A_341, %dma_start3A_342, %dma_start3A_343] : memref<512x3x116x116xf32, #tpu.memory_space<hbm>> -> memref<1x3x116x116xf32, #tpu.memory_space<hbm>>
      tpu.enqueue_dma source(%arg6 : memref<1x3x116x116xf32, #tpu.memory_space<vmem>>) target(%dma_start3A_344 : memref<1x3x116x116xf32, #tpu.memory_space<hbm>>) target_semaphore(%run_scoped3A : memref<!tpu.dma_semaphore, #tpu.memory_space<semaphore_mem>>)
      %dma_wait3A_345 = arith.constant 0 : i32
      %dma_wait3A_346 = arith.constant 0 : i32
      %dma_wait3A_347 = arith.constant 0 : i32
      %dma_wait3A_348 = tpu.memref_slice %arg4[%add3A_50, %dma_wait3A_345, %dma_wait3A_346, %dma_wait3A_347] : memref<512x3x116x116xf32, #tpu.memory_space<hbm>> -> memref<1x3x116x116xf32, #tpu.memory_space<hbm>>
      %dma_wait3A_349 = arith.constant 0 : i32
      %dma_wait3A_350 = arith.constant 0 : i32
      %dma_wait3A_351 = arith.constant 0 : i32
      %dma_wait3A_352 = tpu.memref_slice %arg4[%add3A_50, %dma_wait3A_349, %dma_wait3A_350, %dma_wait3A_351] : memref<512x3x116x116xf32, #tpu.memory_space<hbm>> -> memref<1x3x116x116xf32, #tpu.memory_space<hbm>>
      tpu.wait_dma2 semaphore(%run_scoped3A : memref<!tpu.dma_semaphore, #tpu.memory_space<semaphore_mem>>) src(%arg6 : memref<1x3x116x116xf32, #tpu.memory_space<vmem>>) dst(%dma_wait3A_352 : memref<1x3x116x116xf32, #tpu.memory_space<hbm>>)
      tpu.yield
    }) : () -> ()
    %add3A_51 = arith.constant 3 : i32
    %add3A_52 = arith.addi %mul3A_2, %add3A_51 : i32
    %dma_start3A_53 = arith.constant 0 : i32
    %dma_start3A_54 = arith.constant 0 : i32
    %dma_start3A_55 = arith.constant 0 : i32
    %dma_start3A_56 = tpu.memref_slice %arg2[%add3A_52, %dma_start3A_53, %dma_start3A_54, %dma_start3A_55] : memref<2000x3x116x116xf32, #tpu.memory_space<hbm>> -> memref<1x3x116x116xf32, #tpu.memory_space<hbm>>
    %dma_start3A_57 = arith.constant 0 : i32
    %dma_start3A_58 = arith.constant 0 : i32
    %dma_start3A_59 = arith.constant 0 : i32
    %dma_start3A_60 = tpu.memref_slice %arg2[%add3A_52, %dma_start3A_57, %dma_start3A_58, %dma_start3A_59] : memref<2000x3x116x116xf32, #tpu.memory_space<hbm>> -> memref<1x3x116x116xf32, #tpu.memory_space<hbm>>
    tpu.enqueue_dma source(%dma_start3A_60 : memref<1x3x116x116xf32, #tpu.memory_space<hbm>>) target(%arg6 : memref<1x3x116x116xf32, #tpu.memory_space<vmem>>) target_semaphore(%arg8 : memref<!tpu.dma_semaphore, #tpu.memory_space<semaphore_mem>>)
    %dma_wait3A_61 = arith.constant 0 : i32
    %dma_wait3A_62 = arith.constant 0 : i32
    %dma_wait3A_63 = arith.constant 0 : i32
    %dma_wait3A_64 = tpu.memref_slice %arg2[%add3A_32, %dma_wait3A_61, %dma_wait3A_62, %dma_wait3A_63] : memref<2000x3x116x116xf32, #tpu.memory_space<hbm>> -> memref<1x3x116x116xf32, #tpu.memory_space<hbm>>
    %dma_wait3A_65 = arith.constant 0 : i32
    %dma_wait3A_66 = arith.constant 0 : i32
    %dma_wait3A_67 = arith.constant 0 : i32
    %dma_wait3A_68 = tpu.memref_slice %arg2[%add3A_32, %dma_wait3A_65, %dma_wait3A_66, %dma_wait3A_67] : memref<2000x3x116x116xf32, #tpu.memory_space<hbm>> -> memref<1x3x116x116xf32, #tpu.memory_space<hbm>>
    tpu.wait_dma2 semaphore(%arg7 : memref<!tpu.dma_semaphore, #tpu.memory_space<semaphore_mem>>) src(%dma_wait3A_68 : memref<1x3x116x116xf32, #tpu.memory_space<hbm>>) dst(%arg5 : memref<1x3x116x116xf32, #tpu.memory_space<vmem>>)
    %add3A_69 = arith.constant 2 : i32
    %add3A_70 = arith.addi %mul3A_2, %add3A_69 : i32
    "tpu.region"() ({
      %run_scoped3A = tpu.sem_alloc : memref<!tpu.dma_semaphore, #tpu.memory_space<semaphore_mem>>
      %dma_start3A_337 = arith.constant 0 : i32
      %dma_start3A_338 = arith.constant 0 : i32
      %dma_start3A_339 = arith.constant 0 : i32
      %dma_start3A_340 = tpu.memref_slice %arg4[%add3A_70, %dma_start3A_337, %dma_start3A_338, %dma_start3A_339] : memref<512x3x116x116xf32, #tpu.memory_space<hbm>> -> memref<1x3x116x116xf32, #tpu.memory_space<hbm>>
      %dma_start3A_341 = arith.constant 0 : i32
      %dma_start3A_342 = arith.constant 0 : i32
      %dma_start3A_343 = arith.constant 0 : i32
      %dma_start3A_344 = tpu.memref_slice %arg4[%add3A_70, %dma_start3A_341, %dma_start3A_342, %dma_start3A_343] : memref<512x3x116x116xf32, #tpu.memory_space<hbm>> -> memref<1x3x116x116xf32, #tpu.memory_space<hbm>>
      tpu.enqueue_dma source(%arg5 : memref<1x3x116x116xf32, #tpu.memory_space<vmem>>) target(%dma_start3A_344 : memref<1x3x116x116xf32, #tpu.memory_space<hbm>>) target_semaphore(%run_scoped3A : memref<!tpu.dma_semaphore, #tpu.memory_space<semaphore_mem>>)
      %dma_wait3A_345 = arith.constant 0 : i32
      %dma_wait3A_346 = arith.constant 0 : i32
      %dma_wait3A_347 = arith.constant 0 : i32
      %dma_wait3A_348 = tpu.memref_slice %arg4[%add3A_70, %dma_wait3A_345, %dma_wait3A_346, %dma_wait3A_347] : memref<512x3x116x116xf32, #tpu.memory_space<hbm>> -> memref<1x3x116x116xf32, #tpu.memory_space<hbm>>
      %dma_wait3A_349 = arith.constant 0 : i32
      %dma_wait3A_350 = arith.constant 0 : i32
      %dma_wait3A_351 = arith.constant 0 : i32
      %dma_wait3A_352 = tpu.memref_slice %arg4[%add3A_70, %dma_wait3A_349, %dma_wait3A_350, %dma_wait3A_351] : memref<512x3x116x116xf32, #tpu.memory_space<hbm>> -> memref<1x3x116x116xf32, #tpu.memory_space<hbm>>
      tpu.wait_dma2 semaphore(%run_scoped3A : memref<!tpu.dma_semaphore, #tpu.memory_space<semaphore_mem>>) src(%arg5 : memref<1x3x116x116xf32, #tpu.memory_space<vmem>>) dst(%dma_wait3A_352 : memref<1x3x116x116xf32, #tpu.memory_space<hbm>>)
      tpu.yield
    }) : () -> ()
    %add3A_71 = arith.constant 4 : i32
    %add3A_72 = arith.addi %mul3A_2, %add3A_71 : i32
    %dma_start3A_73 = arith.constant 0 : i32
    %dma_start3A_74 = arith.constant 0 : i32
    %dma_start3A_75 = arith.constant 0 : i32
    %dma_start3A_76 = tpu.memref_slice %arg2[%add3A_72, %dma_start3A_73, %dma_start3A_74, %dma_start3A_75] : memref<2000x3x116x116xf32, #tpu.memory_space<hbm>> -> memref<1x3x116x116xf32, #tpu.memory_space<hbm>>
    %dma_start3A_77 = arith.constant 0 : i32
    %dma_start3A_78 = arith.constant 0 : i32
    %dma_start3A_79 = arith.constant 0 : i32
    %dma_start3A_80 = tpu.memref_slice %arg2[%add3A_72, %dma_start3A_77, %dma_start3A_78, %dma_start3A_79] : memref<2000x3x116x116xf32, #tpu.memory_space<hbm>> -> memref<1x3x116x116xf32, #tpu.memory_space<hbm>>
    tpu.enqueue_dma source(%dma_start3A_80 : memref<1x3x116x116xf32, #tpu.memory_space<hbm>>) target(%arg5 : memref<1x3x116x116xf32, #tpu.memory_space<vmem>>) target_semaphore(%arg7 : memref<!tpu.dma_semaphore, #tpu.memory_space<semaphore_mem>>)
    %dma_wait3A_81 = arith.constant 0 : i32
    %dma_wait3A_82 = arith.constant 0 : i32
    %dma_wait3A_83 = arith.constant 0 : i32
    %dma_wait3A_84 = tpu.memref_slice %arg2[%add3A_52, %dma_wait3A_81, %dma_wait3A_82, %dma_wait3A_83] : memref<2000x3x116x116xf32, #tpu.memory_space<hbm>> -> memref<1x3x116x116xf32, #tpu.memory_space<hbm>>
    %dma_wait3A_85 = arith.constant 0 : i32
    %dma_wait3A_86 = arith.constant 0 : i32
    %dma_wait3A_87 = arith.constant 0 : i32
    %dma_wait3A_88 = tpu.memref_slice %arg2[%add3A_52, %dma_wait3A_85, %dma_wait3A_86, %dma_wait3A_87] : memref<2000x3x116x116xf32, #tpu.memory_space<hbm>> -> memref<1x3x116x116xf32, #tpu.memory_space<hbm>>
    tpu.wait_dma2 semaphore(%arg8 : memref<!tpu.dma_semaphore, #tpu.memory_space<semaphore_mem>>) src(%dma_wait3A_88 : memref<1x3x116x116xf32, #tpu.memory_space<hbm>>) dst(%arg6 : memref<1x3x116x116xf32, #tpu.memory_space<vmem>>)
    %add3A_89 = arith.constant 3 : i32
    %add3A_90 = arith.addi %mul3A_2, %add3A_89 : i32
    "tpu.region"() ({
      %run_scoped3A = tpu.sem_alloc : memref<!tpu.dma_semaphore, #tpu.memory_space<semaphore_mem>>
      %dma_start3A_337 = arith.constant 0 : i32
      %dma_start3A_338 = arith.constant 0 : i32
      %dma_start3A_339 = arith.constant 0 : i32
      %dma_start3A_340 = tpu.memref_slice %arg4[%add3A_90, %dma_start3A_337, %dma_start3A_338, %dma_start3A_339] : memref<512x3x116x116xf32, #tpu.memory_space<hbm>> -> memref<1x3x116x116xf32, #tpu.memory_space<hbm>>
      %dma_start3A_341 = arith.constant 0 : i32
      %dma_start3A_342 = arith.constant 0 : i32
      %dma_start3A_343 = arith.constant 0 : i32
      %dma_start3A_344 = tpu.memref_slice %arg4[%add3A_90, %dma_start3A_341, %dma_start3A_342, %dma_start3A_343] : memref<512x3x116x116xf32, #tpu.memory_space<hbm>> -> memref<1x3x116x116xf32, #tpu.memory_space<hbm>>
      tpu.enqueue_dma source(%arg6 : memref<1x3x116x116xf32, #tpu.memory_space<vmem>>) target(%dma_start3A_344 : memref<1x3x116x116xf32, #tpu.memory_space<hbm>>) target_semaphore(%run_scoped3A : memref<!tpu.dma_semaphore, #tpu.memory_space<semaphore_mem>>)
      %dma_wait3A_345 = arith.constant 0 : i32
      %dma_wait3A_346 = arith.constant 0 : i32
      %dma_wait3A_347 = arith.constant 0 : i32
      %dma_wait3A_348 = tpu.memref_slice %arg4[%add3A_90, %dma_wait3A_345, %dma_wait3A_346, %dma_wait3A_347] : memref<512x3x116x116xf32, #tpu.memory_space<hbm>> -> memref<1x3x116x116xf32, #tpu.memory_space<hbm>>
      %dma_wait3A_349 = arith.constant 0 : i32
      %dma_wait3A_350 = arith.constant 0 : i32
      %dma_wait3A_351 = arith.constant 0 : i32
      %dma_wait3A_352 = tpu.memref_slice %arg4[%add3A_90, %dma_wait3A_349, %dma_wait3A_350, %dma_wait3A_351] : memref<512x3x116x116xf32, #tpu.memory_space<hbm>> -> memref<1x3x116x116xf32, #tpu.memory_space<hbm>>
      tpu.wait_dma2 semaphore(%run_scoped3A : memref<!tpu.dma_semaphore, #tpu.memory_space<semaphore_mem>>) src(%arg6 : memref<1x3x116x116xf32, #tpu.memory_space<vmem>>) dst(%dma_wait3A_352 : memref<1x3x116x116xf32, #tpu.memory_space<hbm>>)
      tpu.yield
    }) : () -> ()
    %add3A_91 = arith.constant 5 : i32
    %add3A_92 = arith.addi %mul3A_2, %add3A_91 : i32
    %dma_start3A_93 = arith.constant 0 : i32
    %dma_start3A_94 = arith.constant 0 : i32
    %dma_start3A_95 = arith.constant 0 : i32
    %dma_start3A_96 = tpu.memref_slice %arg2[%add3A_92, %dma_start3A_93, %dma_start3A_94, %dma_start3A_95] : memref<2000x3x116x116xf32, #tpu.memory_space<hbm>> -> memref<1x3x116x116xf32, #tpu.memory_space<hbm>>
    %dma_start3A_97 = arith.constant 0 : i32
    %dma_start3A_98 = arith.constant 0 : i32
    %dma_start3A_99 = arith.constant 0 : i32
    %dma_start3A_100 = tpu.memref_slice %arg2[%add3A_92, %dma_start3A_97, %dma_start3A_98, %dma_start3A_99] : memref<2000x3x116x116xf32, #tpu.memory_space<hbm>> -> memref<1x3x116x116xf32, #tpu.memory_space<hbm>>
    tpu.enqueue_dma source(%dma_start3A_100 : memref<1x3x116x116xf32, #tpu.memory_space<hbm>>) target(%arg6 : memref<1x3x116x116xf32, #tpu.memory_space<vmem>>) target_semaphore(%arg8 : memref<!tpu.dma_semaphore, #tpu.memory_space<semaphore_mem>>)
    %dma_wait3A_101 = arith.constant 0 : i32
    %dma_wait3A_102 = arith.constant 0 : i32
    %dma_wait3A_103 = arith.constant 0 : i32
    %dma_wait3A_104 = tpu.memref_slice %arg2[%add3A_72, %dma_wait3A_101, %dma_wait3A_102, %dma_wait3A_103] : memref<2000x3x116x116xf32, #tpu.memory_space<hbm>> -> memref<1x3x116x116xf32, #tpu.memory_space<hbm>>
    %dma_wait3A_105 = arith.constant 0 : i32
    %dma_wait3A_106 = arith.constant 0 : i32
    %dma_wait3A_107 = arith.constant 0 : i32
    %dma_wait3A_108 = tpu.memref_slice %arg2[%add3A_72, %dma_wait3A_105, %dma_wait3A_106, %dma_wait3A_107] : memref<2000x3x116x116xf32, #tpu.memory_space<hbm>> -> memref<1x3x116x116xf32, #tpu.memory_space<hbm>>
    tpu.wait_dma2 semaphore(%arg7 : memref<!tpu.dma_semaphore, #tpu.memory_space<semaphore_mem>>) src(%dma_wait3A_108 : memref<1x3x116x116xf32, #tpu.memory_space<hbm>>) dst(%arg5 : memref<1x3x116x116xf32, #tpu.memory_space<vmem>>)
    %add3A_109 = arith.constant 4 : i32
    %add3A_110 = arith.addi %mul3A_2, %add3A_109 : i32
    "tpu.region"() ({
      %run_scoped3A = tpu.sem_alloc : memref<!tpu.dma_semaphore, #tpu.memory_space<semaphore_mem>>
      %dma_start3A_337 = arith.constant 0 : i32
      %dma_start3A_338 = arith.constant 0 : i32
      %dma_start3A_339 = arith.constant 0 : i32
      %dma_start3A_340 = tpu.memref_slice %arg4[%add3A_110, %dma_start3A_337, %dma_start3A_338, %dma_start3A_339] : memref<512x3x116x116xf32, #tpu.memory_space<hbm>> -> memref<1x3x116x116xf32, #tpu.memory_space<hbm>>
      %dma_start3A_341 = arith.constant 0 : i32
      %dma_start3A_342 = arith.constant 0 : i32
      %dma_start3A_343 = arith.constant 0 : i32
      %dma_start3A_344 = tpu.memref_slice %arg4[%add3A_110, %dma_start3A_341, %dma_start3A_342, %dma_start3A_343] : memref<512x3x116x116xf32, #tpu.memory_space<hbm>> -> memref<1x3x116x116xf32, #tpu.memory_space<hbm>>
      tpu.enqueue_dma source(%arg5 : memref<1x3x116x116xf32, #tpu.memory_space<vmem>>) target(%dma_start3A_344 : memref<1x3x116x116xf32, #tpu.memory_space<hbm>>) target_semaphore(%run_scoped3A : memref<!tpu.dma_semaphore, #tpu.memory_space<semaphore_mem>>)
      %dma_wait3A_345 = arith.constant 0 : i32
      %dma_wait3A_346 = arith.constant 0 : i32
      %dma_wait3A_347 = arith.constant 0 : i32
      %dma_wait3A_348 = tpu.memref_slice %arg4[%add3A_110, %dma_wait3A_345, %dma_wait3A_346, %dma_wait3A_347] : memref<512x3x116x116xf32, #tpu.memory_space<hbm>> -> memref<1x3x116x116xf32, #tpu.memory_space<hbm>>
      %dma_wait3A_349 = arith.constant 0 : i32
      %dma_wait3A_350 = arith.constant 0 : i32
      %dma_wait3A_351 = arith.constant 0 : i32
      %dma_wait3A_352 = tpu.memref_slice %arg4[%add3A_110, %dma_wait3A_349, %dma_wait3A_350, %dma_wait3A_351] : memref<512x3x116x116xf32, #tpu.memory_space<hbm>> -> memref<1x3x116x116xf32, #tpu.memory_space<hbm>>
      tpu.wait_dma2 semaphore(%run_scoped3A : memref<!tpu.dma_semaphore, #tpu.memory_space<semaphore_mem>>) src(%arg5 : memref<1x3x116x116xf32, #tpu.memory_space<vmem>>) dst(%dma_wait3A_352 : memref<1x3x116x116xf32, #tpu.memory_space<hbm>>)
      tpu.yield
    }) : () -> ()
    %add3A_111 = arith.constant 6 : i32
    %add3A_112 = arith.addi %mul3A_2, %add3A_111 : i32
    %dma_start3A_113 = arith.constant 0 : i32
    %dma_start3A_114 = arith.constant 0 : i32
    %dma_start3A_115 = arith.constant 0 : i32
    %dma_start3A_116 = tpu.memref_slice %arg2[%add3A_112, %dma_start3A_113, %dma_start3A_114, %dma_start3A_115] : memref<2000x3x116x116xf32, #tpu.memory_space<hbm>> -> memref<1x3x116x116xf32, #tpu.memory_space<hbm>>
    %dma_start3A_117 = arith.constant 0 : i32
    %dma_start3A_118 = arith.constant 0 : i32
    %dma_start3A_119 = arith.constant 0 : i32
    %dma_start3A_120 = tpu.memref_slice %arg2[%add3A_112, %dma_start3A_117, %dma_start3A_118, %dma_start3A_119] : memref<2000x3x116x116xf32, #tpu.memory_space<hbm>> -> memref<1x3x116x116xf32, #tpu.memory_space<hbm>>
    tpu.enqueue_dma source(%dma_start3A_120 : memref<1x3x116x116xf32, #tpu.memory_space<hbm>>) target(%arg5 : memref<1x3x116x116xf32, #tpu.memory_space<vmem>>) target_semaphore(%arg7 : memref<!tpu.dma_semaphore, #tpu.memory_space<semaphore_mem>>)
    %dma_wait3A_121 = arith.constant 0 : i32
    %dma_wait3A_122 = arith.constant 0 : i32
    %dma_wait3A_123 = arith.constant 0 : i32
    %dma_wait3A_124 = tpu.memref_slice %arg2[%add3A_92, %dma_wait3A_121, %dma_wait3A_122, %dma_wait3A_123] : memref<2000x3x116x116xf32, #tpu.memory_space<hbm>> -> memref<1x3x116x116xf32, #tpu.memory_space<hbm>>
    %dma_wait3A_125 = arith.constant 0 : i32
    %dma_wait3A_126 = arith.constant 0 : i32
    %dma_wait3A_127 = arith.constant 0 : i32
    %dma_wait3A_128 = tpu.memref_slice %arg2[%add3A_92, %dma_wait3A_125, %dma_wait3A_126, %dma_wait3A_127] : memref<2000x3x116x116xf32, #tpu.memory_space<hbm>> -> memref<1x3x116x116xf32, #tpu.memory_space<hbm>>
    tpu.wait_dma2 semaphore(%arg8 : memref<!tpu.dma_semaphore, #tpu.memory_space<semaphore_mem>>) src(%dma_wait3A_128 : memref<1x3x116x116xf32, #tpu.memory_space<hbm>>) dst(%arg6 : memref<1x3x116x116xf32, #tpu.memory_space<vmem>>)
    %add3A_129 = arith.constant 5 : i32
    %add3A_130 = arith.addi %mul3A_2, %add3A_129 : i32
    "tpu.region"() ({
      %run_scoped3A = tpu.sem_alloc : memref<!tpu.dma_semaphore, #tpu.memory_space<semaphore_mem>>
      %dma_start3A_337 = arith.constant 0 : i32
      %dma_start3A_338 = arith.constant 0 : i32
      %dma_start3A_339 = arith.constant 0 : i32
      %dma_start3A_340 = tpu.memref_slice %arg4[%add3A_130, %dma_start3A_337, %dma_start3A_338, %dma_start3A_339] : memref<512x3x116x116xf32, #tpu.memory_space<hbm>> -> memref<1x3x116x116xf32, #tpu.memory_space<hbm>>
      %dma_start3A_341 = arith.constant 0 : i32
      %dma_start3A_342 = arith.constant 0 : i32
      %dma_start3A_343 = arith.constant 0 : i32
      %dma_start3A_344 = tpu.memref_slice %arg4[%add3A_130, %dma_start3A_341, %dma_start3A_342, %dma_start3A_343] : memref<512x3x116x116xf32, #tpu.memory_space<hbm>> -> memref<1x3x116x116xf32, #tpu.memory_space<hbm>>
      tpu.enqueue_dma source(%arg6 : memref<1x3x116x116xf32, #tpu.memory_space<vmem>>) target(%dma_start3A_344 : memref<1x3x116x116xf32, #tpu.memory_space<hbm>>) target_semaphore(%run_scoped3A : memref<!tpu.dma_semaphore, #tpu.memory_space<semaphore_mem>>)
      %dma_wait3A_345 = arith.constant 0 : i32
      %dma_wait3A_346 = arith.constant 0 : i32
      %dma_wait3A_347 = arith.constant 0 : i32
      %dma_wait3A_348 = tpu.memref_slice %arg4[%add3A_130, %dma_wait3A_345, %dma_wait3A_346, %dma_wait3A_347] : memref<512x3x116x116xf32, #tpu.memory_space<hbm>> -> memref<1x3x116x116xf32, #tpu.memory_space<hbm>>
      %dma_wait3A_349 = arith.constant 0 : i32
      %dma_wait3A_350 = arith.constant 0 : i32
      %dma_wait3A_351 = arith.constant 0 : i32
      %dma_wait3A_352 = tpu.memref_slice %arg4[%add3A_130, %dma_wait3A_349, %dma_wait3A_350, %dma_wait3A_351] : memref<512x3x116x116xf32, #tpu.memory_space<hbm>> -> memref<1x3x116x116xf32, #tpu.memory_space<hbm>>
      tpu.wait_dma2 semaphore(%run_scoped3A : memref<!tpu.dma_semaphore, #tpu.memory_space<semaphore_mem>>) src(%arg6 : memref<1x3x116x116xf32, #tpu.memory_space<vmem>>) dst(%dma_wait3A_352 : memref<1x3x116x116xf32, #tpu.memory_space<hbm>>)
      tpu.yield
    }) : () -> ()
    %add3A_131 = arith.constant 7 : i32
    %add3A_132 = arith.addi %mul3A_2, %add3A_131 : i32
    %dma_start3A_133 = arith.constant 0 : i32
    %dma_start3A_134 = arith.constant 0 : i32
    %dma_start3A_135 = arith.constant 0 : i32
    %dma_start3A_136 = tpu.memref_slice %arg2[%add3A_132, %dma_start3A_133, %dma_start3A_134, %dma_start3A_135] : memref<2000x3x116x116xf32, #tpu.memory_space<hbm>> -> memref<1x3x116x116xf32, #tpu.memory_space<hbm>>
    %dma_start3A_137 = arith.constant 0 : i32
    %dma_start3A_138 = arith.constant 0 : i32
    %dma_start3A_139 = arith.constant 0 : i32
    %dma_start3A_140 = tpu.memref_slice %arg2[%add3A_132, %dma_start3A_137, %dma_start3A_138, %dma_start3A_139] : memref<2000x3x116x116xf32, #tpu.memory_space<hbm>> -> memref<1x3x116x116xf32, #tpu.memory_space<hbm>>
    tpu.enqueue_dma source(%dma_start3A_140 : memref<1x3x116x116xf32, #tpu.memory_space<hbm>>) target(%arg6 : memref<1x3x116x116xf32, #tpu.memory_space<vmem>>) target_semaphore(%arg8 : memref<!tpu.dma_semaphore, #tpu.memory_space<semaphore_mem>>)
    %dma_wait3A_141 = arith.constant 0 : i32
    %dma_wait3A_142 = arith.constant 0 : i32
    %dma_wait3A_143 = arith.constant 0 : i32
    %dma_wait3A_144 = tpu.memref_slice %arg2[%add3A_112, %dma_wait3A_141, %dma_wait3A_142, %dma_wait3A_143] : memref<2000x3x116x116xf32, #tpu.memory_space<hbm>> -> memref<1x3x116x116xf32, #tpu.memory_space<hbm>>
    %dma_wait3A_145 = arith.constant 0 : i32
    %dma_wait3A_146 = arith.constant 0 : i32
    %dma_wait3A_147 = arith.constant 0 : i32
    %dma_wait3A_148 = tpu.memref_slice %arg2[%add3A_112, %dma_wait3A_145, %dma_wait3A_146, %dma_wait3A_147] : memref<2000x3x116x116xf32, #tpu.memory_space<hbm>> -> memref<1x3x116x116xf32, #tpu.memory_space<hbm>>
    tpu.wait_dma2 semaphore(%arg7 : memref<!tpu.dma_semaphore, #tpu.memory_space<semaphore_mem>>) src(%dma_wait3A_148 : memref<1x3x116x116xf32, #tpu.memory_space<hbm>>) dst(%arg5 : memref<1x3x116x116xf32, #tpu.memory_space<vmem>>)
    %add3A_149 = arith.constant 6 : i32
    %add3A_150 = arith.addi %mul3A_2, %add3A_149 : i32
    "tpu.region"() ({
      %run_scoped3A = tpu.sem_alloc : memref<!tpu.dma_semaphore, #tpu.memory_space<semaphore_mem>>
      %dma_start3A_337 = arith.constant 0 : i32
      %dma_start3A_338 = arith.constant 0 : i32
      %dma_start3A_339 = arith.constant 0 : i32
      %dma_start3A_340 = tpu.memref_slice %arg4[%add3A_150, %dma_start3A_337, %dma_start3A_338, %dma_start3A_339] : memref<512x3x116x116xf32, #tpu.memory_space<hbm>> -> memref<1x3x116x116xf32, #tpu.memory_space<hbm>>
      %dma_start3A_341 = arith.constant 0 : i32
      %dma_start3A_342 = arith.constant 0 : i32
      %dma_start3A_343 = arith.constant 0 : i32
      %dma_start3A_344 = tpu.memref_slice %arg4[%add3A_150, %dma_start3A_341, %dma_start3A_342, %dma_start3A_343] : memref<512x3x116x116xf32, #tpu.memory_space<hbm>> -> memref<1x3x116x116xf32, #tpu.memory_space<hbm>>
      tpu.enqueue_dma source(%arg5 : memref<1x3x116x116xf32, #tpu.memory_space<vmem>>) target(%dma_start3A_344 : memref<1x3x116x116xf32, #tpu.memory_space<hbm>>) target_semaphore(%run_scoped3A : memref<!tpu.dma_semaphore, #tpu.memory_space<semaphore_mem>>)
      %dma_wait3A_345 = arith.constant 0 : i32
      %dma_wait3A_346 = arith.constant 0 : i32
      %dma_wait3A_347 = arith.constant 0 : i32
      %dma_wait3A_348 = tpu.memref_slice %arg4[%add3A_150, %dma_wait3A_345, %dma_wait3A_346, %dma_wait3A_347] : memref<512x3x116x116xf32, #tpu.memory_space<hbm>> -> memref<1x3x116x116xf32, #tpu.memory_space<hbm>>
      %dma_wait3A_349 = arith.constant 0 : i32
      %dma_wait3A_350 = arith.constant 0 : i32
      %dma_wait3A_351 = arith.constant 0 : i32
      %dma_wait3A_352 = tpu.memref_slice %arg4[%add3A_150, %dma_wait3A_349, %dma_wait3A_350, %dma_wait3A_351] : memref<512x3x116x116xf32, #tpu.memory_space<hbm>> -> memref<1x3x116x116xf32, #tpu.memory_space<hbm>>
      tpu.wait_dma2 semaphore(%run_scoped3A : memref<!tpu.dma_semaphore, #tpu.memory_space<semaphore_mem>>) src(%arg5 : memref<1x3x116x116xf32, #tpu.memory_space<vmem>>) dst(%dma_wait3A_352 : memref<1x3x116x116xf32, #tpu.memory_space<hbm>>)
      tpu.yield
    }) : () -> ()
    %add3A_151 = arith.constant 0 : i32
    %add3A_152 = arith.addi %mul3A_2, %add3A_151 : i32
    %dma_start3A_153 = arith.constant 0 : i32
    %dma_start3A_154 = arith.constant 0 : i32
    %dma_start3A_155 = arith.constant 0 : i32
    %dma_start3A_156 = tpu.memref_slice %arg3[%add3A_152, %dma_start3A_153, %dma_start3A_154, %dma_start3A_155] : memref<2000x3x116x116xf32, #tpu.memory_space<hbm>> -> memref<1x3x116x116xf32, #tpu.memory_space<hbm>>
    %dma_start3A_157 = arith.constant 0 : i32
    %dma_start3A_158 = arith.constant 0 : i32
    %dma_start3A_159 = arith.constant 0 : i32
    %dma_start3A_160 = tpu.memref_slice %arg3[%add3A_152, %dma_start3A_157, %dma_start3A_158, %dma_start3A_159] : memref<2000x3x116x116xf32, #tpu.memory_space<hbm>> -> memref<1x3x116x116xf32, #tpu.memory_space<hbm>>
    tpu.enqueue_dma source(%dma_start3A_160 : memref<1x3x116x116xf32, #tpu.memory_space<hbm>>) target(%arg5 : memref<1x3x116x116xf32, #tpu.memory_space<vmem>>) target_semaphore(%arg7 : memref<!tpu.dma_semaphore, #tpu.memory_space<semaphore_mem>>)
    %dma_wait3A_161 = arith.constant 0 : i32
    %dma_wait3A_162 = arith.constant 0 : i32
    %dma_wait3A_163 = arith.constant 0 : i32
    %dma_wait3A_164 = tpu.memref_slice %arg2[%add3A_132, %dma_wait3A_161, %dma_wait3A_162, %dma_wait3A_163] : memref<2000x3x116x116xf32, #tpu.memory_space<hbm>> -> memref<1x3x116x116xf32, #tpu.memory_space<hbm>>
    %dma_wait3A_165 = arith.constant 0 : i32
    %dma_wait3A_166 = arith.constant 0 : i32
    %dma_wait3A_167 = arith.constant 0 : i32
    %dma_wait3A_168 = tpu.memref_slice %arg2[%add3A_132, %dma_wait3A_165, %dma_wait3A_166, %dma_wait3A_167] : memref<2000x3x116x116xf32, #tpu.memory_space<hbm>> -> memref<1x3x116x116xf32, #tpu.memory_space<hbm>>
    tpu.wait_dma2 semaphore(%arg8 : memref<!tpu.dma_semaphore, #tpu.memory_space<semaphore_mem>>) src(%dma_wait3A_168 : memref<1x3x116x116xf32, #tpu.memory_space<hbm>>) dst(%arg6 : memref<1x3x116x116xf32, #tpu.memory_space<vmem>>)
    %add3A_169 = arith.constant 7 : i32
    %add3A_170 = arith.addi %mul3A_2, %add3A_169 : i32
    "tpu.region"() ({
      %run_scoped3A = tpu.sem_alloc : memref<!tpu.dma_semaphore, #tpu.memory_space<semaphore_mem>>
      %dma_start3A_337 = arith.constant 0 : i32
      %dma_start3A_338 = arith.constant 0 : i32
      %dma_start3A_339 = arith.constant 0 : i32
      %dma_start3A_340 = tpu.memref_slice %arg4[%add3A_170, %dma_start3A_337, %dma_start3A_338, %dma_start3A_339] : memref<512x3x116x116xf32, #tpu.memory_space<hbm>> -> memref<1x3x116x116xf32, #tpu.memory_space<hbm>>
      %dma_start3A_341 = arith.constant 0 : i32
      %dma_start3A_342 = arith.constant 0 : i32
      %dma_start3A_343 = arith.constant 0 : i32
      %dma_start3A_344 = tpu.memref_slice %arg4[%add3A_170, %dma_start3A_341, %dma_start3A_342, %dma_start3A_343] : memref<512x3x116x116xf32, #tpu.memory_space<hbm>> -> memref<1x3x116x116xf32, #tpu.memory_space<hbm>>
      tpu.enqueue_dma source(%arg6 : memref<1x3x116x116xf32, #tpu.memory_space<vmem>>) target(%dma_start3A_344 : memref<1x3x116x116xf32, #tpu.memory_space<hbm>>) target_semaphore(%run_scoped3A : memref<!tpu.dma_semaphore, #tpu.memory_space<semaphore_mem>>)
      %dma_wait3A_345 = arith.constant 0 : i32
      %dma_wait3A_346 = arith.constant 0 : i32
      %dma_wait3A_347 = arith.constant 0 : i32
      %dma_wait3A_348 = tpu.memref_slice %arg4[%add3A_170, %dma_wait3A_345, %dma_wait3A_346, %dma_wait3A_347] : memref<512x3x116x116xf32, #tpu.memory_space<hbm>> -> memref<1x3x116x116xf32, #tpu.memory_space<hbm>>
      %dma_wait3A_349 = arith.constant 0 : i32
      %dma_wait3A_350 = arith.constant 0 : i32
      %dma_wait3A_351 = arith.constant 0 : i32
      %dma_wait3A_352 = tpu.memref_slice %arg4[%add3A_170, %dma_wait3A_349, %dma_wait3A_350, %dma_wait3A_351] : memref<512x3x116x116xf32, #tpu.memory_space<hbm>> -> memref<1x3x116x116xf32, #tpu.memory_space<hbm>>
      tpu.wait_dma2 semaphore(%run_scoped3A : memref<!tpu.dma_semaphore, #tpu.memory_space<semaphore_mem>>) src(%arg6 : memref<1x3x116x116xf32, #tpu.memory_space<vmem>>) dst(%dma_wait3A_352 : memref<1x3x116x116xf32, #tpu.memory_space<hbm>>)
      tpu.yield
    }) : () -> ()
    %add3A_171 = arith.constant 1 : i32
    %add3A_172 = arith.addi %mul3A_2, %add3A_171 : i32
    %dma_start3A_173 = arith.constant 0 : i32
    %dma_start3A_174 = arith.constant 0 : i32
    %dma_start3A_175 = arith.constant 0 : i32
    %dma_start3A_176 = tpu.memref_slice %arg3[%add3A_172, %dma_start3A_173, %dma_start3A_174, %dma_start3A_175] : memref<2000x3x116x116xf32, #tpu.memory_space<hbm>> -> memref<1x3x116x116xf32, #tpu.memory_space<hbm>>
    %dma_start3A_177 = arith.constant 0 : i32
    %dma_start3A_178 = arith.constant 0 : i32
    %dma_start3A_179 = arith.constant 0 : i32
    %dma_start3A_180 = tpu.memref_slice %arg3[%add3A_172, %dma_start3A_177, %dma_start3A_178, %dma_start3A_179] : memref<2000x3x116x116xf32, #tpu.memory_space<hbm>> -> memref<1x3x116x116xf32, #tpu.memory_space<hbm>>
    tpu.enqueue_dma source(%dma_start3A_180 : memref<1x3x116x116xf32, #tpu.memory_space<hbm>>) target(%arg6 : memref<1x3x116x116xf32, #tpu.memory_space<vmem>>) target_semaphore(%arg8 : memref<!tpu.dma_semaphore, #tpu.memory_space<semaphore_mem>>)
    %dma_wait3A_181 = arith.constant 0 : i32
    %dma_wait3A_182 = arith.constant 0 : i32
    %dma_wait3A_183 = arith.constant 0 : i32
    %dma_wait3A_184 = tpu.memref_slice %arg3[%add3A_152, %dma_wait3A_181, %dma_wait3A_182, %dma_wait3A_183] : memref<2000x3x116x116xf32, #tpu.memory_space<hbm>> -> memref<1x3x116x116xf32, #tpu.memory_space<hbm>>
    %dma_wait3A_185 = arith.constant 0 : i32
    %dma_wait3A_186 = arith.constant 0 : i32
    %dma_wait3A_187 = arith.constant 0 : i32
    %dma_wait3A_188 = tpu.memref_slice %arg3[%add3A_152, %dma_wait3A_185, %dma_wait3A_186, %dma_wait3A_187] : memref<2000x3x116x116xf32, #tpu.memory_space<hbm>> -> memref<1x3x116x116xf32, #tpu.memory_space<hbm>>
    tpu.wait_dma2 semaphore(%arg7 : memref<!tpu.dma_semaphore, #tpu.memory_space<semaphore_mem>>) src(%dma_wait3A_188 : memref<1x3x116x116xf32, #tpu.memory_space<hbm>>) dst(%arg5 : memref<1x3x116x116xf32, #tpu.memory_space<vmem>>)
    %add3A_189 = arith.constant 256 : i32
    %add3A_190 = arith.addi %add3A_189, %mul3A_2 : i32
    %add3A_191 = arith.constant 0 : i32
    %add3A_192 = arith.addi %add3A_190, %add3A_191 : i32
    "tpu.region"() ({
      %run_scoped3A = tpu.sem_alloc : memref<!tpu.dma_semaphore, #tpu.memory_space<semaphore_mem>>
      %dma_start3A_337 = arith.constant 0 : i32
      %dma_start3A_338 = arith.constant 0 : i32
      %dma_start3A_339 = arith.constant 0 : i32
      %dma_start3A_340 = tpu.memref_slice %arg4[%add3A_192, %dma_start3A_337, %dma_start3A_338, %dma_start3A_339] : memref<512x3x116x116xf32, #tpu.memory_space<hbm>> -> memref<1x3x116x116xf32, #tpu.memory_space<hbm>>
      %dma_start3A_341 = arith.constant 0 : i32
      %dma_start3A_342 = arith.constant 0 : i32
      %dma_start3A_343 = arith.constant 0 : i32
      %dma_start3A_344 = tpu.memref_slice %arg4[%add3A_192, %dma_start3A_341, %dma_start3A_342, %dma_start3A_343] : memref<512x3x116x116xf32, #tpu.memory_space<hbm>> -> memref<1x3x116x116xf32, #tpu.memory_space<hbm>>
      tpu.enqueue_dma source(%arg5 : memref<1x3x116x116xf32, #tpu.memory_space<vmem>>) target(%dma_start3A_344 : memref<1x3x116x116xf32, #tpu.memory_space<hbm>>) target_semaphore(%run_scoped3A : memref<!tpu.dma_semaphore, #tpu.memory_space<semaphore_mem>>)
      %dma_wait3A_345 = arith.constant 0 : i32
      %dma_wait3A_346 = arith.constant 0 : i32
      %dma_wait3A_347 = arith.constant 0 : i32
      %dma_wait3A_348 = tpu.memref_slice %arg4[%add3A_192, %dma_wait3A_345, %dma_wait3A_346, %dma_wait3A_347] : memref<512x3x116x116xf32, #tpu.memory_space<hbm>> -> memref<1x3x116x116xf32, #tpu.memory_space<hbm>>
      %dma_wait3A_349 = arith.constant 0 : i32
      %dma_wait3A_350 = arith.constant 0 : i32
      %dma_wait3A_351 = arith.constant 0 : i32
      %dma_wait3A_352 = tpu.memref_slice %arg4[%add3A_192, %dma_wait3A_349, %dma_wait3A_350, %dma_wait3A_351] : memref<512x3x116x116xf32, #tpu.memory_space<hbm>> -> memref<1x3x116x116xf32, #tpu.memory_space<hbm>>
      tpu.wait_dma2 semaphore(%run_scoped3A : memref<!tpu.dma_semaphore, #tpu.memory_space<semaphore_mem>>) src(%arg5 : memref<1x3x116x116xf32, #tpu.memory_space<vmem>>) dst(%dma_wait3A_352 : memref<1x3x116x116xf32, #tpu.memory_space<hbm>>)
      tpu.yield
    }) : () -> ()
    %add3A_193 = arith.constant 2 : i32
    %add3A_194 = arith.addi %mul3A_2, %add3A_193 : i32
    %dma_start3A_195 = arith.constant 0 : i32
    %dma_start3A_196 = arith.constant 0 : i32
    %dma_start3A_197 = arith.constant 0 : i32
    %dma_start3A_198 = tpu.memref_slice %arg3[%add3A_194, %dma_start3A_195, %dma_start3A_196, %dma_start3A_197] : memref<2000x3x116x116xf32, #tpu.memory_space<hbm>> -> memref<1x3x116x116xf32, #tpu.memory_space<hbm>>
    %dma_start3A_199 = arith.constant 0 : i32
    %dma_start3A_200 = arith.constant 0 : i32
    %dma_start3A_201 = arith.constant 0 : i32
    %dma_start3A_202 = tpu.memref_slice %arg3[%add3A_194, %dma_start3A_199, %dma_start3A_200, %dma_start3A_201] : memref<2000x3x116x116xf32, #tpu.memory_space<hbm>> -> memref<1x3x116x116xf32, #tpu.memory_space<hbm>>
    tpu.enqueue_dma source(%dma_start3A_202 : memref<1x3x116x116xf32, #tpu.memory_space<hbm>>) target(%arg5 : memref<1x3x116x116xf32, #tpu.memory_space<vmem>>) target_semaphore(%arg7 : memref<!tpu.dma_semaphore, #tpu.memory_space<semaphore_mem>>)
    %dma_wait3A_203 = arith.constant 0 : i32
    %dma_wait3A_204 = arith.constant 0 : i32
    %dma_wait3A_205 = arith.constant 0 : i32
    %dma_wait3A_206 = tpu.memref_slice %arg3[%add3A_172, %dma_wait3A_203, %dma_wait3A_204, %dma_wait3A_205] : memref<2000x3x116x116xf32, #tpu.memory_space<hbm>> -> memref<1x3x116x116xf32, #tpu.memory_space<hbm>>
    %dma_wait3A_207 = arith.constant 0 : i32
    %dma_wait3A_208 = arith.constant 0 : i32
    %dma_wait3A_209 = arith.constant 0 : i32
    %dma_wait3A_210 = tpu.memref_slice %arg3[%add3A_172, %dma_wait3A_207, %dma_wait3A_208, %dma_wait3A_209] : memref<2000x3x116x116xf32, #tpu.memory_space<hbm>> -> memref<1x3x116x116xf32, #tpu.memory_space<hbm>>
    tpu.wait_dma2 semaphore(%arg8 : memref<!tpu.dma_semaphore, #tpu.memory_space<semaphore_mem>>) src(%dma_wait3A_210 : memref<1x3x116x116xf32, #tpu.memory_space<hbm>>) dst(%arg6 : memref<1x3x116x116xf32, #tpu.memory_space<vmem>>)
    %add3A_211 = arith.constant 256 : i32
    %add3A_212 = arith.addi %add3A_211, %mul3A_2 : i32
    %add3A_213 = arith.constant 1 : i32
    %add3A_214 = arith.addi %add3A_212, %add3A_213 : i32
    "tpu.region"() ({
      %run_scoped3A = tpu.sem_alloc : memref<!tpu.dma_semaphore, #tpu.memory_space<semaphore_mem>>
      %dma_start3A_337 = arith.constant 0 : i32
      %dma_start3A_338 = arith.constant 0 : i32
      %dma_start3A_339 = arith.constant 0 : i32
      %dma_start3A_340 = tpu.memref_slice %arg4[%add3A_214, %dma_start3A_337, %dma_start3A_338, %dma_start3A_339] : memref<512x3x116x116xf32, #tpu.memory_space<hbm>> -> memref<1x3x116x116xf32, #tpu.memory_space<hbm>>
      %dma_start3A_341 = arith.constant 0 : i32
      %dma_start3A_342 = arith.constant 0 : i32
      %dma_start3A_343 = arith.constant 0 : i32
      %dma_start3A_344 = tpu.memref_slice %arg4[%add3A_214, %dma_start3A_341, %dma_start3A_342, %dma_start3A_343] : memref<512x3x116x116xf32, #tpu.memory_space<hbm>> -> memref<1x3x116x116xf32, #tpu.memory_space<hbm>>
      tpu.enqueue_dma source(%arg6 : memref<1x3x116x116xf32, #tpu.memory_space<vmem>>) target(%dma_start3A_344 : memref<1x3x116x116xf32, #tpu.memory_space<hbm>>) target_semaphore(%run_scoped3A : memref<!tpu.dma_semaphore, #tpu.memory_space<semaphore_mem>>)
      %dma_wait3A_345 = arith.constant 0 : i32
      %dma_wait3A_346 = arith.constant 0 : i32
      %dma_wait3A_347 = arith.constant 0 : i32
      %dma_wait3A_348 = tpu.memref_slice %arg4[%add3A_214, %dma_wait3A_345, %dma_wait3A_346, %dma_wait3A_347] : memref<512x3x116x116xf32, #tpu.memory_space<hbm>> -> memref<1x3x116x116xf32, #tpu.memory_space<hbm>>
      %dma_wait3A_349 = arith.constant 0 : i32
      %dma_wait3A_350 = arith.constant 0 : i32
      %dma_wait3A_351 = arith.constant 0 : i32
      %dma_wait3A_352 = tpu.memref_slice %arg4[%add3A_214, %dma_wait3A_349, %dma_wait3A_350, %dma_wait3A_351] : memref<512x3x116x116xf32, #tpu.memory_space<hbm>> -> memref<1x3x116x116xf32, #tpu.memory_space<hbm>>
      tpu.wait_dma2 semaphore(%run_scoped3A : memref<!tpu.dma_semaphore, #tpu.memory_space<semaphore_mem>>) src(%arg6 : memref<1x3x116x116xf32, #tpu.memory_space<vmem>>) dst(%dma_wait3A_352 : memref<1x3x116x116xf32, #tpu.memory_space<hbm>>)
      tpu.yield
    }) : () -> ()
    %add3A_215 = arith.constant 3 : i32
    %add3A_216 = arith.addi %mul3A_2, %add3A_215 : i32
    %dma_start3A_217 = arith.constant 0 : i32
    %dma_start3A_218 = arith.constant 0 : i32
    %dma_start3A_219 = arith.constant 0 : i32
    %dma_start3A_220 = tpu.memref_slice %arg3[%add3A_216, %dma_start3A_217, %dma_start3A_218, %dma_start3A_219] : memref<2000x3x116x116xf32, #tpu.memory_space<hbm>> -> memref<1x3x116x116xf32, #tpu.memory_space<hbm>>
    %dma_start3A_221 = arith.constant 0 : i32
    %dma_start3A_222 = arith.constant 0 : i32
    %dma_start3A_223 = arith.constant 0 : i32
    %dma_start3A_224 = tpu.memref_slice %arg3[%add3A_216, %dma_start3A_221, %dma_start3A_222, %dma_start3A_223] : memref<2000x3x116x116xf32, #tpu.memory_space<hbm>> -> memref<1x3x116x116xf32, #tpu.memory_space<hbm>>
    tpu.enqueue_dma source(%dma_start3A_224 : memref<1x3x116x116xf32, #tpu.memory_space<hbm>>) target(%arg6 : memref<1x3x116x116xf32, #tpu.memory_space<vmem>>) target_semaphore(%arg8 : memref<!tpu.dma_semaphore, #tpu.memory_space<semaphore_mem>>)
    %dma_wait3A_225 = arith.constant 0 : i32
    %dma_wait3A_226 = arith.constant 0 : i32
    %dma_wait3A_227 = arith.constant 0 : i32
    %dma_wait3A_228 = tpu.memref_slice %arg3[%add3A_194, %dma_wait3A_225, %dma_wait3A_226, %dma_wait3A_227] : memref<2000x3x116x116xf32, #tpu.memory_space<hbm>> -> memref<1x3x116x116xf32, #tpu.memory_space<hbm>>
    %dma_wait3A_229 = arith.constant 0 : i32
    %dma_wait3A_230 = arith.constant 0 : i32
    %dma_wait3A_231 = arith.constant 0 : i32
    %dma_wait3A_232 = tpu.memref_slice %arg3[%add3A_194, %dma_wait3A_229, %dma_wait3A_230, %dma_wait3A_231] : memref<2000x3x116x116xf32, #tpu.memory_space<hbm>> -> memref<1x3x116x116xf32, #tpu.memory_space<hbm>>
    tpu.wait_dma2 semaphore(%arg7 : memref<!tpu.dma_semaphore, #tpu.memory_space<semaphore_mem>>) src(%dma_wait3A_232 : memref<1x3x116x116xf32, #tpu.memory_space<hbm>>) dst(%arg5 : memref<1x3x116x116xf32, #tpu.memory_space<vmem>>)
    %add3A_233 = arith.constant 256 : i32
    %add3A_234 = arith.addi %add3A_233, %mul3A_2 : i32
    %add3A_235 = arith.constant 2 : i32
    %add3A_236 = arith.addi %add3A_234, %add3A_235 : i32
    "tpu.region"() ({
      %run_scoped3A = tpu.sem_alloc : memref<!tpu.dma_semaphore, #tpu.memory_space<semaphore_mem>>
      %dma_start3A_337 = arith.constant 0 : i32
      %dma_start3A_338 = arith.constant 0 : i32
      %dma_start3A_339 = arith.constant 0 : i32
      %dma_start3A_340 = tpu.memref_slice %arg4[%add3A_236, %dma_start3A_337, %dma_start3A_338, %dma_start3A_339] : memref<512x3x116x116xf32, #tpu.memory_space<hbm>> -> memref<1x3x116x116xf32, #tpu.memory_space<hbm>>
      %dma_start3A_341 = arith.constant 0 : i32
      %dma_start3A_342 = arith.constant 0 : i32
      %dma_start3A_343 = arith.constant 0 : i32
      %dma_start3A_344 = tpu.memref_slice %arg4[%add3A_236, %dma_start3A_341, %dma_start3A_342, %dma_start3A_343] : memref<512x3x116x116xf32, #tpu.memory_space<hbm>> -> memref<1x3x116x116xf32, #tpu.memory_space<hbm>>
      tpu.enqueue_dma source(%arg5 : memref<1x3x116x116xf32, #tpu.memory_space<vmem>>) target(%dma_start3A_344 : memref<1x3x116x116xf32, #tpu.memory_space<hbm>>) target_semaphore(%run_scoped3A : memref<!tpu.dma_semaphore, #tpu.memory_space<semaphore_mem>>)
      %dma_wait3A_345 = arith.constant 0 : i32
      %dma_wait3A_346 = arith.constant 0 : i32
      %dma_wait3A_347 = arith.constant 0 : i32
      %dma_wait3A_348 = tpu.memref_slice %arg4[%add3A_236, %dma_wait3A_345, %dma_wait3A_346, %dma_wait3A_347] : memref<512x3x116x116xf32, #tpu.memory_space<hbm>> -> memref<1x3x116x116xf32, #tpu.memory_space<hbm>>
      %dma_wait3A_349 = arith.constant 0 : i32
      %dma_wait3A_350 = arith.constant 0 : i32
      %dma_wait3A_351 = arith.constant 0 : i32
      %dma_wait3A_352 = tpu.memref_slice %arg4[%add3A_236, %dma_wait3A_349, %dma_wait3A_350, %dma_wait3A_351] : memref<512x3x116x116xf32, #tpu.memory_space<hbm>> -> memref<1x3x116x116xf32, #tpu.memory_space<hbm>>
      tpu.wait_dma2 semaphore(%run_scoped3A : memref<!tpu.dma_semaphore, #tpu.memory_space<semaphore_mem>>) src(%arg5 : memref<1x3x116x116xf32, #tpu.memory_space<vmem>>) dst(%dma_wait3A_352 : memref<1x3x116x116xf32, #tpu.memory_space<hbm>>)
      tpu.yield
    }) : () -> ()
    %add3A_237 = arith.constant 4 : i32
    %add3A_238 = arith.addi %mul3A_2, %add3A_237 : i32
    %dma_start3A_239 = arith.constant 0 : i32
    %dma_start3A_240 = arith.constant 0 : i32
    %dma_start3A_241 = arith.constant 0 : i32
    %dma_start3A_242 = tpu.memref_slice %arg3[%add3A_238, %dma_start3A_239, %dma_start3A_240, %dma_start3A_241] : memref<2000x3x116x116xf32, #tpu.memory_space<hbm>> -> memref<1x3x116x116xf32, #tpu.memory_space<hbm>>
    %dma_start3A_243 = arith.constant 0 : i32
    %dma_start3A_244 = arith.constant 0 : i32
    %dma_start3A_245 = arith.constant 0 : i32
    %dma_start3A_246 = tpu.memref_slice %arg3[%add3A_238, %dma_start3A_243, %dma_start3A_244, %dma_start3A_245] : memref<2000x3x116x116xf32, #tpu.memory_space<hbm>> -> memref<1x3x116x116xf32, #tpu.memory_space<hbm>>
    tpu.enqueue_dma source(%dma_start3A_246 : memref<1x3x116x116xf32, #tpu.memory_space<hbm>>) target(%arg5 : memref<1x3x116x116xf32, #tpu.memory_space<vmem>>) target_semaphore(%arg7 : memref<!tpu.dma_semaphore, #tpu.memory_space<semaphore_mem>>)
    %dma_wait3A_247 = arith.constant 0 : i32
    %dma_wait3A_248 = arith.constant 0 : i32
    %dma_wait3A_249 = arith.constant 0 : i32
    %dma_wait3A_250 = tpu.memref_slice %arg3[%add3A_216, %dma_wait3A_247, %dma_wait3A_248, %dma_wait3A_249] : memref<2000x3x116x116xf32, #tpu.memory_space<hbm>> -> memref<1x3x116x116xf32, #tpu.memory_space<hbm>>
    %dma_wait3A_251 = arith.constant 0 : i32
    %dma_wait3A_252 = arith.constant 0 : i32
    %dma_wait3A_253 = arith.constant 0 : i32
    %dma_wait3A_254 = tpu.memref_slice %arg3[%add3A_216, %dma_wait3A_251, %dma_wait3A_252, %dma_wait3A_253] : memref<2000x3x116x116xf32, #tpu.memory_space<hbm>> -> memref<1x3x116x116xf32, #tpu.memory_space<hbm>>
    tpu.wait_dma2 semaphore(%arg8 : memref<!tpu.dma_semaphore, #tpu.memory_space<semaphore_mem>>) src(%dma_wait3A_254 : memref<1x3x116x116xf32, #tpu.memory_space<hbm>>) dst(%arg6 : memref<1x3x116x116xf32, #tpu.memory_space<vmem>>)
    %add3A_255 = arith.constant 256 : i32
    %add3A_256 = arith.addi %add3A_255, %mul3A_2 : i32
    %add3A_257 = arith.constant 3 : i32
    %add3A_258 = arith.addi %add3A_256, %add3A_257 : i32
    "tpu.region"() ({
      %run_scoped3A = tpu.sem_alloc : memref<!tpu.dma_semaphore, #tpu.memory_space<semaphore_mem>>
      %dma_start3A_337 = arith.constant 0 : i32
      %dma_start3A_338 = arith.constant 0 : i32
      %dma_start3A_339 = arith.constant 0 : i32
      %dma_start3A_340 = tpu.memref_slice %arg4[%add3A_258, %dma_start3A_337, %dma_start3A_338, %dma_start3A_339] : memref<512x3x116x116xf32, #tpu.memory_space<hbm>> -> memref<1x3x116x116xf32, #tpu.memory_space<hbm>>
      %dma_start3A_341 = arith.constant 0 : i32
      %dma_start3A_342 = arith.constant 0 : i32
      %dma_start3A_343 = arith.constant 0 : i32
      %dma_start3A_344 = tpu.memref_slice %arg4[%add3A_258, %dma_start3A_341, %dma_start3A_342, %dma_start3A_343] : memref<512x3x116x116xf32, #tpu.memory_space<hbm>> -> memref<1x3x116x116xf32, #tpu.memory_space<hbm>>
      tpu.enqueue_dma source(%arg6 : memref<1x3x116x116xf32, #tpu.memory_space<vmem>>) target(%dma_start3A_344 : memref<1x3x116x116xf32, #tpu.memory_space<hbm>>) target_semaphore(%run_scoped3A : memref<!tpu.dma_semaphore, #tpu.memory_space<semaphore_mem>>)
      %dma_wait3A_345 = arith.constant 0 : i32
      %dma_wait3A_346 = arith.constant 0 : i32
      %dma_wait3A_347 = arith.constant 0 : i32
      %dma_wait3A_348 = tpu.memref_slice %arg4[%add3A_258, %dma_wait3A_345, %dma_wait3A_346, %dma_wait3A_347] : memref<512x3x116x116xf32, #tpu.memory_space<hbm>> -> memref<1x3x116x116xf32, #tpu.memory_space<hbm>>
      %dma_wait3A_349 = arith.constant 0 : i32
      %dma_wait3A_350 = arith.constant 0 : i32
      %dma_wait3A_351 = arith.constant 0 : i32
      %dma_wait3A_352 = tpu.memref_slice %arg4[%add3A_258, %dma_wait3A_349, %dma_wait3A_350, %dma_wait3A_351] : memref<512x3x116x116xf32, #tpu.memory_space<hbm>> -> memref<1x3x116x116xf32, #tpu.memory_space<hbm>>
      tpu.wait_dma2 semaphore(%run_scoped3A : memref<!tpu.dma_semaphore, #tpu.memory_space<semaphore_mem>>) src(%arg6 : memref<1x3x116x116xf32, #tpu.memory_space<vmem>>) dst(%dma_wait3A_352 : memref<1x3x116x116xf32, #tpu.memory_space<hbm>>)
      tpu.yield
    }) : () -> ()
    %add3A_259 = arith.constant 5 : i32
    %add3A_260 = arith.addi %mul3A_2, %add3A_259 : i32
    %dma_start3A_261 = arith.constant 0 : i32
    %dma_start3A_262 = arith.constant 0 : i32
    %dma_start3A_263 = arith.constant 0 : i32
    %dma_start3A_264 = tpu.memref_slice %arg3[%add3A_260, %dma_start3A_261, %dma_start3A_262, %dma_start3A_263] : memref<2000x3x116x116xf32, #tpu.memory_space<hbm>> -> memref<1x3x116x116xf32, #tpu.memory_space<hbm>>
    %dma_start3A_265 = arith.constant 0 : i32
    %dma_start3A_266 = arith.constant 0 : i32
    %dma_start3A_267 = arith.constant 0 : i32
    %dma_start3A_268 = tpu.memref_slice %arg3[%add3A_260, %dma_start3A_265, %dma_start3A_266, %dma_start3A_267] : memref<2000x3x116x116xf32, #tpu.memory_space<hbm>> -> memref<1x3x116x116xf32, #tpu.memory_space<hbm>>
    tpu.enqueue_dma source(%dma_start3A_268 : memref<1x3x116x116xf32, #tpu.memory_space<hbm>>) target(%arg6 : memref<1x3x116x116xf32, #tpu.memory_space<vmem>>) target_semaphore(%arg8 : memref<!tpu.dma_semaphore, #tpu.memory_space<semaphore_mem>>)
    %dma_wait3A_269 = arith.constant 0 : i32
    %dma_wait3A_270 = arith.constant 0 : i32
    %dma_wait3A_271 = arith.constant 0 : i32
    %dma_wait3A_272 = tpu.memref_slice %arg3[%add3A_238, %dma_wait3A_269, %dma_wait3A_270, %dma_wait3A_271] : memref<2000x3x116x116xf32, #tpu.memory_space<hbm>> -> memref<1x3x116x116xf32, #tpu.memory_space<hbm>>
    %dma_wait3A_273 = arith.constant 0 : i32
    %dma_wait3A_274 = arith.constant 0 : i32
    %dma_wait3A_275 = arith.constant 0 : i32
    %dma_wait3A_276 = tpu.memref_slice %arg3[%add3A_238, %dma_wait3A_273, %dma_wait3A_274, %dma_wait3A_275] : memref<2000x3x116x116xf32, #tpu.memory_space<hbm>> -> memref<1x3x116x116xf32, #tpu.memory_space<hbm>>
    tpu.wait_dma2 semaphore(%arg7 : memref<!tpu.dma_semaphore, #tpu.memory_space<semaphore_mem>>) src(%dma_wait3A_276 : memref<1x3x116x116xf32, #tpu.memory_space<hbm>>) dst(%arg5 : memref<1x3x116x116xf32, #tpu.memory_space<vmem>>)
    %add3A_277 = arith.constant 256 : i32
    %add3A_278 = arith.addi %add3A_277, %mul3A_2 : i32
    %add3A_279 = arith.constant 4 : i32
    %add3A_280 = arith.addi %add3A_278, %add3A_279 : i32
    "tpu.region"() ({
      %run_scoped3A = tpu.sem_alloc : memref<!tpu.dma_semaphore, #tpu.memory_space<semaphore_mem>>
      %dma_start3A_337 = arith.constant 0 : i32
      %dma_start3A_338 = arith.constant 0 : i32
      %dma_start3A_339 = arith.constant 0 : i32
      %dma_start3A_340 = tpu.memref_slice %arg4[%add3A_280, %dma_start3A_337, %dma_start3A_338, %dma_start3A_339] : memref<512x3x116x116xf32, #tpu.memory_space<hbm>> -> memref<1x3x116x116xf32, #tpu.memory_space<hbm>>
      %dma_start3A_341 = arith.constant 0 : i32
      %dma_start3A_342 = arith.constant 0 : i32
      %dma_start3A_343 = arith.constant 0 : i32
      %dma_start3A_344 = tpu.memref_slice %arg4[%add3A_280, %dma_start3A_341, %dma_start3A_342, %dma_start3A_343] : memref<512x3x116x116xf32, #tpu.memory_space<hbm>> -> memref<1x3x116x116xf32, #tpu.memory_space<hbm>>
      tpu.enqueue_dma source(%arg5 : memref<1x3x116x116xf32, #tpu.memory_space<vmem>>) target(%dma_start3A_344 : memref<1x3x116x116xf32, #tpu.memory_space<hbm>>) target_semaphore(%run_scoped3A : memref<!tpu.dma_semaphore, #tpu.memory_space<semaphore_mem>>)
      %dma_wait3A_345 = arith.constant 0 : i32
      %dma_wait3A_346 = arith.constant 0 : i32
      %dma_wait3A_347 = arith.constant 0 : i32
      %dma_wait3A_348 = tpu.memref_slice %arg4[%add3A_280, %dma_wait3A_345, %dma_wait3A_346, %dma_wait3A_347] : memref<512x3x116x116xf32, #tpu.memory_space<hbm>> -> memref<1x3x116x116xf32, #tpu.memory_space<hbm>>
      %dma_wait3A_349 = arith.constant 0 : i32
      %dma_wait3A_350 = arith.constant 0 : i32
      %dma_wait3A_351 = arith.constant 0 : i32
      %dma_wait3A_352 = tpu.memref_slice %arg4[%add3A_280, %dma_wait3A_349, %dma_wait3A_350, %dma_wait3A_351] : memref<512x3x116x116xf32, #tpu.memory_space<hbm>> -> memref<1x3x116x116xf32, #tpu.memory_space<hbm>>
      tpu.wait_dma2 semaphore(%run_scoped3A : memref<!tpu.dma_semaphore, #tpu.memory_space<semaphore_mem>>) src(%arg5 : memref<1x3x116x116xf32, #tpu.memory_space<vmem>>) dst(%dma_wait3A_352 : memref<1x3x116x116xf32, #tpu.memory_space<hbm>>)
      tpu.yield
    }) : () -> ()
    %add3A_281 = arith.constant 6 : i32
    %add3A_282 = arith.addi %mul3A_2, %add3A_281 : i32
    %dma_start3A_283 = arith.constant 0 : i32
    %dma_start3A_284 = arith.constant 0 : i32
    %dma_start3A_285 = arith.constant 0 : i32
    %dma_start3A_286 = tpu.memref_slice %arg3[%add3A_282, %dma_start3A_283, %dma_start3A_284, %dma_start3A_285] : memref<2000x3x116x116xf32, #tpu.memory_space<hbm>> -> memref<1x3x116x116xf32, #tpu.memory_space<hbm>>
    %dma_start3A_287 = arith.constant 0 : i32
    %dma_start3A_288 = arith.constant 0 : i32
    %dma_start3A_289 = arith.constant 0 : i32
    %dma_start3A_290 = tpu.memref_slice %arg3[%add3A_282, %dma_start3A_287, %dma_start3A_288, %dma_start3A_289] : memref<2000x3x116x116xf32, #tpu.memory_space<hbm>> -> memref<1x3x116x116xf32, #tpu.memory_space<hbm>>
    tpu.enqueue_dma source(%dma_start3A_290 : memref<1x3x116x116xf32, #tpu.memory_space<hbm>>) target(%arg5 : memref<1x3x116x116xf32, #tpu.memory_space<vmem>>) target_semaphore(%arg7 : memref<!tpu.dma_semaphore, #tpu.memory_space<semaphore_mem>>)
    %dma_wait3A_291 = arith.constant 0 : i32
    %dma_wait3A_292 = arith.constant 0 : i32
    %dma_wait3A_293 = arith.constant 0 : i32
    %dma_wait3A_294 = tpu.memref_slice %arg3[%add3A_260, %dma_wait3A_291, %dma_wait3A_292, %dma_wait3A_293] : memref<2000x3x116x116xf32, #tpu.memory_space<hbm>> -> memref<1x3x116x116xf32, #tpu.memory_space<hbm>>
    %dma_wait3A_295 = arith.constant 0 : i32
    %dma_wait3A_296 = arith.constant 0 : i32
    %dma_wait3A_297 = arith.constant 0 : i32
    %dma_wait3A_298 = tpu.memref_slice %arg3[%add3A_260, %dma_wait3A_295, %dma_wait3A_296, %dma_wait3A_297] : memref<2000x3x116x116xf32, #tpu.memory_space<hbm>> -> memref<1x3x116x116xf32, #tpu.memory_space<hbm>>
    tpu.wait_dma2 semaphore(%arg8 : memref<!tpu.dma_semaphore, #tpu.memory_space<semaphore_mem>>) src(%dma_wait3A_298 : memref<1x3x116x116xf32, #tpu.memory_space<hbm>>) dst(%arg6 : memref<1x3x116x116xf32, #tpu.memory_space<vmem>>)
    %add3A_299 = arith.constant 256 : i32
    %add3A_300 = arith.addi %add3A_299, %mul3A_2 : i32
    %add3A_301 = arith.constant 5 : i32
    %add3A_302 = arith.addi %add3A_300, %add3A_301 : i32
    "tpu.region"() ({
      %run_scoped3A = tpu.sem_alloc : memref<!tpu.dma_semaphore, #tpu.memory_space<semaphore_mem>>
      %dma_start3A_337 = arith.constant 0 : i32
      %dma_start3A_338 = arith.constant 0 : i32
      %dma_start3A_339 = arith.constant 0 : i32
      %dma_start3A_340 = tpu.memref_slice %arg4[%add3A_302, %dma_start3A_337, %dma_start3A_338, %dma_start3A_339] : memref<512x3x116x116xf32, #tpu.memory_space<hbm>> -> memref<1x3x116x116xf32, #tpu.memory_space<hbm>>
      %dma_start3A_341 = arith.constant 0 : i32
      %dma_start3A_342 = arith.constant 0 : i32
      %dma_start3A_343 = arith.constant 0 : i32
      %dma_start3A_344 = tpu.memref_slice %arg4[%add3A_302, %dma_start3A_341, %dma_start3A_342, %dma_start3A_343] : memref<512x3x116x116xf32, #tpu.memory_space<hbm>> -> memref<1x3x116x116xf32, #tpu.memory_space<hbm>>
      tpu.enqueue_dma source(%arg6 : memref<1x3x116x116xf32, #tpu.memory_space<vmem>>) target(%dma_start3A_344 : memref<1x3x116x116xf32, #tpu.memory_space<hbm>>) target_semaphore(%run_scoped3A : memref<!tpu.dma_semaphore, #tpu.memory_space<semaphore_mem>>)
      %dma_wait3A_345 = arith.constant 0 : i32
      %dma_wait3A_346 = arith.constant 0 : i32
      %dma_wait3A_347 = arith.constant 0 : i32
      %dma_wait3A_348 = tpu.memref_slice %arg4[%add3A_302, %dma_wait3A_345, %dma_wait3A_346, %dma_wait3A_347] : memref<512x3x116x116xf32, #tpu.memory_space<hbm>> -> memref<1x3x116x116xf32, #tpu.memory_space<hbm>>
      %dma_wait3A_349 = arith.constant 0 : i32
      %dma_wait3A_350 = arith.constant 0 : i32
      %dma_wait3A_351 = arith.constant 0 : i32
      %dma_wait3A_352 = tpu.memref_slice %arg4[%add3A_302, %dma_wait3A_349, %dma_wait3A_350, %dma_wait3A_351] : memref<512x3x116x116xf32, #tpu.memory_space<hbm>> -> memref<1x3x116x116xf32, #tpu.memory_space<hbm>>
      tpu.wait_dma2 semaphore(%run_scoped3A : memref<!tpu.dma_semaphore, #tpu.memory_space<semaphore_mem>>) src(%arg6 : memref<1x3x116x116xf32, #tpu.memory_space<vmem>>) dst(%dma_wait3A_352 : memref<1x3x116x116xf32, #tpu.memory_space<hbm>>)
      tpu.yield
    }) : () -> ()
    %add3A_303 = arith.constant 7 : i32
    %add3A_304 = arith.addi %mul3A_2, %add3A_303 : i32
    %dma_start3A_305 = arith.constant 0 : i32
    %dma_start3A_306 = arith.constant 0 : i32
    %dma_start3A_307 = arith.constant 0 : i32
    %dma_start3A_308 = tpu.memref_slice %arg3[%add3A_304, %dma_start3A_305, %dma_start3A_306, %dma_start3A_307] : memref<2000x3x116x116xf32, #tpu.memory_space<hbm>> -> memref<1x3x116x116xf32, #tpu.memory_space<hbm>>
    %dma_start3A_309 = arith.constant 0 : i32
    %dma_start3A_310 = arith.constant 0 : i32
    %dma_start3A_311 = arith.constant 0 : i32
    %dma_start3A_312 = tpu.memref_slice %arg3[%add3A_304, %dma_start3A_309, %dma_start3A_310, %dma_start3A_311] : memref<2000x3x116x116xf32, #tpu.memory_space<hbm>> -> memref<1x3x116x116xf32, #tpu.memory_space<hbm>>
    tpu.enqueue_dma source(%dma_start3A_312 : memref<1x3x116x116xf32, #tpu.memory_space<hbm>>) target(%arg6 : memref<1x3x116x116xf32, #tpu.memory_space<vmem>>) target_semaphore(%arg8 : memref<!tpu.dma_semaphore, #tpu.memory_space<semaphore_mem>>)
    %dma_wait3A_313 = arith.constant 0 : i32
    %dma_wait3A_314 = arith.constant 0 : i32
    %dma_wait3A_315 = arith.constant 0 : i32
    %dma_wait3A_316 = tpu.memref_slice %arg3[%add3A_282, %dma_wait3A_313, %dma_wait3A_314, %dma_wait3A_315] : memref<2000x3x116x116xf32, #tpu.memory_space<hbm>> -> memref<1x3x116x116xf32, #tpu.memory_space<hbm>>
    %dma_wait3A_317 = arith.constant 0 : i32
    %dma_wait3A_318 = arith.constant 0 : i32
    %dma_wait3A_319 = arith.constant 0 : i32
    %dma_wait3A_320 = tpu.memref_slice %arg3[%add3A_282, %dma_wait3A_317, %dma_wait3A_318, %dma_wait3A_319] : memref<2000x3x116x116xf32, #tpu.memory_space<hbm>> -> memref<1x3x116x116xf32, #tpu.memory_space<hbm>>
    tpu.wait_dma2 semaphore(%arg7 : memref<!tpu.dma_semaphore, #tpu.memory_space<semaphore_mem>>) src(%dma_wait3A_320 : memref<1x3x116x116xf32, #tpu.memory_space<hbm>>) dst(%arg5 : memref<1x3x116x116xf32, #tpu.memory_space<vmem>>)
    %add3A_321 = arith.constant 256 : i32
    %add3A_322 = arith.addi %add3A_321, %mul3A_2 : i32
    %add3A_323 = arith.constant 6 : i32
    %add3A_324 = arith.addi %add3A_322, %add3A_323 : i32
    "tpu.region"() ({
      %run_scoped3A = tpu.sem_alloc : memref<!tpu.dma_semaphore, #tpu.memory_space<semaphore_mem>>
      %dma_start3A_337 = arith.constant 0 : i32
      %dma_start3A_338 = arith.constant 0 : i32
      %dma_start3A_339 = arith.constant 0 : i32
      %dma_start3A_340 = tpu.memref_slice %arg4[%add3A_324, %dma_start3A_337, %dma_start3A_338, %dma_start3A_339] : memref<512x3x116x116xf32, #tpu.memory_space<hbm>> -> memref<1x3x116x116xf32, #tpu.memory_space<hbm>>
      %dma_start3A_341 = arith.constant 0 : i32
      %dma_start3A_342 = arith.constant 0 : i32
      %dma_start3A_343 = arith.constant 0 : i32
      %dma_start3A_344 = tpu.memref_slice %arg4[%add3A_324, %dma_start3A_341, %dma_start3A_342, %dma_start3A_343] : memref<512x3x116x116xf32, #tpu.memory_space<hbm>> -> memref<1x3x116x116xf32, #tpu.memory_space<hbm>>
      tpu.enqueue_dma source(%arg5 : memref<1x3x116x116xf32, #tpu.memory_space<vmem>>) target(%dma_start3A_344 : memref<1x3x116x116xf32, #tpu.memory_space<hbm>>) target_semaphore(%run_scoped3A : memref<!tpu.dma_semaphore, #tpu.memory_space<semaphore_mem>>)
      %dma_wait3A_345 = arith.constant 0 : i32
      %dma_wait3A_346 = arith.constant 0 : i32
      %dma_wait3A_347 = arith.constant 0 : i32
      %dma_wait3A_348 = tpu.memref_slice %arg4[%add3A_324, %dma_wait3A_345, %dma_wait3A_346, %dma_wait3A_347] : memref<512x3x116x116xf32, #tpu.memory_space<hbm>> -> memref<1x3x116x116xf32, #tpu.memory_space<hbm>>
      %dma_wait3A_349 = arith.constant 0 : i32
      %dma_wait3A_350 = arith.constant 0 : i32
      %dma_wait3A_351 = arith.constant 0 : i32
      %dma_wait3A_352 = tpu.memref_slice %arg4[%add3A_324, %dma_wait3A_349, %dma_wait3A_350, %dma_wait3A_351] : memref<512x3x116x116xf32, #tpu.memory_space<hbm>> -> memref<1x3x116x116xf32, #tpu.memory_space<hbm>>
      tpu.wait_dma2 semaphore(%run_scoped3A : memref<!tpu.dma_semaphore, #tpu.memory_space<semaphore_mem>>) src(%arg5 : memref<1x3x116x116xf32, #tpu.memory_space<vmem>>) dst(%dma_wait3A_352 : memref<1x3x116x116xf32, #tpu.memory_space<hbm>>)
      tpu.yield
    }) : () -> ()
    %dma_wait3A_325 = arith.constant 0 : i32
    %dma_wait3A_326 = arith.constant 0 : i32
    %dma_wait3A_327 = arith.constant 0 : i32
    %dma_wait3A_328 = tpu.memref_slice %arg3[%add3A_304, %dma_wait3A_325, %dma_wait3A_326, %dma_wait3A_327] : memref<2000x3x116x116xf32, #tpu.memory_space<hbm>> -> memref<1x3x116x116xf32, #tpu.memory_space<hbm>>
    %dma_wait3A_329 = arith.constant 0 : i32
    %dma_wait3A_330 = arith.constant 0 : i32
    %dma_wait3A_331 = arith.constant 0 : i32
    %dma_wait3A_332 = tpu.memref_slice %arg3[%add3A_304, %dma_wait3A_329, %dma_wait3A_330, %dma_wait3A_331] : memref<2000x3x116x116xf32, #tpu.memory_space<hbm>> -> memref<1x3x116x116xf32, #tpu.memory_space<hbm>>
    tpu.wait_dma2 semaphore(%arg8 : memref<!tpu.dma_semaphore, #tpu.memory_space<semaphore_mem>>) src(%dma_wait3A_332 : memref<1x3x116x116xf32, #tpu.memory_space<hbm>>) dst(%arg6 : memref<1x3x116x116xf32, #tpu.memory_space<vmem>>)
    %add3A_333 = arith.constant 256 : i32
    %add3A_334 = arith.addi %add3A_333, %mul3A_2 : i32
    %add3A_335 = arith.constant 7 : i32
    %add3A_336 = arith.addi %add3A_334, %add3A_335 : i32
    "tpu.region"() ({
      %run_scoped3A = tpu.sem_alloc : memref<!tpu.dma_semaphore, #tpu.memory_space<semaphore_mem>>
      %dma_start3A_337 = arith.constant 0 : i32
      %dma_start3A_338 = arith.constant 0 : i32
      %dma_start3A_339 = arith.constant 0 : i32
      %dma_start3A_340 = tpu.memref_slice %arg4[%add3A_336, %dma_start3A_337, %dma_start3A_338, %dma_start3A_339] : memref<512x3x116x116xf32, #tpu.memory_space<hbm>> -> memref<1x3x116x116xf32, #tpu.memory_space<hbm>>
      %dma_start3A_341 = arith.constant 0 : i32
      %dma_start3A_342 = arith.constant 0 : i32
      %dma_start3A_343 = arith.constant 0 : i32
      %dma_start3A_344 = tpu.memref_slice %arg4[%add3A_336, %dma_start3A_341, %dma_start3A_342, %dma_start3A_343] : memref<512x3x116x116xf32, #tpu.memory_space<hbm>> -> memref<1x3x116x116xf32, #tpu.memory_space<hbm>>
      tpu.enqueue_dma source(%arg6 : memref<1x3x116x116xf32, #tpu.memory_space<vmem>>) target(%dma_start3A_344 : memref<1x3x116x116xf32, #tpu.memory_space<hbm>>) target_semaphore(%run_scoped3A : memref<!tpu.dma_semaphore, #tpu.memory_space<semaphore_mem>>)
      %dma_wait3A_345 = arith.constant 0 : i32
      %dma_wait3A_346 = arith.constant 0 : i32
      %dma_wait3A_347 = arith.constant 0 : i32
      %dma_wait3A_348 = tpu.memref_slice %arg4[%add3A_336, %dma_wait3A_345, %dma_wait3A_346, %dma_wait3A_347] : memref<512x3x116x116xf32, #tpu.memory_space<hbm>> -> memref<1x3x116x116xf32, #tpu.memory_space<hbm>>
      %dma_wait3A_349 = arith.constant 0 : i32
      %dma_wait3A_350 = arith.constant 0 : i32
      %dma_wait3A_351 = arith.constant 0 : i32
      %dma_wait3A_352 = tpu.memref_slice %arg4[%add3A_336, %dma_wait3A_349, %dma_wait3A_350, %dma_wait3A_351] : memref<512x3x116x116xf32, #tpu.memory_space<hbm>> -> memref<1x3x116x116xf32, #tpu.memory_space<hbm>>
      tpu.wait_dma2 semaphore(%run_scoped3A : memref<!tpu.dma_semaphore, #tpu.memory_space<semaphore_mem>>) src(%arg6 : memref<1x3x116x116xf32, #tpu.memory_space<vmem>>) dst(%dma_wait3A_352 : memref<1x3x116x116xf32, #tpu.memory_space<hbm>>)
      tpu.yield
    }) : () -> ()
    return
  }
}

module attributes {stable_mosaic.version = 14 : i64} {
  func.func @_rtgnn_kernel(%arg0: i32, %arg1: memref<256xi32, #tpu.memory_space<smem>>, %arg2: memref<1x3x116x116xf32, #tpu.memory_space<vmem>>, %arg3: memref<1x3x116x116xf32, #tpu.memory_space<vmem>>, %arg4: memref<1x3x116x116xf32, #tpu.memory_space<vmem>>, %arg5: memref<1x3x116x116xf32, #tpu.memory_space<vmem>>, %arg6: memref<1x3x116x116xf32, #tpu.memory_space<vmem>>, %arg7: memref<1x3x116x116xf32, #tpu.memory_space<vmem>>, %arg8: memref<1x3x116x116xf32, #tpu.memory_space<vmem>>, %arg9: memref<1x3x116x116xf32, #tpu.memory_space<vmem>>, %arg10: memref<1x3x116x116xf32, #tpu.memory_space<vmem>>, %arg11: memref<1x3x116x116xf32, #tpu.memory_space<vmem>>, %arg12: memref<1x3x116x116xf32, #tpu.memory_space<vmem>>, %arg13: memref<1x3x116x116xf32, #tpu.memory_space<vmem>>, %arg14: memref<1x3x116x116xf32, #tpu.memory_space<vmem>>, %arg15: memref<1x3x116x116xf32, #tpu.memory_space<vmem>>, %arg16: memref<1x3x116x116xf32, #tpu.memory_space<vmem>>, %arg17: memref<1x3x116x116xf32, #tpu.memory_space<vmem>>, %arg18: memref<1x3x116x116xf32, #tpu.memory_space<vmem>>, %arg19: memref<1x3x116x116xf32, #tpu.memory_space<vmem>>, %arg20: memref<1x3x116x116xf32, #tpu.memory_space<vmem>>, %arg21: memref<1x3x116x116xf32, #tpu.memory_space<vmem>>, %arg22: memref<1x3x116x116xf32, #tpu.memory_space<vmem>>, %arg23: memref<1x3x116x116xf32, #tpu.memory_space<vmem>>, %arg24: memref<1x3x116x116xf32, #tpu.memory_space<vmem>>, %arg25: memref<1x3x116x116xf32, #tpu.memory_space<vmem>>, %arg26: memref<1x3x116x116xf32, #tpu.memory_space<vmem>>, %arg27: memref<1x3x116x116xf32, #tpu.memory_space<vmem>>, %arg28: memref<1x3x116x116xf32, #tpu.memory_space<vmem>>, %arg29: memref<1x3x116x116xf32, #tpu.memory_space<vmem>>, %arg30: memref<1x3x116x116xf32, #tpu.memory_space<vmem>>, %arg31: memref<1x3x116x116xf32, #tpu.memory_space<vmem>>, %arg32: memref<1x3x116x116xf32, #tpu.memory_space<vmem>>, %arg33: memref<1x3x116x116xf32, #tpu.memory_space<vmem>>, %arg34: memref<3x116x2xf32, #tpu.memory_space<vmem>>, %arg35: memref<3x2xf32, #tpu.memory_space<vmem>>, %arg36: memref<3x116x128xf32, #tpu.memory_space<vmem>>, %arg37: memref<128x64xf32, #tpu.memory_space<vmem>>, %arg38: memref<1x64xf32, #tpu.memory_space<vmem>>, %arg39: memref<128x2xf32, #tpu.memory_space<vmem>>, %arg40: memref<1x2xf32, #tpu.memory_space<vmem>>, %arg41: memref<16x3x116x2xf32, #tpu.memory_space<vmem>>, %arg42: memref<256x128xf32, #tpu.memory_space<vmem>>, %arg43: memref<256x2xf32, #tpu.memory_space<vmem>>, %arg44: memref<3x256x128xf32, #tpu.memory_space<vmem>>, %arg45: memref<3x64xf32, #tpu.memory_space<vmem>>) attributes {dimension_semantics = [#tpu.dimension_semantics<arbitrary>], iteration_bounds = array<i64: 16>, scalar_prefetch = 1 : i64, scratch_operands = 2 : i64, tpu.core_type = #tpu.core_type<tc>, window_params = [{transform_indices = @transform_0, window_bounds = array<i64: 1, 3, 116, 116>}, {transform_indices = @transform_1, window_bounds = array<i64: 1, 3, 116, 116>}, {transform_indices = @transform_2, window_bounds = array<i64: 1, 3, 116, 116>}, {transform_indices = @transform_3, window_bounds = array<i64: 1, 3, 116, 116>}, {transform_indices = @transform_4, window_bounds = array<i64: 1, 3, 116, 116>}, {transform_indices = @transform_5, window_bounds = array<i64: 1, 3, 116, 116>}, {transform_indices = @transform_6, window_bounds = array<i64: 1, 3, 116, 116>}, {transform_indices = @transform_7, window_bounds = array<i64: 1, 3, 116, 116>}, {transform_indices = @transform_8, window_bounds = array<i64: 1, 3, 116, 116>}, {transform_indices = @transform_9, window_bounds = array<i64: 1, 3, 116, 116>}, {transform_indices = @transform_10, window_bounds = array<i64: 1, 3, 116, 116>}, {transform_indices = @transform_11, window_bounds = array<i64: 1, 3, 116, 116>}, {transform_indices = @transform_12, window_bounds = array<i64: 1, 3, 116, 116>}, {transform_indices = @transform_13, window_bounds = array<i64: 1, 3, 116, 116>}, {transform_indices = @transform_14, window_bounds = array<i64: 1, 3, 116, 116>}, {transform_indices = @transform_15, window_bounds = array<i64: 1, 3, 116, 116>}, {transform_indices = @transform_16, window_bounds = array<i64: 1, 3, 116, 116>}, {transform_indices = @transform_17, window_bounds = array<i64: 1, 3, 116, 116>}, {transform_indices = @transform_18, window_bounds = array<i64: 1, 3, 116, 116>}, {transform_indices = @transform_19, window_bounds = array<i64: 1, 3, 116, 116>}, {transform_indices = @transform_20, window_bounds = array<i64: 1, 3, 116, 116>}, {transform_indices = @transform_21, window_bounds = array<i64: 1, 3, 116, 116>}, {transform_indices = @transform_22, window_bounds = array<i64: 1, 3, 116, 116>}, {transform_indices = @transform_23, window_bounds = array<i64: 1, 3, 116, 116>}, {transform_indices = @transform_24, window_bounds = array<i64: 1, 3, 116, 116>}, {transform_indices = @transform_25, window_bounds = array<i64: 1, 3, 116, 116>}, {transform_indices = @transform_26, window_bounds = array<i64: 1, 3, 116, 116>}, {transform_indices = @transform_27, window_bounds = array<i64: 1, 3, 116, 116>}, {transform_indices = @transform_28, window_bounds = array<i64: 1, 3, 116, 116>}, {transform_indices = @transform_29, window_bounds = array<i64: 1, 3, 116, 116>}, {transform_indices = @transform_30, window_bounds = array<i64: 1, 3, 116, 116>}, {transform_indices = @transform_31, window_bounds = array<i64: 1, 3, 116, 116>}, {pipeline_mode = #tpu.pipeline_mode<synchronous>, transform_indices = @transform_32, window_bounds = array<i64: 3, 116, 2>}, {pipeline_mode = #tpu.pipeline_mode<synchronous>, transform_indices = @transform_33, window_bounds = array<i64: 3, 2>}, {pipeline_mode = #tpu.pipeline_mode<synchronous>, transform_indices = @transform_34, window_bounds = array<i64: 3, 116, 128>}, {pipeline_mode = #tpu.pipeline_mode<synchronous>, transform_indices = @transform_35, window_bounds = array<i64: 128, 64>}, {pipeline_mode = #tpu.pipeline_mode<synchronous>, transform_indices = @transform_36, window_bounds = array<i64: 1, 64>}, {pipeline_mode = #tpu.pipeline_mode<synchronous>, transform_indices = @transform_37, window_bounds = array<i64: 128, 2>}, {pipeline_mode = #tpu.pipeline_mode<synchronous>, transform_indices = @transform_38, window_bounds = array<i64: 1, 2>}, {transform_indices = @transform_39, window_bounds = array<i64: 16, 3, 116, 2>}, {pipeline_mode = #tpu.pipeline_mode<synchronous>, transform_indices = @transform_40, window_bounds = array<i64: 256, 128>}, {pipeline_mode = #tpu.pipeline_mode<synchronous>, transform_indices = @transform_41, window_bounds = array<i64: 256, 2>}]} {
    %eq3A = arith.constant 0 : i32
    %eq3A_0 = arith.cmpi eq, %arg0, %eq3A : i32
    %convert_element_type3A = arith.extui %eq3A_0 : i1 to i32
    %cond3A = arith.constant 0 : i32
    %cond3A_1 = arith.cmpi ne, %convert_element_type3A, %cond3A : i32
    scf.if %cond3A_1 {
      %broadcast_in_dim3A_3513 = arith.constant 0.000000e+00 : f32
      %broadcast_in_dim3A_3514 = vector.broadcast %broadcast_in_dim3A_3513 : f32 to vector<3x64xf32>
      %swap3A_3515 = arith.constant 0 : index
      %swap3A_3516 = arith.constant 0 : index
      %swap3A_3517 = vector.load %arg45[%swap3A_3515, %swap3A_3516] : memref<3x64xf32, #tpu.memory_space<vmem>>, vector<3x64xf32>
      tpu.vector_store %arg45[%swap3A_3515, %swap3A_3516], %broadcast_in_dim3A_3514 {strides = array<i32>} : memref<3x64xf32, #tpu.memory_space<vmem>>, vector<3x64xf32>,
    } else {
    }
    %get3A = arith.constant 0 : index
    %get3A_2 = arith.constant 0 : index
    %get3A_3 = vector.load %arg38[%get3A, %get3A_2] : memref<1x64xf32, #tpu.memory_space<vmem>>, vector<1x64xf32>
    %get3A_4 = arith.constant 0 : index
    %get3A_5 = arith.constant 0 : index
    %get3A_6 = vector.load %arg37[%get3A_4, %get3A_5] : memref<128x64xf32, #tpu.memory_space<vmem>>, vector<128x64xf32>
    %get3A_7 = arith.constant 0 : index
    %get3A_8 = arith.constant 0 : index
    %get3A_9 = arith.constant 0 : index
    %get3A_10 = vector.load %arg34[%get3A_7, %get3A_8, %get3A_9] : memref<3x116x2xf32, #tpu.memory_space<vmem>>, vector<1x116x2xf32>
    %get3A_11 = vector.shape_cast %get3A_10 : vector<1x116x2xf32> to vector<116x2xf32>
    %get3A_12 = arith.constant 0 : index
    %get3A_13 = arith.constant 0 : index
    %get3A_14 = vector.load %arg35[%get3A_12, %get3A_13] : memref<3x2xf32, #tpu.memory_space<vmem>>, vector<1x2xf32>
    %get3A_15 = arith.constant 0 : index
    %get3A_16 = arith.constant 0 : index
    %get3A_17 = arith.constant 0 : index
    %get3A_18 = arith.constant 0 : index
    %get3A_19 = vector.load %arg2[%get3A_15, %get3A_16, %get3A_17, %get3A_18] : memref<1x3x116x116xf32, #tpu.memory_space<vmem>>, vector<1x1x116x116xf32>
    %get3A_20 = vector.shape_cast %get3A_19 : vector<1x1x116x116xf32> to vector<116x116xf32>
    %dot_general3A = arith.constant dense<0.000000e+00> : vector<116x2xf32>
    %dot_general3A_21 = tpu.matmul %get3A_20, %get3A_11, %dot_general3A {dimension_numbers = #tpu.dot_dimension_numbers<[1], [0], [0], [1], [0, 0, 1, 1], [], []>, transpose_lhs_hint = false} : vector<116x116xf32>, vector<116x2xf32>, vector<116x2xf32> -> vector<116x2xf32>
    %add3A = vector.broadcast %get3A_14 : vector<1x2xf32> to vector<116x2xf32>
    %add3A_22 = arith.addf %dot_general3A_21, %add3A : vector<116x2xf32>
    %tanh3A = math.tanh %add3A_22 : vector<116x2xf32>
    %swap3A = arith.constant 0 : index
    %swap3A_23 = arith.constant 0 : index
    %swap3A_24 = arith.constant 0 : index
    %swap3A_25 = arith.constant 0 : index
    %swap3A_26 = vector.load %arg41[%swap3A, %swap3A_23, %swap3A_24, %swap3A_25] : memref<16x3x116x2xf32, #tpu.memory_space<vmem>>, vector<1x1x116x2xf32>
    %swap3A_27 = vector.shape_cast %swap3A_26 : vector<1x1x116x2xf32> to vector<116x2xf32>
    %swap3A_28 = vector.shape_cast %tanh3A : vector<116x2xf32> to vector<1x1x116x2xf32>
    tpu.vector_store %arg41[%swap3A, %swap3A_23, %swap3A_24, %swap3A_25], %swap3A_28 {strides = array<i32>} : memref<16x3x116x2xf32, #tpu.memory_space<vmem>>, vector<1x1x116x2xf32>,
    %reduce_max3A = arith.constant dense<0xFF800000> : vector<116xf32>
    %reduce_max3A_29 = vector.multi_reduction <maximumf>, %tanh3A, %reduce_max3A [1] : vector<116x2xf32> to vector<116xf32>
    %broadcast_in_dim3A = vector.shape_cast %reduce_max3A_29 : vector<116xf32> to vector<116x1xf32>
    %ge3A = arith.constant 0.000000e+00 : f32
    %ge3A_30 = vector.broadcast %ge3A : f32 to vector<116x1xf32>
    %ge3A_31 = arith.cmpf oge, %broadcast_in_dim3A, %ge3A_30 : vector<116x1xf32>
    %convert_element_type3A_32 = arith.extui %ge3A_31 : vector<116x1xi1> to vector<116x1xi32>
    %convert_element_type3A_33 = arith.sitofp %convert_element_type3A_32 : vector<116x1xi32> to vector<116x1xf32>
    %mul3A = vector.broadcast %convert_element_type3A_33 : vector<116x1xf32> to vector<116x116xf32>
    %mul3A_34 = arith.mulf %get3A_20, %mul3A : vector<116x116xf32>
    %get3A_35 = arith.constant 0 : index
    %get3A_36 = arith.constant 0 : index
    %get3A_37 = arith.constant 0 : index
    %get3A_38 = arith.constant 0 : index
    %get3A_39 = vector.load %arg3[%get3A_35, %get3A_36, %get3A_37, %get3A_38] : memref<1x3x116x116xf32, #tpu.memory_space<vmem>>, vector<1x1x116x116xf32>
    %get3A_40 = vector.shape_cast %get3A_39 : vector<1x1x116x116xf32> to vector<116x116xf32>
    %dot_general3A_41 = arith.constant dense<0.000000e+00> : vector<116x2xf32>
    %dot_general3A_42 = tpu.matmul %get3A_40, %get3A_11, %dot_general3A_41 {dimension_numbers = #tpu.dot_dimension_numbers<[1], [0], [0], [1], [0, 0, 1, 1], [], []>, transpose_lhs_hint = false} : vector<116x116xf32>, vector<116x2xf32>, vector<116x2xf32> -> vector<116x2xf32>
    %add3A_43 = vector.broadcast %get3A_14 : vector<1x2xf32> to vector<116x2xf32>
    %add3A_44 = arith.addf %dot_general3A_42, %add3A_43 : vector<116x2xf32>
    %tanh3A_45 = math.tanh %add3A_44 : vector<116x2xf32>
    %swap3A_46 = arith.constant 1 : index
    %swap3A_47 = arith.constant 0 : index
    %swap3A_48 = arith.constant 0 : index
    %swap3A_49 = arith.constant 0 : index
    %swap3A_50 = vector.load %arg41[%swap3A_46, %swap3A_47, %swap3A_48, %swap3A_49] : memref<16x3x116x2xf32, #tpu.memory_space<vmem>>, vector<1x1x116x2xf32>
    %swap3A_51 = vector.shape_cast %swap3A_50 : vector<1x1x116x2xf32> to vector<116x2xf32>
    %swap3A_52 = vector.shape_cast %tanh3A_45 : vector<116x2xf32> to vector<1x1x116x2xf32>
    tpu.vector_store %arg41[%swap3A_46, %swap3A_47, %swap3A_48, %swap3A_49], %swap3A_52 {strides = array<i32>} : memref<16x3x116x2xf32, #tpu.memory_space<vmem>>, vector<1x1x116x2xf32>,
    %reduce_max3A_53 = arith.constant dense<0xFF800000> : vector<116xf32>
    %reduce_max3A_54 = vector.multi_reduction <maximumf>, %tanh3A_45, %reduce_max3A_53 [1] : vector<116x2xf32> to vector<116xf32>
    %broadcast_in_dim3A_55 = vector.shape_cast %reduce_max3A_54 : vector<116xf32> to vector<116x1xf32>
    %ge3A_56 = arith.constant 0.000000e+00 : f32
    %ge3A_57 = vector.broadcast %ge3A_56 : f32 to vector<116x1xf32>
    %ge3A_58 = arith.cmpf oge, %broadcast_in_dim3A_55, %ge3A_57 : vector<116x1xf32>
    %convert_element_type3A_59 = arith.extui %ge3A_58 : vector<116x1xi1> to vector<116x1xi32>
    %convert_element_type3A_60 = arith.sitofp %convert_element_type3A_59 : vector<116x1xi32> to vector<116x1xf32>
    %mul3A_61 = vector.broadcast %convert_element_type3A_60 : vector<116x1xf32> to vector<116x116xf32>
    %mul3A_62 = arith.mulf %get3A_40, %mul3A_61 : vector<116x116xf32>
    %get3A_63 = arith.constant 0 : index
    %get3A_64 = arith.constant 0 : index
    %get3A_65 = arith.constant 0 : index
    %get3A_66 = arith.constant 0 : index
    %get3A_67 = vector.load %arg4[%get3A_63, %get3A_64, %get3A_65, %get3A_66] : memref<1x3x116x116xf32, #tpu.memory_space<vmem>>, vector<1x1x116x116xf32>
    %get3A_68 = vector.shape_cast %get3A_67 : vector<1x1x116x116xf32> to vector<116x116xf32>
    %dot_general3A_69 = arith.constant dense<0.000000e+00> : vector<116x2xf32>
    %dot_general3A_70 = tpu.matmul %get3A_68, %get3A_11, %dot_general3A_69 {dimension_numbers = #tpu.dot_dimension_numbers<[1], [0], [0], [1], [0, 0, 1, 1], [], []>, transpose_lhs_hint = false} : vector<116x116xf32>, vector<116x2xf32>, vector<116x2xf32> -> vector<116x2xf32>
    %add3A_71 = vector.broadcast %get3A_14 : vector<1x2xf32> to vector<116x2xf32>
    %add3A_72 = arith.addf %dot_general3A_70, %add3A_71 : vector<116x2xf32>
    %tanh3A_73 = math.tanh %add3A_72 : vector<116x2xf32>
    %swap3A_74 = arith.constant 2 : index
    %swap3A_75 = arith.constant 0 : index
    %swap3A_76 = arith.constant 0 : index
    %swap3A_77 = arith.constant 0 : index
    %swap3A_78 = vector.load %arg41[%swap3A_74, %swap3A_75, %swap3A_76, %swap3A_77] : memref<16x3x116x2xf32, #tpu.memory_space<vmem>>, vector<1x1x116x2xf32>
    %swap3A_79 = vector.shape_cast %swap3A_78 : vector<1x1x116x2xf32> to vector<116x2xf32>
    %swap3A_80 = vector.shape_cast %tanh3A_73 : vector<116x2xf32> to vector<1x1x116x2xf32>
    tpu.vector_store %arg41[%swap3A_74, %swap3A_75, %swap3A_76, %swap3A_77], %swap3A_80 {strides = array<i32>} : memref<16x3x116x2xf32, #tpu.memory_space<vmem>>, vector<1x1x116x2xf32>,
    %reduce_max3A_81 = arith.constant dense<0xFF800000> : vector<116xf32>
    %reduce_max3A_82 = vector.multi_reduction <maximumf>, %tanh3A_73, %reduce_max3A_81 [1] : vector<116x2xf32> to vector<116xf32>
    %broadcast_in_dim3A_83 = vector.shape_cast %reduce_max3A_82 : vector<116xf32> to vector<116x1xf32>
    %ge3A_84 = arith.constant 0.000000e+00 : f32
    %ge3A_85 = vector.broadcast %ge3A_84 : f32 to vector<116x1xf32>
    %ge3A_86 = arith.cmpf oge, %broadcast_in_dim3A_83, %ge3A_85 : vector<116x1xf32>
    %convert_element_type3A_87 = arith.extui %ge3A_86 : vector<116x1xi1> to vector<116x1xi32>
    %convert_element_type3A_88 = arith.sitofp %convert_element_type3A_87 : vector<116x1xi32> to vector<116x1xf32>
    %mul3A_89 = vector.broadcast %convert_element_type3A_88 : vector<116x1xf32> to vector<116x116xf32>
    %mul3A_90 = arith.mulf %get3A_68, %mul3A_89 : vector<116x116xf32>
    %get3A_91 = arith.constant 0 : index
    %get3A_92 = arith.constant 0 : index
    %get3A_93 = arith.constant 0 : index
    %get3A_94 = arith.constant 0 : index
    %get3A_95 = vector.load %arg5[%get3A_91, %get3A_92, %get3A_93, %get3A_94] : memref<1x3x116x116xf32, #tpu.memory_space<vmem>>, vector<1x1x116x116xf32>
    %get3A_96 = vector.shape_cast %get3A_95 : vector<1x1x116x116xf32> to vector<116x116xf32>
    %dot_general3A_97 = arith.constant dense<0.000000e+00> : vector<116x2xf32>
    %dot_general3A_98 = tpu.matmul %get3A_96, %get3A_11, %dot_general3A_97 {dimension_numbers = #tpu.dot_dimension_numbers<[1], [0], [0], [1], [0, 0, 1, 1], [], []>, transpose_lhs_hint = false} : vector<116x116xf32>, vector<116x2xf32>, vector<116x2xf32> -> vector<116x2xf32>
    %add3A_99 = vector.broadcast %get3A_14 : vector<1x2xf32> to vector<116x2xf32>
    %add3A_100 = arith.addf %dot_general3A_98, %add3A_99 : vector<116x2xf32>
    %tanh3A_101 = math.tanh %add3A_100 : vector<116x2xf32>
    %swap3A_102 = arith.constant 3 : index
    %swap3A_103 = arith.constant 0 : index
    %swap3A_104 = arith.constant 0 : index
    %swap3A_105 = arith.constant 0 : index
    %swap3A_106 = vector.load %arg41[%swap3A_102, %swap3A_103, %swap3A_104, %swap3A_105] : memref<16x3x116x2xf32, #tpu.memory_space<vmem>>, vector<1x1x116x2xf32>
    %swap3A_107 = vector.shape_cast %swap3A_106 : vector<1x1x116x2xf32> to vector<116x2xf32>
    %swap3A_108 = vector.shape_cast %tanh3A_101 : vector<116x2xf32> to vector<1x1x116x2xf32>
    tpu.vector_store %arg41[%swap3A_102, %swap3A_103, %swap3A_104, %swap3A_105], %swap3A_108 {strides = array<i32>} : memref<16x3x116x2xf32, #tpu.memory_space<vmem>>, vector<1x1x116x2xf32>,
    %reduce_max3A_109 = arith.constant dense<0xFF800000> : vector<116xf32>
    %reduce_max3A_110 = vector.multi_reduction <maximumf>, %tanh3A_101, %reduce_max3A_109 [1] : vector<116x2xf32> to vector<116xf32>
    %broadcast_in_dim3A_111 = vector.shape_cast %reduce_max3A_110 : vector<116xf32> to vector<116x1xf32>
    %ge3A_112 = arith.constant 0.000000e+00 : f32
    %ge3A_113 = vector.broadcast %ge3A_112 : f32 to vector<116x1xf32>
    %ge3A_114 = arith.cmpf oge, %broadcast_in_dim3A_111, %ge3A_113 : vector<116x1xf32>
    %convert_element_type3A_115 = arith.extui %ge3A_114 : vector<116x1xi1> to vector<116x1xi32>
    %convert_element_type3A_116 = arith.sitofp %convert_element_type3A_115 : vector<116x1xi32> to vector<116x1xf32>
    %mul3A_117 = vector.broadcast %convert_element_type3A_116 : vector<116x1xf32> to vector<116x116xf32>
    %mul3A_118 = arith.mulf %get3A_96, %mul3A_117 : vector<116x116xf32>
    %get3A_119 = arith.constant 0 : index
    %get3A_120 = arith.constant 0 : index
    %get3A_121 = arith.constant 0 : index
    %get3A_122 = arith.constant 0 : index
    %get3A_123 = vector.load %arg6[%get3A_119, %get3A_120, %get3A_121, %get3A_122] : memref<1x3x116x116xf32, #tpu.memory_space<vmem>>, vector<1x1x116x116xf32>
    %get3A_124 = vector.shape_cast %get3A_123 : vector<1x1x116x116xf32> to vector<116x116xf32>
    %dot_general3A_125 = arith.constant dense<0.000000e+00> : vector<116x2xf32>
    %dot_general3A_126 = tpu.matmul %get3A_124, %get3A_11, %dot_general3A_125 {dimension_numbers = #tpu.dot_dimension_numbers<[1], [0], [0], [1], [0, 0, 1, 1], [], []>, transpose_lhs_hint = false} : vector<116x116xf32>, vector<116x2xf32>, vector<116x2xf32> -> vector<116x2xf32>
    %add3A_127 = vector.broadcast %get3A_14 : vector<1x2xf32> to vector<116x2xf32>
    %add3A_128 = arith.addf %dot_general3A_126, %add3A_127 : vector<116x2xf32>
    %tanh3A_129 = math.tanh %add3A_128 : vector<116x2xf32>
    %swap3A_130 = arith.constant 4 : index
    %swap3A_131 = arith.constant 0 : index
    %swap3A_132 = arith.constant 0 : index
    %swap3A_133 = arith.constant 0 : index
    %swap3A_134 = vector.load %arg41[%swap3A_130, %swap3A_131, %swap3A_132, %swap3A_133] : memref<16x3x116x2xf32, #tpu.memory_space<vmem>>, vector<1x1x116x2xf32>
    %swap3A_135 = vector.shape_cast %swap3A_134 : vector<1x1x116x2xf32> to vector<116x2xf32>
    %swap3A_136 = vector.shape_cast %tanh3A_129 : vector<116x2xf32> to vector<1x1x116x2xf32>
    tpu.vector_store %arg41[%swap3A_130, %swap3A_131, %swap3A_132, %swap3A_133], %swap3A_136 {strides = array<i32>} : memref<16x3x116x2xf32, #tpu.memory_space<vmem>>, vector<1x1x116x2xf32>,
    %reduce_max3A_137 = arith.constant dense<0xFF800000> : vector<116xf32>
    %reduce_max3A_138 = vector.multi_reduction <maximumf>, %tanh3A_129, %reduce_max3A_137 [1] : vector<116x2xf32> to vector<116xf32>
    %broadcast_in_dim3A_139 = vector.shape_cast %reduce_max3A_138 : vector<116xf32> to vector<116x1xf32>
    %ge3A_140 = arith.constant 0.000000e+00 : f32
    %ge3A_141 = vector.broadcast %ge3A_140 : f32 to vector<116x1xf32>
    %ge3A_142 = arith.cmpf oge, %broadcast_in_dim3A_139, %ge3A_141 : vector<116x1xf32>
    %convert_element_type3A_143 = arith.extui %ge3A_142 : vector<116x1xi1> to vector<116x1xi32>
    %convert_element_type3A_144 = arith.sitofp %convert_element_type3A_143 : vector<116x1xi32> to vector<116x1xf32>
    %mul3A_145 = vector.broadcast %convert_element_type3A_144 : vector<116x1xf32> to vector<116x116xf32>
    %mul3A_146 = arith.mulf %get3A_124, %mul3A_145 : vector<116x116xf32>
    %get3A_147 = arith.constant 0 : index
    %get3A_148 = arith.constant 0 : index
    %get3A_149 = arith.constant 0 : index
    %get3A_150 = arith.constant 0 : index
    %get3A_151 = vector.load %arg7[%get3A_147, %get3A_148, %get3A_149, %get3A_150] : memref<1x3x116x116xf32, #tpu.memory_space<vmem>>, vector<1x1x116x116xf32>
    %get3A_152 = vector.shape_cast %get3A_151 : vector<1x1x116x116xf32> to vector<116x116xf32>
    %dot_general3A_153 = arith.constant dense<0.000000e+00> : vector<116x2xf32>
    %dot_general3A_154 = tpu.matmul %get3A_152, %get3A_11, %dot_general3A_153 {dimension_numbers = #tpu.dot_dimension_numbers<[1], [0], [0], [1], [0, 0, 1, 1], [], []>, transpose_lhs_hint = false} : vector<116x116xf32>, vector<116x2xf32>, vector<116x2xf32> -> vector<116x2xf32>
    %add3A_155 = vector.broadcast %get3A_14 : vector<1x2xf32> to vector<116x2xf32>
    %add3A_156 = arith.addf %dot_general3A_154, %add3A_155 : vector<116x2xf32>
    %tanh3A_157 = math.tanh %add3A_156 : vector<116x2xf32>
    %swap3A_158 = arith.constant 5 : index
    %swap3A_159 = arith.constant 0 : index
    %swap3A_160 = arith.constant 0 : index
    %swap3A_161 = arith.constant 0 : index
    %swap3A_162 = vector.load %arg41[%swap3A_158, %swap3A_159, %swap3A_160, %swap3A_161] : memref<16x3x116x2xf32, #tpu.memory_space<vmem>>, vector<1x1x116x2xf32>
    %swap3A_163 = vector.shape_cast %swap3A_162 : vector<1x1x116x2xf32> to vector<116x2xf32>
    %swap3A_164 = vector.shape_cast %tanh3A_157 : vector<116x2xf32> to vector<1x1x116x2xf32>
    tpu.vector_store %arg41[%swap3A_158, %swap3A_159, %swap3A_160, %swap3A_161], %swap3A_164 {strides = array<i32>} : memref<16x3x116x2xf32, #tpu.memory_space<vmem>>, vector<1x1x116x2xf32>,
    %reduce_max3A_165 = arith.constant dense<0xFF800000> : vector<116xf32>
    %reduce_max3A_166 = vector.multi_reduction <maximumf>, %tanh3A_157, %reduce_max3A_165 [1] : vector<116x2xf32> to vector<116xf32>
    %broadcast_in_dim3A_167 = vector.shape_cast %reduce_max3A_166 : vector<116xf32> to vector<116x1xf32>
    %ge3A_168 = arith.constant 0.000000e+00 : f32
    %ge3A_169 = vector.broadcast %ge3A_168 : f32 to vector<116x1xf32>
    %ge3A_170 = arith.cmpf oge, %broadcast_in_dim3A_167, %ge3A_169 : vector<116x1xf32>
    %convert_element_type3A_171 = arith.extui %ge3A_170 : vector<116x1xi1> to vector<116x1xi32>
    %convert_element_type3A_172 = arith.sitofp %convert_element_type3A_171 : vector<116x1xi32> to vector<116x1xf32>
    %mul3A_173 = vector.broadcast %convert_element_type3A_172 : vector<116x1xf32> to vector<116x116xf32>
    %mul3A_174 = arith.mulf %get3A_152, %mul3A_173 : vector<116x116xf32>
    %get3A_175 = arith.constant 0 : index
    %get3A_176 = arith.constant 0 : index
    %get3A_177 = arith.constant 0 : index
    %get3A_178 = arith.constant 0 : index
    %get3A_179 = vector.load %arg8[%get3A_175, %get3A_176, %get3A_177, %get3A_178] : memref<1x3x116x116xf32, #tpu.memory_space<vmem>>, vector<1x1x116x116xf32>
    %get3A_180 = vector.shape_cast %get3A_179 : vector<1x1x116x116xf32> to vector<116x116xf32>
    %dot_general3A_181 = arith.constant dense<0.000000e+00> : vector<116x2xf32>
    %dot_general3A_182 = tpu.matmul %get3A_180, %get3A_11, %dot_general3A_181 {dimension_numbers = #tpu.dot_dimension_numbers<[1], [0], [0], [1], [0, 0, 1, 1], [], []>, transpose_lhs_hint = false} : vector<116x116xf32>, vector<116x2xf32>, vector<116x2xf32> -> vector<116x2xf32>
    %add3A_183 = vector.broadcast %get3A_14 : vector<1x2xf32> to vector<116x2xf32>
    %add3A_184 = arith.addf %dot_general3A_182, %add3A_183 : vector<116x2xf32>
    %tanh3A_185 = math.tanh %add3A_184 : vector<116x2xf32>
    %swap3A_186 = arith.constant 6 : index
    %swap3A_187 = arith.constant 0 : index
    %swap3A_188 = arith.constant 0 : index
    %swap3A_189 = arith.constant 0 : index
    %swap3A_190 = vector.load %arg41[%swap3A_186, %swap3A_187, %swap3A_188, %swap3A_189] : memref<16x3x116x2xf32, #tpu.memory_space<vmem>>, vector<1x1x116x2xf32>
    %swap3A_191 = vector.shape_cast %swap3A_190 : vector<1x1x116x2xf32> to vector<116x2xf32>
    %swap3A_192 = vector.shape_cast %tanh3A_185 : vector<116x2xf32> to vector<1x1x116x2xf32>
    tpu.vector_store %arg41[%swap3A_186, %swap3A_187, %swap3A_188, %swap3A_189], %swap3A_192 {strides = array<i32>} : memref<16x3x116x2xf32, #tpu.memory_space<vmem>>, vector<1x1x116x2xf32>,
    %reduce_max3A_193 = arith.constant dense<0xFF800000> : vector<116xf32>
    %reduce_max3A_194 = vector.multi_reduction <maximumf>, %tanh3A_185, %reduce_max3A_193 [1] : vector<116x2xf32> to vector<116xf32>
    %broadcast_in_dim3A_195 = vector.shape_cast %reduce_max3A_194 : vector<116xf32> to vector<116x1xf32>
    %ge3A_196 = arith.constant 0.000000e+00 : f32
    %ge3A_197 = vector.broadcast %ge3A_196 : f32 to vector<116x1xf32>
    %ge3A_198 = arith.cmpf oge, %broadcast_in_dim3A_195, %ge3A_197 : vector<116x1xf32>
    %convert_element_type3A_199 = arith.extui %ge3A_198 : vector<116x1xi1> to vector<116x1xi32>
    %convert_element_type3A_200 = arith.sitofp %convert_element_type3A_199 : vector<116x1xi32> to vector<116x1xf32>
    %mul3A_201 = vector.broadcast %convert_element_type3A_200 : vector<116x1xf32> to vector<116x116xf32>
    %mul3A_202 = arith.mulf %get3A_180, %mul3A_201 : vector<116x116xf32>
    %get3A_203 = arith.constant 0 : index
    %get3A_204 = arith.constant 0 : index
    %get3A_205 = arith.constant 0 : index
    %get3A_206 = arith.constant 0 : index
    %get3A_207 = vector.load %arg9[%get3A_203, %get3A_204, %get3A_205, %get3A_206] : memref<1x3x116x116xf32, #tpu.memory_space<vmem>>, vector<1x1x116x116xf32>
    %get3A_208 = vector.shape_cast %get3A_207 : vector<1x1x116x116xf32> to vector<116x116xf32>
    %dot_general3A_209 = arith.constant dense<0.000000e+00> : vector<116x2xf32>
    %dot_general3A_210 = tpu.matmul %get3A_208, %get3A_11, %dot_general3A_209 {dimension_numbers = #tpu.dot_dimension_numbers<[1], [0], [0], [1], [0, 0, 1, 1], [], []>, transpose_lhs_hint = false} : vector<116x116xf32>, vector<116x2xf32>, vector<116x2xf32> -> vector<116x2xf32>
    %add3A_211 = vector.broadcast %get3A_14 : vector<1x2xf32> to vector<116x2xf32>
    %add3A_212 = arith.addf %dot_general3A_210, %add3A_211 : vector<116x2xf32>
    %tanh3A_213 = math.tanh %add3A_212 : vector<116x2xf32>
    %swap3A_214 = arith.constant 7 : index
    %swap3A_215 = arith.constant 0 : index
    %swap3A_216 = arith.constant 0 : index
    %swap3A_217 = arith.constant 0 : index
    %swap3A_218 = vector.load %arg41[%swap3A_214, %swap3A_215, %swap3A_216, %swap3A_217] : memref<16x3x116x2xf32, #tpu.memory_space<vmem>>, vector<1x1x116x2xf32>
    %swap3A_219 = vector.shape_cast %swap3A_218 : vector<1x1x116x2xf32> to vector<116x2xf32>
    %swap3A_220 = vector.shape_cast %tanh3A_213 : vector<116x2xf32> to vector<1x1x116x2xf32>
    tpu.vector_store %arg41[%swap3A_214, %swap3A_215, %swap3A_216, %swap3A_217], %swap3A_220 {strides = array<i32>} : memref<16x3x116x2xf32, #tpu.memory_space<vmem>>, vector<1x1x116x2xf32>,
    %reduce_max3A_221 = arith.constant dense<0xFF800000> : vector<116xf32>
    %reduce_max3A_222 = vector.multi_reduction <maximumf>, %tanh3A_213, %reduce_max3A_221 [1] : vector<116x2xf32> to vector<116xf32>
    %broadcast_in_dim3A_223 = vector.shape_cast %reduce_max3A_222 : vector<116xf32> to vector<116x1xf32>
    %ge3A_224 = arith.constant 0.000000e+00 : f32
    %ge3A_225 = vector.broadcast %ge3A_224 : f32 to vector<116x1xf32>
    %ge3A_226 = arith.cmpf oge, %broadcast_in_dim3A_223, %ge3A_225 : vector<116x1xf32>
    %convert_element_type3A_227 = arith.extui %ge3A_226 : vector<116x1xi1> to vector<116x1xi32>
    %convert_element_type3A_228 = arith.sitofp %convert_element_type3A_227 : vector<116x1xi32> to vector<116x1xf32>
    %mul3A_229 = vector.broadcast %convert_element_type3A_228 : vector<116x1xf32> to vector<116x116xf32>
    %mul3A_230 = arith.mulf %get3A_208, %mul3A_229 : vector<116x116xf32>
    %get3A_231 = arith.constant 0 : index
    %get3A_232 = arith.constant 0 : index
    %get3A_233 = arith.constant 0 : index
    %get3A_234 = arith.constant 0 : index
    %get3A_235 = vector.load %arg10[%get3A_231, %get3A_232, %get3A_233, %get3A_234] : memref<1x3x116x116xf32, #tpu.memory_space<vmem>>, vector<1x1x116x116xf32>
    %get3A_236 = vector.shape_cast %get3A_235 : vector<1x1x116x116xf32> to vector<116x116xf32>
    %dot_general3A_237 = arith.constant dense<0.000000e+00> : vector<116x2xf32>
    %dot_general3A_238 = tpu.matmul %get3A_236, %get3A_11, %dot_general3A_237 {dimension_numbers = #tpu.dot_dimension_numbers<[1], [0], [0], [1], [0, 0, 1, 1], [], []>, transpose_lhs_hint = false} : vector<116x116xf32>, vector<116x2xf32>, vector<116x2xf32> -> vector<116x2xf32>
    %add3A_239 = vector.broadcast %get3A_14 : vector<1x2xf32> to vector<116x2xf32>
    %add3A_240 = arith.addf %dot_general3A_238, %add3A_239 : vector<116x2xf32>
    %tanh3A_241 = math.tanh %add3A_240 : vector<116x2xf32>
    %swap3A_242 = arith.constant 8 : index
    %swap3A_243 = arith.constant 0 : index
    %swap3A_244 = arith.constant 0 : index
    %swap3A_245 = arith.constant 0 : index
    %swap3A_246 = vector.load %arg41[%swap3A_242, %swap3A_243, %swap3A_244, %swap3A_245] : memref<16x3x116x2xf32, #tpu.memory_space<vmem>>, vector<1x1x116x2xf32>
    %swap3A_247 = vector.shape_cast %swap3A_246 : vector<1x1x116x2xf32> to vector<116x2xf32>
    %swap3A_248 = vector.shape_cast %tanh3A_241 : vector<116x2xf32> to vector<1x1x116x2xf32>
    tpu.vector_store %arg41[%swap3A_242, %swap3A_243, %swap3A_244, %swap3A_245], %swap3A_248 {strides = array<i32>} : memref<16x3x116x2xf32, #tpu.memory_space<vmem>>, vector<1x1x116x2xf32>,
    %reduce_max3A_249 = arith.constant dense<0xFF800000> : vector<116xf32>
    %reduce_max3A_250 = vector.multi_reduction <maximumf>, %tanh3A_241, %reduce_max3A_249 [1] : vector<116x2xf32> to vector<116xf32>
    %broadcast_in_dim3A_251 = vector.shape_cast %reduce_max3A_250 : vector<116xf32> to vector<116x1xf32>
    %ge3A_252 = arith.constant 0.000000e+00 : f32
    %ge3A_253 = vector.broadcast %ge3A_252 : f32 to vector<116x1xf32>
    %ge3A_254 = arith.cmpf oge, %broadcast_in_dim3A_251, %ge3A_253 : vector<116x1xf32>
    %convert_element_type3A_255 = arith.extui %ge3A_254 : vector<116x1xi1> to vector<116x1xi32>
    %convert_element_type3A_256 = arith.sitofp %convert_element_type3A_255 : vector<116x1xi32> to vector<116x1xf32>
    %mul3A_257 = vector.broadcast %convert_element_type3A_256 : vector<116x1xf32> to vector<116x116xf32>
    %mul3A_258 = arith.mulf %get3A_236, %mul3A_257 : vector<116x116xf32>
    %get3A_259 = arith.constant 0 : index
    %get3A_260 = arith.constant 0 : index
    %get3A_261 = arith.constant 0 : index
    %get3A_262 = arith.constant 0 : index
    %get3A_263 = vector.load %arg11[%get3A_259, %get3A_260, %get3A_261, %get3A_262] : memref<1x3x116x116xf32, #tpu.memory_space<vmem>>, vector<1x1x116x116xf32>
    %get3A_264 = vector.shape_cast %get3A_263 : vector<1x1x116x116xf32> to vector<116x116xf32>
    %dot_general3A_265 = arith.constant dense<0.000000e+00> : vector<116x2xf32>
    %dot_general3A_266 = tpu.matmul %get3A_264, %get3A_11, %dot_general3A_265 {dimension_numbers = #tpu.dot_dimension_numbers<[1], [0], [0], [1], [0, 0, 1, 1], [], []>, transpose_lhs_hint = false} : vector<116x116xf32>, vector<116x2xf32>, vector<116x2xf32> -> vector<116x2xf32>
    %add3A_267 = vector.broadcast %get3A_14 : vector<1x2xf32> to vector<116x2xf32>
    %add3A_268 = arith.addf %dot_general3A_266, %add3A_267 : vector<116x2xf32>
    %tanh3A_269 = math.tanh %add3A_268 : vector<116x2xf32>
    %swap3A_270 = arith.constant 9 : index
    %swap3A_271 = arith.constant 0 : index
    %swap3A_272 = arith.constant 0 : index
    %swap3A_273 = arith.constant 0 : index
    %swap3A_274 = vector.load %arg41[%swap3A_270, %swap3A_271, %swap3A_272, %swap3A_273] : memref<16x3x116x2xf32, #tpu.memory_space<vmem>>, vector<1x1x116x2xf32>
    %swap3A_275 = vector.shape_cast %swap3A_274 : vector<1x1x116x2xf32> to vector<116x2xf32>
    %swap3A_276 = vector.shape_cast %tanh3A_269 : vector<116x2xf32> to vector<1x1x116x2xf32>
    tpu.vector_store %arg41[%swap3A_270, %swap3A_271, %swap3A_272, %swap3A_273], %swap3A_276 {strides = array<i32>} : memref<16x3x116x2xf32, #tpu.memory_space<vmem>>, vector<1x1x116x2xf32>,
    %reduce_max3A_277 = arith.constant dense<0xFF800000> : vector<116xf32>
    %reduce_max3A_278 = vector.multi_reduction <maximumf>, %tanh3A_269, %reduce_max3A_277 [1] : vector<116x2xf32> to vector<116xf32>
    %broadcast_in_dim3A_279 = vector.shape_cast %reduce_max3A_278 : vector<116xf32> to vector<116x1xf32>
    %ge3A_280 = arith.constant 0.000000e+00 : f32
    %ge3A_281 = vector.broadcast %ge3A_280 : f32 to vector<116x1xf32>
    %ge3A_282 = arith.cmpf oge, %broadcast_in_dim3A_279, %ge3A_281 : vector<116x1xf32>
    %convert_element_type3A_283 = arith.extui %ge3A_282 : vector<116x1xi1> to vector<116x1xi32>
    %convert_element_type3A_284 = arith.sitofp %convert_element_type3A_283 : vector<116x1xi32> to vector<116x1xf32>
    %mul3A_285 = vector.broadcast %convert_element_type3A_284 : vector<116x1xf32> to vector<116x116xf32>
    %mul3A_286 = arith.mulf %get3A_264, %mul3A_285 : vector<116x116xf32>
    %get3A_287 = arith.constant 0 : index
    %get3A_288 = arith.constant 0 : index
    %get3A_289 = arith.constant 0 : index
    %get3A_290 = arith.constant 0 : index
    %get3A_291 = vector.load %arg12[%get3A_287, %get3A_288, %get3A_289, %get3A_290] : memref<1x3x116x116xf32, #tpu.memory_space<vmem>>, vector<1x1x116x116xf32>
    %get3A_292 = vector.shape_cast %get3A_291 : vector<1x1x116x116xf32> to vector<116x116xf32>
    %dot_general3A_293 = arith.constant dense<0.000000e+00> : vector<116x2xf32>
    %dot_general3A_294 = tpu.matmul %get3A_292, %get3A_11, %dot_general3A_293 {dimension_numbers = #tpu.dot_dimension_numbers<[1], [0], [0], [1], [0, 0, 1, 1], [], []>, transpose_lhs_hint = false} : vector<116x116xf32>, vector<116x2xf32>, vector<116x2xf32> -> vector<116x2xf32>
    %add3A_295 = vector.broadcast %get3A_14 : vector<1x2xf32> to vector<116x2xf32>
    %add3A_296 = arith.addf %dot_general3A_294, %add3A_295 : vector<116x2xf32>
    %tanh3A_297 = math.tanh %add3A_296 : vector<116x2xf32>
    %swap3A_298 = arith.constant 10 : index
    %swap3A_299 = arith.constant 0 : index
    %swap3A_300 = arith.constant 0 : index
    %swap3A_301 = arith.constant 0 : index
    %swap3A_302 = vector.load %arg41[%swap3A_298, %swap3A_299, %swap3A_300, %swap3A_301] : memref<16x3x116x2xf32, #tpu.memory_space<vmem>>, vector<1x1x116x2xf32>
    %swap3A_303 = vector.shape_cast %swap3A_302 : vector<1x1x116x2xf32> to vector<116x2xf32>
    %swap3A_304 = vector.shape_cast %tanh3A_297 : vector<116x2xf32> to vector<1x1x116x2xf32>
    tpu.vector_store %arg41[%swap3A_298, %swap3A_299, %swap3A_300, %swap3A_301], %swap3A_304 {strides = array<i32>} : memref<16x3x116x2xf32, #tpu.memory_space<vmem>>, vector<1x1x116x2xf32>,
    %reduce_max3A_305 = arith.constant dense<0xFF800000> : vector<116xf32>
    %reduce_max3A_306 = vector.multi_reduction <maximumf>, %tanh3A_297, %reduce_max3A_305 [1] : vector<116x2xf32> to vector<116xf32>
    %broadcast_in_dim3A_307 = vector.shape_cast %reduce_max3A_306 : vector<116xf32> to vector<116x1xf32>
    %ge3A_308 = arith.constant 0.000000e+00 : f32
    %ge3A_309 = vector.broadcast %ge3A_308 : f32 to vector<116x1xf32>
    %ge3A_310 = arith.cmpf oge, %broadcast_in_dim3A_307, %ge3A_309 : vector<116x1xf32>
    %convert_element_type3A_311 = arith.extui %ge3A_310 : vector<116x1xi1> to vector<116x1xi32>
    %convert_element_type3A_312 = arith.sitofp %convert_element_type3A_311 : vector<116x1xi32> to vector<116x1xf32>
    %mul3A_313 = vector.broadcast %convert_element_type3A_312 : vector<116x1xf32> to vector<116x116xf32>
    %mul3A_314 = arith.mulf %get3A_292, %mul3A_313 : vector<116x116xf32>
    %get3A_315 = arith.constant 0 : index
    %get3A_316 = arith.constant 0 : index
    %get3A_317 = arith.constant 0 : index
    %get3A_318 = arith.constant 0 : index
    %get3A_319 = vector.load %arg13[%get3A_315, %get3A_316, %get3A_317, %get3A_318] : memref<1x3x116x116xf32, #tpu.memory_space<vmem>>, vector<1x1x116x116xf32>
    %get3A_320 = vector.shape_cast %get3A_319 : vector<1x1x116x116xf32> to vector<116x116xf32>
    %dot_general3A_321 = arith.constant dense<0.000000e+00> : vector<116x2xf32>
    %dot_general3A_322 = tpu.matmul %get3A_320, %get3A_11, %dot_general3A_321 {dimension_numbers = #tpu.dot_dimension_numbers<[1], [0], [0], [1], [0, 0, 1, 1], [], []>, transpose_lhs_hint = false} : vector<116x116xf32>, vector<116x2xf32>, vector<116x2xf32> -> vector<116x2xf32>
    %add3A_323 = vector.broadcast %get3A_14 : vector<1x2xf32> to vector<116x2xf32>
    %add3A_324 = arith.addf %dot_general3A_322, %add3A_323 : vector<116x2xf32>
    %tanh3A_325 = math.tanh %add3A_324 : vector<116x2xf32>
    %swap3A_326 = arith.constant 11 : index
    %swap3A_327 = arith.constant 0 : index
    %swap3A_328 = arith.constant 0 : index
    %swap3A_329 = arith.constant 0 : index
    %swap3A_330 = vector.load %arg41[%swap3A_326, %swap3A_327, %swap3A_328, %swap3A_329] : memref<16x3x116x2xf32, #tpu.memory_space<vmem>>, vector<1x1x116x2xf32>
    %swap3A_331 = vector.shape_cast %swap3A_330 : vector<1x1x116x2xf32> to vector<116x2xf32>
    %swap3A_332 = vector.shape_cast %tanh3A_325 : vector<116x2xf32> to vector<1x1x116x2xf32>
    tpu.vector_store %arg41[%swap3A_326, %swap3A_327, %swap3A_328, %swap3A_329], %swap3A_332 {strides = array<i32>} : memref<16x3x116x2xf32, #tpu.memory_space<vmem>>, vector<1x1x116x2xf32>,
    %reduce_max3A_333 = arith.constant dense<0xFF800000> : vector<116xf32>
    %reduce_max3A_334 = vector.multi_reduction <maximumf>, %tanh3A_325, %reduce_max3A_333 [1] : vector<116x2xf32> to vector<116xf32>
    %broadcast_in_dim3A_335 = vector.shape_cast %reduce_max3A_334 : vector<116xf32> to vector<116x1xf32>
    %ge3A_336 = arith.constant 0.000000e+00 : f32
    %ge3A_337 = vector.broadcast %ge3A_336 : f32 to vector<116x1xf32>
    %ge3A_338 = arith.cmpf oge, %broadcast_in_dim3A_335, %ge3A_337 : vector<116x1xf32>
    %convert_element_type3A_339 = arith.extui %ge3A_338 : vector<116x1xi1> to vector<116x1xi32>
    %convert_element_type3A_340 = arith.sitofp %convert_element_type3A_339 : vector<116x1xi32> to vector<116x1xf32>
    %mul3A_341 = vector.broadcast %convert_element_type3A_340 : vector<116x1xf32> to vector<116x116xf32>
    %mul3A_342 = arith.mulf %get3A_320, %mul3A_341 : vector<116x116xf32>
    %get3A_343 = arith.constant 0 : index
    %get3A_344 = arith.constant 0 : index
    %get3A_345 = arith.constant 0 : index
    %get3A_346 = arith.constant 0 : index
    %get3A_347 = vector.load %arg14[%get3A_343, %get3A_344, %get3A_345, %get3A_346] : memref<1x3x116x116xf32, #tpu.memory_space<vmem>>, vector<1x1x116x116xf32>
    %get3A_348 = vector.shape_cast %get3A_347 : vector<1x1x116x116xf32> to vector<116x116xf32>
    %dot_general3A_349 = arith.constant dense<0.000000e+00> : vector<116x2xf32>
    %dot_general3A_350 = tpu.matmul %get3A_348, %get3A_11, %dot_general3A_349 {dimension_numbers = #tpu.dot_dimension_numbers<[1], [0], [0], [1], [0, 0, 1, 1], [], []>, transpose_lhs_hint = false} : vector<116x116xf32>, vector<116x2xf32>, vector<116x2xf32> -> vector<116x2xf32>
    %add3A_351 = vector.broadcast %get3A_14 : vector<1x2xf32> to vector<116x2xf32>
    %add3A_352 = arith.addf %dot_general3A_350, %add3A_351 : vector<116x2xf32>
    %tanh3A_353 = math.tanh %add3A_352 : vector<116x2xf32>
    %swap3A_354 = arith.constant 12 : index
    %swap3A_355 = arith.constant 0 : index
    %swap3A_356 = arith.constant 0 : index
    %swap3A_357 = arith.constant 0 : index
    %swap3A_358 = vector.load %arg41[%swap3A_354, %swap3A_355, %swap3A_356, %swap3A_357] : memref<16x3x116x2xf32, #tpu.memory_space<vmem>>, vector<1x1x116x2xf32>
    %swap3A_359 = vector.shape_cast %swap3A_358 : vector<1x1x116x2xf32> to vector<116x2xf32>
    %swap3A_360 = vector.shape_cast %tanh3A_353 : vector<116x2xf32> to vector<1x1x116x2xf32>
    tpu.vector_store %arg41[%swap3A_354, %swap3A_355, %swap3A_356, %swap3A_357], %swap3A_360 {strides = array<i32>} : memref<16x3x116x2xf32, #tpu.memory_space<vmem>>, vector<1x1x116x2xf32>,
    %reduce_max3A_361 = arith.constant dense<0xFF800000> : vector<116xf32>
    %reduce_max3A_362 = vector.multi_reduction <maximumf>, %tanh3A_353, %reduce_max3A_361 [1] : vector<116x2xf32> to vector<116xf32>
    %broadcast_in_dim3A_363 = vector.shape_cast %reduce_max3A_362 : vector<116xf32> to vector<116x1xf32>
    %ge3A_364 = arith.constant 0.000000e+00 : f32
    %ge3A_365 = vector.broadcast %ge3A_364 : f32 to vector<116x1xf32>
    %ge3A_366 = arith.cmpf oge, %broadcast_in_dim3A_363, %ge3A_365 : vector<116x1xf32>
    %convert_element_type3A_367 = arith.extui %ge3A_366 : vector<116x1xi1> to vector<116x1xi32>
    %convert_element_type3A_368 = arith.sitofp %convert_element_type3A_367 : vector<116x1xi32> to vector<116x1xf32>
    %mul3A_369 = vector.broadcast %convert_element_type3A_368 : vector<116x1xf32> to vector<116x116xf32>
    %mul3A_370 = arith.mulf %get3A_348, %mul3A_369 : vector<116x116xf32>
    %get3A_371 = arith.constant 0 : index
    %get3A_372 = arith.constant 0 : index
    %get3A_373 = arith.constant 0 : index
    %get3A_374 = arith.constant 0 : index
    %get3A_375 = vector.load %arg15[%get3A_371, %get3A_372, %get3A_373, %get3A_374] : memref<1x3x116x116xf32, #tpu.memory_space<vmem>>, vector<1x1x116x116xf32>
    %get3A_376 = vector.shape_cast %get3A_375 : vector<1x1x116x116xf32> to vector<116x116xf32>
    %dot_general3A_377 = arith.constant dense<0.000000e+00> : vector<116x2xf32>
    %dot_general3A_378 = tpu.matmul %get3A_376, %get3A_11, %dot_general3A_377 {dimension_numbers = #tpu.dot_dimension_numbers<[1], [0], [0], [1], [0, 0, 1, 1], [], []>, transpose_lhs_hint = false} : vector<116x116xf32>, vector<116x2xf32>, vector<116x2xf32> -> vector<116x2xf32>
    %add3A_379 = vector.broadcast %get3A_14 : vector<1x2xf32> to vector<116x2xf32>
    %add3A_380 = arith.addf %dot_general3A_378, %add3A_379 : vector<116x2xf32>
    %tanh3A_381 = math.tanh %add3A_380 : vector<116x2xf32>
    %swap3A_382 = arith.constant 13 : index
    %swap3A_383 = arith.constant 0 : index
    %swap3A_384 = arith.constant 0 : index
    %swap3A_385 = arith.constant 0 : index
    %swap3A_386 = vector.load %arg41[%swap3A_382, %swap3A_383, %swap3A_384, %swap3A_385] : memref<16x3x116x2xf32, #tpu.memory_space<vmem>>, vector<1x1x116x2xf32>
    %swap3A_387 = vector.shape_cast %swap3A_386 : vector<1x1x116x2xf32> to vector<116x2xf32>
    %swap3A_388 = vector.shape_cast %tanh3A_381 : vector<116x2xf32> to vector<1x1x116x2xf32>
    tpu.vector_store %arg41[%swap3A_382, %swap3A_383, %swap3A_384, %swap3A_385], %swap3A_388 {strides = array<i32>} : memref<16x3x116x2xf32, #tpu.memory_space<vmem>>, vector<1x1x116x2xf32>,
    %reduce_max3A_389 = arith.constant dense<0xFF800000> : vector<116xf32>
    %reduce_max3A_390 = vector.multi_reduction <maximumf>, %tanh3A_381, %reduce_max3A_389 [1] : vector<116x2xf32> to vector<116xf32>
    %broadcast_in_dim3A_391 = vector.shape_cast %reduce_max3A_390 : vector<116xf32> to vector<116x1xf32>
    %ge3A_392 = arith.constant 0.000000e+00 : f32
    %ge3A_393 = vector.broadcast %ge3A_392 : f32 to vector<116x1xf32>
    %ge3A_394 = arith.cmpf oge, %broadcast_in_dim3A_391, %ge3A_393 : vector<116x1xf32>
    %convert_element_type3A_395 = arith.extui %ge3A_394 : vector<116x1xi1> to vector<116x1xi32>
    %convert_element_type3A_396 = arith.sitofp %convert_element_type3A_395 : vector<116x1xi32> to vector<116x1xf32>
    %mul3A_397 = vector.broadcast %convert_element_type3A_396 : vector<116x1xf32> to vector<116x116xf32>
    %mul3A_398 = arith.mulf %get3A_376, %mul3A_397 : vector<116x116xf32>
    %get3A_399 = arith.constant 0 : index
    %get3A_400 = arith.constant 0 : index
    %get3A_401 = arith.constant 0 : index
    %get3A_402 = arith.constant 0 : index
    %get3A_403 = vector.load %arg16[%get3A_399, %get3A_400, %get3A_401, %get3A_402] : memref<1x3x116x116xf32, #tpu.memory_space<vmem>>, vector<1x1x116x116xf32>
    %get3A_404 = vector.shape_cast %get3A_403 : vector<1x1x116x116xf32> to vector<116x116xf32>
    %dot_general3A_405 = arith.constant dense<0.000000e+00> : vector<116x2xf32>
    %dot_general3A_406 = tpu.matmul %get3A_404, %get3A_11, %dot_general3A_405 {dimension_numbers = #tpu.dot_dimension_numbers<[1], [0], [0], [1], [0, 0, 1, 1], [], []>, transpose_lhs_hint = false} : vector<116x116xf32>, vector<116x2xf32>, vector<116x2xf32> -> vector<116x2xf32>
    %add3A_407 = vector.broadcast %get3A_14 : vector<1x2xf32> to vector<116x2xf32>
    %add3A_408 = arith.addf %dot_general3A_406, %add3A_407 : vector<116x2xf32>
    %tanh3A_409 = math.tanh %add3A_408 : vector<116x2xf32>
    %swap3A_410 = arith.constant 14 : index
    %swap3A_411 = arith.constant 0 : index
    %swap3A_412 = arith.constant 0 : index
    %swap3A_413 = arith.constant 0 : index
    %swap3A_414 = vector.load %arg41[%swap3A_410, %swap3A_411, %swap3A_412, %swap3A_413] : memref<16x3x116x2xf32, #tpu.memory_space<vmem>>, vector<1x1x116x2xf32>
    %swap3A_415 = vector.shape_cast %swap3A_414 : vector<1x1x116x2xf32> to vector<116x2xf32>
    %swap3A_416 = vector.shape_cast %tanh3A_409 : vector<116x2xf32> to vector<1x1x116x2xf32>
    tpu.vector_store %arg41[%swap3A_410, %swap3A_411, %swap3A_412, %swap3A_413], %swap3A_416 {strides = array<i32>} : memref<16x3x116x2xf32, #tpu.memory_space<vmem>>, vector<1x1x116x2xf32>,
    %reduce_max3A_417 = arith.constant dense<0xFF800000> : vector<116xf32>
    %reduce_max3A_418 = vector.multi_reduction <maximumf>, %tanh3A_409, %reduce_max3A_417 [1] : vector<116x2xf32> to vector<116xf32>
    %broadcast_in_dim3A_419 = vector.shape_cast %reduce_max3A_418 : vector<116xf32> to vector<116x1xf32>
    %ge3A_420 = arith.constant 0.000000e+00 : f32
    %ge3A_421 = vector.broadcast %ge3A_420 : f32 to vector<116x1xf32>
    %ge3A_422 = arith.cmpf oge, %broadcast_in_dim3A_419, %ge3A_421 : vector<116x1xf32>
    %convert_element_type3A_423 = arith.extui %ge3A_422 : vector<116x1xi1> to vector<116x1xi32>
    %convert_element_type3A_424 = arith.sitofp %convert_element_type3A_423 : vector<116x1xi32> to vector<116x1xf32>
    %mul3A_425 = vector.broadcast %convert_element_type3A_424 : vector<116x1xf32> to vector<116x116xf32>
    %mul3A_426 = arith.mulf %get3A_404, %mul3A_425 : vector<116x116xf32>
    %get3A_427 = arith.constant 0 : index
    %get3A_428 = arith.constant 0 : index
    %get3A_429 = arith.constant 0 : index
    %get3A_430 = arith.constant 0 : index
    %get3A_431 = vector.load %arg17[%get3A_427, %get3A_428, %get3A_429, %get3A_430] : memref<1x3x116x116xf32, #tpu.memory_space<vmem>>, vector<1x1x116x116xf32>
    %get3A_432 = vector.shape_cast %get3A_431 : vector<1x1x116x116xf32> to vector<116x116xf32>
    %dot_general3A_433 = arith.constant dense<0.000000e+00> : vector<116x2xf32>
    %dot_general3A_434 = tpu.matmul %get3A_432, %get3A_11, %dot_general3A_433 {dimension_numbers = #tpu.dot_dimension_numbers<[1], [0], [0], [1], [0, 0, 1, 1], [], []>, transpose_lhs_hint = false} : vector<116x116xf32>, vector<116x2xf32>, vector<116x2xf32> -> vector<116x2xf32>
    %add3A_435 = vector.broadcast %get3A_14 : vector<1x2xf32> to vector<116x2xf32>
    %add3A_436 = arith.addf %dot_general3A_434, %add3A_435 : vector<116x2xf32>
    %tanh3A_437 = math.tanh %add3A_436 : vector<116x2xf32>
    %swap3A_438 = arith.constant 15 : index
    %swap3A_439 = arith.constant 0 : index
    %swap3A_440 = arith.constant 0 : index
    %swap3A_441 = arith.constant 0 : index
    %swap3A_442 = vector.load %arg41[%swap3A_438, %swap3A_439, %swap3A_440, %swap3A_441] : memref<16x3x116x2xf32, #tpu.memory_space<vmem>>, vector<1x1x116x2xf32>
    %swap3A_443 = vector.shape_cast %swap3A_442 : vector<1x1x116x2xf32> to vector<116x2xf32>
    %swap3A_444 = vector.shape_cast %tanh3A_437 : vector<116x2xf32> to vector<1x1x116x2xf32>
    tpu.vector_store %arg41[%swap3A_438, %swap3A_439, %swap3A_440, %swap3A_441], %swap3A_444 {strides = array<i32>} : memref<16x3x116x2xf32, #tpu.memory_space<vmem>>, vector<1x1x116x2xf32>,
    %reduce_max3A_445 = arith.constant dense<0xFF800000> : vector<116xf32>
    %reduce_max3A_446 = vector.multi_reduction <maximumf>, %tanh3A_437, %reduce_max3A_445 [1] : vector<116x2xf32> to vector<116xf32>
    %broadcast_in_dim3A_447 = vector.shape_cast %reduce_max3A_446 : vector<116xf32> to vector<116x1xf32>
    %ge3A_448 = arith.constant 0.000000e+00 : f32
    %ge3A_449 = vector.broadcast %ge3A_448 : f32 to vector<116x1xf32>
    %ge3A_450 = arith.cmpf oge, %broadcast_in_dim3A_447, %ge3A_449 : vector<116x1xf32>
    %convert_element_type3A_451 = arith.extui %ge3A_450 : vector<116x1xi1> to vector<116x1xi32>
    %convert_element_type3A_452 = arith.sitofp %convert_element_type3A_451 : vector<116x1xi32> to vector<116x1xf32>
    %mul3A_453 = vector.broadcast %convert_element_type3A_452 : vector<116x1xf32> to vector<116x116xf32>
    %mul3A_454 = arith.mulf %get3A_432, %mul3A_453 : vector<116x116xf32>
    %get3A_455 = arith.constant 1 : index
    %get3A_456 = arith.constant 0 : index
    %get3A_457 = arith.constant 0 : index
    %get3A_458 = vector.load %arg34[%get3A_455, %get3A_456, %get3A_457] : memref<3x116x2xf32, #tpu.memory_space<vmem>>, vector<1x116x2xf32>
    %get3A_459 = vector.shape_cast %get3A_458 : vector<1x116x2xf32> to vector<116x2xf32>
    %get3A_460 = arith.constant 1 : index
    %get3A_461 = arith.constant 0 : index
    %get3A_462 = vector.load %arg35[%get3A_460, %get3A_461] : memref<3x2xf32, #tpu.memory_space<vmem>>, vector<1x2xf32>
    %get3A_463 = arith.constant 0 : index
    %get3A_464 = arith.constant 1 : index
    %get3A_465 = arith.constant 0 : index
    %get3A_466 = arith.constant 0 : index
    %get3A_467 = vector.load %arg2[%get3A_463, %get3A_464, %get3A_465, %get3A_466] : memref<1x3x116x116xf32, #tpu.memory_space<vmem>>, vector<1x1x116x116xf32>
    %get3A_468 = vector.shape_cast %get3A_467 : vector<1x1x116x116xf32> to vector<116x116xf32>
    %dot_general3A_469 = arith.constant dense<0.000000e+00> : vector<116x2xf32>
    %dot_general3A_470 = tpu.matmul %get3A_468, %get3A_459, %dot_general3A_469 {dimension_numbers = #tpu.dot_dimension_numbers<[1], [0], [0], [1], [0, 0, 1, 1], [], []>, transpose_lhs_hint = false} : vector<116x116xf32>, vector<116x2xf32>, vector<116x2xf32> -> vector<116x2xf32>
    %add3A_471 = vector.broadcast %get3A_462 : vector<1x2xf32> to vector<116x2xf32>
    %add3A_472 = arith.addf %dot_general3A_470, %add3A_471 : vector<116x2xf32>
    %tanh3A_473 = math.tanh %add3A_472 : vector<116x2xf32>
    %swap3A_474 = arith.constant 0 : index
    %swap3A_475 = arith.constant 1 : index
    %swap3A_476 = arith.constant 0 : index
    %swap3A_477 = arith.constant 0 : index
    %swap3A_478 = vector.load %arg41[%swap3A_474, %swap3A_475, %swap3A_476, %swap3A_477] : memref<16x3x116x2xf32, #tpu.memory_space<vmem>>, vector<1x1x116x2xf32>
    %swap3A_479 = vector.shape_cast %swap3A_478 : vector<1x1x116x2xf32> to vector<116x2xf32>
    %swap3A_480 = vector.shape_cast %tanh3A_473 : vector<116x2xf32> to vector<1x1x116x2xf32>
    tpu.vector_store %arg41[%swap3A_474, %swap3A_475, %swap3A_476, %swap3A_477], %swap3A_480 {strides = array<i32>} : memref<16x3x116x2xf32, #tpu.memory_space<vmem>>, vector<1x1x116x2xf32>,
    %reduce_max3A_481 = arith.constant dense<0xFF800000> : vector<116xf32>
    %reduce_max3A_482 = vector.multi_reduction <maximumf>, %tanh3A_473, %reduce_max3A_481 [1] : vector<116x2xf32> to vector<116xf32>
    %broadcast_in_dim3A_483 = vector.shape_cast %reduce_max3A_482 : vector<116xf32> to vector<116x1xf32>
    %ge3A_484 = arith.constant 0.000000e+00 : f32
    %ge3A_485 = vector.broadcast %ge3A_484 : f32 to vector<116x1xf32>
    %ge3A_486 = arith.cmpf oge, %broadcast_in_dim3A_483, %ge3A_485 : vector<116x1xf32>
    %convert_element_type3A_487 = arith.extui %ge3A_486 : vector<116x1xi1> to vector<116x1xi32>
    %convert_element_type3A_488 = arith.sitofp %convert_element_type3A_487 : vector<116x1xi32> to vector<116x1xf32>
    %mul3A_489 = vector.broadcast %convert_element_type3A_488 : vector<116x1xf32> to vector<116x116xf32>
    %mul3A_490 = arith.mulf %get3A_468, %mul3A_489 : vector<116x116xf32>
    %get3A_491 = arith.constant 0 : index
    %get3A_492 = arith.constant 1 : index
    %get3A_493 = arith.constant 0 : index
    %get3A_494 = arith.constant 0 : index
    %get3A_495 = vector.load %arg3[%get3A_491, %get3A_492, %get3A_493, %get3A_494] : memref<1x3x116x116xf32, #tpu.memory_space<vmem>>, vector<1x1x116x116xf32>
    %get3A_496 = vector.shape_cast %get3A_495 : vector<1x1x116x116xf32> to vector<116x116xf32>
    %dot_general3A_497 = arith.constant dense<0.000000e+00> : vector<116x2xf32>
    %dot_general3A_498 = tpu.matmul %get3A_496, %get3A_459, %dot_general3A_497 {dimension_numbers = #tpu.dot_dimension_numbers<[1], [0], [0], [1], [0, 0, 1, 1], [], []>, transpose_lhs_hint = false} : vector<116x116xf32>, vector<116x2xf32>, vector<116x2xf32> -> vector<116x2xf32>
    %add3A_499 = vector.broadcast %get3A_462 : vector<1x2xf32> to vector<116x2xf32>
    %add3A_500 = arith.addf %dot_general3A_498, %add3A_499 : vector<116x2xf32>
    %tanh3A_501 = math.tanh %add3A_500 : vector<116x2xf32>
    %swap3A_502 = arith.constant 1 : index
    %swap3A_503 = arith.constant 1 : index
    %swap3A_504 = arith.constant 0 : index
    %swap3A_505 = arith.constant 0 : index
    %swap3A_506 = vector.load %arg41[%swap3A_502, %swap3A_503, %swap3A_504, %swap3A_505] : memref<16x3x116x2xf32, #tpu.memory_space<vmem>>, vector<1x1x116x2xf32>
    %swap3A_507 = vector.shape_cast %swap3A_506 : vector<1x1x116x2xf32> to vector<116x2xf32>
    %swap3A_508 = vector.shape_cast %tanh3A_501 : vector<116x2xf32> to vector<1x1x116x2xf32>
    tpu.vector_store %arg41[%swap3A_502, %swap3A_503, %swap3A_504, %swap3A_505], %swap3A_508 {strides = array<i32>} : memref<16x3x116x2xf32, #tpu.memory_space<vmem>>, vector<1x1x116x2xf32>,
    %reduce_max3A_509 = arith.constant dense<0xFF800000> : vector<116xf32>
    %reduce_max3A_510 = vector.multi_reduction <maximumf>, %tanh3A_501, %reduce_max3A_509 [1] : vector<116x2xf32> to vector<116xf32>
    %broadcast_in_dim3A_511 = vector.shape_cast %reduce_max3A_510 : vector<116xf32> to vector<116x1xf32>
    %ge3A_512 = arith.constant 0.000000e+00 : f32
    %ge3A_513 = vector.broadcast %ge3A_512 : f32 to vector<116x1xf32>
    %ge3A_514 = arith.cmpf oge, %broadcast_in_dim3A_511, %ge3A_513 : vector<116x1xf32>
    %convert_element_type3A_515 = arith.extui %ge3A_514 : vector<116x1xi1> to vector<116x1xi32>
    %convert_element_type3A_516 = arith.sitofp %convert_element_type3A_515 : vector<116x1xi32> to vector<116x1xf32>
    %mul3A_517 = vector.broadcast %convert_element_type3A_516 : vector<116x1xf32> to vector<116x116xf32>
    %mul3A_518 = arith.mulf %get3A_496, %mul3A_517 : vector<116x116xf32>
    %get3A_519 = arith.constant 0 : index
    %get3A_520 = arith.constant 1 : index
    %get3A_521 = arith.constant 0 : index
    %get3A_522 = arith.constant 0 : index
    %get3A_523 = vector.load %arg4[%get3A_519, %get3A_520, %get3A_521, %get3A_522] : memref<1x3x116x116xf32, #tpu.memory_space<vmem>>, vector<1x1x116x116xf32>
    %get3A_524 = vector.shape_cast %get3A_523 : vector<1x1x116x116xf32> to vector<116x116xf32>
    %dot_general3A_525 = arith.constant dense<0.000000e+00> : vector<116x2xf32>
    %dot_general3A_526 = tpu.matmul %get3A_524, %get3A_459, %dot_general3A_525 {dimension_numbers = #tpu.dot_dimension_numbers<[1], [0], [0], [1], [0, 0, 1, 1], [], []>, transpose_lhs_hint = false} : vector<116x116xf32>, vector<116x2xf32>, vector<116x2xf32> -> vector<116x2xf32>
    %add3A_527 = vector.broadcast %get3A_462 : vector<1x2xf32> to vector<116x2xf32>
    %add3A_528 = arith.addf %dot_general3A_526, %add3A_527 : vector<116x2xf32>
    %tanh3A_529 = math.tanh %add3A_528 : vector<116x2xf32>
    %swap3A_530 = arith.constant 2 : index
    %swap3A_531 = arith.constant 1 : index
    %swap3A_532 = arith.constant 0 : index
    %swap3A_533 = arith.constant 0 : index
    %swap3A_534 = vector.load %arg41[%swap3A_530, %swap3A_531, %swap3A_532, %swap3A_533] : memref<16x3x116x2xf32, #tpu.memory_space<vmem>>, vector<1x1x116x2xf32>
    %swap3A_535 = vector.shape_cast %swap3A_534 : vector<1x1x116x2xf32> to vector<116x2xf32>
    %swap3A_536 = vector.shape_cast %tanh3A_529 : vector<116x2xf32> to vector<1x1x116x2xf32>
    tpu.vector_store %arg41[%swap3A_530, %swap3A_531, %swap3A_532, %swap3A_533], %swap3A_536 {strides = array<i32>} : memref<16x3x116x2xf32, #tpu.memory_space<vmem>>, vector<1x1x116x2xf32>,
    %reduce_max3A_537 = arith.constant dense<0xFF800000> : vector<116xf32>
    %reduce_max3A_538 = vector.multi_reduction <maximumf>, %tanh3A_529, %reduce_max3A_537 [1] : vector<116x2xf32> to vector<116xf32>
    %broadcast_in_dim3A_539 = vector.shape_cast %reduce_max3A_538 : vector<116xf32> to vector<116x1xf32>
    %ge3A_540 = arith.constant 0.000000e+00 : f32
    %ge3A_541 = vector.broadcast %ge3A_540 : f32 to vector<116x1xf32>
    %ge3A_542 = arith.cmpf oge, %broadcast_in_dim3A_539, %ge3A_541 : vector<116x1xf32>
    %convert_element_type3A_543 = arith.extui %ge3A_542 : vector<116x1xi1> to vector<116x1xi32>
    %convert_element_type3A_544 = arith.sitofp %convert_element_type3A_543 : vector<116x1xi32> to vector<116x1xf32>
    %mul3A_545 = vector.broadcast %convert_element_type3A_544 : vector<116x1xf32> to vector<116x116xf32>
    %mul3A_546 = arith.mulf %get3A_524, %mul3A_545 : vector<116x116xf32>
    %get3A_547 = arith.constant 0 : index
    %get3A_548 = arith.constant 1 : index
    %get3A_549 = arith.constant 0 : index
    %get3A_550 = arith.constant 0 : index
    %get3A_551 = vector.load %arg5[%get3A_547, %get3A_548, %get3A_549, %get3A_550] : memref<1x3x116x116xf32, #tpu.memory_space<vmem>>, vector<1x1x116x116xf32>
    %get3A_552 = vector.shape_cast %get3A_551 : vector<1x1x116x116xf32> to vector<116x116xf32>
    %dot_general3A_553 = arith.constant dense<0.000000e+00> : vector<116x2xf32>
    %dot_general3A_554 = tpu.matmul %get3A_552, %get3A_459, %dot_general3A_553 {dimension_numbers = #tpu.dot_dimension_numbers<[1], [0], [0], [1], [0, 0, 1, 1], [], []>, transpose_lhs_hint = false} : vector<116x116xf32>, vector<116x2xf32>, vector<116x2xf32> -> vector<116x2xf32>
    %add3A_555 = vector.broadcast %get3A_462 : vector<1x2xf32> to vector<116x2xf32>
    %add3A_556 = arith.addf %dot_general3A_554, %add3A_555 : vector<116x2xf32>
    %tanh3A_557 = math.tanh %add3A_556 : vector<116x2xf32>
    %swap3A_558 = arith.constant 3 : index
    %swap3A_559 = arith.constant 1 : index
    %swap3A_560 = arith.constant 0 : index
    %swap3A_561 = arith.constant 0 : index
    %swap3A_562 = vector.load %arg41[%swap3A_558, %swap3A_559, %swap3A_560, %swap3A_561] : memref<16x3x116x2xf32, #tpu.memory_space<vmem>>, vector<1x1x116x2xf32>
    %swap3A_563 = vector.shape_cast %swap3A_562 : vector<1x1x116x2xf32> to vector<116x2xf32>
    %swap3A_564 = vector.shape_cast %tanh3A_557 : vector<116x2xf32> to vector<1x1x116x2xf32>
    tpu.vector_store %arg41[%swap3A_558, %swap3A_559, %swap3A_560, %swap3A_561], %swap3A_564 {strides = array<i32>} : memref<16x3x116x2xf32, #tpu.memory_space<vmem>>, vector<1x1x116x2xf32>,
    %reduce_max3A_565 = arith.constant dense<0xFF800000> : vector<116xf32>
    %reduce_max3A_566 = vector.multi_reduction <maximumf>, %tanh3A_557, %reduce_max3A_565 [1] : vector<116x2xf32> to vector<116xf32>
    %broadcast_in_dim3A_567 = vector.shape_cast %reduce_max3A_566 : vector<116xf32> to vector<116x1xf32>
    %ge3A_568 = arith.constant 0.000000e+00 : f32
    %ge3A_569 = vector.broadcast %ge3A_568 : f32 to vector<116x1xf32>
    %ge3A_570 = arith.cmpf oge, %broadcast_in_dim3A_567, %ge3A_569 : vector<116x1xf32>
    %convert_element_type3A_571 = arith.extui %ge3A_570 : vector<116x1xi1> to vector<116x1xi32>
    %convert_element_type3A_572 = arith.sitofp %convert_element_type3A_571 : vector<116x1xi32> to vector<116x1xf32>
    %mul3A_573 = vector.broadcast %convert_element_type3A_572 : vector<116x1xf32> to vector<116x116xf32>
    %mul3A_574 = arith.mulf %get3A_552, %mul3A_573 : vector<116x116xf32>
    %get3A_575 = arith.constant 0 : index
    %get3A_576 = arith.constant 1 : index
    %get3A_577 = arith.constant 0 : index
    %get3A_578 = arith.constant 0 : index
    %get3A_579 = vector.load %arg6[%get3A_575, %get3A_576, %get3A_577, %get3A_578] : memref<1x3x116x116xf32, #tpu.memory_space<vmem>>, vector<1x1x116x116xf32>
    %get3A_580 = vector.shape_cast %get3A_579 : vector<1x1x116x116xf32> to vector<116x116xf32>
    %dot_general3A_581 = arith.constant dense<0.000000e+00> : vector<116x2xf32>
    %dot_general3A_582 = tpu.matmul %get3A_580, %get3A_459, %dot_general3A_581 {dimension_numbers = #tpu.dot_dimension_numbers<[1], [0], [0], [1], [0, 0, 1, 1], [], []>, transpose_lhs_hint = false} : vector<116x116xf32>, vector<116x2xf32>, vector<116x2xf32> -> vector<116x2xf32>
    %add3A_583 = vector.broadcast %get3A_462 : vector<1x2xf32> to vector<116x2xf32>
    %add3A_584 = arith.addf %dot_general3A_582, %add3A_583 : vector<116x2xf32>
    %tanh3A_585 = math.tanh %add3A_584 : vector<116x2xf32>
    %swap3A_586 = arith.constant 4 : index
    %swap3A_587 = arith.constant 1 : index
    %swap3A_588 = arith.constant 0 : index
    %swap3A_589 = arith.constant 0 : index
    %swap3A_590 = vector.load %arg41[%swap3A_586, %swap3A_587, %swap3A_588, %swap3A_589] : memref<16x3x116x2xf32, #tpu.memory_space<vmem>>, vector<1x1x116x2xf32>
    %swap3A_591 = vector.shape_cast %swap3A_590 : vector<1x1x116x2xf32> to vector<116x2xf32>
    %swap3A_592 = vector.shape_cast %tanh3A_585 : vector<116x2xf32> to vector<1x1x116x2xf32>
    tpu.vector_store %arg41[%swap3A_586, %swap3A_587, %swap3A_588, %swap3A_589], %swap3A_592 {strides = array<i32>} : memref<16x3x116x2xf32, #tpu.memory_space<vmem>>, vector<1x1x116x2xf32>,
    %reduce_max3A_593 = arith.constant dense<0xFF800000> : vector<116xf32>
    %reduce_max3A_594 = vector.multi_reduction <maximumf>, %tanh3A_585, %reduce_max3A_593 [1] : vector<116x2xf32> to vector<116xf32>
    %broadcast_in_dim3A_595 = vector.shape_cast %reduce_max3A_594 : vector<116xf32> to vector<116x1xf32>
    %ge3A_596 = arith.constant 0.000000e+00 : f32
    %ge3A_597 = vector.broadcast %ge3A_596 : f32 to vector<116x1xf32>
    %ge3A_598 = arith.cmpf oge, %broadcast_in_dim3A_595, %ge3A_597 : vector<116x1xf32>
    %convert_element_type3A_599 = arith.extui %ge3A_598 : vector<116x1xi1> to vector<116x1xi32>
    %convert_element_type3A_600 = arith.sitofp %convert_element_type3A_599 : vector<116x1xi32> to vector<116x1xf32>
    %mul3A_601 = vector.broadcast %convert_element_type3A_600 : vector<116x1xf32> to vector<116x116xf32>
    %mul3A_602 = arith.mulf %get3A_580, %mul3A_601 : vector<116x116xf32>
    %get3A_603 = arith.constant 0 : index
    %get3A_604 = arith.constant 1 : index
    %get3A_605 = arith.constant 0 : index
    %get3A_606 = arith.constant 0 : index
    %get3A_607 = vector.load %arg7[%get3A_603, %get3A_604, %get3A_605, %get3A_606] : memref<1x3x116x116xf32, #tpu.memory_space<vmem>>, vector<1x1x116x116xf32>
    %get3A_608 = vector.shape_cast %get3A_607 : vector<1x1x116x116xf32> to vector<116x116xf32>
    %dot_general3A_609 = arith.constant dense<0.000000e+00> : vector<116x2xf32>
    %dot_general3A_610 = tpu.matmul %get3A_608, %get3A_459, %dot_general3A_609 {dimension_numbers = #tpu.dot_dimension_numbers<[1], [0], [0], [1], [0, 0, 1, 1], [], []>, transpose_lhs_hint = false} : vector<116x116xf32>, vector<116x2xf32>, vector<116x2xf32> -> vector<116x2xf32>
    %add3A_611 = vector.broadcast %get3A_462 : vector<1x2xf32> to vector<116x2xf32>
    %add3A_612 = arith.addf %dot_general3A_610, %add3A_611 : vector<116x2xf32>
    %tanh3A_613 = math.tanh %add3A_612 : vector<116x2xf32>
    %swap3A_614 = arith.constant 5 : index
    %swap3A_615 = arith.constant 1 : index
    %swap3A_616 = arith.constant 0 : index
    %swap3A_617 = arith.constant 0 : index
    %swap3A_618 = vector.load %arg41[%swap3A_614, %swap3A_615, %swap3A_616, %swap3A_617] : memref<16x3x116x2xf32, #tpu.memory_space<vmem>>, vector<1x1x116x2xf32>
    %swap3A_619 = vector.shape_cast %swap3A_618 : vector<1x1x116x2xf32> to vector<116x2xf32>
    %swap3A_620 = vector.shape_cast %tanh3A_613 : vector<116x2xf32> to vector<1x1x116x2xf32>
    tpu.vector_store %arg41[%swap3A_614, %swap3A_615, %swap3A_616, %swap3A_617], %swap3A_620 {strides = array<i32>} : memref<16x3x116x2xf32, #tpu.memory_space<vmem>>, vector<1x1x116x2xf32>,
    %reduce_max3A_621 = arith.constant dense<0xFF800000> : vector<116xf32>
    %reduce_max3A_622 = vector.multi_reduction <maximumf>, %tanh3A_613, %reduce_max3A_621 [1] : vector<116x2xf32> to vector<116xf32>
    %broadcast_in_dim3A_623 = vector.shape_cast %reduce_max3A_622 : vector<116xf32> to vector<116x1xf32>
    %ge3A_624 = arith.constant 0.000000e+00 : f32
    %ge3A_625 = vector.broadcast %ge3A_624 : f32 to vector<116x1xf32>
    %ge3A_626 = arith.cmpf oge, %broadcast_in_dim3A_623, %ge3A_625 : vector<116x1xf32>
    %convert_element_type3A_627 = arith.extui %ge3A_626 : vector<116x1xi1> to vector<116x1xi32>
    %convert_element_type3A_628 = arith.sitofp %convert_element_type3A_627 : vector<116x1xi32> to vector<116x1xf32>
    %mul3A_629 = vector.broadcast %convert_element_type3A_628 : vector<116x1xf32> to vector<116x116xf32>
    %mul3A_630 = arith.mulf %get3A_608, %mul3A_629 : vector<116x116xf32>
    %get3A_631 = arith.constant 0 : index
    %get3A_632 = arith.constant 1 : index
    %get3A_633 = arith.constant 0 : index
    %get3A_634 = arith.constant 0 : index
    %get3A_635 = vector.load %arg8[%get3A_631, %get3A_632, %get3A_633, %get3A_634] : memref<1x3x116x116xf32, #tpu.memory_space<vmem>>, vector<1x1x116x116xf32>
    %get3A_636 = vector.shape_cast %get3A_635 : vector<1x1x116x116xf32> to vector<116x116xf32>
    %dot_general3A_637 = arith.constant dense<0.000000e+00> : vector<116x2xf32>
    %dot_general3A_638 = tpu.matmul %get3A_636, %get3A_459, %dot_general3A_637 {dimension_numbers = #tpu.dot_dimension_numbers<[1], [0], [0], [1], [0, 0, 1, 1], [], []>, transpose_lhs_hint = false} : vector<116x116xf32>, vector<116x2xf32>, vector<116x2xf32> -> vector<116x2xf32>
    %add3A_639 = vector.broadcast %get3A_462 : vector<1x2xf32> to vector<116x2xf32>
    %add3A_640 = arith.addf %dot_general3A_638, %add3A_639 : vector<116x2xf32>
    %tanh3A_641 = math.tanh %add3A_640 : vector<116x2xf32>
    %swap3A_642 = arith.constant 6 : index
    %swap3A_643 = arith.constant 1 : index
    %swap3A_644 = arith.constant 0 : index
    %swap3A_645 = arith.constant 0 : index
    %swap3A_646 = vector.load %arg41[%swap3A_642, %swap3A_643, %swap3A_644, %swap3A_645] : memref<16x3x116x2xf32, #tpu.memory_space<vmem>>, vector<1x1x116x2xf32>
    %swap3A_647 = vector.shape_cast %swap3A_646 : vector<1x1x116x2xf32> to vector<116x2xf32>
    %swap3A_648 = vector.shape_cast %tanh3A_641 : vector<116x2xf32> to vector<1x1x116x2xf32>
    tpu.vector_store %arg41[%swap3A_642, %swap3A_643, %swap3A_644, %swap3A_645], %swap3A_648 {strides = array<i32>} : memref<16x3x116x2xf32, #tpu.memory_space<vmem>>, vector<1x1x116x2xf32>,
    %reduce_max3A_649 = arith.constant dense<0xFF800000> : vector<116xf32>
    %reduce_max3A_650 = vector.multi_reduction <maximumf>, %tanh3A_641, %reduce_max3A_649 [1] : vector<116x2xf32> to vector<116xf32>
    %broadcast_in_dim3A_651 = vector.shape_cast %reduce_max3A_650 : vector<116xf32> to vector<116x1xf32>
    %ge3A_652 = arith.constant 0.000000e+00 : f32
    %ge3A_653 = vector.broadcast %ge3A_652 : f32 to vector<116x1xf32>
    %ge3A_654 = arith.cmpf oge, %broadcast_in_dim3A_651, %ge3A_653 : vector<116x1xf32>
    %convert_element_type3A_655 = arith.extui %ge3A_654 : vector<116x1xi1> to vector<116x1xi32>
    %convert_element_type3A_656 = arith.sitofp %convert_element_type3A_655 : vector<116x1xi32> to vector<116x1xf32>
    %mul3A_657 = vector.broadcast %convert_element_type3A_656 : vector<116x1xf32> to vector<116x116xf32>
    %mul3A_658 = arith.mulf %get3A_636, %mul3A_657 : vector<116x116xf32>
    %get3A_659 = arith.constant 0 : index
    %get3A_660 = arith.constant 1 : index
    %get3A_661 = arith.constant 0 : index
    %get3A_662 = arith.constant 0 : index
    %get3A_663 = vector.load %arg9[%get3A_659, %get3A_660, %get3A_661, %get3A_662] : memref<1x3x116x116xf32, #tpu.memory_space<vmem>>, vector<1x1x116x116xf32>
    %get3A_664 = vector.shape_cast %get3A_663 : vector<1x1x116x116xf32> to vector<116x116xf32>
    %dot_general3A_665 = arith.constant dense<0.000000e+00> : vector<116x2xf32>
    %dot_general3A_666 = tpu.matmul %get3A_664, %get3A_459, %dot_general3A_665 {dimension_numbers = #tpu.dot_dimension_numbers<[1], [0], [0], [1], [0, 0, 1, 1], [], []>, transpose_lhs_hint = false} : vector<116x116xf32>, vector<116x2xf32>, vector<116x2xf32> -> vector<116x2xf32>
    %add3A_667 = vector.broadcast %get3A_462 : vector<1x2xf32> to vector<116x2xf32>
    %add3A_668 = arith.addf %dot_general3A_666, %add3A_667 : vector<116x2xf32>
    %tanh3A_669 = math.tanh %add3A_668 : vector<116x2xf32>
    %swap3A_670 = arith.constant 7 : index
    %swap3A_671 = arith.constant 1 : index
    %swap3A_672 = arith.constant 0 : index
    %swap3A_673 = arith.constant 0 : index
    %swap3A_674 = vector.load %arg41[%swap3A_670, %swap3A_671, %swap3A_672, %swap3A_673] : memref<16x3x116x2xf32, #tpu.memory_space<vmem>>, vector<1x1x116x2xf32>
    %swap3A_675 = vector.shape_cast %swap3A_674 : vector<1x1x116x2xf32> to vector<116x2xf32>
    %swap3A_676 = vector.shape_cast %tanh3A_669 : vector<116x2xf32> to vector<1x1x116x2xf32>
    tpu.vector_store %arg41[%swap3A_670, %swap3A_671, %swap3A_672, %swap3A_673], %swap3A_676 {strides = array<i32>} : memref<16x3x116x2xf32, #tpu.memory_space<vmem>>, vector<1x1x116x2xf32>,
    %reduce_max3A_677 = arith.constant dense<0xFF800000> : vector<116xf32>
    %reduce_max3A_678 = vector.multi_reduction <maximumf>, %tanh3A_669, %reduce_max3A_677 [1] : vector<116x2xf32> to vector<116xf32>
    %broadcast_in_dim3A_679 = vector.shape_cast %reduce_max3A_678 : vector<116xf32> to vector<116x1xf32>
    %ge3A_680 = arith.constant 0.000000e+00 : f32
    %ge3A_681 = vector.broadcast %ge3A_680 : f32 to vector<116x1xf32>
    %ge3A_682 = arith.cmpf oge, %broadcast_in_dim3A_679, %ge3A_681 : vector<116x1xf32>
    %convert_element_type3A_683 = arith.extui %ge3A_682 : vector<116x1xi1> to vector<116x1xi32>
    %convert_element_type3A_684 = arith.sitofp %convert_element_type3A_683 : vector<116x1xi32> to vector<116x1xf32>
    %mul3A_685 = vector.broadcast %convert_element_type3A_684 : vector<116x1xf32> to vector<116x116xf32>
    %mul3A_686 = arith.mulf %get3A_664, %mul3A_685 : vector<116x116xf32>
    %get3A_687 = arith.constant 0 : index
    %get3A_688 = arith.constant 1 : index
    %get3A_689 = arith.constant 0 : index
    %get3A_690 = arith.constant 0 : index
    %get3A_691 = vector.load %arg10[%get3A_687, %get3A_688, %get3A_689, %get3A_690] : memref<1x3x116x116xf32, #tpu.memory_space<vmem>>, vector<1x1x116x116xf32>
    %get3A_692 = vector.shape_cast %get3A_691 : vector<1x1x116x116xf32> to vector<116x116xf32>
    %dot_general3A_693 = arith.constant dense<0.000000e+00> : vector<116x2xf32>
    %dot_general3A_694 = tpu.matmul %get3A_692, %get3A_459, %dot_general3A_693 {dimension_numbers = #tpu.dot_dimension_numbers<[1], [0], [0], [1], [0, 0, 1, 1], [], []>, transpose_lhs_hint = false} : vector<116x116xf32>, vector<116x2xf32>, vector<116x2xf32> -> vector<116x2xf32>
    %add3A_695 = vector.broadcast %get3A_462 : vector<1x2xf32> to vector<116x2xf32>
    %add3A_696 = arith.addf %dot_general3A_694, %add3A_695 : vector<116x2xf32>
    %tanh3A_697 = math.tanh %add3A_696 : vector<116x2xf32>
    %swap3A_698 = arith.constant 8 : index
    %swap3A_699 = arith.constant 1 : index
    %swap3A_700 = arith.constant 0 : index
    %swap3A_701 = arith.constant 0 : index
    %swap3A_702 = vector.load %arg41[%swap3A_698, %swap3A_699, %swap3A_700, %swap3A_701] : memref<16x3x116x2xf32, #tpu.memory_space<vmem>>, vector<1x1x116x2xf32>
    %swap3A_703 = vector.shape_cast %swap3A_702 : vector<1x1x116x2xf32> to vector<116x2xf32>
    %swap3A_704 = vector.shape_cast %tanh3A_697 : vector<116x2xf32> to vector<1x1x116x2xf32>
    tpu.vector_store %arg41[%swap3A_698, %swap3A_699, %swap3A_700, %swap3A_701], %swap3A_704 {strides = array<i32>} : memref<16x3x116x2xf32, #tpu.memory_space<vmem>>, vector<1x1x116x2xf32>,
    %reduce_max3A_705 = arith.constant dense<0xFF800000> : vector<116xf32>
    %reduce_max3A_706 = vector.multi_reduction <maximumf>, %tanh3A_697, %reduce_max3A_705 [1] : vector<116x2xf32> to vector<116xf32>
    %broadcast_in_dim3A_707 = vector.shape_cast %reduce_max3A_706 : vector<116xf32> to vector<116x1xf32>
    %ge3A_708 = arith.constant 0.000000e+00 : f32
    %ge3A_709 = vector.broadcast %ge3A_708 : f32 to vector<116x1xf32>
    %ge3A_710 = arith.cmpf oge, %broadcast_in_dim3A_707, %ge3A_709 : vector<116x1xf32>
    %convert_element_type3A_711 = arith.extui %ge3A_710 : vector<116x1xi1> to vector<116x1xi32>
    %convert_element_type3A_712 = arith.sitofp %convert_element_type3A_711 : vector<116x1xi32> to vector<116x1xf32>
    %mul3A_713 = vector.broadcast %convert_element_type3A_712 : vector<116x1xf32> to vector<116x116xf32>
    %mul3A_714 = arith.mulf %get3A_692, %mul3A_713 : vector<116x116xf32>
    %get3A_715 = arith.constant 0 : index
    %get3A_716 = arith.constant 1 : index
    %get3A_717 = arith.constant 0 : index
    %get3A_718 = arith.constant 0 : index
    %get3A_719 = vector.load %arg11[%get3A_715, %get3A_716, %get3A_717, %get3A_718] : memref<1x3x116x116xf32, #tpu.memory_space<vmem>>, vector<1x1x116x116xf32>
    %get3A_720 = vector.shape_cast %get3A_719 : vector<1x1x116x116xf32> to vector<116x116xf32>
    %dot_general3A_721 = arith.constant dense<0.000000e+00> : vector<116x2xf32>
    %dot_general3A_722 = tpu.matmul %get3A_720, %get3A_459, %dot_general3A_721 {dimension_numbers = #tpu.dot_dimension_numbers<[1], [0], [0], [1], [0, 0, 1, 1], [], []>, transpose_lhs_hint = false} : vector<116x116xf32>, vector<116x2xf32>, vector<116x2xf32> -> vector<116x2xf32>
    %add3A_723 = vector.broadcast %get3A_462 : vector<1x2xf32> to vector<116x2xf32>
    %add3A_724 = arith.addf %dot_general3A_722, %add3A_723 : vector<116x2xf32>
    %tanh3A_725 = math.tanh %add3A_724 : vector<116x2xf32>
    %swap3A_726 = arith.constant 9 : index
    %swap3A_727 = arith.constant 1 : index
    %swap3A_728 = arith.constant 0 : index
    %swap3A_729 = arith.constant 0 : index
    %swap3A_730 = vector.load %arg41[%swap3A_726, %swap3A_727, %swap3A_728, %swap3A_729] : memref<16x3x116x2xf32, #tpu.memory_space<vmem>>, vector<1x1x116x2xf32>
    %swap3A_731 = vector.shape_cast %swap3A_730 : vector<1x1x116x2xf32> to vector<116x2xf32>
    %swap3A_732 = vector.shape_cast %tanh3A_725 : vector<116x2xf32> to vector<1x1x116x2xf32>
    tpu.vector_store %arg41[%swap3A_726, %swap3A_727, %swap3A_728, %swap3A_729], %swap3A_732 {strides = array<i32>} : memref<16x3x116x2xf32, #tpu.memory_space<vmem>>, vector<1x1x116x2xf32>,
    %reduce_max3A_733 = arith.constant dense<0xFF800000> : vector<116xf32>
    %reduce_max3A_734 = vector.multi_reduction <maximumf>, %tanh3A_725, %reduce_max3A_733 [1] : vector<116x2xf32> to vector<116xf32>
    %broadcast_in_dim3A_735 = vector.shape_cast %reduce_max3A_734 : vector<116xf32> to vector<116x1xf32>
    %ge3A_736 = arith.constant 0.000000e+00 : f32
    %ge3A_737 = vector.broadcast %ge3A_736 : f32 to vector<116x1xf32>
    %ge3A_738 = arith.cmpf oge, %broadcast_in_dim3A_735, %ge3A_737 : vector<116x1xf32>
    %convert_element_type3A_739 = arith.extui %ge3A_738 : vector<116x1xi1> to vector<116x1xi32>
    %convert_element_type3A_740 = arith.sitofp %convert_element_type3A_739 : vector<116x1xi32> to vector<116x1xf32>
    %mul3A_741 = vector.broadcast %convert_element_type3A_740 : vector<116x1xf32> to vector<116x116xf32>
    %mul3A_742 = arith.mulf %get3A_720, %mul3A_741 : vector<116x116xf32>
    %get3A_743 = arith.constant 0 : index
    %get3A_744 = arith.constant 1 : index
    %get3A_745 = arith.constant 0 : index
    %get3A_746 = arith.constant 0 : index
    %get3A_747 = vector.load %arg12[%get3A_743, %get3A_744, %get3A_745, %get3A_746] : memref<1x3x116x116xf32, #tpu.memory_space<vmem>>, vector<1x1x116x116xf32>
    %get3A_748 = vector.shape_cast %get3A_747 : vector<1x1x116x116xf32> to vector<116x116xf32>
    %dot_general3A_749 = arith.constant dense<0.000000e+00> : vector<116x2xf32>
    %dot_general3A_750 = tpu.matmul %get3A_748, %get3A_459, %dot_general3A_749 {dimension_numbers = #tpu.dot_dimension_numbers<[1], [0], [0], [1], [0, 0, 1, 1], [], []>, transpose_lhs_hint = false} : vector<116x116xf32>, vector<116x2xf32>, vector<116x2xf32> -> vector<116x2xf32>
    %add3A_751 = vector.broadcast %get3A_462 : vector<1x2xf32> to vector<116x2xf32>
    %add3A_752 = arith.addf %dot_general3A_750, %add3A_751 : vector<116x2xf32>
    %tanh3A_753 = math.tanh %add3A_752 : vector<116x2xf32>
    %swap3A_754 = arith.constant 10 : index
    %swap3A_755 = arith.constant 1 : index
    %swap3A_756 = arith.constant 0 : index
    %swap3A_757 = arith.constant 0 : index
    %swap3A_758 = vector.load %arg41[%swap3A_754, %swap3A_755, %swap3A_756, %swap3A_757] : memref<16x3x116x2xf32, #tpu.memory_space<vmem>>, vector<1x1x116x2xf32>
    %swap3A_759 = vector.shape_cast %swap3A_758 : vector<1x1x116x2xf32> to vector<116x2xf32>
    %swap3A_760 = vector.shape_cast %tanh3A_753 : vector<116x2xf32> to vector<1x1x116x2xf32>
    tpu.vector_store %arg41[%swap3A_754, %swap3A_755, %swap3A_756, %swap3A_757], %swap3A_760 {strides = array<i32>} : memref<16x3x116x2xf32, #tpu.memory_space<vmem>>, vector<1x1x116x2xf32>,
    %reduce_max3A_761 = arith.constant dense<0xFF800000> : vector<116xf32>
    %reduce_max3A_762 = vector.multi_reduction <maximumf>, %tanh3A_753, %reduce_max3A_761 [1] : vector<116x2xf32> to vector<116xf32>
    %broadcast_in_dim3A_763 = vector.shape_cast %reduce_max3A_762 : vector<116xf32> to vector<116x1xf32>
    %ge3A_764 = arith.constant 0.000000e+00 : f32
    %ge3A_765 = vector.broadcast %ge3A_764 : f32 to vector<116x1xf32>
    %ge3A_766 = arith.cmpf oge, %broadcast_in_dim3A_763, %ge3A_765 : vector<116x1xf32>
    %convert_element_type3A_767 = arith.extui %ge3A_766 : vector<116x1xi1> to vector<116x1xi32>
    %convert_element_type3A_768 = arith.sitofp %convert_element_type3A_767 : vector<116x1xi32> to vector<116x1xf32>
    %mul3A_769 = vector.broadcast %convert_element_type3A_768 : vector<116x1xf32> to vector<116x116xf32>
    %mul3A_770 = arith.mulf %get3A_748, %mul3A_769 : vector<116x116xf32>
    %get3A_771 = arith.constant 0 : index
    %get3A_772 = arith.constant 1 : index
    %get3A_773 = arith.constant 0 : index
    %get3A_774 = arith.constant 0 : index
    %get3A_775 = vector.load %arg13[%get3A_771, %get3A_772, %get3A_773, %get3A_774] : memref<1x3x116x116xf32, #tpu.memory_space<vmem>>, vector<1x1x116x116xf32>
    %get3A_776 = vector.shape_cast %get3A_775 : vector<1x1x116x116xf32> to vector<116x116xf32>
    %dot_general3A_777 = arith.constant dense<0.000000e+00> : vector<116x2xf32>
    %dot_general3A_778 = tpu.matmul %get3A_776, %get3A_459, %dot_general3A_777 {dimension_numbers = #tpu.dot_dimension_numbers<[1], [0], [0], [1], [0, 0, 1, 1], [], []>, transpose_lhs_hint = false} : vector<116x116xf32>, vector<116x2xf32>, vector<116x2xf32> -> vector<116x2xf32>
    %add3A_779 = vector.broadcast %get3A_462 : vector<1x2xf32> to vector<116x2xf32>
    %add3A_780 = arith.addf %dot_general3A_778, %add3A_779 : vector<116x2xf32>
    %tanh3A_781 = math.tanh %add3A_780 : vector<116x2xf32>
    %swap3A_782 = arith.constant 11 : index
    %swap3A_783 = arith.constant 1 : index
    %swap3A_784 = arith.constant 0 : index
    %swap3A_785 = arith.constant 0 : index
    %swap3A_786 = vector.load %arg41[%swap3A_782, %swap3A_783, %swap3A_784, %swap3A_785] : memref<16x3x116x2xf32, #tpu.memory_space<vmem>>, vector<1x1x116x2xf32>
    %swap3A_787 = vector.shape_cast %swap3A_786 : vector<1x1x116x2xf32> to vector<116x2xf32>
    %swap3A_788 = vector.shape_cast %tanh3A_781 : vector<116x2xf32> to vector<1x1x116x2xf32>
    tpu.vector_store %arg41[%swap3A_782, %swap3A_783, %swap3A_784, %swap3A_785], %swap3A_788 {strides = array<i32>} : memref<16x3x116x2xf32, #tpu.memory_space<vmem>>, vector<1x1x116x2xf32>,
    %reduce_max3A_789 = arith.constant dense<0xFF800000> : vector<116xf32>
    %reduce_max3A_790 = vector.multi_reduction <maximumf>, %tanh3A_781, %reduce_max3A_789 [1] : vector<116x2xf32> to vector<116xf32>
    %broadcast_in_dim3A_791 = vector.shape_cast %reduce_max3A_790 : vector<116xf32> to vector<116x1xf32>
    %ge3A_792 = arith.constant 0.000000e+00 : f32
    %ge3A_793 = vector.broadcast %ge3A_792 : f32 to vector<116x1xf32>
    %ge3A_794 = arith.cmpf oge, %broadcast_in_dim3A_791, %ge3A_793 : vector<116x1xf32>
    %convert_element_type3A_795 = arith.extui %ge3A_794 : vector<116x1xi1> to vector<116x1xi32>
    %convert_element_type3A_796 = arith.sitofp %convert_element_type3A_795 : vector<116x1xi32> to vector<116x1xf32>
    %mul3A_797 = vector.broadcast %convert_element_type3A_796 : vector<116x1xf32> to vector<116x116xf32>
    %mul3A_798 = arith.mulf %get3A_776, %mul3A_797 : vector<116x116xf32>
    %get3A_799 = arith.constant 0 : index
    %get3A_800 = arith.constant 1 : index
    %get3A_801 = arith.constant 0 : index
    %get3A_802 = arith.constant 0 : index
    %get3A_803 = vector.load %arg14[%get3A_799, %get3A_800, %get3A_801, %get3A_802] : memref<1x3x116x116xf32, #tpu.memory_space<vmem>>, vector<1x1x116x116xf32>
    %get3A_804 = vector.shape_cast %get3A_803 : vector<1x1x116x116xf32> to vector<116x116xf32>
    %dot_general3A_805 = arith.constant dense<0.000000e+00> : vector<116x2xf32>
    %dot_general3A_806 = tpu.matmul %get3A_804, %get3A_459, %dot_general3A_805 {dimension_numbers = #tpu.dot_dimension_numbers<[1], [0], [0], [1], [0, 0, 1, 1], [], []>, transpose_lhs_hint = false} : vector<116x116xf32>, vector<116x2xf32>, vector<116x2xf32> -> vector<116x2xf32>
    %add3A_807 = vector.broadcast %get3A_462 : vector<1x2xf32> to vector<116x2xf32>
    %add3A_808 = arith.addf %dot_general3A_806, %add3A_807 : vector<116x2xf32>
    %tanh3A_809 = math.tanh %add3A_808 : vector<116x2xf32>
    %swap3A_810 = arith.constant 12 : index
    %swap3A_811 = arith.constant 1 : index
    %swap3A_812 = arith.constant 0 : index
    %swap3A_813 = arith.constant 0 : index
    %swap3A_814 = vector.load %arg41[%swap3A_810, %swap3A_811, %swap3A_812, %swap3A_813] : memref<16x3x116x2xf32, #tpu.memory_space<vmem>>, vector<1x1x116x2xf32>
    %swap3A_815 = vector.shape_cast %swap3A_814 : vector<1x1x116x2xf32> to vector<116x2xf32>
    %swap3A_816 = vector.shape_cast %tanh3A_809 : vector<116x2xf32> to vector<1x1x116x2xf32>
    tpu.vector_store %arg41[%swap3A_810, %swap3A_811, %swap3A_812, %swap3A_813], %swap3A_816 {strides = array<i32>} : memref<16x3x116x2xf32, #tpu.memory_space<vmem>>, vector<1x1x116x2xf32>,
    %reduce_max3A_817 = arith.constant dense<0xFF800000> : vector<116xf32>
    %reduce_max3A_818 = vector.multi_reduction <maximumf>, %tanh3A_809, %reduce_max3A_817 [1] : vector<116x2xf32> to vector<116xf32>
    %broadcast_in_dim3A_819 = vector.shape_cast %reduce_max3A_818 : vector<116xf32> to vector<116x1xf32>
    %ge3A_820 = arith.constant 0.000000e+00 : f32
    %ge3A_821 = vector.broadcast %ge3A_820 : f32 to vector<116x1xf32>
    %ge3A_822 = arith.cmpf oge, %broadcast_in_dim3A_819, %ge3A_821 : vector<116x1xf32>
    %convert_element_type3A_823 = arith.extui %ge3A_822 : vector<116x1xi1> to vector<116x1xi32>
    %convert_element_type3A_824 = arith.sitofp %convert_element_type3A_823 : vector<116x1xi32> to vector<116x1xf32>
    %mul3A_825 = vector.broadcast %convert_element_type3A_824 : vector<116x1xf32> to vector<116x116xf32>
    %mul3A_826 = arith.mulf %get3A_804, %mul3A_825 : vector<116x116xf32>
    %get3A_827 = arith.constant 0 : index
    %get3A_828 = arith.constant 1 : index
    %get3A_829 = arith.constant 0 : index
    %get3A_830 = arith.constant 0 : index
    %get3A_831 = vector.load %arg15[%get3A_827, %get3A_828, %get3A_829, %get3A_830] : memref<1x3x116x116xf32, #tpu.memory_space<vmem>>, vector<1x1x116x116xf32>
    %get3A_832 = vector.shape_cast %get3A_831 : vector<1x1x116x116xf32> to vector<116x116xf32>
    %dot_general3A_833 = arith.constant dense<0.000000e+00> : vector<116x2xf32>
    %dot_general3A_834 = tpu.matmul %get3A_832, %get3A_459, %dot_general3A_833 {dimension_numbers = #tpu.dot_dimension_numbers<[1], [0], [0], [1], [0, 0, 1, 1], [], []>, transpose_lhs_hint = false} : vector<116x116xf32>, vector<116x2xf32>, vector<116x2xf32> -> vector<116x2xf32>
    %add3A_835 = vector.broadcast %get3A_462 : vector<1x2xf32> to vector<116x2xf32>
    %add3A_836 = arith.addf %dot_general3A_834, %add3A_835 : vector<116x2xf32>
    %tanh3A_837 = math.tanh %add3A_836 : vector<116x2xf32>
    %swap3A_838 = arith.constant 13 : index
    %swap3A_839 = arith.constant 1 : index
    %swap3A_840 = arith.constant 0 : index
    %swap3A_841 = arith.constant 0 : index
    %swap3A_842 = vector.load %arg41[%swap3A_838, %swap3A_839, %swap3A_840, %swap3A_841] : memref<16x3x116x2xf32, #tpu.memory_space<vmem>>, vector<1x1x116x2xf32>
    %swap3A_843 = vector.shape_cast %swap3A_842 : vector<1x1x116x2xf32> to vector<116x2xf32>
    %swap3A_844 = vector.shape_cast %tanh3A_837 : vector<116x2xf32> to vector<1x1x116x2xf32>
    tpu.vector_store %arg41[%swap3A_838, %swap3A_839, %swap3A_840, %swap3A_841], %swap3A_844 {strides = array<i32>} : memref<16x3x116x2xf32, #tpu.memory_space<vmem>>, vector<1x1x116x2xf32>,
    %reduce_max3A_845 = arith.constant dense<0xFF800000> : vector<116xf32>
    %reduce_max3A_846 = vector.multi_reduction <maximumf>, %tanh3A_837, %reduce_max3A_845 [1] : vector<116x2xf32> to vector<116xf32>
    %broadcast_in_dim3A_847 = vector.shape_cast %reduce_max3A_846 : vector<116xf32> to vector<116x1xf32>
    %ge3A_848 = arith.constant 0.000000e+00 : f32
    %ge3A_849 = vector.broadcast %ge3A_848 : f32 to vector<116x1xf32>
    %ge3A_850 = arith.cmpf oge, %broadcast_in_dim3A_847, %ge3A_849 : vector<116x1xf32>
    %convert_element_type3A_851 = arith.extui %ge3A_850 : vector<116x1xi1> to vector<116x1xi32>
    %convert_element_type3A_852 = arith.sitofp %convert_element_type3A_851 : vector<116x1xi32> to vector<116x1xf32>
    %mul3A_853 = vector.broadcast %convert_element_type3A_852 : vector<116x1xf32> to vector<116x116xf32>
    %mul3A_854 = arith.mulf %get3A_832, %mul3A_853 : vector<116x116xf32>
    %get3A_855 = arith.constant 0 : index
    %get3A_856 = arith.constant 1 : index
    %get3A_857 = arith.constant 0 : index
    %get3A_858 = arith.constant 0 : index
    %get3A_859 = vector.load %arg16[%get3A_855, %get3A_856, %get3A_857, %get3A_858] : memref<1x3x116x116xf32, #tpu.memory_space<vmem>>, vector<1x1x116x116xf32>
    %get3A_860 = vector.shape_cast %get3A_859 : vector<1x1x116x116xf32> to vector<116x116xf32>
    %dot_general3A_861 = arith.constant dense<0.000000e+00> : vector<116x2xf32>
    %dot_general3A_862 = tpu.matmul %get3A_860, %get3A_459, %dot_general3A_861 {dimension_numbers = #tpu.dot_dimension_numbers<[1], [0], [0], [1], [0, 0, 1, 1], [], []>, transpose_lhs_hint = false} : vector<116x116xf32>, vector<116x2xf32>, vector<116x2xf32> -> vector<116x2xf32>
    %add3A_863 = vector.broadcast %get3A_462 : vector<1x2xf32> to vector<116x2xf32>
    %add3A_864 = arith.addf %dot_general3A_862, %add3A_863 : vector<116x2xf32>
    %tanh3A_865 = math.tanh %add3A_864 : vector<116x2xf32>
    %swap3A_866 = arith.constant 14 : index
    %swap3A_867 = arith.constant 1 : index
    %swap3A_868 = arith.constant 0 : index
    %swap3A_869 = arith.constant 0 : index
    %swap3A_870 = vector.load %arg41[%swap3A_866, %swap3A_867, %swap3A_868, %swap3A_869] : memref<16x3x116x2xf32, #tpu.memory_space<vmem>>, vector<1x1x116x2xf32>
    %swap3A_871 = vector.shape_cast %swap3A_870 : vector<1x1x116x2xf32> to vector<116x2xf32>
    %swap3A_872 = vector.shape_cast %tanh3A_865 : vector<116x2xf32> to vector<1x1x116x2xf32>
    tpu.vector_store %arg41[%swap3A_866, %swap3A_867, %swap3A_868, %swap3A_869], %swap3A_872 {strides = array<i32>} : memref<16x3x116x2xf32, #tpu.memory_space<vmem>>, vector<1x1x116x2xf32>,
    %reduce_max3A_873 = arith.constant dense<0xFF800000> : vector<116xf32>
    %reduce_max3A_874 = vector.multi_reduction <maximumf>, %tanh3A_865, %reduce_max3A_873 [1] : vector<116x2xf32> to vector<116xf32>
    %broadcast_in_dim3A_875 = vector.shape_cast %reduce_max3A_874 : vector<116xf32> to vector<116x1xf32>
    %ge3A_876 = arith.constant 0.000000e+00 : f32
    %ge3A_877 = vector.broadcast %ge3A_876 : f32 to vector<116x1xf32>
    %ge3A_878 = arith.cmpf oge, %broadcast_in_dim3A_875, %ge3A_877 : vector<116x1xf32>
    %convert_element_type3A_879 = arith.extui %ge3A_878 : vector<116x1xi1> to vector<116x1xi32>
    %convert_element_type3A_880 = arith.sitofp %convert_element_type3A_879 : vector<116x1xi32> to vector<116x1xf32>
    %mul3A_881 = vector.broadcast %convert_element_type3A_880 : vector<116x1xf32> to vector<116x116xf32>
    %mul3A_882 = arith.mulf %get3A_860, %mul3A_881 : vector<116x116xf32>
    %get3A_883 = arith.constant 0 : index
    %get3A_884 = arith.constant 1 : index
    %get3A_885 = arith.constant 0 : index
    %get3A_886 = arith.constant 0 : index
    %get3A_887 = vector.load %arg17[%get3A_883, %get3A_884, %get3A_885, %get3A_886] : memref<1x3x116x116xf32, #tpu.memory_space<vmem>>, vector<1x1x116x116xf32>
    %get3A_888 = vector.shape_cast %get3A_887 : vector<1x1x116x116xf32> to vector<116x116xf32>
    %dot_general3A_889 = arith.constant dense<0.000000e+00> : vector<116x2xf32>
    %dot_general3A_890 = tpu.matmul %get3A_888, %get3A_459, %dot_general3A_889 {dimension_numbers = #tpu.dot_dimension_numbers<[1], [0], [0], [1], [0, 0, 1, 1], [], []>, transpose_lhs_hint = false} : vector<116x116xf32>, vector<116x2xf32>, vector<116x2xf32> -> vector<116x2xf32>
    %add3A_891 = vector.broadcast %get3A_462 : vector<1x2xf32> to vector<116x2xf32>
    %add3A_892 = arith.addf %dot_general3A_890, %add3A_891 : vector<116x2xf32>
    %tanh3A_893 = math.tanh %add3A_892 : vector<116x2xf32>
    %swap3A_894 = arith.constant 15 : index
    %swap3A_895 = arith.constant 1 : index
    %swap3A_896 = arith.constant 0 : index
    %swap3A_897 = arith.constant 0 : index
    %swap3A_898 = vector.load %arg41[%swap3A_894, %swap3A_895, %swap3A_896, %swap3A_897] : memref<16x3x116x2xf32, #tpu.memory_space<vmem>>, vector<1x1x116x2xf32>
    %swap3A_899 = vector.shape_cast %swap3A_898 : vector<1x1x116x2xf32> to vector<116x2xf32>
    %swap3A_900 = vector.shape_cast %tanh3A_893 : vector<116x2xf32> to vector<1x1x116x2xf32>
    tpu.vector_store %arg41[%swap3A_894, %swap3A_895, %swap3A_896, %swap3A_897], %swap3A_900 {strides = array<i32>} : memref<16x3x116x2xf32, #tpu.memory_space<vmem>>, vector<1x1x116x2xf32>,
    %reduce_max3A_901 = arith.constant dense<0xFF800000> : vector<116xf32>
    %reduce_max3A_902 = vector.multi_reduction <maximumf>, %tanh3A_893, %reduce_max3A_901 [1] : vector<116x2xf32> to vector<116xf32>
    %broadcast_in_dim3A_903 = vector.shape_cast %reduce_max3A_902 : vector<116xf32> to vector<116x1xf32>
    %ge3A_904 = arith.constant 0.000000e+00 : f32
    %ge3A_905 = vector.broadcast %ge3A_904 : f32 to vector<116x1xf32>
    %ge3A_906 = arith.cmpf oge, %broadcast_in_dim3A_903, %ge3A_905 : vector<116x1xf32>
    %convert_element_type3A_907 = arith.extui %ge3A_906 : vector<116x1xi1> to vector<116x1xi32>
    %convert_element_type3A_908 = arith.sitofp %convert_element_type3A_907 : vector<116x1xi32> to vector<116x1xf32>
    %mul3A_909 = vector.broadcast %convert_element_type3A_908 : vector<116x1xf32> to vector<116x116xf32>
    %mul3A_910 = arith.mulf %get3A_888, %mul3A_909 : vector<116x116xf32>
    %get3A_911 = arith.constant 2 : index
    %get3A_912 = arith.constant 0 : index
    %get3A_913 = arith.constant 0 : index
    %get3A_914 = vector.load %arg34[%get3A_911, %get3A_912, %get3A_913] : memref<3x116x2xf32, #tpu.memory_space<vmem>>, vector<1x116x2xf32>
    %get3A_915 = vector.shape_cast %get3A_914 : vector<1x116x2xf32> to vector<116x2xf32>
    %get3A_916 = arith.constant 2 : index
    %get3A_917 = arith.constant 0 : index
    %get3A_918 = vector.load %arg35[%get3A_916, %get3A_917] : memref<3x2xf32, #tpu.memory_space<vmem>>, vector<1x2xf32>
    %get3A_919 = arith.constant 0 : index
    %get3A_920 = arith.constant 2 : index
    %get3A_921 = arith.constant 0 : index
    %get3A_922 = arith.constant 0 : index
    %get3A_923 = vector.load %arg2[%get3A_919, %get3A_920, %get3A_921, %get3A_922] : memref<1x3x116x116xf32, #tpu.memory_space<vmem>>, vector<1x1x116x116xf32>
    %get3A_924 = vector.shape_cast %get3A_923 : vector<1x1x116x116xf32> to vector<116x116xf32>
    %dot_general3A_925 = arith.constant dense<0.000000e+00> : vector<116x2xf32>
    %dot_general3A_926 = tpu.matmul %get3A_924, %get3A_915, %dot_general3A_925 {dimension_numbers = #tpu.dot_dimension_numbers<[1], [0], [0], [1], [0, 0, 1, 1], [], []>, transpose_lhs_hint = false} : vector<116x116xf32>, vector<116x2xf32>, vector<116x2xf32> -> vector<116x2xf32>
    %add3A_927 = vector.broadcast %get3A_918 : vector<1x2xf32> to vector<116x2xf32>
    %add3A_928 = arith.addf %dot_general3A_926, %add3A_927 : vector<116x2xf32>
    %tanh3A_929 = math.tanh %add3A_928 : vector<116x2xf32>
    %swap3A_930 = arith.constant 0 : index
    %swap3A_931 = arith.constant 2 : index
    %swap3A_932 = arith.constant 0 : index
    %swap3A_933 = arith.constant 0 : index
    %swap3A_934 = vector.load %arg41[%swap3A_930, %swap3A_931, %swap3A_932, %swap3A_933] : memref<16x3x116x2xf32, #tpu.memory_space<vmem>>, vector<1x1x116x2xf32>
    %swap3A_935 = vector.shape_cast %swap3A_934 : vector<1x1x116x2xf32> to vector<116x2xf32>
    %swap3A_936 = vector.shape_cast %tanh3A_929 : vector<116x2xf32> to vector<1x1x116x2xf32>
    tpu.vector_store %arg41[%swap3A_930, %swap3A_931, %swap3A_932, %swap3A_933], %swap3A_936 {strides = array<i32>} : memref<16x3x116x2xf32, #tpu.memory_space<vmem>>, vector<1x1x116x2xf32>,
    %reduce_max3A_937 = arith.constant dense<0xFF800000> : vector<116xf32>
    %reduce_max3A_938 = vector.multi_reduction <maximumf>, %tanh3A_929, %reduce_max3A_937 [1] : vector<116x2xf32> to vector<116xf32>
    %broadcast_in_dim3A_939 = vector.shape_cast %reduce_max3A_938 : vector<116xf32> to vector<116x1xf32>
    %ge3A_940 = arith.constant 0.000000e+00 : f32
    %ge3A_941 = vector.broadcast %ge3A_940 : f32 to vector<116x1xf32>
    %ge3A_942 = arith.cmpf oge, %broadcast_in_dim3A_939, %ge3A_941 : vector<116x1xf32>
    %convert_element_type3A_943 = arith.extui %ge3A_942 : vector<116x1xi1> to vector<116x1xi32>
    %convert_element_type3A_944 = arith.sitofp %convert_element_type3A_943 : vector<116x1xi32> to vector<116x1xf32>
    %mul3A_945 = vector.broadcast %convert_element_type3A_944 : vector<116x1xf32> to vector<116x116xf32>
    %mul3A_946 = arith.mulf %get3A_924, %mul3A_945 : vector<116x116xf32>
    %get3A_947 = arith.constant 0 : index
    %get3A_948 = arith.constant 2 : index
    %get3A_949 = arith.constant 0 : index
    %get3A_950 = arith.constant 0 : index
    %get3A_951 = vector.load %arg3[%get3A_947, %get3A_948, %get3A_949, %get3A_950] : memref<1x3x116x116xf32, #tpu.memory_space<vmem>>, vector<1x1x116x116xf32>
    %get3A_952 = vector.shape_cast %get3A_951 : vector<1x1x116x116xf32> to vector<116x116xf32>
    %dot_general3A_953 = arith.constant dense<0.000000e+00> : vector<116x2xf32>
    %dot_general3A_954 = tpu.matmul %get3A_952, %get3A_915, %dot_general3A_953 {dimension_numbers = #tpu.dot_dimension_numbers<[1], [0], [0], [1], [0, 0, 1, 1], [], []>, transpose_lhs_hint = false} : vector<116x116xf32>, vector<116x2xf32>, vector<116x2xf32> -> vector<116x2xf32>
    %add3A_955 = vector.broadcast %get3A_918 : vector<1x2xf32> to vector<116x2xf32>
    %add3A_956 = arith.addf %dot_general3A_954, %add3A_955 : vector<116x2xf32>
    %tanh3A_957 = math.tanh %add3A_956 : vector<116x2xf32>
    %swap3A_958 = arith.constant 1 : index
    %swap3A_959 = arith.constant 2 : index
    %swap3A_960 = arith.constant 0 : index
    %swap3A_961 = arith.constant 0 : index
    %swap3A_962 = vector.load %arg41[%swap3A_958, %swap3A_959, %swap3A_960, %swap3A_961] : memref<16x3x116x2xf32, #tpu.memory_space<vmem>>, vector<1x1x116x2xf32>
    %swap3A_963 = vector.shape_cast %swap3A_962 : vector<1x1x116x2xf32> to vector<116x2xf32>
    %swap3A_964 = vector.shape_cast %tanh3A_957 : vector<116x2xf32> to vector<1x1x116x2xf32>
    tpu.vector_store %arg41[%swap3A_958, %swap3A_959, %swap3A_960, %swap3A_961], %swap3A_964 {strides = array<i32>} : memref<16x3x116x2xf32, #tpu.memory_space<vmem>>, vector<1x1x116x2xf32>,
    %reduce_max3A_965 = arith.constant dense<0xFF800000> : vector<116xf32>
    %reduce_max3A_966 = vector.multi_reduction <maximumf>, %tanh3A_957, %reduce_max3A_965 [1] : vector<116x2xf32> to vector<116xf32>
    %broadcast_in_dim3A_967 = vector.shape_cast %reduce_max3A_966 : vector<116xf32> to vector<116x1xf32>
    %ge3A_968 = arith.constant 0.000000e+00 : f32
    %ge3A_969 = vector.broadcast %ge3A_968 : f32 to vector<116x1xf32>
    %ge3A_970 = arith.cmpf oge, %broadcast_in_dim3A_967, %ge3A_969 : vector<116x1xf32>
    %convert_element_type3A_971 = arith.extui %ge3A_970 : vector<116x1xi1> to vector<116x1xi32>
    %convert_element_type3A_972 = arith.sitofp %convert_element_type3A_971 : vector<116x1xi32> to vector<116x1xf32>
    %mul3A_973 = vector.broadcast %convert_element_type3A_972 : vector<116x1xf32> to vector<116x116xf32>
    %mul3A_974 = arith.mulf %get3A_952, %mul3A_973 : vector<116x116xf32>
    %get3A_975 = arith.constant 0 : index
    %get3A_976 = arith.constant 2 : index
    %get3A_977 = arith.constant 0 : index
    %get3A_978 = arith.constant 0 : index
    %get3A_979 = vector.load %arg4[%get3A_975, %get3A_976, %get3A_977, %get3A_978] : memref<1x3x116x116xf32, #tpu.memory_space<vmem>>, vector<1x1x116x116xf32>
    %get3A_980 = vector.shape_cast %get3A_979 : vector<1x1x116x116xf32> to vector<116x116xf32>
    %dot_general3A_981 = arith.constant dense<0.000000e+00> : vector<116x2xf32>
    %dot_general3A_982 = tpu.matmul %get3A_980, %get3A_915, %dot_general3A_981 {dimension_numbers = #tpu.dot_dimension_numbers<[1], [0], [0], [1], [0, 0, 1, 1], [], []>, transpose_lhs_hint = false} : vector<116x116xf32>, vector<116x2xf32>, vector<116x2xf32> -> vector<116x2xf32>
    %add3A_983 = vector.broadcast %get3A_918 : vector<1x2xf32> to vector<116x2xf32>
    %add3A_984 = arith.addf %dot_general3A_982, %add3A_983 : vector<116x2xf32>
    %tanh3A_985 = math.tanh %add3A_984 : vector<116x2xf32>
    %swap3A_986 = arith.constant 2 : index
    %swap3A_987 = arith.constant 2 : index
    %swap3A_988 = arith.constant 0 : index
    %swap3A_989 = arith.constant 0 : index
    %swap3A_990 = vector.load %arg41[%swap3A_986, %swap3A_987, %swap3A_988, %swap3A_989] : memref<16x3x116x2xf32, #tpu.memory_space<vmem>>, vector<1x1x116x2xf32>
    %swap3A_991 = vector.shape_cast %swap3A_990 : vector<1x1x116x2xf32> to vector<116x2xf32>
    %swap3A_992 = vector.shape_cast %tanh3A_985 : vector<116x2xf32> to vector<1x1x116x2xf32>
    tpu.vector_store %arg41[%swap3A_986, %swap3A_987, %swap3A_988, %swap3A_989], %swap3A_992 {strides = array<i32>} : memref<16x3x116x2xf32, #tpu.memory_space<vmem>>, vector<1x1x116x2xf32>,
    %reduce_max3A_993 = arith.constant dense<0xFF800000> : vector<116xf32>
    %reduce_max3A_994 = vector.multi_reduction <maximumf>, %tanh3A_985, %reduce_max3A_993 [1] : vector<116x2xf32> to vector<116xf32>
    %broadcast_in_dim3A_995 = vector.shape_cast %reduce_max3A_994 : vector<116xf32> to vector<116x1xf32>
    %ge3A_996 = arith.constant 0.000000e+00 : f32
    %ge3A_997 = vector.broadcast %ge3A_996 : f32 to vector<116x1xf32>
    %ge3A_998 = arith.cmpf oge, %broadcast_in_dim3A_995, %ge3A_997 : vector<116x1xf32>
    %convert_element_type3A_999 = arith.extui %ge3A_998 : vector<116x1xi1> to vector<116x1xi32>
    %convert_element_type3A_1000 = arith.sitofp %convert_element_type3A_999 : vector<116x1xi32> to vector<116x1xf32>
    %mul3A_1001 = vector.broadcast %convert_element_type3A_1000 : vector<116x1xf32> to vector<116x116xf32>
    %mul3A_1002 = arith.mulf %get3A_980, %mul3A_1001 : vector<116x116xf32>
    %get3A_1003 = arith.constant 0 : index
    %get3A_1004 = arith.constant 2 : index
    %get3A_1005 = arith.constant 0 : index
    %get3A_1006 = arith.constant 0 : index
    %get3A_1007 = vector.load %arg5[%get3A_1003, %get3A_1004, %get3A_1005, %get3A_1006] : memref<1x3x116x116xf32, #tpu.memory_space<vmem>>, vector<1x1x116x116xf32>
    %get3A_1008 = vector.shape_cast %get3A_1007 : vector<1x1x116x116xf32> to vector<116x116xf32>
    %dot_general3A_1009 = arith.constant dense<0.000000e+00> : vector<116x2xf32>
    %dot_general3A_1010 = tpu.matmul %get3A_1008, %get3A_915, %dot_general3A_1009 {dimension_numbers = #tpu.dot_dimension_numbers<[1], [0], [0], [1], [0, 0, 1, 1], [], []>, transpose_lhs_hint = false} : vector<116x116xf32>, vector<116x2xf32>, vector<116x2xf32> -> vector<116x2xf32>
    %add3A_1011 = vector.broadcast %get3A_918 : vector<1x2xf32> to vector<116x2xf32>
    %add3A_1012 = arith.addf %dot_general3A_1010, %add3A_1011 : vector<116x2xf32>
    %tanh3A_1013 = math.tanh %add3A_1012 : vector<116x2xf32>
    %swap3A_1014 = arith.constant 3 : index
    %swap3A_1015 = arith.constant 2 : index
    %swap3A_1016 = arith.constant 0 : index
    %swap3A_1017 = arith.constant 0 : index
    %swap3A_1018 = vector.load %arg41[%swap3A_1014, %swap3A_1015, %swap3A_1016, %swap3A_1017] : memref<16x3x116x2xf32, #tpu.memory_space<vmem>>, vector<1x1x116x2xf32>
    %swap3A_1019 = vector.shape_cast %swap3A_1018 : vector<1x1x116x2xf32> to vector<116x2xf32>
    %swap3A_1020 = vector.shape_cast %tanh3A_1013 : vector<116x2xf32> to vector<1x1x116x2xf32>
    tpu.vector_store %arg41[%swap3A_1014, %swap3A_1015, %swap3A_1016, %swap3A_1017], %swap3A_1020 {strides = array<i32>} : memref<16x3x116x2xf32, #tpu.memory_space<vmem>>, vector<1x1x116x2xf32>,
    %reduce_max3A_1021 = arith.constant dense<0xFF800000> : vector<116xf32>
    %reduce_max3A_1022 = vector.multi_reduction <maximumf>, %tanh3A_1013, %reduce_max3A_1021 [1] : vector<116x2xf32> to vector<116xf32>
    %broadcast_in_dim3A_1023 = vector.shape_cast %reduce_max3A_1022 : vector<116xf32> to vector<116x1xf32>
    %ge3A_1024 = arith.constant 0.000000e+00 : f32
    %ge3A_1025 = vector.broadcast %ge3A_1024 : f32 to vector<116x1xf32>
    %ge3A_1026 = arith.cmpf oge, %broadcast_in_dim3A_1023, %ge3A_1025 : vector<116x1xf32>
    %convert_element_type3A_1027 = arith.extui %ge3A_1026 : vector<116x1xi1> to vector<116x1xi32>
    %convert_element_type3A_1028 = arith.sitofp %convert_element_type3A_1027 : vector<116x1xi32> to vector<116x1xf32>
    %mul3A_1029 = vector.broadcast %convert_element_type3A_1028 : vector<116x1xf32> to vector<116x116xf32>
    %mul3A_1030 = arith.mulf %get3A_1008, %mul3A_1029 : vector<116x116xf32>
    %get3A_1031 = arith.constant 0 : index
    %get3A_1032 = arith.constant 2 : index
    %get3A_1033 = arith.constant 0 : index
    %get3A_1034 = arith.constant 0 : index
    %get3A_1035 = vector.load %arg6[%get3A_1031, %get3A_1032, %get3A_1033, %get3A_1034] : memref<1x3x116x116xf32, #tpu.memory_space<vmem>>, vector<1x1x116x116xf32>
    %get3A_1036 = vector.shape_cast %get3A_1035 : vector<1x1x116x116xf32> to vector<116x116xf32>
    %dot_general3A_1037 = arith.constant dense<0.000000e+00> : vector<116x2xf32>
    %dot_general3A_1038 = tpu.matmul %get3A_1036, %get3A_915, %dot_general3A_1037 {dimension_numbers = #tpu.dot_dimension_numbers<[1], [0], [0], [1], [0, 0, 1, 1], [], []>, transpose_lhs_hint = false} : vector<116x116xf32>, vector<116x2xf32>, vector<116x2xf32> -> vector<116x2xf32>
    %add3A_1039 = vector.broadcast %get3A_918 : vector<1x2xf32> to vector<116x2xf32>
    %add3A_1040 = arith.addf %dot_general3A_1038, %add3A_1039 : vector<116x2xf32>
    %tanh3A_1041 = math.tanh %add3A_1040 : vector<116x2xf32>
    %swap3A_1042 = arith.constant 4 : index
    %swap3A_1043 = arith.constant 2 : index
    %swap3A_1044 = arith.constant 0 : index
    %swap3A_1045 = arith.constant 0 : index
    %swap3A_1046 = vector.load %arg41[%swap3A_1042, %swap3A_1043, %swap3A_1044, %swap3A_1045] : memref<16x3x116x2xf32, #tpu.memory_space<vmem>>, vector<1x1x116x2xf32>
    %swap3A_1047 = vector.shape_cast %swap3A_1046 : vector<1x1x116x2xf32> to vector<116x2xf32>
    %swap3A_1048 = vector.shape_cast %tanh3A_1041 : vector<116x2xf32> to vector<1x1x116x2xf32>
    tpu.vector_store %arg41[%swap3A_1042, %swap3A_1043, %swap3A_1044, %swap3A_1045], %swap3A_1048 {strides = array<i32>} : memref<16x3x116x2xf32, #tpu.memory_space<vmem>>, vector<1x1x116x2xf32>,
    %reduce_max3A_1049 = arith.constant dense<0xFF800000> : vector<116xf32>
    %reduce_max3A_1050 = vector.multi_reduction <maximumf>, %tanh3A_1041, %reduce_max3A_1049 [1] : vector<116x2xf32> to vector<116xf32>
    %broadcast_in_dim3A_1051 = vector.shape_cast %reduce_max3A_1050 : vector<116xf32> to vector<116x1xf32>
    %ge3A_1052 = arith.constant 0.000000e+00 : f32
    %ge3A_1053 = vector.broadcast %ge3A_1052 : f32 to vector<116x1xf32>
    %ge3A_1054 = arith.cmpf oge, %broadcast_in_dim3A_1051, %ge3A_1053 : vector<116x1xf32>
    %convert_element_type3A_1055 = arith.extui %ge3A_1054 : vector<116x1xi1> to vector<116x1xi32>
    %convert_element_type3A_1056 = arith.sitofp %convert_element_type3A_1055 : vector<116x1xi32> to vector<116x1xf32>
    %mul3A_1057 = vector.broadcast %convert_element_type3A_1056 : vector<116x1xf32> to vector<116x116xf32>
    %mul3A_1058 = arith.mulf %get3A_1036, %mul3A_1057 : vector<116x116xf32>
    %get3A_1059 = arith.constant 0 : index
    %get3A_1060 = arith.constant 2 : index
    %get3A_1061 = arith.constant 0 : index
    %get3A_1062 = arith.constant 0 : index
    %get3A_1063 = vector.load %arg7[%get3A_1059, %get3A_1060, %get3A_1061, %get3A_1062] : memref<1x3x116x116xf32, #tpu.memory_space<vmem>>, vector<1x1x116x116xf32>
    %get3A_1064 = vector.shape_cast %get3A_1063 : vector<1x1x116x116xf32> to vector<116x116xf32>
    %dot_general3A_1065 = arith.constant dense<0.000000e+00> : vector<116x2xf32>
    %dot_general3A_1066 = tpu.matmul %get3A_1064, %get3A_915, %dot_general3A_1065 {dimension_numbers = #tpu.dot_dimension_numbers<[1], [0], [0], [1], [0, 0, 1, 1], [], []>, transpose_lhs_hint = false} : vector<116x116xf32>, vector<116x2xf32>, vector<116x2xf32> -> vector<116x2xf32>
    %add3A_1067 = vector.broadcast %get3A_918 : vector<1x2xf32> to vector<116x2xf32>
    %add3A_1068 = arith.addf %dot_general3A_1066, %add3A_1067 : vector<116x2xf32>
    %tanh3A_1069 = math.tanh %add3A_1068 : vector<116x2xf32>
    %swap3A_1070 = arith.constant 5 : index
    %swap3A_1071 = arith.constant 2 : index
    %swap3A_1072 = arith.constant 0 : index
    %swap3A_1073 = arith.constant 0 : index
    %swap3A_1074 = vector.load %arg41[%swap3A_1070, %swap3A_1071, %swap3A_1072, %swap3A_1073] : memref<16x3x116x2xf32, #tpu.memory_space<vmem>>, vector<1x1x116x2xf32>
    %swap3A_1075 = vector.shape_cast %swap3A_1074 : vector<1x1x116x2xf32> to vector<116x2xf32>
    %swap3A_1076 = vector.shape_cast %tanh3A_1069 : vector<116x2xf32> to vector<1x1x116x2xf32>
    tpu.vector_store %arg41[%swap3A_1070, %swap3A_1071, %swap3A_1072, %swap3A_1073], %swap3A_1076 {strides = array<i32>} : memref<16x3x116x2xf32, #tpu.memory_space<vmem>>, vector<1x1x116x2xf32>,
    %reduce_max3A_1077 = arith.constant dense<0xFF800000> : vector<116xf32>
    %reduce_max3A_1078 = vector.multi_reduction <maximumf>, %tanh3A_1069, %reduce_max3A_1077 [1] : vector<116x2xf32> to vector<116xf32>
    %broadcast_in_dim3A_1079 = vector.shape_cast %reduce_max3A_1078 : vector<116xf32> to vector<116x1xf32>
    %ge3A_1080 = arith.constant 0.000000e+00 : f32
    %ge3A_1081 = vector.broadcast %ge3A_1080 : f32 to vector<116x1xf32>
    %ge3A_1082 = arith.cmpf oge, %broadcast_in_dim3A_1079, %ge3A_1081 : vector<116x1xf32>
    %convert_element_type3A_1083 = arith.extui %ge3A_1082 : vector<116x1xi1> to vector<116x1xi32>
    %convert_element_type3A_1084 = arith.sitofp %convert_element_type3A_1083 : vector<116x1xi32> to vector<116x1xf32>
    %mul3A_1085 = vector.broadcast %convert_element_type3A_1084 : vector<116x1xf32> to vector<116x116xf32>
    %mul3A_1086 = arith.mulf %get3A_1064, %mul3A_1085 : vector<116x116xf32>
    %get3A_1087 = arith.constant 0 : index
    %get3A_1088 = arith.constant 2 : index
    %get3A_1089 = arith.constant 0 : index
    %get3A_1090 = arith.constant 0 : index
    %get3A_1091 = vector.load %arg8[%get3A_1087, %get3A_1088, %get3A_1089, %get3A_1090] : memref<1x3x116x116xf32, #tpu.memory_space<vmem>>, vector<1x1x116x116xf32>
    %get3A_1092 = vector.shape_cast %get3A_1091 : vector<1x1x116x116xf32> to vector<116x116xf32>
    %dot_general3A_1093 = arith.constant dense<0.000000e+00> : vector<116x2xf32>
    %dot_general3A_1094 = tpu.matmul %get3A_1092, %get3A_915, %dot_general3A_1093 {dimension_numbers = #tpu.dot_dimension_numbers<[1], [0], [0], [1], [0, 0, 1, 1], [], []>, transpose_lhs_hint = false} : vector<116x116xf32>, vector<116x2xf32>, vector<116x2xf32> -> vector<116x2xf32>
    %add3A_1095 = vector.broadcast %get3A_918 : vector<1x2xf32> to vector<116x2xf32>
    %add3A_1096 = arith.addf %dot_general3A_1094, %add3A_1095 : vector<116x2xf32>
    %tanh3A_1097 = math.tanh %add3A_1096 : vector<116x2xf32>
    %swap3A_1098 = arith.constant 6 : index
    %swap3A_1099 = arith.constant 2 : index
    %swap3A_1100 = arith.constant 0 : index
    %swap3A_1101 = arith.constant 0 : index
    %swap3A_1102 = vector.load %arg41[%swap3A_1098, %swap3A_1099, %swap3A_1100, %swap3A_1101] : memref<16x3x116x2xf32, #tpu.memory_space<vmem>>, vector<1x1x116x2xf32>
    %swap3A_1103 = vector.shape_cast %swap3A_1102 : vector<1x1x116x2xf32> to vector<116x2xf32>
    %swap3A_1104 = vector.shape_cast %tanh3A_1097 : vector<116x2xf32> to vector<1x1x116x2xf32>
    tpu.vector_store %arg41[%swap3A_1098, %swap3A_1099, %swap3A_1100, %swap3A_1101], %swap3A_1104 {strides = array<i32>} : memref<16x3x116x2xf32, #tpu.memory_space<vmem>>, vector<1x1x116x2xf32>,
    %reduce_max3A_1105 = arith.constant dense<0xFF800000> : vector<116xf32>
    %reduce_max3A_1106 = vector.multi_reduction <maximumf>, %tanh3A_1097, %reduce_max3A_1105 [1] : vector<116x2xf32> to vector<116xf32>
    %broadcast_in_dim3A_1107 = vector.shape_cast %reduce_max3A_1106 : vector<116xf32> to vector<116x1xf32>
    %ge3A_1108 = arith.constant 0.000000e+00 : f32
    %ge3A_1109 = vector.broadcast %ge3A_1108 : f32 to vector<116x1xf32>
    %ge3A_1110 = arith.cmpf oge, %broadcast_in_dim3A_1107, %ge3A_1109 : vector<116x1xf32>
    %convert_element_type3A_1111 = arith.extui %ge3A_1110 : vector<116x1xi1> to vector<116x1xi32>
    %convert_element_type3A_1112 = arith.sitofp %convert_element_type3A_1111 : vector<116x1xi32> to vector<116x1xf32>
    %mul3A_1113 = vector.broadcast %convert_element_type3A_1112 : vector<116x1xf32> to vector<116x116xf32>
    %mul3A_1114 = arith.mulf %get3A_1092, %mul3A_1113 : vector<116x116xf32>
    %get3A_1115 = arith.constant 0 : index
    %get3A_1116 = arith.constant 2 : index
    %get3A_1117 = arith.constant 0 : index
    %get3A_1118 = arith.constant 0 : index
    %get3A_1119 = vector.load %arg9[%get3A_1115, %get3A_1116, %get3A_1117, %get3A_1118] : memref<1x3x116x116xf32, #tpu.memory_space<vmem>>, vector<1x1x116x116xf32>
    %get3A_1120 = vector.shape_cast %get3A_1119 : vector<1x1x116x116xf32> to vector<116x116xf32>
    %dot_general3A_1121 = arith.constant dense<0.000000e+00> : vector<116x2xf32>
    %dot_general3A_1122 = tpu.matmul %get3A_1120, %get3A_915, %dot_general3A_1121 {dimension_numbers = #tpu.dot_dimension_numbers<[1], [0], [0], [1], [0, 0, 1, 1], [], []>, transpose_lhs_hint = false} : vector<116x116xf32>, vector<116x2xf32>, vector<116x2xf32> -> vector<116x2xf32>
    %add3A_1123 = vector.broadcast %get3A_918 : vector<1x2xf32> to vector<116x2xf32>
    %add3A_1124 = arith.addf %dot_general3A_1122, %add3A_1123 : vector<116x2xf32>
    %tanh3A_1125 = math.tanh %add3A_1124 : vector<116x2xf32>
    %swap3A_1126 = arith.constant 7 : index
    %swap3A_1127 = arith.constant 2 : index
    %swap3A_1128 = arith.constant 0 : index
    %swap3A_1129 = arith.constant 0 : index
    %swap3A_1130 = vector.load %arg41[%swap3A_1126, %swap3A_1127, %swap3A_1128, %swap3A_1129] : memref<16x3x116x2xf32, #tpu.memory_space<vmem>>, vector<1x1x116x2xf32>
    %swap3A_1131 = vector.shape_cast %swap3A_1130 : vector<1x1x116x2xf32> to vector<116x2xf32>
    %swap3A_1132 = vector.shape_cast %tanh3A_1125 : vector<116x2xf32> to vector<1x1x116x2xf32>
    tpu.vector_store %arg41[%swap3A_1126, %swap3A_1127, %swap3A_1128, %swap3A_1129], %swap3A_1132 {strides = array<i32>} : memref<16x3x116x2xf32, #tpu.memory_space<vmem>>, vector<1x1x116x2xf32>,
    %reduce_max3A_1133 = arith.constant dense<0xFF800000> : vector<116xf32>
    %reduce_max3A_1134 = vector.multi_reduction <maximumf>, %tanh3A_1125, %reduce_max3A_1133 [1] : vector<116x2xf32> to vector<116xf32>
    %broadcast_in_dim3A_1135 = vector.shape_cast %reduce_max3A_1134 : vector<116xf32> to vector<116x1xf32>
    %ge3A_1136 = arith.constant 0.000000e+00 : f32
    %ge3A_1137 = vector.broadcast %ge3A_1136 : f32 to vector<116x1xf32>
    %ge3A_1138 = arith.cmpf oge, %broadcast_in_dim3A_1135, %ge3A_1137 : vector<116x1xf32>
    %convert_element_type3A_1139 = arith.extui %ge3A_1138 : vector<116x1xi1> to vector<116x1xi32>
    %convert_element_type3A_1140 = arith.sitofp %convert_element_type3A_1139 : vector<116x1xi32> to vector<116x1xf32>
    %mul3A_1141 = vector.broadcast %convert_element_type3A_1140 : vector<116x1xf32> to vector<116x116xf32>
    %mul3A_1142 = arith.mulf %get3A_1120, %mul3A_1141 : vector<116x116xf32>
    %get3A_1143 = arith.constant 0 : index
    %get3A_1144 = arith.constant 2 : index
    %get3A_1145 = arith.constant 0 : index
    %get3A_1146 = arith.constant 0 : index
    %get3A_1147 = vector.load %arg10[%get3A_1143, %get3A_1144, %get3A_1145, %get3A_1146] : memref<1x3x116x116xf32, #tpu.memory_space<vmem>>, vector<1x1x116x116xf32>
    %get3A_1148 = vector.shape_cast %get3A_1147 : vector<1x1x116x116xf32> to vector<116x116xf32>
    %dot_general3A_1149 = arith.constant dense<0.000000e+00> : vector<116x2xf32>
    %dot_general3A_1150 = tpu.matmul %get3A_1148, %get3A_915, %dot_general3A_1149 {dimension_numbers = #tpu.dot_dimension_numbers<[1], [0], [0], [1], [0, 0, 1, 1], [], []>, transpose_lhs_hint = false} : vector<116x116xf32>, vector<116x2xf32>, vector<116x2xf32> -> vector<116x2xf32>
    %add3A_1151 = vector.broadcast %get3A_918 : vector<1x2xf32> to vector<116x2xf32>
    %add3A_1152 = arith.addf %dot_general3A_1150, %add3A_1151 : vector<116x2xf32>
    %tanh3A_1153 = math.tanh %add3A_1152 : vector<116x2xf32>
    %swap3A_1154 = arith.constant 8 : index
    %swap3A_1155 = arith.constant 2 : index
    %swap3A_1156 = arith.constant 0 : index
    %swap3A_1157 = arith.constant 0 : index
    %swap3A_1158 = vector.load %arg41[%swap3A_1154, %swap3A_1155, %swap3A_1156, %swap3A_1157] : memref<16x3x116x2xf32, #tpu.memory_space<vmem>>, vector<1x1x116x2xf32>
    %swap3A_1159 = vector.shape_cast %swap3A_1158 : vector<1x1x116x2xf32> to vector<116x2xf32>
    %swap3A_1160 = vector.shape_cast %tanh3A_1153 : vector<116x2xf32> to vector<1x1x116x2xf32>
    tpu.vector_store %arg41[%swap3A_1154, %swap3A_1155, %swap3A_1156, %swap3A_1157], %swap3A_1160 {strides = array<i32>} : memref<16x3x116x2xf32, #tpu.memory_space<vmem>>, vector<1x1x116x2xf32>,
    %reduce_max3A_1161 = arith.constant dense<0xFF800000> : vector<116xf32>
    %reduce_max3A_1162 = vector.multi_reduction <maximumf>, %tanh3A_1153, %reduce_max3A_1161 [1] : vector<116x2xf32> to vector<116xf32>
    %broadcast_in_dim3A_1163 = vector.shape_cast %reduce_max3A_1162 : vector<116xf32> to vector<116x1xf32>
    %ge3A_1164 = arith.constant 0.000000e+00 : f32
    %ge3A_1165 = vector.broadcast %ge3A_1164 : f32 to vector<116x1xf32>
    %ge3A_1166 = arith.cmpf oge, %broadcast_in_dim3A_1163, %ge3A_1165 : vector<116x1xf32>
    %convert_element_type3A_1167 = arith.extui %ge3A_1166 : vector<116x1xi1> to vector<116x1xi32>
    %convert_element_type3A_1168 = arith.sitofp %convert_element_type3A_1167 : vector<116x1xi32> to vector<116x1xf32>
    %mul3A_1169 = vector.broadcast %convert_element_type3A_1168 : vector<116x1xf32> to vector<116x116xf32>
    %mul3A_1170 = arith.mulf %get3A_1148, %mul3A_1169 : vector<116x116xf32>
    %get3A_1171 = arith.constant 0 : index
    %get3A_1172 = arith.constant 2 : index
    %get3A_1173 = arith.constant 0 : index
    %get3A_1174 = arith.constant 0 : index
    %get3A_1175 = vector.load %arg11[%get3A_1171, %get3A_1172, %get3A_1173, %get3A_1174] : memref<1x3x116x116xf32, #tpu.memory_space<vmem>>, vector<1x1x116x116xf32>
    %get3A_1176 = vector.shape_cast %get3A_1175 : vector<1x1x116x116xf32> to vector<116x116xf32>
    %dot_general3A_1177 = arith.constant dense<0.000000e+00> : vector<116x2xf32>
    %dot_general3A_1178 = tpu.matmul %get3A_1176, %get3A_915, %dot_general3A_1177 {dimension_numbers = #tpu.dot_dimension_numbers<[1], [0], [0], [1], [0, 0, 1, 1], [], []>, transpose_lhs_hint = false} : vector<116x116xf32>, vector<116x2xf32>, vector<116x2xf32> -> vector<116x2xf32>
    %add3A_1179 = vector.broadcast %get3A_918 : vector<1x2xf32> to vector<116x2xf32>
    %add3A_1180 = arith.addf %dot_general3A_1178, %add3A_1179 : vector<116x2xf32>
    %tanh3A_1181 = math.tanh %add3A_1180 : vector<116x2xf32>
    %swap3A_1182 = arith.constant 9 : index
    %swap3A_1183 = arith.constant 2 : index
    %swap3A_1184 = arith.constant 0 : index
    %swap3A_1185 = arith.constant 0 : index
    %swap3A_1186 = vector.load %arg41[%swap3A_1182, %swap3A_1183, %swap3A_1184, %swap3A_1185] : memref<16x3x116x2xf32, #tpu.memory_space<vmem>>, vector<1x1x116x2xf32>
    %swap3A_1187 = vector.shape_cast %swap3A_1186 : vector<1x1x116x2xf32> to vector<116x2xf32>
    %swap3A_1188 = vector.shape_cast %tanh3A_1181 : vector<116x2xf32> to vector<1x1x116x2xf32>
    tpu.vector_store %arg41[%swap3A_1182, %swap3A_1183, %swap3A_1184, %swap3A_1185], %swap3A_1188 {strides = array<i32>} : memref<16x3x116x2xf32, #tpu.memory_space<vmem>>, vector<1x1x116x2xf32>,
    %reduce_max3A_1189 = arith.constant dense<0xFF800000> : vector<116xf32>
    %reduce_max3A_1190 = vector.multi_reduction <maximumf>, %tanh3A_1181, %reduce_max3A_1189 [1] : vector<116x2xf32> to vector<116xf32>
    %broadcast_in_dim3A_1191 = vector.shape_cast %reduce_max3A_1190 : vector<116xf32> to vector<116x1xf32>
    %ge3A_1192 = arith.constant 0.000000e+00 : f32
    %ge3A_1193 = vector.broadcast %ge3A_1192 : f32 to vector<116x1xf32>
    %ge3A_1194 = arith.cmpf oge, %broadcast_in_dim3A_1191, %ge3A_1193 : vector<116x1xf32>
    %convert_element_type3A_1195 = arith.extui %ge3A_1194 : vector<116x1xi1> to vector<116x1xi32>
    %convert_element_type3A_1196 = arith.sitofp %convert_element_type3A_1195 : vector<116x1xi32> to vector<116x1xf32>
    %mul3A_1197 = vector.broadcast %convert_element_type3A_1196 : vector<116x1xf32> to vector<116x116xf32>
    %mul3A_1198 = arith.mulf %get3A_1176, %mul3A_1197 : vector<116x116xf32>
    %get3A_1199 = arith.constant 0 : index
    %get3A_1200 = arith.constant 2 : index
    %get3A_1201 = arith.constant 0 : index
    %get3A_1202 = arith.constant 0 : index
    %get3A_1203 = vector.load %arg12[%get3A_1199, %get3A_1200, %get3A_1201, %get3A_1202] : memref<1x3x116x116xf32, #tpu.memory_space<vmem>>, vector<1x1x116x116xf32>
    %get3A_1204 = vector.shape_cast %get3A_1203 : vector<1x1x116x116xf32> to vector<116x116xf32>
    %dot_general3A_1205 = arith.constant dense<0.000000e+00> : vector<116x2xf32>
    %dot_general3A_1206 = tpu.matmul %get3A_1204, %get3A_915, %dot_general3A_1205 {dimension_numbers = #tpu.dot_dimension_numbers<[1], [0], [0], [1], [0, 0, 1, 1], [], []>, transpose_lhs_hint = false} : vector<116x116xf32>, vector<116x2xf32>, vector<116x2xf32> -> vector<116x2xf32>
    %add3A_1207 = vector.broadcast %get3A_918 : vector<1x2xf32> to vector<116x2xf32>
    %add3A_1208 = arith.addf %dot_general3A_1206, %add3A_1207 : vector<116x2xf32>
    %tanh3A_1209 = math.tanh %add3A_1208 : vector<116x2xf32>
    %swap3A_1210 = arith.constant 10 : index
    %swap3A_1211 = arith.constant 2 : index
    %swap3A_1212 = arith.constant 0 : index
    %swap3A_1213 = arith.constant 0 : index
    %swap3A_1214 = vector.load %arg41[%swap3A_1210, %swap3A_1211, %swap3A_1212, %swap3A_1213] : memref<16x3x116x2xf32, #tpu.memory_space<vmem>>, vector<1x1x116x2xf32>
    %swap3A_1215 = vector.shape_cast %swap3A_1214 : vector<1x1x116x2xf32> to vector<116x2xf32>
    %swap3A_1216 = vector.shape_cast %tanh3A_1209 : vector<116x2xf32> to vector<1x1x116x2xf32>
    tpu.vector_store %arg41[%swap3A_1210, %swap3A_1211, %swap3A_1212, %swap3A_1213], %swap3A_1216 {strides = array<i32>} : memref<16x3x116x2xf32, #tpu.memory_space<vmem>>, vector<1x1x116x2xf32>,
    %reduce_max3A_1217 = arith.constant dense<0xFF800000> : vector<116xf32>
    %reduce_max3A_1218 = vector.multi_reduction <maximumf>, %tanh3A_1209, %reduce_max3A_1217 [1] : vector<116x2xf32> to vector<116xf32>
    %broadcast_in_dim3A_1219 = vector.shape_cast %reduce_max3A_1218 : vector<116xf32> to vector<116x1xf32>
    %ge3A_1220 = arith.constant 0.000000e+00 : f32
    %ge3A_1221 = vector.broadcast %ge3A_1220 : f32 to vector<116x1xf32>
    %ge3A_1222 = arith.cmpf oge, %broadcast_in_dim3A_1219, %ge3A_1221 : vector<116x1xf32>
    %convert_element_type3A_1223 = arith.extui %ge3A_1222 : vector<116x1xi1> to vector<116x1xi32>
    %convert_element_type3A_1224 = arith.sitofp %convert_element_type3A_1223 : vector<116x1xi32> to vector<116x1xf32>
    %mul3A_1225 = vector.broadcast %convert_element_type3A_1224 : vector<116x1xf32> to vector<116x116xf32>
    %mul3A_1226 = arith.mulf %get3A_1204, %mul3A_1225 : vector<116x116xf32>
    %get3A_1227 = arith.constant 0 : index
    %get3A_1228 = arith.constant 2 : index
    %get3A_1229 = arith.constant 0 : index
    %get3A_1230 = arith.constant 0 : index
    %get3A_1231 = vector.load %arg13[%get3A_1227, %get3A_1228, %get3A_1229, %get3A_1230] : memref<1x3x116x116xf32, #tpu.memory_space<vmem>>, vector<1x1x116x116xf32>
    %get3A_1232 = vector.shape_cast %get3A_1231 : vector<1x1x116x116xf32> to vector<116x116xf32>
    %dot_general3A_1233 = arith.constant dense<0.000000e+00> : vector<116x2xf32>
    %dot_general3A_1234 = tpu.matmul %get3A_1232, %get3A_915, %dot_general3A_1233 {dimension_numbers = #tpu.dot_dimension_numbers<[1], [0], [0], [1], [0, 0, 1, 1], [], []>, transpose_lhs_hint = false} : vector<116x116xf32>, vector<116x2xf32>, vector<116x2xf32> -> vector<116x2xf32>
    %add3A_1235 = vector.broadcast %get3A_918 : vector<1x2xf32> to vector<116x2xf32>
    %add3A_1236 = arith.addf %dot_general3A_1234, %add3A_1235 : vector<116x2xf32>
    %tanh3A_1237 = math.tanh %add3A_1236 : vector<116x2xf32>
    %swap3A_1238 = arith.constant 11 : index
    %swap3A_1239 = arith.constant 2 : index
    %swap3A_1240 = arith.constant 0 : index
    %swap3A_1241 = arith.constant 0 : index
    %swap3A_1242 = vector.load %arg41[%swap3A_1238, %swap3A_1239, %swap3A_1240, %swap3A_1241] : memref<16x3x116x2xf32, #tpu.memory_space<vmem>>, vector<1x1x116x2xf32>
    %swap3A_1243 = vector.shape_cast %swap3A_1242 : vector<1x1x116x2xf32> to vector<116x2xf32>
    %swap3A_1244 = vector.shape_cast %tanh3A_1237 : vector<116x2xf32> to vector<1x1x116x2xf32>
    tpu.vector_store %arg41[%swap3A_1238, %swap3A_1239, %swap3A_1240, %swap3A_1241], %swap3A_1244 {strides = array<i32>} : memref<16x3x116x2xf32, #tpu.memory_space<vmem>>, vector<1x1x116x2xf32>,
    %reduce_max3A_1245 = arith.constant dense<0xFF800000> : vector<116xf32>
    %reduce_max3A_1246 = vector.multi_reduction <maximumf>, %tanh3A_1237, %reduce_max3A_1245 [1] : vector<116x2xf32> to vector<116xf32>
    %broadcast_in_dim3A_1247 = vector.shape_cast %reduce_max3A_1246 : vector<116xf32> to vector<116x1xf32>
    %ge3A_1248 = arith.constant 0.000000e+00 : f32
    %ge3A_1249 = vector.broadcast %ge3A_1248 : f32 to vector<116x1xf32>
    %ge3A_1250 = arith.cmpf oge, %broadcast_in_dim3A_1247, %ge3A_1249 : vector<116x1xf32>
    %convert_element_type3A_1251 = arith.extui %ge3A_1250 : vector<116x1xi1> to vector<116x1xi32>
    %convert_element_type3A_1252 = arith.sitofp %convert_element_type3A_1251 : vector<116x1xi32> to vector<116x1xf32>
    %mul3A_1253 = vector.broadcast %convert_element_type3A_1252 : vector<116x1xf32> to vector<116x116xf32>
    %mul3A_1254 = arith.mulf %get3A_1232, %mul3A_1253 : vector<116x116xf32>
    %get3A_1255 = arith.constant 0 : index
    %get3A_1256 = arith.constant 2 : index
    %get3A_1257 = arith.constant 0 : index
    %get3A_1258 = arith.constant 0 : index
    %get3A_1259 = vector.load %arg14[%get3A_1255, %get3A_1256, %get3A_1257, %get3A_1258] : memref<1x3x116x116xf32, #tpu.memory_space<vmem>>, vector<1x1x116x116xf32>
    %get3A_1260 = vector.shape_cast %get3A_1259 : vector<1x1x116x116xf32> to vector<116x116xf32>
    %dot_general3A_1261 = arith.constant dense<0.000000e+00> : vector<116x2xf32>
    %dot_general3A_1262 = tpu.matmul %get3A_1260, %get3A_915, %dot_general3A_1261 {dimension_numbers = #tpu.dot_dimension_numbers<[1], [0], [0], [1], [0, 0, 1, 1], [], []>, transpose_lhs_hint = false} : vector<116x116xf32>, vector<116x2xf32>, vector<116x2xf32> -> vector<116x2xf32>
    %add3A_1263 = vector.broadcast %get3A_918 : vector<1x2xf32> to vector<116x2xf32>
    %add3A_1264 = arith.addf %dot_general3A_1262, %add3A_1263 : vector<116x2xf32>
    %tanh3A_1265 = math.tanh %add3A_1264 : vector<116x2xf32>
    %swap3A_1266 = arith.constant 12 : index
    %swap3A_1267 = arith.constant 2 : index
    %swap3A_1268 = arith.constant 0 : index
    %swap3A_1269 = arith.constant 0 : index
    %swap3A_1270 = vector.load %arg41[%swap3A_1266, %swap3A_1267, %swap3A_1268, %swap3A_1269] : memref<16x3x116x2xf32, #tpu.memory_space<vmem>>, vector<1x1x116x2xf32>
    %swap3A_1271 = vector.shape_cast %swap3A_1270 : vector<1x1x116x2xf32> to vector<116x2xf32>
    %swap3A_1272 = vector.shape_cast %tanh3A_1265 : vector<116x2xf32> to vector<1x1x116x2xf32>
    tpu.vector_store %arg41[%swap3A_1266, %swap3A_1267, %swap3A_1268, %swap3A_1269], %swap3A_1272 {strides = array<i32>} : memref<16x3x116x2xf32, #tpu.memory_space<vmem>>, vector<1x1x116x2xf32>,
    %reduce_max3A_1273 = arith.constant dense<0xFF800000> : vector<116xf32>
    %reduce_max3A_1274 = vector.multi_reduction <maximumf>, %tanh3A_1265, %reduce_max3A_1273 [1] : vector<116x2xf32> to vector<116xf32>
    %broadcast_in_dim3A_1275 = vector.shape_cast %reduce_max3A_1274 : vector<116xf32> to vector<116x1xf32>
    %ge3A_1276 = arith.constant 0.000000e+00 : f32
    %ge3A_1277 = vector.broadcast %ge3A_1276 : f32 to vector<116x1xf32>
    %ge3A_1278 = arith.cmpf oge, %broadcast_in_dim3A_1275, %ge3A_1277 : vector<116x1xf32>
    %convert_element_type3A_1279 = arith.extui %ge3A_1278 : vector<116x1xi1> to vector<116x1xi32>
    %convert_element_type3A_1280 = arith.sitofp %convert_element_type3A_1279 : vector<116x1xi32> to vector<116x1xf32>
    %mul3A_1281 = vector.broadcast %convert_element_type3A_1280 : vector<116x1xf32> to vector<116x116xf32>
    %mul3A_1282 = arith.mulf %get3A_1260, %mul3A_1281 : vector<116x116xf32>
    %get3A_1283 = arith.constant 0 : index
    %get3A_1284 = arith.constant 2 : index
    %get3A_1285 = arith.constant 0 : index
    %get3A_1286 = arith.constant 0 : index
    %get3A_1287 = vector.load %arg15[%get3A_1283, %get3A_1284, %get3A_1285, %get3A_1286] : memref<1x3x116x116xf32, #tpu.memory_space<vmem>>, vector<1x1x116x116xf32>
    %get3A_1288 = vector.shape_cast %get3A_1287 : vector<1x1x116x116xf32> to vector<116x116xf32>
    %dot_general3A_1289 = arith.constant dense<0.000000e+00> : vector<116x2xf32>
    %dot_general3A_1290 = tpu.matmul %get3A_1288, %get3A_915, %dot_general3A_1289 {dimension_numbers = #tpu.dot_dimension_numbers<[1], [0], [0], [1], [0, 0, 1, 1], [], []>, transpose_lhs_hint = false} : vector<116x116xf32>, vector<116x2xf32>, vector<116x2xf32> -> vector<116x2xf32>
    %add3A_1291 = vector.broadcast %get3A_918 : vector<1x2xf32> to vector<116x2xf32>
    %add3A_1292 = arith.addf %dot_general3A_1290, %add3A_1291 : vector<116x2xf32>
    %tanh3A_1293 = math.tanh %add3A_1292 : vector<116x2xf32>
    %swap3A_1294 = arith.constant 13 : index
    %swap3A_1295 = arith.constant 2 : index
    %swap3A_1296 = arith.constant 0 : index
    %swap3A_1297 = arith.constant 0 : index
    %swap3A_1298 = vector.load %arg41[%swap3A_1294, %swap3A_1295, %swap3A_1296, %swap3A_1297] : memref<16x3x116x2xf32, #tpu.memory_space<vmem>>, vector<1x1x116x2xf32>
    %swap3A_1299 = vector.shape_cast %swap3A_1298 : vector<1x1x116x2xf32> to vector<116x2xf32>
    %swap3A_1300 = vector.shape_cast %tanh3A_1293 : vector<116x2xf32> to vector<1x1x116x2xf32>
    tpu.vector_store %arg41[%swap3A_1294, %swap3A_1295, %swap3A_1296, %swap3A_1297], %swap3A_1300 {strides = array<i32>} : memref<16x3x116x2xf32, #tpu.memory_space<vmem>>, vector<1x1x116x2xf32>,
    %reduce_max3A_1301 = arith.constant dense<0xFF800000> : vector<116xf32>
    %reduce_max3A_1302 = vector.multi_reduction <maximumf>, %tanh3A_1293, %reduce_max3A_1301 [1] : vector<116x2xf32> to vector<116xf32>
    %broadcast_in_dim3A_1303 = vector.shape_cast %reduce_max3A_1302 : vector<116xf32> to vector<116x1xf32>
    %ge3A_1304 = arith.constant 0.000000e+00 : f32
    %ge3A_1305 = vector.broadcast %ge3A_1304 : f32 to vector<116x1xf32>
    %ge3A_1306 = arith.cmpf oge, %broadcast_in_dim3A_1303, %ge3A_1305 : vector<116x1xf32>
    %convert_element_type3A_1307 = arith.extui %ge3A_1306 : vector<116x1xi1> to vector<116x1xi32>
    %convert_element_type3A_1308 = arith.sitofp %convert_element_type3A_1307 : vector<116x1xi32> to vector<116x1xf32>
    %mul3A_1309 = vector.broadcast %convert_element_type3A_1308 : vector<116x1xf32> to vector<116x116xf32>
    %mul3A_1310 = arith.mulf %get3A_1288, %mul3A_1309 : vector<116x116xf32>
    %get3A_1311 = arith.constant 0 : index
    %get3A_1312 = arith.constant 2 : index
    %get3A_1313 = arith.constant 0 : index
    %get3A_1314 = arith.constant 0 : index
    %get3A_1315 = vector.load %arg16[%get3A_1311, %get3A_1312, %get3A_1313, %get3A_1314] : memref<1x3x116x116xf32, #tpu.memory_space<vmem>>, vector<1x1x116x116xf32>
    %get3A_1316 = vector.shape_cast %get3A_1315 : vector<1x1x116x116xf32> to vector<116x116xf32>
    %dot_general3A_1317 = arith.constant dense<0.000000e+00> : vector<116x2xf32>
    %dot_general3A_1318 = tpu.matmul %get3A_1316, %get3A_915, %dot_general3A_1317 {dimension_numbers = #tpu.dot_dimension_numbers<[1], [0], [0], [1], [0, 0, 1, 1], [], []>, transpose_lhs_hint = false} : vector<116x116xf32>, vector<116x2xf32>, vector<116x2xf32> -> vector<116x2xf32>
    %add3A_1319 = vector.broadcast %get3A_918 : vector<1x2xf32> to vector<116x2xf32>
    %add3A_1320 = arith.addf %dot_general3A_1318, %add3A_1319 : vector<116x2xf32>
    %tanh3A_1321 = math.tanh %add3A_1320 : vector<116x2xf32>
    %swap3A_1322 = arith.constant 14 : index
    %swap3A_1323 = arith.constant 2 : index
    %swap3A_1324 = arith.constant 0 : index
    %swap3A_1325 = arith.constant 0 : index
    %swap3A_1326 = vector.load %arg41[%swap3A_1322, %swap3A_1323, %swap3A_1324, %swap3A_1325] : memref<16x3x116x2xf32, #tpu.memory_space<vmem>>, vector<1x1x116x2xf32>
    %swap3A_1327 = vector.shape_cast %swap3A_1326 : vector<1x1x116x2xf32> to vector<116x2xf32>
    %swap3A_1328 = vector.shape_cast %tanh3A_1321 : vector<116x2xf32> to vector<1x1x116x2xf32>
    tpu.vector_store %arg41[%swap3A_1322, %swap3A_1323, %swap3A_1324, %swap3A_1325], %swap3A_1328 {strides = array<i32>} : memref<16x3x116x2xf32, #tpu.memory_space<vmem>>, vector<1x1x116x2xf32>,
    %reduce_max3A_1329 = arith.constant dense<0xFF800000> : vector<116xf32>
    %reduce_max3A_1330 = vector.multi_reduction <maximumf>, %tanh3A_1321, %reduce_max3A_1329 [1] : vector<116x2xf32> to vector<116xf32>
    %broadcast_in_dim3A_1331 = vector.shape_cast %reduce_max3A_1330 : vector<116xf32> to vector<116x1xf32>
    %ge3A_1332 = arith.constant 0.000000e+00 : f32
    %ge3A_1333 = vector.broadcast %ge3A_1332 : f32 to vector<116x1xf32>
    %ge3A_1334 = arith.cmpf oge, %broadcast_in_dim3A_1331, %ge3A_1333 : vector<116x1xf32>
    %convert_element_type3A_1335 = arith.extui %ge3A_1334 : vector<116x1xi1> to vector<116x1xi32>
    %convert_element_type3A_1336 = arith.sitofp %convert_element_type3A_1335 : vector<116x1xi32> to vector<116x1xf32>
    %mul3A_1337 = vector.broadcast %convert_element_type3A_1336 : vector<116x1xf32> to vector<116x116xf32>
    %mul3A_1338 = arith.mulf %get3A_1316, %mul3A_1337 : vector<116x116xf32>
    %get3A_1339 = arith.constant 0 : index
    %get3A_1340 = arith.constant 2 : index
    %get3A_1341 = arith.constant 0 : index
    %get3A_1342 = arith.constant 0 : index
    %get3A_1343 = vector.load %arg17[%get3A_1339, %get3A_1340, %get3A_1341, %get3A_1342] : memref<1x3x116x116xf32, #tpu.memory_space<vmem>>, vector<1x1x116x116xf32>
    %get3A_1344 = vector.shape_cast %get3A_1343 : vector<1x1x116x116xf32> to vector<116x116xf32>
    %dot_general3A_1345 = arith.constant dense<0.000000e+00> : vector<116x2xf32>
    %dot_general3A_1346 = tpu.matmul %get3A_1344, %get3A_915, %dot_general3A_1345 {dimension_numbers = #tpu.dot_dimension_numbers<[1], [0], [0], [1], [0, 0, 1, 1], [], []>, transpose_lhs_hint = false} : vector<116x116xf32>, vector<116x2xf32>, vector<116x2xf32> -> vector<116x2xf32>
    %add3A_1347 = vector.broadcast %get3A_918 : vector<1x2xf32> to vector<116x2xf32>
    %add3A_1348 = arith.addf %dot_general3A_1346, %add3A_1347 : vector<116x2xf32>
    %tanh3A_1349 = math.tanh %add3A_1348 : vector<116x2xf32>
    %swap3A_1350 = arith.constant 15 : index
    %swap3A_1351 = arith.constant 2 : index
    %swap3A_1352 = arith.constant 0 : index
    %swap3A_1353 = arith.constant 0 : index
    %swap3A_1354 = vector.load %arg41[%swap3A_1350, %swap3A_1351, %swap3A_1352, %swap3A_1353] : memref<16x3x116x2xf32, #tpu.memory_space<vmem>>, vector<1x1x116x2xf32>
    %swap3A_1355 = vector.shape_cast %swap3A_1354 : vector<1x1x116x2xf32> to vector<116x2xf32>
    %swap3A_1356 = vector.shape_cast %tanh3A_1349 : vector<116x2xf32> to vector<1x1x116x2xf32>
    tpu.vector_store %arg41[%swap3A_1350, %swap3A_1351, %swap3A_1352, %swap3A_1353], %swap3A_1356 {strides = array<i32>} : memref<16x3x116x2xf32, #tpu.memory_space<vmem>>, vector<1x1x116x2xf32>,
    %reduce_max3A_1357 = arith.constant dense<0xFF800000> : vector<116xf32>
    %reduce_max3A_1358 = vector.multi_reduction <maximumf>, %tanh3A_1349, %reduce_max3A_1357 [1] : vector<116x2xf32> to vector<116xf32>
    %broadcast_in_dim3A_1359 = vector.shape_cast %reduce_max3A_1358 : vector<116xf32> to vector<116x1xf32>
    %ge3A_1360 = arith.constant 0.000000e+00 : f32
    %ge3A_1361 = vector.broadcast %ge3A_1360 : f32 to vector<116x1xf32>
    %ge3A_1362 = arith.cmpf oge, %broadcast_in_dim3A_1359, %ge3A_1361 : vector<116x1xf32>
    %convert_element_type3A_1363 = arith.extui %ge3A_1362 : vector<116x1xi1> to vector<116x1xi32>
    %convert_element_type3A_1364 = arith.sitofp %convert_element_type3A_1363 : vector<116x1xi32> to vector<116x1xf32>
    %mul3A_1365 = vector.broadcast %convert_element_type3A_1364 : vector<116x1xf32> to vector<116x116xf32>
    %mul3A_1366 = arith.mulf %get3A_1344, %mul3A_1365 : vector<116x116xf32>
    %get3A_1367 = arith.constant 0 : index
    %get3A_1368 = arith.constant 0 : index
    %get3A_1369 = arith.constant 0 : index
    %get3A_1370 = arith.constant 0 : index
    %get3A_1371 = vector.load %arg18[%get3A_1367, %get3A_1368, %get3A_1369, %get3A_1370] : memref<1x3x116x116xf32, #tpu.memory_space<vmem>>, vector<1x1x116x116xf32>
    %get3A_1372 = vector.shape_cast %get3A_1371 : vector<1x1x116x116xf32> to vector<116x116xf32>
    %convert_element_type3A_1373 = arith.truncf %get3A_1372 : vector<116x116xf32> to vector<116x116xbf16>
    %convert_element_type3A_1374 = arith.truncf %mul3A_34 : vector<116x116xf32> to vector<116x116xbf16>
    %dot_general3A_1375 = arith.constant dense<0.000000e+00> : vector<116x116xf32>
    %dot_general3A_1376 = tpu.matmul %convert_element_type3A_1373, %convert_element_type3A_1374, %dot_general3A_1375 {dimension_numbers = #tpu.dot_dimension_numbers<[1], [0], [0], [1], [0, 0, 1, 1], [], []>, transpose_lhs_hint = false} : vector<116x116xbf16>, vector<116x116xbf16>, vector<116x116xf32> -> vector<116x116xf32>
    %get3A_1377 = arith.constant 0 : index
    %get3A_1378 = arith.constant 0 : index
    %get3A_1379 = arith.constant 0 : index
    %get3A_1380 = arith.constant 0 : index
    %get3A_1381 = vector.load %arg19[%get3A_1377, %get3A_1378, %get3A_1379, %get3A_1380] : memref<1x3x116x116xf32, #tpu.memory_space<vmem>>, vector<1x1x116x116xf32>
    %get3A_1382 = vector.shape_cast %get3A_1381 : vector<1x1x116x116xf32> to vector<116x116xf32>
    %convert_element_type3A_1383 = arith.truncf %get3A_1382 : vector<116x116xf32> to vector<116x116xbf16>
    %convert_element_type3A_1384 = arith.truncf %mul3A_62 : vector<116x116xf32> to vector<116x116xbf16>
    %dot_general3A_1385 = arith.constant dense<0.000000e+00> : vector<116x116xf32>
    %dot_general3A_1386 = tpu.matmul %convert_element_type3A_1383, %convert_element_type3A_1384, %dot_general3A_1385 {dimension_numbers = #tpu.dot_dimension_numbers<[1], [0], [0], [1], [0, 0, 1, 1], [], []>, transpose_lhs_hint = false} : vector<116x116xbf16>, vector<116x116xbf16>, vector<116x116xf32> -> vector<116x116xf32>
    %get3A_1387 = arith.constant 0 : index
    %get3A_1388 = arith.constant 0 : index
    %get3A_1389 = arith.constant 0 : index
    %get3A_1390 = arith.constant 0 : index
    %get3A_1391 = vector.load %arg20[%get3A_1387, %get3A_1388, %get3A_1389, %get3A_1390] : memref<1x3x116x116xf32, #tpu.memory_space<vmem>>, vector<1x1x116x116xf32>
    %get3A_1392 = vector.shape_cast %get3A_1391 : vector<1x1x116x116xf32> to vector<116x116xf32>
    %convert_element_type3A_1393 = arith.truncf %get3A_1392 : vector<116x116xf32> to vector<116x116xbf16>
    %convert_element_type3A_1394 = arith.truncf %mul3A_90 : vector<116x116xf32> to vector<116x116xbf16>
    %dot_general3A_1395 = arith.constant dense<0.000000e+00> : vector<116x116xf32>
    %dot_general3A_1396 = tpu.matmul %convert_element_type3A_1393, %convert_element_type3A_1394, %dot_general3A_1395 {dimension_numbers = #tpu.dot_dimension_numbers<[1], [0], [0], [1], [0, 0, 1, 1], [], []>, transpose_lhs_hint = false} : vector<116x116xbf16>, vector<116x116xbf16>, vector<116x116xf32> -> vector<116x116xf32>
    %get3A_1397 = arith.constant 0 : index
    %get3A_1398 = arith.constant 0 : index
    %get3A_1399 = arith.constant 0 : index
    %get3A_1400 = arith.constant 0 : index
    %get3A_1401 = vector.load %arg21[%get3A_1397, %get3A_1398, %get3A_1399, %get3A_1400] : memref<1x3x116x116xf32, #tpu.memory_space<vmem>>, vector<1x1x116x116xf32>
    %get3A_1402 = vector.shape_cast %get3A_1401 : vector<1x1x116x116xf32> to vector<116x116xf32>
    %convert_element_type3A_1403 = arith.truncf %get3A_1402 : vector<116x116xf32> to vector<116x116xbf16>
    %convert_element_type3A_1404 = arith.truncf %mul3A_118 : vector<116x116xf32> to vector<116x116xbf16>
    %dot_general3A_1405 = arith.constant dense<0.000000e+00> : vector<116x116xf32>
    %dot_general3A_1406 = tpu.matmul %convert_element_type3A_1403, %convert_element_type3A_1404, %dot_general3A_1405 {dimension_numbers = #tpu.dot_dimension_numbers<[1], [0], [0], [1], [0, 0, 1, 1], [], []>, transpose_lhs_hint = false} : vector<116x116xbf16>, vector<116x116xbf16>, vector<116x116xf32> -> vector<116x116xf32>
    %get3A_1407 = arith.constant 0 : index
    %get3A_1408 = arith.constant 0 : index
    %get3A_1409 = arith.constant 0 : index
    %get3A_1410 = arith.constant 0 : index
    %get3A_1411 = vector.load %arg22[%get3A_1407, %get3A_1408, %get3A_1409, %get3A_1410] : memref<1x3x116x116xf32, #tpu.memory_space<vmem>>, vector<1x1x116x116xf32>
    %get3A_1412 = vector.shape_cast %get3A_1411 : vector<1x1x116x116xf32> to vector<116x116xf32>
    %convert_element_type3A_1413 = arith.truncf %get3A_1412 : vector<116x116xf32> to vector<116x116xbf16>
    %convert_element_type3A_1414 = arith.truncf %mul3A_146 : vector<116x116xf32> to vector<116x116xbf16>
    %dot_general3A_1415 = arith.constant dense<0.000000e+00> : vector<116x116xf32>
    %dot_general3A_1416 = tpu.matmul %convert_element_type3A_1413, %convert_element_type3A_1414, %dot_general3A_1415 {dimension_numbers = #tpu.dot_dimension_numbers<[1], [0], [0], [1], [0, 0, 1, 1], [], []>, transpose_lhs_hint = false} : vector<116x116xbf16>, vector<116x116xbf16>, vector<116x116xf32> -> vector<116x116xf32>
    %get3A_1417 = arith.constant 0 : index
    %get3A_1418 = arith.constant 0 : index
    %get3A_1419 = arith.constant 0 : index
    %get3A_1420 = arith.constant 0 : index
    %get3A_1421 = vector.load %arg23[%get3A_1417, %get3A_1418, %get3A_1419, %get3A_1420] : memref<1x3x116x116xf32, #tpu.memory_space<vmem>>, vector<1x1x116x116xf32>
    %get3A_1422 = vector.shape_cast %get3A_1421 : vector<1x1x116x116xf32> to vector<116x116xf32>
    %convert_element_type3A_1423 = arith.truncf %get3A_1422 : vector<116x116xf32> to vector<116x116xbf16>
    %convert_element_type3A_1424 = arith.truncf %mul3A_174 : vector<116x116xf32> to vector<116x116xbf16>
    %dot_general3A_1425 = arith.constant dense<0.000000e+00> : vector<116x116xf32>
    %dot_general3A_1426 = tpu.matmul %convert_element_type3A_1423, %convert_element_type3A_1424, %dot_general3A_1425 {dimension_numbers = #tpu.dot_dimension_numbers<[1], [0], [0], [1], [0, 0, 1, 1], [], []>, transpose_lhs_hint = false} : vector<116x116xbf16>, vector<116x116xbf16>, vector<116x116xf32> -> vector<116x116xf32>
    %get3A_1427 = arith.constant 0 : index
    %get3A_1428 = arith.constant 0 : index
    %get3A_1429 = arith.constant 0 : index
    %get3A_1430 = arith.constant 0 : index
    %get3A_1431 = vector.load %arg24[%get3A_1427, %get3A_1428, %get3A_1429, %get3A_1430] : memref<1x3x116x116xf32, #tpu.memory_space<vmem>>, vector<1x1x116x116xf32>
    %get3A_1432 = vector.shape_cast %get3A_1431 : vector<1x1x116x116xf32> to vector<116x116xf32>
    %convert_element_type3A_1433 = arith.truncf %get3A_1432 : vector<116x116xf32> to vector<116x116xbf16>
    %convert_element_type3A_1434 = arith.truncf %mul3A_202 : vector<116x116xf32> to vector<116x116xbf16>
    %dot_general3A_1435 = arith.constant dense<0.000000e+00> : vector<116x116xf32>
    %dot_general3A_1436 = tpu.matmul %convert_element_type3A_1433, %convert_element_type3A_1434, %dot_general3A_1435 {dimension_numbers = #tpu.dot_dimension_numbers<[1], [0], [0], [1], [0, 0, 1, 1], [], []>, transpose_lhs_hint = false} : vector<116x116xbf16>, vector<116x116xbf16>, vector<116x116xf32> -> vector<116x116xf32>
    %get3A_1437 = arith.constant 0 : index
    %get3A_1438 = arith.constant 0 : index
    %get3A_1439 = arith.constant 0 : index
    %get3A_1440 = arith.constant 0 : index
    %get3A_1441 = vector.load %arg25[%get3A_1437, %get3A_1438, %get3A_1439, %get3A_1440] : memref<1x3x116x116xf32, #tpu.memory_space<vmem>>, vector<1x1x116x116xf32>
    %get3A_1442 = vector.shape_cast %get3A_1441 : vector<1x1x116x116xf32> to vector<116x116xf32>
    %convert_element_type3A_1443 = arith.truncf %get3A_1442 : vector<116x116xf32> to vector<116x116xbf16>
    %convert_element_type3A_1444 = arith.truncf %mul3A_230 : vector<116x116xf32> to vector<116x116xbf16>
    %dot_general3A_1445 = arith.constant dense<0.000000e+00> : vector<116x116xf32>
    %dot_general3A_1446 = tpu.matmul %convert_element_type3A_1443, %convert_element_type3A_1444, %dot_general3A_1445 {dimension_numbers = #tpu.dot_dimension_numbers<[1], [0], [0], [1], [0, 0, 1, 1], [], []>, transpose_lhs_hint = false} : vector<116x116xbf16>, vector<116x116xbf16>, vector<116x116xf32> -> vector<116x116xf32>
    %get3A_1447 = arith.constant 0 : index
    %get3A_1448 = arith.constant 0 : index
    %get3A_1449 = arith.constant 0 : index
    %get3A_1450 = arith.constant 0 : index
    %get3A_1451 = vector.load %arg26[%get3A_1447, %get3A_1448, %get3A_1449, %get3A_1450] : memref<1x3x116x116xf32, #tpu.memory_space<vmem>>, vector<1x1x116x116xf32>
    %get3A_1452 = vector.shape_cast %get3A_1451 : vector<1x1x116x116xf32> to vector<116x116xf32>
    %convert_element_type3A_1453 = arith.truncf %get3A_1452 : vector<116x116xf32> to vector<116x116xbf16>
    %convert_element_type3A_1454 = arith.truncf %mul3A_258 : vector<116x116xf32> to vector<116x116xbf16>
    %dot_general3A_1455 = arith.constant dense<0.000000e+00> : vector<116x116xf32>
    %dot_general3A_1456 = tpu.matmul %convert_element_type3A_1453, %convert_element_type3A_1454, %dot_general3A_1455 {dimension_numbers = #tpu.dot_dimension_numbers<[1], [0], [0], [1], [0, 0, 1, 1], [], []>, transpose_lhs_hint = false} : vector<116x116xbf16>, vector<116x116xbf16>, vector<116x116xf32> -> vector<116x116xf32>
    %get3A_1457 = arith.constant 0 : index
    %get3A_1458 = arith.constant 0 : index
    %get3A_1459 = arith.constant 0 : index
    %get3A_1460 = arith.constant 0 : index
    %get3A_1461 = vector.load %arg27[%get3A_1457, %get3A_1458, %get3A_1459, %get3A_1460] : memref<1x3x116x116xf32, #tpu.memory_space<vmem>>, vector<1x1x116x116xf32>
    %get3A_1462 = vector.shape_cast %get3A_1461 : vector<1x1x116x116xf32> to vector<116x116xf32>
    %convert_element_type3A_1463 = arith.truncf %get3A_1462 : vector<116x116xf32> to vector<116x116xbf16>
    %convert_element_type3A_1464 = arith.truncf %mul3A_286 : vector<116x116xf32> to vector<116x116xbf16>
    %dot_general3A_1465 = arith.constant dense<0.000000e+00> : vector<116x116xf32>
    %dot_general3A_1466 = tpu.matmul %convert_element_type3A_1463, %convert_element_type3A_1464, %dot_general3A_1465 {dimension_numbers = #tpu.dot_dimension_numbers<[1], [0], [0], [1], [0, 0, 1, 1], [], []>, transpose_lhs_hint = false} : vector<116x116xbf16>, vector<116x116xbf16>, vector<116x116xf32> -> vector<116x116xf32>
    %get3A_1467 = arith.constant 0 : index
    %get3A_1468 = arith.constant 0 : index
    %get3A_1469 = arith.constant 0 : index
    %get3A_1470 = arith.constant 0 : index
    %get3A_1471 = vector.load %arg28[%get3A_1467, %get3A_1468, %get3A_1469, %get3A_1470] : memref<1x3x116x116xf32, #tpu.memory_space<vmem>>, vector<1x1x116x116xf32>
    %get3A_1472 = vector.shape_cast %get3A_1471 : vector<1x1x116x116xf32> to vector<116x116xf32>
    %convert_element_type3A_1473 = arith.truncf %get3A_1472 : vector<116x116xf32> to vector<116x116xbf16>
    %convert_element_type3A_1474 = arith.truncf %mul3A_314 : vector<116x116xf32> to vector<116x116xbf16>
    %dot_general3A_1475 = arith.constant dense<0.000000e+00> : vector<116x116xf32>
    %dot_general3A_1476 = tpu.matmul %convert_element_type3A_1473, %convert_element_type3A_1474, %dot_general3A_1475 {dimension_numbers = #tpu.dot_dimension_numbers<[1], [0], [0], [1], [0, 0, 1, 1], [], []>, transpose_lhs_hint = false} : vector<116x116xbf16>, vector<116x116xbf16>, vector<116x116xf32> -> vector<116x116xf32>
    %get3A_1477 = arith.constant 0 : index
    %get3A_1478 = arith.constant 0 : index
    %get3A_1479 = arith.constant 0 : index
    %get3A_1480 = arith.constant 0 : index
    %get3A_1481 = vector.load %arg29[%get3A_1477, %get3A_1478, %get3A_1479, %get3A_1480] : memref<1x3x116x116xf32, #tpu.memory_space<vmem>>, vector<1x1x116x116xf32>
    %get3A_1482 = vector.shape_cast %get3A_1481 : vector<1x1x116x116xf32> to vector<116x116xf32>
    %convert_element_type3A_1483 = arith.truncf %get3A_1482 : vector<116x116xf32> to vector<116x116xbf16>
    %convert_element_type3A_1484 = arith.truncf %mul3A_342 : vector<116x116xf32> to vector<116x116xbf16>
    %dot_general3A_1485 = arith.constant dense<0.000000e+00> : vector<116x116xf32>
    %dot_general3A_1486 = tpu.matmul %convert_element_type3A_1483, %convert_element_type3A_1484, %dot_general3A_1485 {dimension_numbers = #tpu.dot_dimension_numbers<[1], [0], [0], [1], [0, 0, 1, 1], [], []>, transpose_lhs_hint = false} : vector<116x116xbf16>, vector<116x116xbf16>, vector<116x116xf32> -> vector<116x116xf32>
    %get3A_1487 = arith.constant 0 : index
    %get3A_1488 = arith.constant 0 : index
    %get3A_1489 = arith.constant 0 : index
    %get3A_1490 = arith.constant 0 : index
    %get3A_1491 = vector.load %arg30[%get3A_1487, %get3A_1488, %get3A_1489, %get3A_1490] : memref<1x3x116x116xf32, #tpu.memory_space<vmem>>, vector<1x1x116x116xf32>
    %get3A_1492 = vector.shape_cast %get3A_1491 : vector<1x1x116x116xf32> to vector<116x116xf32>
    %convert_element_type3A_1493 = arith.truncf %get3A_1492 : vector<116x116xf32> to vector<116x116xbf16>
    %convert_element_type3A_1494 = arith.truncf %mul3A_370 : vector<116x116xf32> to vector<116x116xbf16>
    %dot_general3A_1495 = arith.constant dense<0.000000e+00> : vector<116x116xf32>
    %dot_general3A_1496 = tpu.matmul %convert_element_type3A_1493, %convert_element_type3A_1494, %dot_general3A_1495 {dimension_numbers = #tpu.dot_dimension_numbers<[1], [0], [0], [1], [0, 0, 1, 1], [], []>, transpose_lhs_hint = false} : vector<116x116xbf16>, vector<116x116xbf16>, vector<116x116xf32> -> vector<116x116xf32>
    %get3A_1497 = arith.constant 0 : index
    %get3A_1498 = arith.constant 0 : index
    %get3A_1499 = arith.constant 0 : index
    %get3A_1500 = arith.constant 0 : index
    %get3A_1501 = vector.load %arg31[%get3A_1497, %get3A_1498, %get3A_1499, %get3A_1500] : memref<1x3x116x116xf32, #tpu.memory_space<vmem>>, vector<1x1x116x116xf32>
    %get3A_1502 = vector.shape_cast %get3A_1501 : vector<1x1x116x116xf32> to vector<116x116xf32>
    %convert_element_type3A_1503 = arith.truncf %get3A_1502 : vector<116x116xf32> to vector<116x116xbf16>
    %convert_element_type3A_1504 = arith.truncf %mul3A_398 : vector<116x116xf32> to vector<116x116xbf16>
    %dot_general3A_1505 = arith.constant dense<0.000000e+00> : vector<116x116xf32>
    %dot_general3A_1506 = tpu.matmul %convert_element_type3A_1503, %convert_element_type3A_1504, %dot_general3A_1505 {dimension_numbers = #tpu.dot_dimension_numbers<[1], [0], [0], [1], [0, 0, 1, 1], [], []>, transpose_lhs_hint = false} : vector<116x116xbf16>, vector<116x116xbf16>, vector<116x116xf32> -> vector<116x116xf32>
    %get3A_1507 = arith.constant 0 : index
    %get3A_1508 = arith.constant 0 : index
    %get3A_1509 = arith.constant 0 : index
    %get3A_1510 = arith.constant 0 : index
    %get3A_1511 = vector.load %arg32[%get3A_1507, %get3A_1508, %get3A_1509, %get3A_1510] : memref<1x3x116x116xf32, #tpu.memory_space<vmem>>, vector<1x1x116x116xf32>
    %get3A_1512 = vector.shape_cast %get3A_1511 : vector<1x1x116x116xf32> to vector<116x116xf32>
    %convert_element_type3A_1513 = arith.truncf %get3A_1512 : vector<116x116xf32> to vector<116x116xbf16>
    %convert_element_type3A_1514 = arith.truncf %mul3A_426 : vector<116x116xf32> to vector<116x116xbf16>
    %dot_general3A_1515 = arith.constant dense<0.000000e+00> : vector<116x116xf32>
    %dot_general3A_1516 = tpu.matmul %convert_element_type3A_1513, %convert_element_type3A_1514, %dot_general3A_1515 {dimension_numbers = #tpu.dot_dimension_numbers<[1], [0], [0], [1], [0, 0, 1, 1], [], []>, transpose_lhs_hint = false} : vector<116x116xbf16>, vector<116x116xbf16>, vector<116x116xf32> -> vector<116x116xf32>
    %get3A_1517 = arith.constant 0 : index
    %get3A_1518 = arith.constant 0 : index
    %get3A_1519 = arith.constant 0 : index
    %get3A_1520 = arith.constant 0 : index
    %get3A_1521 = vector.load %arg33[%get3A_1517, %get3A_1518, %get3A_1519, %get3A_1520] : memref<1x3x116x116xf32, #tpu.memory_space<vmem>>, vector<1x1x116x116xf32>
    %get3A_1522 = vector.shape_cast %get3A_1521 : vector<1x1x116x116xf32> to vector<116x116xf32>
    %convert_element_type3A_1523 = arith.truncf %get3A_1522 : vector<116x116xf32> to vector<116x116xbf16>
    %convert_element_type3A_1524 = arith.truncf %mul3A_454 : vector<116x116xf32> to vector<116x116xbf16>
    %dot_general3A_1525 = arith.constant dense<0.000000e+00> : vector<116x116xf32>
    %dot_general3A_1526 = tpu.matmul %convert_element_type3A_1523, %convert_element_type3A_1524, %dot_general3A_1525 {dimension_numbers = #tpu.dot_dimension_numbers<[1], [0], [0], [1], [0, 0, 1, 1], [], []>, transpose_lhs_hint = false} : vector<116x116xbf16>, vector<116x116xbf16>, vector<116x116xf32> -> vector<116x116xf32>
    %get3A_1527 = arith.constant 0 : index
    %get3A_1528 = arith.constant 1 : index
    %get3A_1529 = arith.constant 0 : index
    %get3A_1530 = arith.constant 0 : index
    %get3A_1531 = vector.load %arg18[%get3A_1527, %get3A_1528, %get3A_1529, %get3A_1530] : memref<1x3x116x116xf32, #tpu.memory_space<vmem>>, vector<1x1x116x116xf32>
    %get3A_1532 = vector.shape_cast %get3A_1531 : vector<1x1x116x116xf32> to vector<116x116xf32>
    %convert_element_type3A_1533 = arith.truncf %get3A_1532 : vector<116x116xf32> to vector<116x116xbf16>
    %convert_element_type3A_1534 = arith.truncf %mul3A_490 : vector<116x116xf32> to vector<116x116xbf16>
    %dot_general3A_1535 = arith.constant dense<0.000000e+00> : vector<116x116xf32>
    %dot_general3A_1536 = tpu.matmul %convert_element_type3A_1533, %convert_element_type3A_1534, %dot_general3A_1535 {dimension_numbers = #tpu.dot_dimension_numbers<[1], [0], [0], [1], [0, 0, 1, 1], [], []>, transpose_lhs_hint = false} : vector<116x116xbf16>, vector<116x116xbf16>, vector<116x116xf32> -> vector<116x116xf32>
    %get3A_1537 = arith.constant 0 : index
    %get3A_1538 = arith.constant 1 : index
    %get3A_1539 = arith.constant 0 : index
    %get3A_1540 = arith.constant 0 : index
    %get3A_1541 = vector.load %arg19[%get3A_1537, %get3A_1538, %get3A_1539, %get3A_1540] : memref<1x3x116x116xf32, #tpu.memory_space<vmem>>, vector<1x1x116x116xf32>
    %get3A_1542 = vector.shape_cast %get3A_1541 : vector<1x1x116x116xf32> to vector<116x116xf32>
    %convert_element_type3A_1543 = arith.truncf %get3A_1542 : vector<116x116xf32> to vector<116x116xbf16>
    %convert_element_type3A_1544 = arith.truncf %mul3A_518 : vector<116x116xf32> to vector<116x116xbf16>
    %dot_general3A_1545 = arith.constant dense<0.000000e+00> : vector<116x116xf32>
    %dot_general3A_1546 = tpu.matmul %convert_element_type3A_1543, %convert_element_type3A_1544, %dot_general3A_1545 {dimension_numbers = #tpu.dot_dimension_numbers<[1], [0], [0], [1], [0, 0, 1, 1], [], []>, transpose_lhs_hint = false} : vector<116x116xbf16>, vector<116x116xbf16>, vector<116x116xf32> -> vector<116x116xf32>
    %get3A_1547 = arith.constant 0 : index
    %get3A_1548 = arith.constant 1 : index
    %get3A_1549 = arith.constant 0 : index
    %get3A_1550 = arith.constant 0 : index
    %get3A_1551 = vector.load %arg20[%get3A_1547, %get3A_1548, %get3A_1549, %get3A_1550] : memref<1x3x116x116xf32, #tpu.memory_space<vmem>>, vector<1x1x116x116xf32>
    %get3A_1552 = vector.shape_cast %get3A_1551 : vector<1x1x116x116xf32> to vector<116x116xf32>
    %convert_element_type3A_1553 = arith.truncf %get3A_1552 : vector<116x116xf32> to vector<116x116xbf16>
    %convert_element_type3A_1554 = arith.truncf %mul3A_546 : vector<116x116xf32> to vector<116x116xbf16>
    %dot_general3A_1555 = arith.constant dense<0.000000e+00> : vector<116x116xf32>
    %dot_general3A_1556 = tpu.matmul %convert_element_type3A_1553, %convert_element_type3A_1554, %dot_general3A_1555 {dimension_numbers = #tpu.dot_dimension_numbers<[1], [0], [0], [1], [0, 0, 1, 1], [], []>, transpose_lhs_hint = false} : vector<116x116xbf16>, vector<116x116xbf16>, vector<116x116xf32> -> vector<116x116xf32>
    %get3A_1557 = arith.constant 0 : index
    %get3A_1558 = arith.constant 1 : index
    %get3A_1559 = arith.constant 0 : index
    %get3A_1560 = arith.constant 0 : index
    %get3A_1561 = vector.load %arg21[%get3A_1557, %get3A_1558, %get3A_1559, %get3A_1560] : memref<1x3x116x116xf32, #tpu.memory_space<vmem>>, vector<1x1x116x116xf32>
    %get3A_1562 = vector.shape_cast %get3A_1561 : vector<1x1x116x116xf32> to vector<116x116xf32>
    %convert_element_type3A_1563 = arith.truncf %get3A_1562 : vector<116x116xf32> to vector<116x116xbf16>
    %convert_element_type3A_1564 = arith.truncf %mul3A_574 : vector<116x116xf32> to vector<116x116xbf16>
    %dot_general3A_1565 = arith.constant dense<0.000000e+00> : vector<116x116xf32>
    %dot_general3A_1566 = tpu.matmul %convert_element_type3A_1563, %convert_element_type3A_1564, %dot_general3A_1565 {dimension_numbers = #tpu.dot_dimension_numbers<[1], [0], [0], [1], [0, 0, 1, 1], [], []>, transpose_lhs_hint = false} : vector<116x116xbf16>, vector<116x116xbf16>, vector<116x116xf32> -> vector<116x116xf32>
    %get3A_1567 = arith.constant 0 : index
    %get3A_1568 = arith.constant 1 : index
    %get3A_1569 = arith.constant 0 : index
    %get3A_1570 = arith.constant 0 : index
    %get3A_1571 = vector.load %arg22[%get3A_1567, %get3A_1568, %get3A_1569, %get3A_1570] : memref<1x3x116x116xf32, #tpu.memory_space<vmem>>, vector<1x1x116x116xf32>
    %get3A_1572 = vector.shape_cast %get3A_1571 : vector<1x1x116x116xf32> to vector<116x116xf32>
    %convert_element_type3A_1573 = arith.truncf %get3A_1572 : vector<116x116xf32> to vector<116x116xbf16>
    %convert_element_type3A_1574 = arith.truncf %mul3A_602 : vector<116x116xf32> to vector<116x116xbf16>
    %dot_general3A_1575 = arith.constant dense<0.000000e+00> : vector<116x116xf32>
    %dot_general3A_1576 = tpu.matmul %convert_element_type3A_1573, %convert_element_type3A_1574, %dot_general3A_1575 {dimension_numbers = #tpu.dot_dimension_numbers<[1], [0], [0], [1], [0, 0, 1, 1], [], []>, transpose_lhs_hint = false} : vector<116x116xbf16>, vector<116x116xbf16>, vector<116x116xf32> -> vector<116x116xf32>
    %get3A_1577 = arith.constant 0 : index
    %get3A_1578 = arith.constant 1 : index
    %get3A_1579 = arith.constant 0 : index
    %get3A_1580 = arith.constant 0 : index
    %get3A_1581 = vector.load %arg23[%get3A_1577, %get3A_1578, %get3A_1579, %get3A_1580] : memref<1x3x116x116xf32, #tpu.memory_space<vmem>>, vector<1x1x116x116xf32>
    %get3A_1582 = vector.shape_cast %get3A_1581 : vector<1x1x116x116xf32> to vector<116x116xf32>
    %convert_element_type3A_1583 = arith.truncf %get3A_1582 : vector<116x116xf32> to vector<116x116xbf16>
    %convert_element_type3A_1584 = arith.truncf %mul3A_630 : vector<116x116xf32> to vector<116x116xbf16>
    %dot_general3A_1585 = arith.constant dense<0.000000e+00> : vector<116x116xf32>
    %dot_general3A_1586 = tpu.matmul %convert_element_type3A_1583, %convert_element_type3A_1584, %dot_general3A_1585 {dimension_numbers = #tpu.dot_dimension_numbers<[1], [0], [0], [1], [0, 0, 1, 1], [], []>, transpose_lhs_hint = false} : vector<116x116xbf16>, vector<116x116xbf16>, vector<116x116xf32> -> vector<116x116xf32>
    %get3A_1587 = arith.constant 0 : index
    %get3A_1588 = arith.constant 1 : index
    %get3A_1589 = arith.constant 0 : index
    %get3A_1590 = arith.constant 0 : index
    %get3A_1591 = vector.load %arg24[%get3A_1587, %get3A_1588, %get3A_1589, %get3A_1590] : memref<1x3x116x116xf32, #tpu.memory_space<vmem>>, vector<1x1x116x116xf32>
    %get3A_1592 = vector.shape_cast %get3A_1591 : vector<1x1x116x116xf32> to vector<116x116xf32>
    %convert_element_type3A_1593 = arith.truncf %get3A_1592 : vector<116x116xf32> to vector<116x116xbf16>
    %convert_element_type3A_1594 = arith.truncf %mul3A_658 : vector<116x116xf32> to vector<116x116xbf16>
    %dot_general3A_1595 = arith.constant dense<0.000000e+00> : vector<116x116xf32>
    %dot_general3A_1596 = tpu.matmul %convert_element_type3A_1593, %convert_element_type3A_1594, %dot_general3A_1595 {dimension_numbers = #tpu.dot_dimension_numbers<[1], [0], [0], [1], [0, 0, 1, 1], [], []>, transpose_lhs_hint = false} : vector<116x116xbf16>, vector<116x116xbf16>, vector<116x116xf32> -> vector<116x116xf32>
    %get3A_1597 = arith.constant 0 : index
    %get3A_1598 = arith.constant 1 : index
    %get3A_1599 = arith.constant 0 : index
    %get3A_1600 = arith.constant 0 : index
    %get3A_1601 = vector.load %arg25[%get3A_1597, %get3A_1598, %get3A_1599, %get3A_1600] : memref<1x3x116x116xf32, #tpu.memory_space<vmem>>, vector<1x1x116x116xf32>
    %get3A_1602 = vector.shape_cast %get3A_1601 : vector<1x1x116x116xf32> to vector<116x116xf32>
    %convert_element_type3A_1603 = arith.truncf %get3A_1602 : vector<116x116xf32> to vector<116x116xbf16>
    %convert_element_type3A_1604 = arith.truncf %mul3A_686 : vector<116x116xf32> to vector<116x116xbf16>
    %dot_general3A_1605 = arith.constant dense<0.000000e+00> : vector<116x116xf32>
    %dot_general3A_1606 = tpu.matmul %convert_element_type3A_1603, %convert_element_type3A_1604, %dot_general3A_1605 {dimension_numbers = #tpu.dot_dimension_numbers<[1], [0], [0], [1], [0, 0, 1, 1], [], []>, transpose_lhs_hint = false} : vector<116x116xbf16>, vector<116x116xbf16>, vector<116x116xf32> -> vector<116x116xf32>
    %get3A_1607 = arith.constant 0 : index
    %get3A_1608 = arith.constant 1 : index
    %get3A_1609 = arith.constant 0 : index
    %get3A_1610 = arith.constant 0 : index
    %get3A_1611 = vector.load %arg26[%get3A_1607, %get3A_1608, %get3A_1609, %get3A_1610] : memref<1x3x116x116xf32, #tpu.memory_space<vmem>>, vector<1x1x116x116xf32>
    %get3A_1612 = vector.shape_cast %get3A_1611 : vector<1x1x116x116xf32> to vector<116x116xf32>
    %convert_element_type3A_1613 = arith.truncf %get3A_1612 : vector<116x116xf32> to vector<116x116xbf16>
    %convert_element_type3A_1614 = arith.truncf %mul3A_714 : vector<116x116xf32> to vector<116x116xbf16>
    %dot_general3A_1615 = arith.constant dense<0.000000e+00> : vector<116x116xf32>
    %dot_general3A_1616 = tpu.matmul %convert_element_type3A_1613, %convert_element_type3A_1614, %dot_general3A_1615 {dimension_numbers = #tpu.dot_dimension_numbers<[1], [0], [0], [1], [0, 0, 1, 1], [], []>, transpose_lhs_hint = false} : vector<116x116xbf16>, vector<116x116xbf16>, vector<116x116xf32> -> vector<116x116xf32>
    %get3A_1617 = arith.constant 0 : index
    %get3A_1618 = arith.constant 1 : index
    %get3A_1619 = arith.constant 0 : index
    %get3A_1620 = arith.constant 0 : index
    %get3A_1621 = vector.load %arg27[%get3A_1617, %get3A_1618, %get3A_1619, %get3A_1620] : memref<1x3x116x116xf32, #tpu.memory_space<vmem>>, vector<1x1x116x116xf32>
    %get3A_1622 = vector.shape_cast %get3A_1621 : vector<1x1x116x116xf32> to vector<116x116xf32>
    %convert_element_type3A_1623 = arith.truncf %get3A_1622 : vector<116x116xf32> to vector<116x116xbf16>
    %convert_element_type3A_1624 = arith.truncf %mul3A_742 : vector<116x116xf32> to vector<116x116xbf16>
    %dot_general3A_1625 = arith.constant dense<0.000000e+00> : vector<116x116xf32>
    %dot_general3A_1626 = tpu.matmul %convert_element_type3A_1623, %convert_element_type3A_1624, %dot_general3A_1625 {dimension_numbers = #tpu.dot_dimension_numbers<[1], [0], [0], [1], [0, 0, 1, 1], [], []>, transpose_lhs_hint = false} : vector<116x116xbf16>, vector<116x116xbf16>, vector<116x116xf32> -> vector<116x116xf32>
    %get3A_1627 = arith.constant 0 : index
    %get3A_1628 = arith.constant 1 : index
    %get3A_1629 = arith.constant 0 : index
    %get3A_1630 = arith.constant 0 : index
    %get3A_1631 = vector.load %arg28[%get3A_1627, %get3A_1628, %get3A_1629, %get3A_1630] : memref<1x3x116x116xf32, #tpu.memory_space<vmem>>, vector<1x1x116x116xf32>
    %get3A_1632 = vector.shape_cast %get3A_1631 : vector<1x1x116x116xf32> to vector<116x116xf32>
    %convert_element_type3A_1633 = arith.truncf %get3A_1632 : vector<116x116xf32> to vector<116x116xbf16>
    %convert_element_type3A_1634 = arith.truncf %mul3A_770 : vector<116x116xf32> to vector<116x116xbf16>
    %dot_general3A_1635 = arith.constant dense<0.000000e+00> : vector<116x116xf32>
    %dot_general3A_1636 = tpu.matmul %convert_element_type3A_1633, %convert_element_type3A_1634, %dot_general3A_1635 {dimension_numbers = #tpu.dot_dimension_numbers<[1], [0], [0], [1], [0, 0, 1, 1], [], []>, transpose_lhs_hint = false} : vector<116x116xbf16>, vector<116x116xbf16>, vector<116x116xf32> -> vector<116x116xf32>
    %get3A_1637 = arith.constant 0 : index
    %get3A_1638 = arith.constant 1 : index
    %get3A_1639 = arith.constant 0 : index
    %get3A_1640 = arith.constant 0 : index
    %get3A_1641 = vector.load %arg29[%get3A_1637, %get3A_1638, %get3A_1639, %get3A_1640] : memref<1x3x116x116xf32, #tpu.memory_space<vmem>>, vector<1x1x116x116xf32>
    %get3A_1642 = vector.shape_cast %get3A_1641 : vector<1x1x116x116xf32> to vector<116x116xf32>
    %convert_element_type3A_1643 = arith.truncf %get3A_1642 : vector<116x116xf32> to vector<116x116xbf16>
    %convert_element_type3A_1644 = arith.truncf %mul3A_798 : vector<116x116xf32> to vector<116x116xbf16>
    %dot_general3A_1645 = arith.constant dense<0.000000e+00> : vector<116x116xf32>
    %dot_general3A_1646 = tpu.matmul %convert_element_type3A_1643, %convert_element_type3A_1644, %dot_general3A_1645 {dimension_numbers = #tpu.dot_dimension_numbers<[1], [0], [0], [1], [0, 0, 1, 1], [], []>, transpose_lhs_hint = false} : vector<116x116xbf16>, vector<116x116xbf16>, vector<116x116xf32> -> vector<116x116xf32>
    %get3A_1647 = arith.constant 0 : index
    %get3A_1648 = arith.constant 1 : index
    %get3A_1649 = arith.constant 0 : index
    %get3A_1650 = arith.constant 0 : index
    %get3A_1651 = vector.load %arg30[%get3A_1647, %get3A_1648, %get3A_1649, %get3A_1650] : memref<1x3x116x116xf32, #tpu.memory_space<vmem>>, vector<1x1x116x116xf32>
    %get3A_1652 = vector.shape_cast %get3A_1651 : vector<1x1x116x116xf32> to vector<116x116xf32>
    %convert_element_type3A_1653 = arith.truncf %get3A_1652 : vector<116x116xf32> to vector<116x116xbf16>
    %convert_element_type3A_1654 = arith.truncf %mul3A_826 : vector<116x116xf32> to vector<116x116xbf16>
    %dot_general3A_1655 = arith.constant dense<0.000000e+00> : vector<116x116xf32>
    %dot_general3A_1656 = tpu.matmul %convert_element_type3A_1653, %convert_element_type3A_1654, %dot_general3A_1655 {dimension_numbers = #tpu.dot_dimension_numbers<[1], [0], [0], [1], [0, 0, 1, 1], [], []>, transpose_lhs_hint = false} : vector<116x116xbf16>, vector<116x116xbf16>, vector<116x116xf32> -> vector<116x116xf32>
    %get3A_1657 = arith.constant 0 : index
    %get3A_1658 = arith.constant 1 : index
    %get3A_1659 = arith.constant 0 : index
    %get3A_1660 = arith.constant 0 : index
    %get3A_1661 = vector.load %arg31[%get3A_1657, %get3A_1658, %get3A_1659, %get3A_1660] : memref<1x3x116x116xf32, #tpu.memory_space<vmem>>, vector<1x1x116x116xf32>
    %get3A_1662 = vector.shape_cast %get3A_1661 : vector<1x1x116x116xf32> to vector<116x116xf32>
    %convert_element_type3A_1663 = arith.truncf %get3A_1662 : vector<116x116xf32> to vector<116x116xbf16>
    %convert_element_type3A_1664 = arith.truncf %mul3A_854 : vector<116x116xf32> to vector<116x116xbf16>
    %dot_general3A_1665 = arith.constant dense<0.000000e+00> : vector<116x116xf32>
    %dot_general3A_1666 = tpu.matmul %convert_element_type3A_1663, %convert_element_type3A_1664, %dot_general3A_1665 {dimension_numbers = #tpu.dot_dimension_numbers<[1], [0], [0], [1], [0, 0, 1, 1], [], []>, transpose_lhs_hint = false} : vector<116x116xbf16>, vector<116x116xbf16>, vector<116x116xf32> -> vector<116x116xf32>
    %get3A_1667 = arith.constant 0 : index
    %get3A_1668 = arith.constant 1 : index
    %get3A_1669 = arith.constant 0 : index
    %get3A_1670 = arith.constant 0 : index
    %get3A_1671 = vector.load %arg32[%get3A_1667, %get3A_1668, %get3A_1669, %get3A_1670] : memref<1x3x116x116xf32, #tpu.memory_space<vmem>>, vector<1x1x116x116xf32>
    %get3A_1672 = vector.shape_cast %get3A_1671 : vector<1x1x116x116xf32> to vector<116x116xf32>
    %convert_element_type3A_1673 = arith.truncf %get3A_1672 : vector<116x116xf32> to vector<116x116xbf16>
    %convert_element_type3A_1674 = arith.truncf %mul3A_882 : vector<116x116xf32> to vector<116x116xbf16>
    %dot_general3A_1675 = arith.constant dense<0.000000e+00> : vector<116x116xf32>
    %dot_general3A_1676 = tpu.matmul %convert_element_type3A_1673, %convert_element_type3A_1674, %dot_general3A_1675 {dimension_numbers = #tpu.dot_dimension_numbers<[1], [0], [0], [1], [0, 0, 1, 1], [], []>, transpose_lhs_hint = false} : vector<116x116xbf16>, vector<116x116xbf16>, vector<116x116xf32> -> vector<116x116xf32>
    %get3A_1677 = arith.constant 0 : index
    %get3A_1678 = arith.constant 1 : index
    %get3A_1679 = arith.constant 0 : index
    %get3A_1680 = arith.constant 0 : index
    %get3A_1681 = vector.load %arg33[%get3A_1677, %get3A_1678, %get3A_1679, %get3A_1680] : memref<1x3x116x116xf32, #tpu.memory_space<vmem>>, vector<1x1x116x116xf32>
    %get3A_1682 = vector.shape_cast %get3A_1681 : vector<1x1x116x116xf32> to vector<116x116xf32>
    %convert_element_type3A_1683 = arith.truncf %get3A_1682 : vector<116x116xf32> to vector<116x116xbf16>
    %convert_element_type3A_1684 = arith.truncf %mul3A_910 : vector<116x116xf32> to vector<116x116xbf16>
    %dot_general3A_1685 = arith.constant dense<0.000000e+00> : vector<116x116xf32>
    %dot_general3A_1686 = tpu.matmul %convert_element_type3A_1683, %convert_element_type3A_1684, %dot_general3A_1685 {dimension_numbers = #tpu.dot_dimension_numbers<[1], [0], [0], [1], [0, 0, 1, 1], [], []>, transpose_lhs_hint = false} : vector<116x116xbf16>, vector<116x116xbf16>, vector<116x116xf32> -> vector<116x116xf32>
    %get3A_1687 = arith.constant 0 : index
    %get3A_1688 = arith.constant 2 : index
    %get3A_1689 = arith.constant 0 : index
    %get3A_1690 = arith.constant 0 : index
    %get3A_1691 = vector.load %arg18[%get3A_1687, %get3A_1688, %get3A_1689, %get3A_1690] : memref<1x3x116x116xf32, #tpu.memory_space<vmem>>, vector<1x1x116x116xf32>
    %get3A_1692 = vector.shape_cast %get3A_1691 : vector<1x1x116x116xf32> to vector<116x116xf32>
    %convert_element_type3A_1693 = arith.truncf %get3A_1692 : vector<116x116xf32> to vector<116x116xbf16>
    %convert_element_type3A_1694 = arith.truncf %mul3A_946 : vector<116x116xf32> to vector<116x116xbf16>
    %dot_general3A_1695 = arith.constant dense<0.000000e+00> : vector<116x116xf32>
    %dot_general3A_1696 = tpu.matmul %convert_element_type3A_1693, %convert_element_type3A_1694, %dot_general3A_1695 {dimension_numbers = #tpu.dot_dimension_numbers<[1], [0], [0], [1], [0, 0, 1, 1], [], []>, transpose_lhs_hint = false} : vector<116x116xbf16>, vector<116x116xbf16>, vector<116x116xf32> -> vector<116x116xf32>
    %get3A_1697 = arith.constant 0 : index
    %get3A_1698 = arith.constant 2 : index
    %get3A_1699 = arith.constant 0 : index
    %get3A_1700 = arith.constant 0 : index
    %get3A_1701 = vector.load %arg19[%get3A_1697, %get3A_1698, %get3A_1699, %get3A_1700] : memref<1x3x116x116xf32, #tpu.memory_space<vmem>>, vector<1x1x116x116xf32>
    %get3A_1702 = vector.shape_cast %get3A_1701 : vector<1x1x116x116xf32> to vector<116x116xf32>
    %convert_element_type3A_1703 = arith.truncf %get3A_1702 : vector<116x116xf32> to vector<116x116xbf16>
    %convert_element_type3A_1704 = arith.truncf %mul3A_974 : vector<116x116xf32> to vector<116x116xbf16>
    %dot_general3A_1705 = arith.constant dense<0.000000e+00> : vector<116x116xf32>
    %dot_general3A_1706 = tpu.matmul %convert_element_type3A_1703, %convert_element_type3A_1704, %dot_general3A_1705 {dimension_numbers = #tpu.dot_dimension_numbers<[1], [0], [0], [1], [0, 0, 1, 1], [], []>, transpose_lhs_hint = false} : vector<116x116xbf16>, vector<116x116xbf16>, vector<116x116xf32> -> vector<116x116xf32>
    %get3A_1707 = arith.constant 0 : index
    %get3A_1708 = arith.constant 2 : index
    %get3A_1709 = arith.constant 0 : index
    %get3A_1710 = arith.constant 0 : index
    %get3A_1711 = vector.load %arg20[%get3A_1707, %get3A_1708, %get3A_1709, %get3A_1710] : memref<1x3x116x116xf32, #tpu.memory_space<vmem>>, vector<1x1x116x116xf32>
    %get3A_1712 = vector.shape_cast %get3A_1711 : vector<1x1x116x116xf32> to vector<116x116xf32>
    %convert_element_type3A_1713 = arith.truncf %get3A_1712 : vector<116x116xf32> to vector<116x116xbf16>
    %convert_element_type3A_1714 = arith.truncf %mul3A_1002 : vector<116x116xf32> to vector<116x116xbf16>
    %dot_general3A_1715 = arith.constant dense<0.000000e+00> : vector<116x116xf32>
    %dot_general3A_1716 = tpu.matmul %convert_element_type3A_1713, %convert_element_type3A_1714, %dot_general3A_1715 {dimension_numbers = #tpu.dot_dimension_numbers<[1], [0], [0], [1], [0, 0, 1, 1], [], []>, transpose_lhs_hint = false} : vector<116x116xbf16>, vector<116x116xbf16>, vector<116x116xf32> -> vector<116x116xf32>
    %get3A_1717 = arith.constant 0 : index
    %get3A_1718 = arith.constant 2 : index
    %get3A_1719 = arith.constant 0 : index
    %get3A_1720 = arith.constant 0 : index
    %get3A_1721 = vector.load %arg21[%get3A_1717, %get3A_1718, %get3A_1719, %get3A_1720] : memref<1x3x116x116xf32, #tpu.memory_space<vmem>>, vector<1x1x116x116xf32>
    %get3A_1722 = vector.shape_cast %get3A_1721 : vector<1x1x116x116xf32> to vector<116x116xf32>
    %convert_element_type3A_1723 = arith.truncf %get3A_1722 : vector<116x116xf32> to vector<116x116xbf16>
    %convert_element_type3A_1724 = arith.truncf %mul3A_1030 : vector<116x116xf32> to vector<116x116xbf16>
    %dot_general3A_1725 = arith.constant dense<0.000000e+00> : vector<116x116xf32>
    %dot_general3A_1726 = tpu.matmul %convert_element_type3A_1723, %convert_element_type3A_1724, %dot_general3A_1725 {dimension_numbers = #tpu.dot_dimension_numbers<[1], [0], [0], [1], [0, 0, 1, 1], [], []>, transpose_lhs_hint = false} : vector<116x116xbf16>, vector<116x116xbf16>, vector<116x116xf32> -> vector<116x116xf32>
    %get3A_1727 = arith.constant 0 : index
    %get3A_1728 = arith.constant 2 : index
    %get3A_1729 = arith.constant 0 : index
    %get3A_1730 = arith.constant 0 : index
    %get3A_1731 = vector.load %arg22[%get3A_1727, %get3A_1728, %get3A_1729, %get3A_1730] : memref<1x3x116x116xf32, #tpu.memory_space<vmem>>, vector<1x1x116x116xf32>
    %get3A_1732 = vector.shape_cast %get3A_1731 : vector<1x1x116x116xf32> to vector<116x116xf32>
    %convert_element_type3A_1733 = arith.truncf %get3A_1732 : vector<116x116xf32> to vector<116x116xbf16>
    %convert_element_type3A_1734 = arith.truncf %mul3A_1058 : vector<116x116xf32> to vector<116x116xbf16>
    %dot_general3A_1735 = arith.constant dense<0.000000e+00> : vector<116x116xf32>
    %dot_general3A_1736 = tpu.matmul %convert_element_type3A_1733, %convert_element_type3A_1734, %dot_general3A_1735 {dimension_numbers = #tpu.dot_dimension_numbers<[1], [0], [0], [1], [0, 0, 1, 1], [], []>, transpose_lhs_hint = false} : vector<116x116xbf16>, vector<116x116xbf16>, vector<116x116xf32> -> vector<116x116xf32>
    %get3A_1737 = arith.constant 0 : index
    %get3A_1738 = arith.constant 2 : index
    %get3A_1739 = arith.constant 0 : index
    %get3A_1740 = arith.constant 0 : index
    %get3A_1741 = vector.load %arg23[%get3A_1737, %get3A_1738, %get3A_1739, %get3A_1740] : memref<1x3x116x116xf32, #tpu.memory_space<vmem>>, vector<1x1x116x116xf32>
    %get3A_1742 = vector.shape_cast %get3A_1741 : vector<1x1x116x116xf32> to vector<116x116xf32>
    %convert_element_type3A_1743 = arith.truncf %get3A_1742 : vector<116x116xf32> to vector<116x116xbf16>
    %convert_element_type3A_1744 = arith.truncf %mul3A_1086 : vector<116x116xf32> to vector<116x116xbf16>
    %dot_general3A_1745 = arith.constant dense<0.000000e+00> : vector<116x116xf32>
    %dot_general3A_1746 = tpu.matmul %convert_element_type3A_1743, %convert_element_type3A_1744, %dot_general3A_1745 {dimension_numbers = #tpu.dot_dimension_numbers<[1], [0], [0], [1], [0, 0, 1, 1], [], []>, transpose_lhs_hint = false} : vector<116x116xbf16>, vector<116x116xbf16>, vector<116x116xf32> -> vector<116x116xf32>
    %get3A_1747 = arith.constant 0 : index
    %get3A_1748 = arith.constant 2 : index
    %get3A_1749 = arith.constant 0 : index
    %get3A_1750 = arith.constant 0 : index
    %get3A_1751 = vector.load %arg24[%get3A_1747, %get3A_1748, %get3A_1749, %get3A_1750] : memref<1x3x116x116xf32, #tpu.memory_space<vmem>>, vector<1x1x116x116xf32>
    %get3A_1752 = vector.shape_cast %get3A_1751 : vector<1x1x116x116xf32> to vector<116x116xf32>
    %convert_element_type3A_1753 = arith.truncf %get3A_1752 : vector<116x116xf32> to vector<116x116xbf16>
    %convert_element_type3A_1754 = arith.truncf %mul3A_1114 : vector<116x116xf32> to vector<116x116xbf16>
    %dot_general3A_1755 = arith.constant dense<0.000000e+00> : vector<116x116xf32>
    %dot_general3A_1756 = tpu.matmul %convert_element_type3A_1753, %convert_element_type3A_1754, %dot_general3A_1755 {dimension_numbers = #tpu.dot_dimension_numbers<[1], [0], [0], [1], [0, 0, 1, 1], [], []>, transpose_lhs_hint = false} : vector<116x116xbf16>, vector<116x116xbf16>, vector<116x116xf32> -> vector<116x116xf32>
    %get3A_1757 = arith.constant 0 : index
    %get3A_1758 = arith.constant 2 : index
    %get3A_1759 = arith.constant 0 : index
    %get3A_1760 = arith.constant 0 : index
    %get3A_1761 = vector.load %arg25[%get3A_1757, %get3A_1758, %get3A_1759, %get3A_1760] : memref<1x3x116x116xf32, #tpu.memory_space<vmem>>, vector<1x1x116x116xf32>
    %get3A_1762 = vector.shape_cast %get3A_1761 : vector<1x1x116x116xf32> to vector<116x116xf32>
    %convert_element_type3A_1763 = arith.truncf %get3A_1762 : vector<116x116xf32> to vector<116x116xbf16>
    %convert_element_type3A_1764 = arith.truncf %mul3A_1142 : vector<116x116xf32> to vector<116x116xbf16>
    %dot_general3A_1765 = arith.constant dense<0.000000e+00> : vector<116x116xf32>
    %dot_general3A_1766 = tpu.matmul %convert_element_type3A_1763, %convert_element_type3A_1764, %dot_general3A_1765 {dimension_numbers = #tpu.dot_dimension_numbers<[1], [0], [0], [1], [0, 0, 1, 1], [], []>, transpose_lhs_hint = false} : vector<116x116xbf16>, vector<116x116xbf16>, vector<116x116xf32> -> vector<116x116xf32>
    %get3A_1767 = arith.constant 0 : index
    %get3A_1768 = arith.constant 2 : index
    %get3A_1769 = arith.constant 0 : index
    %get3A_1770 = arith.constant 0 : index
    %get3A_1771 = vector.load %arg26[%get3A_1767, %get3A_1768, %get3A_1769, %get3A_1770] : memref<1x3x116x116xf32, #tpu.memory_space<vmem>>, vector<1x1x116x116xf32>
    %get3A_1772 = vector.shape_cast %get3A_1771 : vector<1x1x116x116xf32> to vector<116x116xf32>
    %convert_element_type3A_1773 = arith.truncf %get3A_1772 : vector<116x116xf32> to vector<116x116xbf16>
    %convert_element_type3A_1774 = arith.truncf %mul3A_1170 : vector<116x116xf32> to vector<116x116xbf16>
    %dot_general3A_1775 = arith.constant dense<0.000000e+00> : vector<116x116xf32>
    %dot_general3A_1776 = tpu.matmul %convert_element_type3A_1773, %convert_element_type3A_1774, %dot_general3A_1775 {dimension_numbers = #tpu.dot_dimension_numbers<[1], [0], [0], [1], [0, 0, 1, 1], [], []>, transpose_lhs_hint = false} : vector<116x116xbf16>, vector<116x116xbf16>, vector<116x116xf32> -> vector<116x116xf32>
    %get3A_1777 = arith.constant 0 : index
    %get3A_1778 = arith.constant 2 : index
    %get3A_1779 = arith.constant 0 : index
    %get3A_1780 = arith.constant 0 : index
    %get3A_1781 = vector.load %arg27[%get3A_1777, %get3A_1778, %get3A_1779, %get3A_1780] : memref<1x3x116x116xf32, #tpu.memory_space<vmem>>, vector<1x1x116x116xf32>
    %get3A_1782 = vector.shape_cast %get3A_1781 : vector<1x1x116x116xf32> to vector<116x116xf32>
    %convert_element_type3A_1783 = arith.truncf %get3A_1782 : vector<116x116xf32> to vector<116x116xbf16>
    %convert_element_type3A_1784 = arith.truncf %mul3A_1198 : vector<116x116xf32> to vector<116x116xbf16>
    %dot_general3A_1785 = arith.constant dense<0.000000e+00> : vector<116x116xf32>
    %dot_general3A_1786 = tpu.matmul %convert_element_type3A_1783, %convert_element_type3A_1784, %dot_general3A_1785 {dimension_numbers = #tpu.dot_dimension_numbers<[1], [0], [0], [1], [0, 0, 1, 1], [], []>, transpose_lhs_hint = false} : vector<116x116xbf16>, vector<116x116xbf16>, vector<116x116xf32> -> vector<116x116xf32>
    %get3A_1787 = arith.constant 0 : index
    %get3A_1788 = arith.constant 2 : index
    %get3A_1789 = arith.constant 0 : index
    %get3A_1790 = arith.constant 0 : index
    %get3A_1791 = vector.load %arg28[%get3A_1787, %get3A_1788, %get3A_1789, %get3A_1790] : memref<1x3x116x116xf32, #tpu.memory_space<vmem>>, vector<1x1x116x116xf32>
    %get3A_1792 = vector.shape_cast %get3A_1791 : vector<1x1x116x116xf32> to vector<116x116xf32>
    %convert_element_type3A_1793 = arith.truncf %get3A_1792 : vector<116x116xf32> to vector<116x116xbf16>
    %convert_element_type3A_1794 = arith.truncf %mul3A_1226 : vector<116x116xf32> to vector<116x116xbf16>
    %dot_general3A_1795 = arith.constant dense<0.000000e+00> : vector<116x116xf32>
    %dot_general3A_1796 = tpu.matmul %convert_element_type3A_1793, %convert_element_type3A_1794, %dot_general3A_1795 {dimension_numbers = #tpu.dot_dimension_numbers<[1], [0], [0], [1], [0, 0, 1, 1], [], []>, transpose_lhs_hint = false} : vector<116x116xbf16>, vector<116x116xbf16>, vector<116x116xf32> -> vector<116x116xf32>
    %get3A_1797 = arith.constant 0 : index
    %get3A_1798 = arith.constant 2 : index
    %get3A_1799 = arith.constant 0 : index
    %get3A_1800 = arith.constant 0 : index
    %get3A_1801 = vector.load %arg29[%get3A_1797, %get3A_1798, %get3A_1799, %get3A_1800] : memref<1x3x116x116xf32, #tpu.memory_space<vmem>>, vector<1x1x116x116xf32>
    %get3A_1802 = vector.shape_cast %get3A_1801 : vector<1x1x116x116xf32> to vector<116x116xf32>
    %convert_element_type3A_1803 = arith.truncf %get3A_1802 : vector<116x116xf32> to vector<116x116xbf16>
    %convert_element_type3A_1804 = arith.truncf %mul3A_1254 : vector<116x116xf32> to vector<116x116xbf16>
    %dot_general3A_1805 = arith.constant dense<0.000000e+00> : vector<116x116xf32>
    %dot_general3A_1806 = tpu.matmul %convert_element_type3A_1803, %convert_element_type3A_1804, %dot_general3A_1805 {dimension_numbers = #tpu.dot_dimension_numbers<[1], [0], [0], [1], [0, 0, 1, 1], [], []>, transpose_lhs_hint = false} : vector<116x116xbf16>, vector<116x116xbf16>, vector<116x116xf32> -> vector<116x116xf32>
    %get3A_1807 = arith.constant 0 : index
    %get3A_1808 = arith.constant 2 : index
    %get3A_1809 = arith.constant 0 : index
    %get3A_1810 = arith.constant 0 : index
    %get3A_1811 = vector.load %arg30[%get3A_1807, %get3A_1808, %get3A_1809, %get3A_1810] : memref<1x3x116x116xf32, #tpu.memory_space<vmem>>, vector<1x1x116x116xf32>
    %get3A_1812 = vector.shape_cast %get3A_1811 : vector<1x1x116x116xf32> to vector<116x116xf32>
    %convert_element_type3A_1813 = arith.truncf %get3A_1812 : vector<116x116xf32> to vector<116x116xbf16>
    %convert_element_type3A_1814 = arith.truncf %mul3A_1282 : vector<116x116xf32> to vector<116x116xbf16>
    %dot_general3A_1815 = arith.constant dense<0.000000e+00> : vector<116x116xf32>
    %dot_general3A_1816 = tpu.matmul %convert_element_type3A_1813, %convert_element_type3A_1814, %dot_general3A_1815 {dimension_numbers = #tpu.dot_dimension_numbers<[1], [0], [0], [1], [0, 0, 1, 1], [], []>, transpose_lhs_hint = false} : vector<116x116xbf16>, vector<116x116xbf16>, vector<116x116xf32> -> vector<116x116xf32>
    %get3A_1817 = arith.constant 0 : index
    %get3A_1818 = arith.constant 2 : index
    %get3A_1819 = arith.constant 0 : index
    %get3A_1820 = arith.constant 0 : index
    %get3A_1821 = vector.load %arg31[%get3A_1817, %get3A_1818, %get3A_1819, %get3A_1820] : memref<1x3x116x116xf32, #tpu.memory_space<vmem>>, vector<1x1x116x116xf32>
    %get3A_1822 = vector.shape_cast %get3A_1821 : vector<1x1x116x116xf32> to vector<116x116xf32>
    %convert_element_type3A_1823 = arith.truncf %get3A_1822 : vector<116x116xf32> to vector<116x116xbf16>
    %convert_element_type3A_1824 = arith.truncf %mul3A_1310 : vector<116x116xf32> to vector<116x116xbf16>
    %dot_general3A_1825 = arith.constant dense<0.000000e+00> : vector<116x116xf32>
    %dot_general3A_1826 = tpu.matmul %convert_element_type3A_1823, %convert_element_type3A_1824, %dot_general3A_1825 {dimension_numbers = #tpu.dot_dimension_numbers<[1], [0], [0], [1], [0, 0, 1, 1], [], []>, transpose_lhs_hint = false} : vector<116x116xbf16>, vector<116x116xbf16>, vector<116x116xf32> -> vector<116x116xf32>
    %get3A_1827 = arith.constant 0 : index
    %get3A_1828 = arith.constant 2 : index
    %get3A_1829 = arith.constant 0 : index
    %get3A_1830 = arith.constant 0 : index
    %get3A_1831 = vector.load %arg32[%get3A_1827, %get3A_1828, %get3A_1829, %get3A_1830] : memref<1x3x116x116xf32, #tpu.memory_space<vmem>>, vector<1x1x116x116xf32>
    %get3A_1832 = vector.shape_cast %get3A_1831 : vector<1x1x116x116xf32> to vector<116x116xf32>
    %convert_element_type3A_1833 = arith.truncf %get3A_1832 : vector<116x116xf32> to vector<116x116xbf16>
    %convert_element_type3A_1834 = arith.truncf %mul3A_1338 : vector<116x116xf32> to vector<116x116xbf16>
    %dot_general3A_1835 = arith.constant dense<0.000000e+00> : vector<116x116xf32>
    %dot_general3A_1836 = tpu.matmul %convert_element_type3A_1833, %convert_element_type3A_1834, %dot_general3A_1835 {dimension_numbers = #tpu.dot_dimension_numbers<[1], [0], [0], [1], [0, 0, 1, 1], [], []>, transpose_lhs_hint = false} : vector<116x116xbf16>, vector<116x116xbf16>, vector<116x116xf32> -> vector<116x116xf32>
    %get3A_1837 = arith.constant 0 : index
    %get3A_1838 = arith.constant 2 : index
    %get3A_1839 = arith.constant 0 : index
    %get3A_1840 = arith.constant 0 : index
    %get3A_1841 = vector.load %arg33[%get3A_1837, %get3A_1838, %get3A_1839, %get3A_1840] : memref<1x3x116x116xf32, #tpu.memory_space<vmem>>, vector<1x1x116x116xf32>
    %get3A_1842 = vector.shape_cast %get3A_1841 : vector<1x1x116x116xf32> to vector<116x116xf32>
    %convert_element_type3A_1843 = arith.truncf %get3A_1842 : vector<116x116xf32> to vector<116x116xbf16>
    %convert_element_type3A_1844 = arith.truncf %mul3A_1366 : vector<116x116xf32> to vector<116x116xbf16>
    %dot_general3A_1845 = arith.constant dense<0.000000e+00> : vector<116x116xf32>
    %dot_general3A_1846 = tpu.matmul %convert_element_type3A_1843, %convert_element_type3A_1844, %dot_general3A_1845 {dimension_numbers = #tpu.dot_dimension_numbers<[1], [0], [0], [1], [0, 0, 1, 1], [], []>, transpose_lhs_hint = false} : vector<116x116xbf16>, vector<116x116xbf16>, vector<116x116xf32> -> vector<116x116xf32>
    %get3A_1847 = arith.constant 0 : index
    %get3A_1848 = arith.constant 0 : index
    %get3A_1849 = arith.constant 0 : index
    %get3A_1850 = vector.load %arg36[%get3A_1847, %get3A_1848, %get3A_1849] : memref<3x116x128xf32, #tpu.memory_space<vmem>>, vector<1x116x128xf32>
    %get3A_1851 = vector.shape_cast %get3A_1850 : vector<1x116x128xf32> to vector<116x128xf32>
    %convert_element_type3A_1852 = arith.truncf %get3A_1851 : vector<116x128xf32> to vector<116x128xbf16>
    %convert_element_type3A_1853 = arith.truncf %dot_general3A_1376 : vector<116x116xf32> to vector<116x116xbf16>
    %dot_general3A_1854 = arith.constant dense<0.000000e+00> : vector<116x128xf32>
    %dot_general3A_1855 = tpu.matmul %convert_element_type3A_1853, %convert_element_type3A_1852, %dot_general3A_1854 {dimension_numbers = #tpu.dot_dimension_numbers<[1], [0], [0], [1], [0, 0, 1, 1], [], []>, transpose_lhs_hint = false} : vector<116x116xbf16>, vector<116x128xbf16>, vector<116x128xf32> -> vector<116x128xf32>
    %ge3A_1856 = arith.constant 0.000000e+00 : f32
    %ge3A_1857 = vector.broadcast %ge3A_1856 : f32 to vector<116x128xf32>
    %ge3A_1858 = arith.cmpf oge, %dot_general3A_1855, %ge3A_1857 : vector<116x128xf32>
    %mul3A_1859 = arith.constant 2.000000e-01 : f32
    %mul3A_1860 = vector.broadcast %mul3A_1859 : f32 to vector<116x128xf32>
    %mul3A_1861 = arith.mulf %mul3A_1860, %dot_general3A_1855 : vector<116x128xf32>
    %select_n3A = arith.select %ge3A_1858, %dot_general3A_1855, %mul3A_1861 : vector<116x128xi1>, vector<116x128xf32>
    %reduce_sum3A = arith.constant dense<0.000000e+00> : vector<128xf32>
    %reduce_sum3A_1862 = vector.multi_reduction <add>, %select_n3A, %reduce_sum3A [0] : vector<116x128xf32> to vector<128xf32>
    %div3A = arith.constant 1.160000e+02 : f32
    %div3A_1863 = vector.broadcast %div3A : f32 to vector<128xf32>
    %div3A_1864 = arith.divf %reduce_sum3A_1862, %div3A_1863 : vector<128xf32>
    %mul3A_1865 = arith.constant 16 : i32
    %mul3A_1866 = arith.muli %arg0, %mul3A_1865 : i32
    %add3A_1867 = arith.constant 0 : i32
    %add3A_1868 = arith.addi %mul3A_1866, %add3A_1867 : i32
    %swap3A_1869 = arith.constant 0 : index
    %swap3A_1870 = arith.index_cast %add3A_1868 : i32 to index
    %swap3A_1871 = arith.constant 0 : index
    %swap3A_1872 = vector.load %arg44[%swap3A_1869, %swap3A_1870, %swap3A_1871] : memref<3x256x128xf32, #tpu.memory_space<vmem>>, vector<1x1x128xf32>
    %swap3A_1873 = vector.shape_cast %swap3A_1872 : vector<1x1x128xf32> to vector<128xf32>
    %swap3A_1874 = vector.shape_cast %div3A_1864 : vector<128xf32> to vector<1x1x128xf32>
    tpu.vector_store %arg44[%swap3A_1869, %swap3A_1870, %swap3A_1871], %swap3A_1874 {strides = array<i32>} : memref<3x256x128xf32, #tpu.memory_space<vmem>>, vector<1x1x128xf32>,
    %convert_element_type3A_1875 = arith.truncf %dot_general3A_1386 : vector<116x116xf32> to vector<116x116xbf16>
    %dot_general3A_1876 = arith.constant dense<0.000000e+00> : vector<116x128xf32>
    %dot_general3A_1877 = tpu.matmul %convert_element_type3A_1875, %convert_element_type3A_1852, %dot_general3A_1876 {dimension_numbers = #tpu.dot_dimension_numbers<[1], [0], [0], [1], [0, 0, 1, 1], [], []>, transpose_lhs_hint = false} : vector<116x116xbf16>, vector<116x128xbf16>, vector<116x128xf32> -> vector<116x128xf32>
    %ge3A_1878 = arith.constant 0.000000e+00 : f32
    %ge3A_1879 = vector.broadcast %ge3A_1878 : f32 to vector<116x128xf32>
    %ge3A_1880 = arith.cmpf oge, %dot_general3A_1877, %ge3A_1879 : vector<116x128xf32>
    %mul3A_1881 = arith.constant 2.000000e-01 : f32
    %mul3A_1882 = vector.broadcast %mul3A_1881 : f32 to vector<116x128xf32>
    %mul3A_1883 = arith.mulf %mul3A_1882, %dot_general3A_1877 : vector<116x128xf32>
    %select_n3A_1884 = arith.select %ge3A_1880, %dot_general3A_1877, %mul3A_1883 : vector<116x128xi1>, vector<116x128xf32>
    %reduce_sum3A_1885 = arith.constant dense<0.000000e+00> : vector<128xf32>
    %reduce_sum3A_1886 = vector.multi_reduction <add>, %select_n3A_1884, %reduce_sum3A_1885 [0] : vector<116x128xf32> to vector<128xf32>
    %div3A_1887 = arith.constant 1.160000e+02 : f32
    %div3A_1888 = vector.broadcast %div3A_1887 : f32 to vector<128xf32>
    %div3A_1889 = arith.divf %reduce_sum3A_1886, %div3A_1888 : vector<128xf32>
    %mul3A_1890 = arith.constant 16 : i32
    %mul3A_1891 = arith.muli %arg0, %mul3A_1890 : i32
    %add3A_1892 = arith.constant 1 : i32
    %add3A_1893 = arith.addi %mul3A_1891, %add3A_1892 : i32
    %swap3A_1894 = arith.constant 0 : index
    %swap3A_1895 = arith.index_cast %add3A_1893 : i32 to index
    %swap3A_1896 = arith.constant 0 : index
    %swap3A_1897 = vector.load %arg44[%swap3A_1894, %swap3A_1895, %swap3A_1896] : memref<3x256x128xf32, #tpu.memory_space<vmem>>, vector<1x1x128xf32>
    %swap3A_1898 = vector.shape_cast %swap3A_1897 : vector<1x1x128xf32> to vector<128xf32>
    %swap3A_1899 = vector.shape_cast %div3A_1889 : vector<128xf32> to vector<1x1x128xf32>
    tpu.vector_store %arg44[%swap3A_1894, %swap3A_1895, %swap3A_1896], %swap3A_1899 {strides = array<i32>} : memref<3x256x128xf32, #tpu.memory_space<vmem>>, vector<1x1x128xf32>,
    %convert_element_type3A_1900 = arith.truncf %dot_general3A_1396 : vector<116x116xf32> to vector<116x116xbf16>
    %dot_general3A_1901 = arith.constant dense<0.000000e+00> : vector<116x128xf32>
    %dot_general3A_1902 = tpu.matmul %convert_element_type3A_1900, %convert_element_type3A_1852, %dot_general3A_1901 {dimension_numbers = #tpu.dot_dimension_numbers<[1], [0], [0], [1], [0, 0, 1, 1], [], []>, transpose_lhs_hint = false} : vector<116x116xbf16>, vector<116x128xbf16>, vector<116x128xf32> -> vector<116x128xf32>
    %ge3A_1903 = arith.constant 0.000000e+00 : f32
    %ge3A_1904 = vector.broadcast %ge3A_1903 : f32 to vector<116x128xf32>
    %ge3A_1905 = arith.cmpf oge, %dot_general3A_1902, %ge3A_1904 : vector<116x128xf32>
    %mul3A_1906 = arith.constant 2.000000e-01 : f32
    %mul3A_1907 = vector.broadcast %mul3A_1906 : f32 to vector<116x128xf32>
    %mul3A_1908 = arith.mulf %mul3A_1907, %dot_general3A_1902 : vector<116x128xf32>
    %select_n3A_1909 = arith.select %ge3A_1905, %dot_general3A_1902, %mul3A_1908 : vector<116x128xi1>, vector<116x128xf32>
    %reduce_sum3A_1910 = arith.constant dense<0.000000e+00> : vector<128xf32>
    %reduce_sum3A_1911 = vector.multi_reduction <add>, %select_n3A_1909, %reduce_sum3A_1910 [0] : vector<116x128xf32> to vector<128xf32>
    %div3A_1912 = arith.constant 1.160000e+02 : f32
    %div3A_1913 = vector.broadcast %div3A_1912 : f32 to vector<128xf32>
    %div3A_1914 = arith.divf %reduce_sum3A_1911, %div3A_1913 : vector<128xf32>
    %mul3A_1915 = arith.constant 16 : i32
    %mul3A_1916 = arith.muli %arg0, %mul3A_1915 : i32
    %add3A_1917 = arith.constant 2 : i32
    %add3A_1918 = arith.addi %mul3A_1916, %add3A_1917 : i32
    %swap3A_1919 = arith.constant 0 : index
    %swap3A_1920 = arith.index_cast %add3A_1918 : i32 to index
    %swap3A_1921 = arith.constant 0 : index
    %swap3A_1922 = vector.load %arg44[%swap3A_1919, %swap3A_1920, %swap3A_1921] : memref<3x256x128xf32, #tpu.memory_space<vmem>>, vector<1x1x128xf32>
    %swap3A_1923 = vector.shape_cast %swap3A_1922 : vector<1x1x128xf32> to vector<128xf32>
    %swap3A_1924 = vector.shape_cast %div3A_1914 : vector<128xf32> to vector<1x1x128xf32>
    tpu.vector_store %arg44[%swap3A_1919, %swap3A_1920, %swap3A_1921], %swap3A_1924 {strides = array<i32>} : memref<3x256x128xf32, #tpu.memory_space<vmem>>, vector<1x1x128xf32>,
    %convert_element_type3A_1925 = arith.truncf %dot_general3A_1406 : vector<116x116xf32> to vector<116x116xbf16>
    %dot_general3A_1926 = arith.constant dense<0.000000e+00> : vector<116x128xf32>
    %dot_general3A_1927 = tpu.matmul %convert_element_type3A_1925, %convert_element_type3A_1852, %dot_general3A_1926 {dimension_numbers = #tpu.dot_dimension_numbers<[1], [0], [0], [1], [0, 0, 1, 1], [], []>, transpose_lhs_hint = false} : vector<116x116xbf16>, vector<116x128xbf16>, vector<116x128xf32> -> vector<116x128xf32>
    %ge3A_1928 = arith.constant 0.000000e+00 : f32
    %ge3A_1929 = vector.broadcast %ge3A_1928 : f32 to vector<116x128xf32>
    %ge3A_1930 = arith.cmpf oge, %dot_general3A_1927, %ge3A_1929 : vector<116x128xf32>
    %mul3A_1931 = arith.constant 2.000000e-01 : f32
    %mul3A_1932 = vector.broadcast %mul3A_1931 : f32 to vector<116x128xf32>
    %mul3A_1933 = arith.mulf %mul3A_1932, %dot_general3A_1927 : vector<116x128xf32>
    %select_n3A_1934 = arith.select %ge3A_1930, %dot_general3A_1927, %mul3A_1933 : vector<116x128xi1>, vector<116x128xf32>
    %reduce_sum3A_1935 = arith.constant dense<0.000000e+00> : vector<128xf32>
    %reduce_sum3A_1936 = vector.multi_reduction <add>, %select_n3A_1934, %reduce_sum3A_1935 [0] : vector<116x128xf32> to vector<128xf32>
    %div3A_1937 = arith.constant 1.160000e+02 : f32
    %div3A_1938 = vector.broadcast %div3A_1937 : f32 to vector<128xf32>
    %div3A_1939 = arith.divf %reduce_sum3A_1936, %div3A_1938 : vector<128xf32>
    %mul3A_1940 = arith.constant 16 : i32
    %mul3A_1941 = arith.muli %arg0, %mul3A_1940 : i32
    %add3A_1942 = arith.constant 3 : i32
    %add3A_1943 = arith.addi %mul3A_1941, %add3A_1942 : i32
    %swap3A_1944 = arith.constant 0 : index
    %swap3A_1945 = arith.index_cast %add3A_1943 : i32 to index
    %swap3A_1946 = arith.constant 0 : index
    %swap3A_1947 = vector.load %arg44[%swap3A_1944, %swap3A_1945, %swap3A_1946] : memref<3x256x128xf32, #tpu.memory_space<vmem>>, vector<1x1x128xf32>
    %swap3A_1948 = vector.shape_cast %swap3A_1947 : vector<1x1x128xf32> to vector<128xf32>
    %swap3A_1949 = vector.shape_cast %div3A_1939 : vector<128xf32> to vector<1x1x128xf32>
    tpu.vector_store %arg44[%swap3A_1944, %swap3A_1945, %swap3A_1946], %swap3A_1949 {strides = array<i32>} : memref<3x256x128xf32, #tpu.memory_space<vmem>>, vector<1x1x128xf32>,
    %convert_element_type3A_1950 = arith.truncf %dot_general3A_1416 : vector<116x116xf32> to vector<116x116xbf16>
    %dot_general3A_1951 = arith.constant dense<0.000000e+00> : vector<116x128xf32>
    %dot_general3A_1952 = tpu.matmul %convert_element_type3A_1950, %convert_element_type3A_1852, %dot_general3A_1951 {dimension_numbers = #tpu.dot_dimension_numbers<[1], [0], [0], [1], [0, 0, 1, 1], [], []>, transpose_lhs_hint = false} : vector<116x116xbf16>, vector<116x128xbf16>, vector<116x128xf32> -> vector<116x128xf32>
    %ge3A_1953 = arith.constant 0.000000e+00 : f32
    %ge3A_1954 = vector.broadcast %ge3A_1953 : f32 to vector<116x128xf32>
    %ge3A_1955 = arith.cmpf oge, %dot_general3A_1952, %ge3A_1954 : vector<116x128xf32>
    %mul3A_1956 = arith.constant 2.000000e-01 : f32
    %mul3A_1957 = vector.broadcast %mul3A_1956 : f32 to vector<116x128xf32>
    %mul3A_1958 = arith.mulf %mul3A_1957, %dot_general3A_1952 : vector<116x128xf32>
    %select_n3A_1959 = arith.select %ge3A_1955, %dot_general3A_1952, %mul3A_1958 : vector<116x128xi1>, vector<116x128xf32>
    %reduce_sum3A_1960 = arith.constant dense<0.000000e+00> : vector<128xf32>
    %reduce_sum3A_1961 = vector.multi_reduction <add>, %select_n3A_1959, %reduce_sum3A_1960 [0] : vector<116x128xf32> to vector<128xf32>
    %div3A_1962 = arith.constant 1.160000e+02 : f32
    %div3A_1963 = vector.broadcast %div3A_1962 : f32 to vector<128xf32>
    %div3A_1964 = arith.divf %reduce_sum3A_1961, %div3A_1963 : vector<128xf32>
    %mul3A_1965 = arith.constant 16 : i32
    %mul3A_1966 = arith.muli %arg0, %mul3A_1965 : i32
    %add3A_1967 = arith.constant 4 : i32
    %add3A_1968 = arith.addi %mul3A_1966, %add3A_1967 : i32
    %swap3A_1969 = arith.constant 0 : index
    %swap3A_1970 = arith.index_cast %add3A_1968 : i32 to index
    %swap3A_1971 = arith.constant 0 : index
    %swap3A_1972 = vector.load %arg44[%swap3A_1969, %swap3A_1970, %swap3A_1971] : memref<3x256x128xf32, #tpu.memory_space<vmem>>, vector<1x1x128xf32>
    %swap3A_1973 = vector.shape_cast %swap3A_1972 : vector<1x1x128xf32> to vector<128xf32>
    %swap3A_1974 = vector.shape_cast %div3A_1964 : vector<128xf32> to vector<1x1x128xf32>
    tpu.vector_store %arg44[%swap3A_1969, %swap3A_1970, %swap3A_1971], %swap3A_1974 {strides = array<i32>} : memref<3x256x128xf32, #tpu.memory_space<vmem>>, vector<1x1x128xf32>,
    %convert_element_type3A_1975 = arith.truncf %dot_general3A_1426 : vector<116x116xf32> to vector<116x116xbf16>
    %dot_general3A_1976 = arith.constant dense<0.000000e+00> : vector<116x128xf32>
    %dot_general3A_1977 = tpu.matmul %convert_element_type3A_1975, %convert_element_type3A_1852, %dot_general3A_1976 {dimension_numbers = #tpu.dot_dimension_numbers<[1], [0], [0], [1], [0, 0, 1, 1], [], []>, transpose_lhs_hint = false} : vector<116x116xbf16>, vector<116x128xbf16>, vector<116x128xf32> -> vector<116x128xf32>
    %ge3A_1978 = arith.constant 0.000000e+00 : f32
    %ge3A_1979 = vector.broadcast %ge3A_1978 : f32 to vector<116x128xf32>
    %ge3A_1980 = arith.cmpf oge, %dot_general3A_1977, %ge3A_1979 : vector<116x128xf32>
    %mul3A_1981 = arith.constant 2.000000e-01 : f32
    %mul3A_1982 = vector.broadcast %mul3A_1981 : f32 to vector<116x128xf32>
    %mul3A_1983 = arith.mulf %mul3A_1982, %dot_general3A_1977 : vector<116x128xf32>
    %select_n3A_1984 = arith.select %ge3A_1980, %dot_general3A_1977, %mul3A_1983 : vector<116x128xi1>, vector<116x128xf32>
    %reduce_sum3A_1985 = arith.constant dense<0.000000e+00> : vector<128xf32>
    %reduce_sum3A_1986 = vector.multi_reduction <add>, %select_n3A_1984, %reduce_sum3A_1985 [0] : vector<116x128xf32> to vector<128xf32>
    %div3A_1987 = arith.constant 1.160000e+02 : f32
    %div3A_1988 = vector.broadcast %div3A_1987 : f32 to vector<128xf32>
    %div3A_1989 = arith.divf %reduce_sum3A_1986, %div3A_1988 : vector<128xf32>
    %mul3A_1990 = arith.constant 16 : i32
    %mul3A_1991 = arith.muli %arg0, %mul3A_1990 : i32
    %add3A_1992 = arith.constant 5 : i32
    %add3A_1993 = arith.addi %mul3A_1991, %add3A_1992 : i32
    %swap3A_1994 = arith.constant 0 : index
    %swap3A_1995 = arith.index_cast %add3A_1993 : i32 to index
    %swap3A_1996 = arith.constant 0 : index
    %swap3A_1997 = vector.load %arg44[%swap3A_1994, %swap3A_1995, %swap3A_1996] : memref<3x256x128xf32, #tpu.memory_space<vmem>>, vector<1x1x128xf32>
    %swap3A_1998 = vector.shape_cast %swap3A_1997 : vector<1x1x128xf32> to vector<128xf32>
    %swap3A_1999 = vector.shape_cast %div3A_1989 : vector<128xf32> to vector<1x1x128xf32>
    tpu.vector_store %arg44[%swap3A_1994, %swap3A_1995, %swap3A_1996], %swap3A_1999 {strides = array<i32>} : memref<3x256x128xf32, #tpu.memory_space<vmem>>, vector<1x1x128xf32>,
    %convert_element_type3A_2000 = arith.truncf %dot_general3A_1436 : vector<116x116xf32> to vector<116x116xbf16>
    %dot_general3A_2001 = arith.constant dense<0.000000e+00> : vector<116x128xf32>
    %dot_general3A_2002 = tpu.matmul %convert_element_type3A_2000, %convert_element_type3A_1852, %dot_general3A_2001 {dimension_numbers = #tpu.dot_dimension_numbers<[1], [0], [0], [1], [0, 0, 1, 1], [], []>, transpose_lhs_hint = false} : vector<116x116xbf16>, vector<116x128xbf16>, vector<116x128xf32> -> vector<116x128xf32>
    %ge3A_2003 = arith.constant 0.000000e+00 : f32
    %ge3A_2004 = vector.broadcast %ge3A_2003 : f32 to vector<116x128xf32>
    %ge3A_2005 = arith.cmpf oge, %dot_general3A_2002, %ge3A_2004 : vector<116x128xf32>
    %mul3A_2006 = arith.constant 2.000000e-01 : f32
    %mul3A_2007 = vector.broadcast %mul3A_2006 : f32 to vector<116x128xf32>
    %mul3A_2008 = arith.mulf %mul3A_2007, %dot_general3A_2002 : vector<116x128xf32>
    %select_n3A_2009 = arith.select %ge3A_2005, %dot_general3A_2002, %mul3A_2008 : vector<116x128xi1>, vector<116x128xf32>
    %reduce_sum3A_2010 = arith.constant dense<0.000000e+00> : vector<128xf32>
    %reduce_sum3A_2011 = vector.multi_reduction <add>, %select_n3A_2009, %reduce_sum3A_2010 [0] : vector<116x128xf32> to vector<128xf32>
    %div3A_2012 = arith.constant 1.160000e+02 : f32
    %div3A_2013 = vector.broadcast %div3A_2012 : f32 to vector<128xf32>
    %div3A_2014 = arith.divf %reduce_sum3A_2011, %div3A_2013 : vector<128xf32>
    %mul3A_2015 = arith.constant 16 : i32
    %mul3A_2016 = arith.muli %arg0, %mul3A_2015 : i32
    %add3A_2017 = arith.constant 6 : i32
    %add3A_2018 = arith.addi %mul3A_2016, %add3A_2017 : i32
    %swap3A_2019 = arith.constant 0 : index
    %swap3A_2020 = arith.index_cast %add3A_2018 : i32 to index
    %swap3A_2021 = arith.constant 0 : index
    %swap3A_2022 = vector.load %arg44[%swap3A_2019, %swap3A_2020, %swap3A_2021] : memref<3x256x128xf32, #tpu.memory_space<vmem>>, vector<1x1x128xf32>
    %swap3A_2023 = vector.shape_cast %swap3A_2022 : vector<1x1x128xf32> to vector<128xf32>
    %swap3A_2024 = vector.shape_cast %div3A_2014 : vector<128xf32> to vector<1x1x128xf32>
    tpu.vector_store %arg44[%swap3A_2019, %swap3A_2020, %swap3A_2021], %swap3A_2024 {strides = array<i32>} : memref<3x256x128xf32, #tpu.memory_space<vmem>>, vector<1x1x128xf32>,
    %convert_element_type3A_2025 = arith.truncf %dot_general3A_1446 : vector<116x116xf32> to vector<116x116xbf16>
    %dot_general3A_2026 = arith.constant dense<0.000000e+00> : vector<116x128xf32>
    %dot_general3A_2027 = tpu.matmul %convert_element_type3A_2025, %convert_element_type3A_1852, %dot_general3A_2026 {dimension_numbers = #tpu.dot_dimension_numbers<[1], [0], [0], [1], [0, 0, 1, 1], [], []>, transpose_lhs_hint = false} : vector<116x116xbf16>, vector<116x128xbf16>, vector<116x128xf32> -> vector<116x128xf32>
    %ge3A_2028 = arith.constant 0.000000e+00 : f32
    %ge3A_2029 = vector.broadcast %ge3A_2028 : f32 to vector<116x128xf32>
    %ge3A_2030 = arith.cmpf oge, %dot_general3A_2027, %ge3A_2029 : vector<116x128xf32>
    %mul3A_2031 = arith.constant 2.000000e-01 : f32
    %mul3A_2032 = vector.broadcast %mul3A_2031 : f32 to vector<116x128xf32>
    %mul3A_2033 = arith.mulf %mul3A_2032, %dot_general3A_2027 : vector<116x128xf32>
    %select_n3A_2034 = arith.select %ge3A_2030, %dot_general3A_2027, %mul3A_2033 : vector<116x128xi1>, vector<116x128xf32>
    %reduce_sum3A_2035 = arith.constant dense<0.000000e+00> : vector<128xf32>
    %reduce_sum3A_2036 = vector.multi_reduction <add>, %select_n3A_2034, %reduce_sum3A_2035 [0] : vector<116x128xf32> to vector<128xf32>
    %div3A_2037 = arith.constant 1.160000e+02 : f32
    %div3A_2038 = vector.broadcast %div3A_2037 : f32 to vector<128xf32>
    %div3A_2039 = arith.divf %reduce_sum3A_2036, %div3A_2038 : vector<128xf32>
    %mul3A_2040 = arith.constant 16 : i32
    %mul3A_2041 = arith.muli %arg0, %mul3A_2040 : i32
    %add3A_2042 = arith.constant 7 : i32
    %add3A_2043 = arith.addi %mul3A_2041, %add3A_2042 : i32
    %swap3A_2044 = arith.constant 0 : index
    %swap3A_2045 = arith.index_cast %add3A_2043 : i32 to index
    %swap3A_2046 = arith.constant 0 : index
    %swap3A_2047 = vector.load %arg44[%swap3A_2044, %swap3A_2045, %swap3A_2046] : memref<3x256x128xf32, #tpu.memory_space<vmem>>, vector<1x1x128xf32>
    %swap3A_2048 = vector.shape_cast %swap3A_2047 : vector<1x1x128xf32> to vector<128xf32>
    %swap3A_2049 = vector.shape_cast %div3A_2039 : vector<128xf32> to vector<1x1x128xf32>
    tpu.vector_store %arg44[%swap3A_2044, %swap3A_2045, %swap3A_2046], %swap3A_2049 {strides = array<i32>} : memref<3x256x128xf32, #tpu.memory_space<vmem>>, vector<1x1x128xf32>,
    %convert_element_type3A_2050 = arith.truncf %dot_general3A_1456 : vector<116x116xf32> to vector<116x116xbf16>
    %dot_general3A_2051 = arith.constant dense<0.000000e+00> : vector<116x128xf32>
    %dot_general3A_2052 = tpu.matmul %convert_element_type3A_2050, %convert_element_type3A_1852, %dot_general3A_2051 {dimension_numbers = #tpu.dot_dimension_numbers<[1], [0], [0], [1], [0, 0, 1, 1], [], []>, transpose_lhs_hint = false} : vector<116x116xbf16>, vector<116x128xbf16>, vector<116x128xf32> -> vector<116x128xf32>
    %ge3A_2053 = arith.constant 0.000000e+00 : f32
    %ge3A_2054 = vector.broadcast %ge3A_2053 : f32 to vector<116x128xf32>
    %ge3A_2055 = arith.cmpf oge, %dot_general3A_2052, %ge3A_2054 : vector<116x128xf32>
    %mul3A_2056 = arith.constant 2.000000e-01 : f32
    %mul3A_2057 = vector.broadcast %mul3A_2056 : f32 to vector<116x128xf32>
    %mul3A_2058 = arith.mulf %mul3A_2057, %dot_general3A_2052 : vector<116x128xf32>
    %select_n3A_2059 = arith.select %ge3A_2055, %dot_general3A_2052, %mul3A_2058 : vector<116x128xi1>, vector<116x128xf32>
    %reduce_sum3A_2060 = arith.constant dense<0.000000e+00> : vector<128xf32>
    %reduce_sum3A_2061 = vector.multi_reduction <add>, %select_n3A_2059, %reduce_sum3A_2060 [0] : vector<116x128xf32> to vector<128xf32>
    %div3A_2062 = arith.constant 1.160000e+02 : f32
    %div3A_2063 = vector.broadcast %div3A_2062 : f32 to vector<128xf32>
    %div3A_2064 = arith.divf %reduce_sum3A_2061, %div3A_2063 : vector<128xf32>
    %mul3A_2065 = arith.constant 16 : i32
    %mul3A_2066 = arith.muli %arg0, %mul3A_2065 : i32
    %add3A_2067 = arith.constant 8 : i32
    %add3A_2068 = arith.addi %mul3A_2066, %add3A_2067 : i32
    %swap3A_2069 = arith.constant 0 : index
    %swap3A_2070 = arith.index_cast %add3A_2068 : i32 to index
    %swap3A_2071 = arith.constant 0 : index
    %swap3A_2072 = vector.load %arg44[%swap3A_2069, %swap3A_2070, %swap3A_2071] : memref<3x256x128xf32, #tpu.memory_space<vmem>>, vector<1x1x128xf32>
    %swap3A_2073 = vector.shape_cast %swap3A_2072 : vector<1x1x128xf32> to vector<128xf32>
    %swap3A_2074 = vector.shape_cast %div3A_2064 : vector<128xf32> to vector<1x1x128xf32>
    tpu.vector_store %arg44[%swap3A_2069, %swap3A_2070, %swap3A_2071], %swap3A_2074 {strides = array<i32>} : memref<3x256x128xf32, #tpu.memory_space<vmem>>, vector<1x1x128xf32>,
    %convert_element_type3A_2075 = arith.truncf %dot_general3A_1466 : vector<116x116xf32> to vector<116x116xbf16>
    %dot_general3A_2076 = arith.constant dense<0.000000e+00> : vector<116x128xf32>
    %dot_general3A_2077 = tpu.matmul %convert_element_type3A_2075, %convert_element_type3A_1852, %dot_general3A_2076 {dimension_numbers = #tpu.dot_dimension_numbers<[1], [0], [0], [1], [0, 0, 1, 1], [], []>, transpose_lhs_hint = false} : vector<116x116xbf16>, vector<116x128xbf16>, vector<116x128xf32> -> vector<116x128xf32>
    %ge3A_2078 = arith.constant 0.000000e+00 : f32
    %ge3A_2079 = vector.broadcast %ge3A_2078 : f32 to vector<116x128xf32>
    %ge3A_2080 = arith.cmpf oge, %dot_general3A_2077, %ge3A_2079 : vector<116x128xf32>
    %mul3A_2081 = arith.constant 2.000000e-01 : f32
    %mul3A_2082 = vector.broadcast %mul3A_2081 : f32 to vector<116x128xf32>
    %mul3A_2083 = arith.mulf %mul3A_2082, %dot_general3A_2077 : vector<116x128xf32>
    %select_n3A_2084 = arith.select %ge3A_2080, %dot_general3A_2077, %mul3A_2083 : vector<116x128xi1>, vector<116x128xf32>
    %reduce_sum3A_2085 = arith.constant dense<0.000000e+00> : vector<128xf32>
    %reduce_sum3A_2086 = vector.multi_reduction <add>, %select_n3A_2084, %reduce_sum3A_2085 [0] : vector<116x128xf32> to vector<128xf32>
    %div3A_2087 = arith.constant 1.160000e+02 : f32
    %div3A_2088 = vector.broadcast %div3A_2087 : f32 to vector<128xf32>
    %div3A_2089 = arith.divf %reduce_sum3A_2086, %div3A_2088 : vector<128xf32>
    %mul3A_2090 = arith.constant 16 : i32
    %mul3A_2091 = arith.muli %arg0, %mul3A_2090 : i32
    %add3A_2092 = arith.constant 9 : i32
    %add3A_2093 = arith.addi %mul3A_2091, %add3A_2092 : i32
    %swap3A_2094 = arith.constant 0 : index
    %swap3A_2095 = arith.index_cast %add3A_2093 : i32 to index
    %swap3A_2096 = arith.constant 0 : index
    %swap3A_2097 = vector.load %arg44[%swap3A_2094, %swap3A_2095, %swap3A_2096] : memref<3x256x128xf32, #tpu.memory_space<vmem>>, vector<1x1x128xf32>
    %swap3A_2098 = vector.shape_cast %swap3A_2097 : vector<1x1x128xf32> to vector<128xf32>
    %swap3A_2099 = vector.shape_cast %div3A_2089 : vector<128xf32> to vector<1x1x128xf32>
    tpu.vector_store %arg44[%swap3A_2094, %swap3A_2095, %swap3A_2096], %swap3A_2099 {strides = array<i32>} : memref<3x256x128xf32, #tpu.memory_space<vmem>>, vector<1x1x128xf32>,
    %convert_element_type3A_2100 = arith.truncf %dot_general3A_1476 : vector<116x116xf32> to vector<116x116xbf16>
    %dot_general3A_2101 = arith.constant dense<0.000000e+00> : vector<116x128xf32>
    %dot_general3A_2102 = tpu.matmul %convert_element_type3A_2100, %convert_element_type3A_1852, %dot_general3A_2101 {dimension_numbers = #tpu.dot_dimension_numbers<[1], [0], [0], [1], [0, 0, 1, 1], [], []>, transpose_lhs_hint = false} : vector<116x116xbf16>, vector<116x128xbf16>, vector<116x128xf32> -> vector<116x128xf32>
    %ge3A_2103 = arith.constant 0.000000e+00 : f32
    %ge3A_2104 = vector.broadcast %ge3A_2103 : f32 to vector<116x128xf32>
    %ge3A_2105 = arith.cmpf oge, %dot_general3A_2102, %ge3A_2104 : vector<116x128xf32>
    %mul3A_2106 = arith.constant 2.000000e-01 : f32
    %mul3A_2107 = vector.broadcast %mul3A_2106 : f32 to vector<116x128xf32>
    %mul3A_2108 = arith.mulf %mul3A_2107, %dot_general3A_2102 : vector<116x128xf32>
    %select_n3A_2109 = arith.select %ge3A_2105, %dot_general3A_2102, %mul3A_2108 : vector<116x128xi1>, vector<116x128xf32>
    %reduce_sum3A_2110 = arith.constant dense<0.000000e+00> : vector<128xf32>
    %reduce_sum3A_2111 = vector.multi_reduction <add>, %select_n3A_2109, %reduce_sum3A_2110 [0] : vector<116x128xf32> to vector<128xf32>
    %div3A_2112 = arith.constant 1.160000e+02 : f32
    %div3A_2113 = vector.broadcast %div3A_2112 : f32 to vector<128xf32>
    %div3A_2114 = arith.divf %reduce_sum3A_2111, %div3A_2113 : vector<128xf32>
    %mul3A_2115 = arith.constant 16 : i32
    %mul3A_2116 = arith.muli %arg0, %mul3A_2115 : i32
    %add3A_2117 = arith.constant 10 : i32
    %add3A_2118 = arith.addi %mul3A_2116, %add3A_2117 : i32
    %swap3A_2119 = arith.constant 0 : index
    %swap3A_2120 = arith.index_cast %add3A_2118 : i32 to index
    %swap3A_2121 = arith.constant 0 : index
    %swap3A_2122 = vector.load %arg44[%swap3A_2119, %swap3A_2120, %swap3A_2121] : memref<3x256x128xf32, #tpu.memory_space<vmem>>, vector<1x1x128xf32>
    %swap3A_2123 = vector.shape_cast %swap3A_2122 : vector<1x1x128xf32> to vector<128xf32>
    %swap3A_2124 = vector.shape_cast %div3A_2114 : vector<128xf32> to vector<1x1x128xf32>
    tpu.vector_store %arg44[%swap3A_2119, %swap3A_2120, %swap3A_2121], %swap3A_2124 {strides = array<i32>} : memref<3x256x128xf32, #tpu.memory_space<vmem>>, vector<1x1x128xf32>,
    %convert_element_type3A_2125 = arith.truncf %dot_general3A_1486 : vector<116x116xf32> to vector<116x116xbf16>
    %dot_general3A_2126 = arith.constant dense<0.000000e+00> : vector<116x128xf32>
    %dot_general3A_2127 = tpu.matmul %convert_element_type3A_2125, %convert_element_type3A_1852, %dot_general3A_2126 {dimension_numbers = #tpu.dot_dimension_numbers<[1], [0], [0], [1], [0, 0, 1, 1], [], []>, transpose_lhs_hint = false} : vector<116x116xbf16>, vector<116x128xbf16>, vector<116x128xf32> -> vector<116x128xf32>
    %ge3A_2128 = arith.constant 0.000000e+00 : f32
    %ge3A_2129 = vector.broadcast %ge3A_2128 : f32 to vector<116x128xf32>
    %ge3A_2130 = arith.cmpf oge, %dot_general3A_2127, %ge3A_2129 : vector<116x128xf32>
    %mul3A_2131 = arith.constant 2.000000e-01 : f32
    %mul3A_2132 = vector.broadcast %mul3A_2131 : f32 to vector<116x128xf32>
    %mul3A_2133 = arith.mulf %mul3A_2132, %dot_general3A_2127 : vector<116x128xf32>
    %select_n3A_2134 = arith.select %ge3A_2130, %dot_general3A_2127, %mul3A_2133 : vector<116x128xi1>, vector<116x128xf32>
    %reduce_sum3A_2135 = arith.constant dense<0.000000e+00> : vector<128xf32>
    %reduce_sum3A_2136 = vector.multi_reduction <add>, %select_n3A_2134, %reduce_sum3A_2135 [0] : vector<116x128xf32> to vector<128xf32>
    %div3A_2137 = arith.constant 1.160000e+02 : f32
    %div3A_2138 = vector.broadcast %div3A_2137 : f32 to vector<128xf32>
    %div3A_2139 = arith.divf %reduce_sum3A_2136, %div3A_2138 : vector<128xf32>
    %mul3A_2140 = arith.constant 16 : i32
    %mul3A_2141 = arith.muli %arg0, %mul3A_2140 : i32
    %add3A_2142 = arith.constant 11 : i32
    %add3A_2143 = arith.addi %mul3A_2141, %add3A_2142 : i32
    %swap3A_2144 = arith.constant 0 : index
    %swap3A_2145 = arith.index_cast %add3A_2143 : i32 to index
    %swap3A_2146 = arith.constant 0 : index
    %swap3A_2147 = vector.load %arg44[%swap3A_2144, %swap3A_2145, %swap3A_2146] : memref<3x256x128xf32, #tpu.memory_space<vmem>>, vector<1x1x128xf32>
    %swap3A_2148 = vector.shape_cast %swap3A_2147 : vector<1x1x128xf32> to vector<128xf32>
    %swap3A_2149 = vector.shape_cast %div3A_2139 : vector<128xf32> to vector<1x1x128xf32>
    tpu.vector_store %arg44[%swap3A_2144, %swap3A_2145, %swap3A_2146], %swap3A_2149 {strides = array<i32>} : memref<3x256x128xf32, #tpu.memory_space<vmem>>, vector<1x1x128xf32>,
    %convert_element_type3A_2150 = arith.truncf %dot_general3A_1496 : vector<116x116xf32> to vector<116x116xbf16>
    %dot_general3A_2151 = arith.constant dense<0.000000e+00> : vector<116x128xf32>
    %dot_general3A_2152 = tpu.matmul %convert_element_type3A_2150, %convert_element_type3A_1852, %dot_general3A_2151 {dimension_numbers = #tpu.dot_dimension_numbers<[1], [0], [0], [1], [0, 0, 1, 1], [], []>, transpose_lhs_hint = false} : vector<116x116xbf16>, vector<116x128xbf16>, vector<116x128xf32> -> vector<116x128xf32>
    %ge3A_2153 = arith.constant 0.000000e+00 : f32
    %ge3A_2154 = vector.broadcast %ge3A_2153 : f32 to vector<116x128xf32>
    %ge3A_2155 = arith.cmpf oge, %dot_general3A_2152, %ge3A_2154 : vector<116x128xf32>
    %mul3A_2156 = arith.constant 2.000000e-01 : f32
    %mul3A_2157 = vector.broadcast %mul3A_2156 : f32 to vector<116x128xf32>
    %mul3A_2158 = arith.mulf %mul3A_2157, %dot_general3A_2152 : vector<116x128xf32>
    %select_n3A_2159 = arith.select %ge3A_2155, %dot_general3A_2152, %mul3A_2158 : vector<116x128xi1>, vector<116x128xf32>
    %reduce_sum3A_2160 = arith.constant dense<0.000000e+00> : vector<128xf32>
    %reduce_sum3A_2161 = vector.multi_reduction <add>, %select_n3A_2159, %reduce_sum3A_2160 [0] : vector<116x128xf32> to vector<128xf32>
    %div3A_2162 = arith.constant 1.160000e+02 : f32
    %div3A_2163 = vector.broadcast %div3A_2162 : f32 to vector<128xf32>
    %div3A_2164 = arith.divf %reduce_sum3A_2161, %div3A_2163 : vector<128xf32>
    %mul3A_2165 = arith.constant 16 : i32
    %mul3A_2166 = arith.muli %arg0, %mul3A_2165 : i32
    %add3A_2167 = arith.constant 12 : i32
    %add3A_2168 = arith.addi %mul3A_2166, %add3A_2167 : i32
    %swap3A_2169 = arith.constant 0 : index
    %swap3A_2170 = arith.index_cast %add3A_2168 : i32 to index
    %swap3A_2171 = arith.constant 0 : index
    %swap3A_2172 = vector.load %arg44[%swap3A_2169, %swap3A_2170, %swap3A_2171] : memref<3x256x128xf32, #tpu.memory_space<vmem>>, vector<1x1x128xf32>
    %swap3A_2173 = vector.shape_cast %swap3A_2172 : vector<1x1x128xf32> to vector<128xf32>
    %swap3A_2174 = vector.shape_cast %div3A_2164 : vector<128xf32> to vector<1x1x128xf32>
    tpu.vector_store %arg44[%swap3A_2169, %swap3A_2170, %swap3A_2171], %swap3A_2174 {strides = array<i32>} : memref<3x256x128xf32, #tpu.memory_space<vmem>>, vector<1x1x128xf32>,
    %convert_element_type3A_2175 = arith.truncf %dot_general3A_1506 : vector<116x116xf32> to vector<116x116xbf16>
    %dot_general3A_2176 = arith.constant dense<0.000000e+00> : vector<116x128xf32>
    %dot_general3A_2177 = tpu.matmul %convert_element_type3A_2175, %convert_element_type3A_1852, %dot_general3A_2176 {dimension_numbers = #tpu.dot_dimension_numbers<[1], [0], [0], [1], [0, 0, 1, 1], [], []>, transpose_lhs_hint = false} : vector<116x116xbf16>, vector<116x128xbf16>, vector<116x128xf32> -> vector<116x128xf32>
    %ge3A_2178 = arith.constant 0.000000e+00 : f32
    %ge3A_2179 = vector.broadcast %ge3A_2178 : f32 to vector<116x128xf32>
    %ge3A_2180 = arith.cmpf oge, %dot_general3A_2177, %ge3A_2179 : vector<116x128xf32>
    %mul3A_2181 = arith.constant 2.000000e-01 : f32
    %mul3A_2182 = vector.broadcast %mul3A_2181 : f32 to vector<116x128xf32>
    %mul3A_2183 = arith.mulf %mul3A_2182, %dot_general3A_2177 : vector<116x128xf32>
    %select_n3A_2184 = arith.select %ge3A_2180, %dot_general3A_2177, %mul3A_2183 : vector<116x128xi1>, vector<116x128xf32>
    %reduce_sum3A_2185 = arith.constant dense<0.000000e+00> : vector<128xf32>
    %reduce_sum3A_2186 = vector.multi_reduction <add>, %select_n3A_2184, %reduce_sum3A_2185 [0] : vector<116x128xf32> to vector<128xf32>
    %div3A_2187 = arith.constant 1.160000e+02 : f32
    %div3A_2188 = vector.broadcast %div3A_2187 : f32 to vector<128xf32>
    %div3A_2189 = arith.divf %reduce_sum3A_2186, %div3A_2188 : vector<128xf32>
    %mul3A_2190 = arith.constant 16 : i32
    %mul3A_2191 = arith.muli %arg0, %mul3A_2190 : i32
    %add3A_2192 = arith.constant 13 : i32
    %add3A_2193 = arith.addi %mul3A_2191, %add3A_2192 : i32
    %swap3A_2194 = arith.constant 0 : index
    %swap3A_2195 = arith.index_cast %add3A_2193 : i32 to index
    %swap3A_2196 = arith.constant 0 : index
    %swap3A_2197 = vector.load %arg44[%swap3A_2194, %swap3A_2195, %swap3A_2196] : memref<3x256x128xf32, #tpu.memory_space<vmem>>, vector<1x1x128xf32>
    %swap3A_2198 = vector.shape_cast %swap3A_2197 : vector<1x1x128xf32> to vector<128xf32>
    %swap3A_2199 = vector.shape_cast %div3A_2189 : vector<128xf32> to vector<1x1x128xf32>
    tpu.vector_store %arg44[%swap3A_2194, %swap3A_2195, %swap3A_2196], %swap3A_2199 {strides = array<i32>} : memref<3x256x128xf32, #tpu.memory_space<vmem>>, vector<1x1x128xf32>,
    %convert_element_type3A_2200 = arith.truncf %dot_general3A_1516 : vector<116x116xf32> to vector<116x116xbf16>
    %dot_general3A_2201 = arith.constant dense<0.000000e+00> : vector<116x128xf32>
    %dot_general3A_2202 = tpu.matmul %convert_element_type3A_2200, %convert_element_type3A_1852, %dot_general3A_2201 {dimension_numbers = #tpu.dot_dimension_numbers<[1], [0], [0], [1], [0, 0, 1, 1], [], []>, transpose_lhs_hint = false} : vector<116x116xbf16>, vector<116x128xbf16>, vector<116x128xf32> -> vector<116x128xf32>
    %ge3A_2203 = arith.constant 0.000000e+00 : f32
    %ge3A_2204 = vector.broadcast %ge3A_2203 : f32 to vector<116x128xf32>
    %ge3A_2205 = arith.cmpf oge, %dot_general3A_2202, %ge3A_2204 : vector<116x128xf32>
    %mul3A_2206 = arith.constant 2.000000e-01 : f32
    %mul3A_2207 = vector.broadcast %mul3A_2206 : f32 to vector<116x128xf32>
    %mul3A_2208 = arith.mulf %mul3A_2207, %dot_general3A_2202 : vector<116x128xf32>
    %select_n3A_2209 = arith.select %ge3A_2205, %dot_general3A_2202, %mul3A_2208 : vector<116x128xi1>, vector<116x128xf32>
    %reduce_sum3A_2210 = arith.constant dense<0.000000e+00> : vector<128xf32>
    %reduce_sum3A_2211 = vector.multi_reduction <add>, %select_n3A_2209, %reduce_sum3A_2210 [0] : vector<116x128xf32> to vector<128xf32>
    %div3A_2212 = arith.constant 1.160000e+02 : f32
    %div3A_2213 = vector.broadcast %div3A_2212 : f32 to vector<128xf32>
    %div3A_2214 = arith.divf %reduce_sum3A_2211, %div3A_2213 : vector<128xf32>
    %mul3A_2215 = arith.constant 16 : i32
    %mul3A_2216 = arith.muli %arg0, %mul3A_2215 : i32
    %add3A_2217 = arith.constant 14 : i32
    %add3A_2218 = arith.addi %mul3A_2216, %add3A_2217 : i32
    %swap3A_2219 = arith.constant 0 : index
    %swap3A_2220 = arith.index_cast %add3A_2218 : i32 to index
    %swap3A_2221 = arith.constant 0 : index
    %swap3A_2222 = vector.load %arg44[%swap3A_2219, %swap3A_2220, %swap3A_2221] : memref<3x256x128xf32, #tpu.memory_space<vmem>>, vector<1x1x128xf32>
    %swap3A_2223 = vector.shape_cast %swap3A_2222 : vector<1x1x128xf32> to vector<128xf32>
    %swap3A_2224 = vector.shape_cast %div3A_2214 : vector<128xf32> to vector<1x1x128xf32>
    tpu.vector_store %arg44[%swap3A_2219, %swap3A_2220, %swap3A_2221], %swap3A_2224 {strides = array<i32>} : memref<3x256x128xf32, #tpu.memory_space<vmem>>, vector<1x1x128xf32>,
    %convert_element_type3A_2225 = arith.truncf %dot_general3A_1526 : vector<116x116xf32> to vector<116x116xbf16>
    %dot_general3A_2226 = arith.constant dense<0.000000e+00> : vector<116x128xf32>
    %dot_general3A_2227 = tpu.matmul %convert_element_type3A_2225, %convert_element_type3A_1852, %dot_general3A_2226 {dimension_numbers = #tpu.dot_dimension_numbers<[1], [0], [0], [1], [0, 0, 1, 1], [], []>, transpose_lhs_hint = false} : vector<116x116xbf16>, vector<116x128xbf16>, vector<116x128xf32> -> vector<116x128xf32>
    %ge3A_2228 = arith.constant 0.000000e+00 : f32
    %ge3A_2229 = vector.broadcast %ge3A_2228 : f32 to vector<116x128xf32>
    %ge3A_2230 = arith.cmpf oge, %dot_general3A_2227, %ge3A_2229 : vector<116x128xf32>
    %mul3A_2231 = arith.constant 2.000000e-01 : f32
    %mul3A_2232 = vector.broadcast %mul3A_2231 : f32 to vector<116x128xf32>
    %mul3A_2233 = arith.mulf %mul3A_2232, %dot_general3A_2227 : vector<116x128xf32>
    %select_n3A_2234 = arith.select %ge3A_2230, %dot_general3A_2227, %mul3A_2233 : vector<116x128xi1>, vector<116x128xf32>
    %reduce_sum3A_2235 = arith.constant dense<0.000000e+00> : vector<128xf32>
    %reduce_sum3A_2236 = vector.multi_reduction <add>, %select_n3A_2234, %reduce_sum3A_2235 [0] : vector<116x128xf32> to vector<128xf32>
    %div3A_2237 = arith.constant 1.160000e+02 : f32
    %div3A_2238 = vector.broadcast %div3A_2237 : f32 to vector<128xf32>
    %div3A_2239 = arith.divf %reduce_sum3A_2236, %div3A_2238 : vector<128xf32>
    %mul3A_2240 = arith.constant 16 : i32
    %mul3A_2241 = arith.muli %arg0, %mul3A_2240 : i32
    %add3A_2242 = arith.constant 15 : i32
    %add3A_2243 = arith.addi %mul3A_2241, %add3A_2242 : i32
    %swap3A_2244 = arith.constant 0 : index
    %swap3A_2245 = arith.index_cast %add3A_2243 : i32 to index
    %swap3A_2246 = arith.constant 0 : index
    %swap3A_2247 = vector.load %arg44[%swap3A_2244, %swap3A_2245, %swap3A_2246] : memref<3x256x128xf32, #tpu.memory_space<vmem>>, vector<1x1x128xf32>
    %swap3A_2248 = vector.shape_cast %swap3A_2247 : vector<1x1x128xf32> to vector<128xf32>
    %swap3A_2249 = vector.shape_cast %div3A_2239 : vector<128xf32> to vector<1x1x128xf32>
    tpu.vector_store %arg44[%swap3A_2244, %swap3A_2245, %swap3A_2246], %swap3A_2249 {strides = array<i32>} : memref<3x256x128xf32, #tpu.memory_space<vmem>>, vector<1x1x128xf32>,
    %get3A_2250 = arith.constant 1 : index
    %get3A_2251 = arith.constant 0 : index
    %get3A_2252 = arith.constant 0 : index
    %get3A_2253 = vector.load %arg36[%get3A_2250, %get3A_2251, %get3A_2252] : memref<3x116x128xf32, #tpu.memory_space<vmem>>, vector<1x116x128xf32>
    %get3A_2254 = vector.shape_cast %get3A_2253 : vector<1x116x128xf32> to vector<116x128xf32>
    %convert_element_type3A_2255 = arith.truncf %get3A_2254 : vector<116x128xf32> to vector<116x128xbf16>
    %convert_element_type3A_2256 = arith.truncf %dot_general3A_1536 : vector<116x116xf32> to vector<116x116xbf16>
    %dot_general3A_2257 = arith.constant dense<0.000000e+00> : vector<116x128xf32>
    %dot_general3A_2258 = tpu.matmul %convert_element_type3A_2256, %convert_element_type3A_2255, %dot_general3A_2257 {dimension_numbers = #tpu.dot_dimension_numbers<[1], [0], [0], [1], [0, 0, 1, 1], [], []>, transpose_lhs_hint = false} : vector<116x116xbf16>, vector<116x128xbf16>, vector<116x128xf32> -> vector<116x128xf32>
    %ge3A_2259 = arith.constant 0.000000e+00 : f32
    %ge3A_2260 = vector.broadcast %ge3A_2259 : f32 to vector<116x128xf32>
    %ge3A_2261 = arith.cmpf oge, %dot_general3A_2258, %ge3A_2260 : vector<116x128xf32>
    %mul3A_2262 = arith.constant 2.000000e-01 : f32
    %mul3A_2263 = vector.broadcast %mul3A_2262 : f32 to vector<116x128xf32>
    %mul3A_2264 = arith.mulf %mul3A_2263, %dot_general3A_2258 : vector<116x128xf32>
    %select_n3A_2265 = arith.select %ge3A_2261, %dot_general3A_2258, %mul3A_2264 : vector<116x128xi1>, vector<116x128xf32>
    %reduce_sum3A_2266 = arith.constant dense<0.000000e+00> : vector<128xf32>
    %reduce_sum3A_2267 = vector.multi_reduction <add>, %select_n3A_2265, %reduce_sum3A_2266 [0] : vector<116x128xf32> to vector<128xf32>
    %div3A_2268 = arith.constant 1.160000e+02 : f32
    %div3A_2269 = vector.broadcast %div3A_2268 : f32 to vector<128xf32>
    %div3A_2270 = arith.divf %reduce_sum3A_2267, %div3A_2269 : vector<128xf32>
    %mul3A_2271 = arith.constant 16 : i32
    %mul3A_2272 = arith.muli %arg0, %mul3A_2271 : i32
    %add3A_2273 = arith.constant 0 : i32
    %add3A_2274 = arith.addi %mul3A_2272, %add3A_2273 : i32
    %swap3A_2275 = arith.constant 1 : index
    %swap3A_2276 = arith.index_cast %add3A_2274 : i32 to index
    %swap3A_2277 = arith.constant 0 : index
    %swap3A_2278 = vector.load %arg44[%swap3A_2275, %swap3A_2276, %swap3A_2277] : memref<3x256x128xf32, #tpu.memory_space<vmem>>, vector<1x1x128xf32>
    %swap3A_2279 = vector.shape_cast %swap3A_2278 : vector<1x1x128xf32> to vector<128xf32>
    %swap3A_2280 = vector.shape_cast %div3A_2270 : vector<128xf32> to vector<1x1x128xf32>
    tpu.vector_store %arg44[%swap3A_2275, %swap3A_2276, %swap3A_2277], %swap3A_2280 {strides = array<i32>} : memref<3x256x128xf32, #tpu.memory_space<vmem>>, vector<1x1x128xf32>,
    %convert_element_type3A_2281 = arith.truncf %dot_general3A_1546 : vector<116x116xf32> to vector<116x116xbf16>
    %dot_general3A_2282 = arith.constant dense<0.000000e+00> : vector<116x128xf32>
    %dot_general3A_2283 = tpu.matmul %convert_element_type3A_2281, %convert_element_type3A_2255, %dot_general3A_2282 {dimension_numbers = #tpu.dot_dimension_numbers<[1], [0], [0], [1], [0, 0, 1, 1], [], []>, transpose_lhs_hint = false} : vector<116x116xbf16>, vector<116x128xbf16>, vector<116x128xf32> -> vector<116x128xf32>
    %ge3A_2284 = arith.constant 0.000000e+00 : f32
    %ge3A_2285 = vector.broadcast %ge3A_2284 : f32 to vector<116x128xf32>
    %ge3A_2286 = arith.cmpf oge, %dot_general3A_2283, %ge3A_2285 : vector<116x128xf32>
    %mul3A_2287 = arith.constant 2.000000e-01 : f32
    %mul3A_2288 = vector.broadcast %mul3A_2287 : f32 to vector<116x128xf32>
    %mul3A_2289 = arith.mulf %mul3A_2288, %dot_general3A_2283 : vector<116x128xf32>
    %select_n3A_2290 = arith.select %ge3A_2286, %dot_general3A_2283, %mul3A_2289 : vector<116x128xi1>, vector<116x128xf32>
    %reduce_sum3A_2291 = arith.constant dense<0.000000e+00> : vector<128xf32>
    %reduce_sum3A_2292 = vector.multi_reduction <add>, %select_n3A_2290, %reduce_sum3A_2291 [0] : vector<116x128xf32> to vector<128xf32>
    %div3A_2293 = arith.constant 1.160000e+02 : f32
    %div3A_2294 = vector.broadcast %div3A_2293 : f32 to vector<128xf32>
    %div3A_2295 = arith.divf %reduce_sum3A_2292, %div3A_2294 : vector<128xf32>
    %mul3A_2296 = arith.constant 16 : i32
    %mul3A_2297 = arith.muli %arg0, %mul3A_2296 : i32
    %add3A_2298 = arith.constant 1 : i32
    %add3A_2299 = arith.addi %mul3A_2297, %add3A_2298 : i32
    %swap3A_2300 = arith.constant 1 : index
    %swap3A_2301 = arith.index_cast %add3A_2299 : i32 to index
    %swap3A_2302 = arith.constant 0 : index
    %swap3A_2303 = vector.load %arg44[%swap3A_2300, %swap3A_2301, %swap3A_2302] : memref<3x256x128xf32, #tpu.memory_space<vmem>>, vector<1x1x128xf32>
    %swap3A_2304 = vector.shape_cast %swap3A_2303 : vector<1x1x128xf32> to vector<128xf32>
    %swap3A_2305 = vector.shape_cast %div3A_2295 : vector<128xf32> to vector<1x1x128xf32>
    tpu.vector_store %arg44[%swap3A_2300, %swap3A_2301, %swap3A_2302], %swap3A_2305 {strides = array<i32>} : memref<3x256x128xf32, #tpu.memory_space<vmem>>, vector<1x1x128xf32>,
    %convert_element_type3A_2306 = arith.truncf %dot_general3A_1556 : vector<116x116xf32> to vector<116x116xbf16>
    %dot_general3A_2307 = arith.constant dense<0.000000e+00> : vector<116x128xf32>
    %dot_general3A_2308 = tpu.matmul %convert_element_type3A_2306, %convert_element_type3A_2255, %dot_general3A_2307 {dimension_numbers = #tpu.dot_dimension_numbers<[1], [0], [0], [1], [0, 0, 1, 1], [], []>, transpose_lhs_hint = false} : vector<116x116xbf16>, vector<116x128xbf16>, vector<116x128xf32> -> vector<116x128xf32>
    %ge3A_2309 = arith.constant 0.000000e+00 : f32
    %ge3A_2310 = vector.broadcast %ge3A_2309 : f32 to vector<116x128xf32>
    %ge3A_2311 = arith.cmpf oge, %dot_general3A_2308, %ge3A_2310 : vector<116x128xf32>
    %mul3A_2312 = arith.constant 2.000000e-01 : f32
    %mul3A_2313 = vector.broadcast %mul3A_2312 : f32 to vector<116x128xf32>
    %mul3A_2314 = arith.mulf %mul3A_2313, %dot_general3A_2308 : vector<116x128xf32>
    %select_n3A_2315 = arith.select %ge3A_2311, %dot_general3A_2308, %mul3A_2314 : vector<116x128xi1>, vector<116x128xf32>
    %reduce_sum3A_2316 = arith.constant dense<0.000000e+00> : vector<128xf32>
    %reduce_sum3A_2317 = vector.multi_reduction <add>, %select_n3A_2315, %reduce_sum3A_2316 [0] : vector<116x128xf32> to vector<128xf32>
    %div3A_2318 = arith.constant 1.160000e+02 : f32
    %div3A_2319 = vector.broadcast %div3A_2318 : f32 to vector<128xf32>
    %div3A_2320 = arith.divf %reduce_sum3A_2317, %div3A_2319 : vector<128xf32>
    %mul3A_2321 = arith.constant 16 : i32
    %mul3A_2322 = arith.muli %arg0, %mul3A_2321 : i32
    %add3A_2323 = arith.constant 2 : i32
    %add3A_2324 = arith.addi %mul3A_2322, %add3A_2323 : i32
    %swap3A_2325 = arith.constant 1 : index
    %swap3A_2326 = arith.index_cast %add3A_2324 : i32 to index
    %swap3A_2327 = arith.constant 0 : index
    %swap3A_2328 = vector.load %arg44[%swap3A_2325, %swap3A_2326, %swap3A_2327] : memref<3x256x128xf32, #tpu.memory_space<vmem>>, vector<1x1x128xf32>
    %swap3A_2329 = vector.shape_cast %swap3A_2328 : vector<1x1x128xf32> to vector<128xf32>
    %swap3A_2330 = vector.shape_cast %div3A_2320 : vector<128xf32> to vector<1x1x128xf32>
    tpu.vector_store %arg44[%swap3A_2325, %swap3A_2326, %swap3A_2327], %swap3A_2330 {strides = array<i32>} : memref<3x256x128xf32, #tpu.memory_space<vmem>>, vector<1x1x128xf32>,
    %convert_element_type3A_2331 = arith.truncf %dot_general3A_1566 : vector<116x116xf32> to vector<116x116xbf16>
    %dot_general3A_2332 = arith.constant dense<0.000000e+00> : vector<116x128xf32>
    %dot_general3A_2333 = tpu.matmul %convert_element_type3A_2331, %convert_element_type3A_2255, %dot_general3A_2332 {dimension_numbers = #tpu.dot_dimension_numbers<[1], [0], [0], [1], [0, 0, 1, 1], [], []>, transpose_lhs_hint = false} : vector<116x116xbf16>, vector<116x128xbf16>, vector<116x128xf32> -> vector<116x128xf32>
    %ge3A_2334 = arith.constant 0.000000e+00 : f32
    %ge3A_2335 = vector.broadcast %ge3A_2334 : f32 to vector<116x128xf32>
    %ge3A_2336 = arith.cmpf oge, %dot_general3A_2333, %ge3A_2335 : vector<116x128xf32>
    %mul3A_2337 = arith.constant 2.000000e-01 : f32
    %mul3A_2338 = vector.broadcast %mul3A_2337 : f32 to vector<116x128xf32>
    %mul3A_2339 = arith.mulf %mul3A_2338, %dot_general3A_2333 : vector<116x128xf32>
    %select_n3A_2340 = arith.select %ge3A_2336, %dot_general3A_2333, %mul3A_2339 : vector<116x128xi1>, vector<116x128xf32>
    %reduce_sum3A_2341 = arith.constant dense<0.000000e+00> : vector<128xf32>
    %reduce_sum3A_2342 = vector.multi_reduction <add>, %select_n3A_2340, %reduce_sum3A_2341 [0] : vector<116x128xf32> to vector<128xf32>
    %div3A_2343 = arith.constant 1.160000e+02 : f32
    %div3A_2344 = vector.broadcast %div3A_2343 : f32 to vector<128xf32>
    %div3A_2345 = arith.divf %reduce_sum3A_2342, %div3A_2344 : vector<128xf32>
    %mul3A_2346 = arith.constant 16 : i32
    %mul3A_2347 = arith.muli %arg0, %mul3A_2346 : i32
    %add3A_2348 = arith.constant 3 : i32
    %add3A_2349 = arith.addi %mul3A_2347, %add3A_2348 : i32
    %swap3A_2350 = arith.constant 1 : index
    %swap3A_2351 = arith.index_cast %add3A_2349 : i32 to index
    %swap3A_2352 = arith.constant 0 : index
    %swap3A_2353 = vector.load %arg44[%swap3A_2350, %swap3A_2351, %swap3A_2352] : memref<3x256x128xf32, #tpu.memory_space<vmem>>, vector<1x1x128xf32>
    %swap3A_2354 = vector.shape_cast %swap3A_2353 : vector<1x1x128xf32> to vector<128xf32>
    %swap3A_2355 = vector.shape_cast %div3A_2345 : vector<128xf32> to vector<1x1x128xf32>
    tpu.vector_store %arg44[%swap3A_2350, %swap3A_2351, %swap3A_2352], %swap3A_2355 {strides = array<i32>} : memref<3x256x128xf32, #tpu.memory_space<vmem>>, vector<1x1x128xf32>,
    %convert_element_type3A_2356 = arith.truncf %dot_general3A_1576 : vector<116x116xf32> to vector<116x116xbf16>
    %dot_general3A_2357 = arith.constant dense<0.000000e+00> : vector<116x128xf32>
    %dot_general3A_2358 = tpu.matmul %convert_element_type3A_2356, %convert_element_type3A_2255, %dot_general3A_2357 {dimension_numbers = #tpu.dot_dimension_numbers<[1], [0], [0], [1], [0, 0, 1, 1], [], []>, transpose_lhs_hint = false} : vector<116x116xbf16>, vector<116x128xbf16>, vector<116x128xf32> -> vector<116x128xf32>
    %ge3A_2359 = arith.constant 0.000000e+00 : f32
    %ge3A_2360 = vector.broadcast %ge3A_2359 : f32 to vector<116x128xf32>
    %ge3A_2361 = arith.cmpf oge, %dot_general3A_2358, %ge3A_2360 : vector<116x128xf32>
    %mul3A_2362 = arith.constant 2.000000e-01 : f32
    %mul3A_2363 = vector.broadcast %mul3A_2362 : f32 to vector<116x128xf32>
    %mul3A_2364 = arith.mulf %mul3A_2363, %dot_general3A_2358 : vector<116x128xf32>
    %select_n3A_2365 = arith.select %ge3A_2361, %dot_general3A_2358, %mul3A_2364 : vector<116x128xi1>, vector<116x128xf32>
    %reduce_sum3A_2366 = arith.constant dense<0.000000e+00> : vector<128xf32>
    %reduce_sum3A_2367 = vector.multi_reduction <add>, %select_n3A_2365, %reduce_sum3A_2366 [0] : vector<116x128xf32> to vector<128xf32>
    %div3A_2368 = arith.constant 1.160000e+02 : f32
    %div3A_2369 = vector.broadcast %div3A_2368 : f32 to vector<128xf32>
    %div3A_2370 = arith.divf %reduce_sum3A_2367, %div3A_2369 : vector<128xf32>
    %mul3A_2371 = arith.constant 16 : i32
    %mul3A_2372 = arith.muli %arg0, %mul3A_2371 : i32
    %add3A_2373 = arith.constant 4 : i32
    %add3A_2374 = arith.addi %mul3A_2372, %add3A_2373 : i32
    %swap3A_2375 = arith.constant 1 : index
    %swap3A_2376 = arith.index_cast %add3A_2374 : i32 to index
    %swap3A_2377 = arith.constant 0 : index
    %swap3A_2378 = vector.load %arg44[%swap3A_2375, %swap3A_2376, %swap3A_2377] : memref<3x256x128xf32, #tpu.memory_space<vmem>>, vector<1x1x128xf32>
    %swap3A_2379 = vector.shape_cast %swap3A_2378 : vector<1x1x128xf32> to vector<128xf32>
    %swap3A_2380 = vector.shape_cast %div3A_2370 : vector<128xf32> to vector<1x1x128xf32>
    tpu.vector_store %arg44[%swap3A_2375, %swap3A_2376, %swap3A_2377], %swap3A_2380 {strides = array<i32>} : memref<3x256x128xf32, #tpu.memory_space<vmem>>, vector<1x1x128xf32>,
    %convert_element_type3A_2381 = arith.truncf %dot_general3A_1586 : vector<116x116xf32> to vector<116x116xbf16>
    %dot_general3A_2382 = arith.constant dense<0.000000e+00> : vector<116x128xf32>
    %dot_general3A_2383 = tpu.matmul %convert_element_type3A_2381, %convert_element_type3A_2255, %dot_general3A_2382 {dimension_numbers = #tpu.dot_dimension_numbers<[1], [0], [0], [1], [0, 0, 1, 1], [], []>, transpose_lhs_hint = false} : vector<116x116xbf16>, vector<116x128xbf16>, vector<116x128xf32> -> vector<116x128xf32>
    %ge3A_2384 = arith.constant 0.000000e+00 : f32
    %ge3A_2385 = vector.broadcast %ge3A_2384 : f32 to vector<116x128xf32>
    %ge3A_2386 = arith.cmpf oge, %dot_general3A_2383, %ge3A_2385 : vector<116x128xf32>
    %mul3A_2387 = arith.constant 2.000000e-01 : f32
    %mul3A_2388 = vector.broadcast %mul3A_2387 : f32 to vector<116x128xf32>
    %mul3A_2389 = arith.mulf %mul3A_2388, %dot_general3A_2383 : vector<116x128xf32>
    %select_n3A_2390 = arith.select %ge3A_2386, %dot_general3A_2383, %mul3A_2389 : vector<116x128xi1>, vector<116x128xf32>
    %reduce_sum3A_2391 = arith.constant dense<0.000000e+00> : vector<128xf32>
    %reduce_sum3A_2392 = vector.multi_reduction <add>, %select_n3A_2390, %reduce_sum3A_2391 [0] : vector<116x128xf32> to vector<128xf32>
    %div3A_2393 = arith.constant 1.160000e+02 : f32
    %div3A_2394 = vector.broadcast %div3A_2393 : f32 to vector<128xf32>
    %div3A_2395 = arith.divf %reduce_sum3A_2392, %div3A_2394 : vector<128xf32>
    %mul3A_2396 = arith.constant 16 : i32
    %mul3A_2397 = arith.muli %arg0, %mul3A_2396 : i32
    %add3A_2398 = arith.constant 5 : i32
    %add3A_2399 = arith.addi %mul3A_2397, %add3A_2398 : i32
    %swap3A_2400 = arith.constant 1 : index
    %swap3A_2401 = arith.index_cast %add3A_2399 : i32 to index
    %swap3A_2402 = arith.constant 0 : index
    %swap3A_2403 = vector.load %arg44[%swap3A_2400, %swap3A_2401, %swap3A_2402] : memref<3x256x128xf32, #tpu.memory_space<vmem>>, vector<1x1x128xf32>
    %swap3A_2404 = vector.shape_cast %swap3A_2403 : vector<1x1x128xf32> to vector<128xf32>
    %swap3A_2405 = vector.shape_cast %div3A_2395 : vector<128xf32> to vector<1x1x128xf32>
    tpu.vector_store %arg44[%swap3A_2400, %swap3A_2401, %swap3A_2402], %swap3A_2405 {strides = array<i32>} : memref<3x256x128xf32, #tpu.memory_space<vmem>>, vector<1x1x128xf32>,
    %convert_element_type3A_2406 = arith.truncf %dot_general3A_1596 : vector<116x116xf32> to vector<116x116xbf16>
    %dot_general3A_2407 = arith.constant dense<0.000000e+00> : vector<116x128xf32>
    %dot_general3A_2408 = tpu.matmul %convert_element_type3A_2406, %convert_element_type3A_2255, %dot_general3A_2407 {dimension_numbers = #tpu.dot_dimension_numbers<[1], [0], [0], [1], [0, 0, 1, 1], [], []>, transpose_lhs_hint = false} : vector<116x116xbf16>, vector<116x128xbf16>, vector<116x128xf32> -> vector<116x128xf32>
    %ge3A_2409 = arith.constant 0.000000e+00 : f32
    %ge3A_2410 = vector.broadcast %ge3A_2409 : f32 to vector<116x128xf32>
    %ge3A_2411 = arith.cmpf oge, %dot_general3A_2408, %ge3A_2410 : vector<116x128xf32>
    %mul3A_2412 = arith.constant 2.000000e-01 : f32
    %mul3A_2413 = vector.broadcast %mul3A_2412 : f32 to vector<116x128xf32>
    %mul3A_2414 = arith.mulf %mul3A_2413, %dot_general3A_2408 : vector<116x128xf32>
    %select_n3A_2415 = arith.select %ge3A_2411, %dot_general3A_2408, %mul3A_2414 : vector<116x128xi1>, vector<116x128xf32>
    %reduce_sum3A_2416 = arith.constant dense<0.000000e+00> : vector<128xf32>
    %reduce_sum3A_2417 = vector.multi_reduction <add>, %select_n3A_2415, %reduce_sum3A_2416 [0] : vector<116x128xf32> to vector<128xf32>
    %div3A_2418 = arith.constant 1.160000e+02 : f32
    %div3A_2419 = vector.broadcast %div3A_2418 : f32 to vector<128xf32>
    %div3A_2420 = arith.divf %reduce_sum3A_2417, %div3A_2419 : vector<128xf32>
    %mul3A_2421 = arith.constant 16 : i32
    %mul3A_2422 = arith.muli %arg0, %mul3A_2421 : i32
    %add3A_2423 = arith.constant 6 : i32
    %add3A_2424 = arith.addi %mul3A_2422, %add3A_2423 : i32
    %swap3A_2425 = arith.constant 1 : index
    %swap3A_2426 = arith.index_cast %add3A_2424 : i32 to index
    %swap3A_2427 = arith.constant 0 : index
    %swap3A_2428 = vector.load %arg44[%swap3A_2425, %swap3A_2426, %swap3A_2427] : memref<3x256x128xf32, #tpu.memory_space<vmem>>, vector<1x1x128xf32>
    %swap3A_2429 = vector.shape_cast %swap3A_2428 : vector<1x1x128xf32> to vector<128xf32>
    %swap3A_2430 = vector.shape_cast %div3A_2420 : vector<128xf32> to vector<1x1x128xf32>
    tpu.vector_store %arg44[%swap3A_2425, %swap3A_2426, %swap3A_2427], %swap3A_2430 {strides = array<i32>} : memref<3x256x128xf32, #tpu.memory_space<vmem>>, vector<1x1x128xf32>,
    %convert_element_type3A_2431 = arith.truncf %dot_general3A_1606 : vector<116x116xf32> to vector<116x116xbf16>
    %dot_general3A_2432 = arith.constant dense<0.000000e+00> : vector<116x128xf32>
    %dot_general3A_2433 = tpu.matmul %convert_element_type3A_2431, %convert_element_type3A_2255, %dot_general3A_2432 {dimension_numbers = #tpu.dot_dimension_numbers<[1], [0], [0], [1], [0, 0, 1, 1], [], []>, transpose_lhs_hint = false} : vector<116x116xbf16>, vector<116x128xbf16>, vector<116x128xf32> -> vector<116x128xf32>
    %ge3A_2434 = arith.constant 0.000000e+00 : f32
    %ge3A_2435 = vector.broadcast %ge3A_2434 : f32 to vector<116x128xf32>
    %ge3A_2436 = arith.cmpf oge, %dot_general3A_2433, %ge3A_2435 : vector<116x128xf32>
    %mul3A_2437 = arith.constant 2.000000e-01 : f32
    %mul3A_2438 = vector.broadcast %mul3A_2437 : f32 to vector<116x128xf32>
    %mul3A_2439 = arith.mulf %mul3A_2438, %dot_general3A_2433 : vector<116x128xf32>
    %select_n3A_2440 = arith.select %ge3A_2436, %dot_general3A_2433, %mul3A_2439 : vector<116x128xi1>, vector<116x128xf32>
    %reduce_sum3A_2441 = arith.constant dense<0.000000e+00> : vector<128xf32>
    %reduce_sum3A_2442 = vector.multi_reduction <add>, %select_n3A_2440, %reduce_sum3A_2441 [0] : vector<116x128xf32> to vector<128xf32>
    %div3A_2443 = arith.constant 1.160000e+02 : f32
    %div3A_2444 = vector.broadcast %div3A_2443 : f32 to vector<128xf32>
    %div3A_2445 = arith.divf %reduce_sum3A_2442, %div3A_2444 : vector<128xf32>
    %mul3A_2446 = arith.constant 16 : i32
    %mul3A_2447 = arith.muli %arg0, %mul3A_2446 : i32
    %add3A_2448 = arith.constant 7 : i32
    %add3A_2449 = arith.addi %mul3A_2447, %add3A_2448 : i32
    %swap3A_2450 = arith.constant 1 : index
    %swap3A_2451 = arith.index_cast %add3A_2449 : i32 to index
    %swap3A_2452 = arith.constant 0 : index
    %swap3A_2453 = vector.load %arg44[%swap3A_2450, %swap3A_2451, %swap3A_2452] : memref<3x256x128xf32, #tpu.memory_space<vmem>>, vector<1x1x128xf32>
    %swap3A_2454 = vector.shape_cast %swap3A_2453 : vector<1x1x128xf32> to vector<128xf32>
    %swap3A_2455 = vector.shape_cast %div3A_2445 : vector<128xf32> to vector<1x1x128xf32>
    tpu.vector_store %arg44[%swap3A_2450, %swap3A_2451, %swap3A_2452], %swap3A_2455 {strides = array<i32>} : memref<3x256x128xf32, #tpu.memory_space<vmem>>, vector<1x1x128xf32>,
    %convert_element_type3A_2456 = arith.truncf %dot_general3A_1616 : vector<116x116xf32> to vector<116x116xbf16>
    %dot_general3A_2457 = arith.constant dense<0.000000e+00> : vector<116x128xf32>
    %dot_general3A_2458 = tpu.matmul %convert_element_type3A_2456, %convert_element_type3A_2255, %dot_general3A_2457 {dimension_numbers = #tpu.dot_dimension_numbers<[1], [0], [0], [1], [0, 0, 1, 1], [], []>, transpose_lhs_hint = false} : vector<116x116xbf16>, vector<116x128xbf16>, vector<116x128xf32> -> vector<116x128xf32>
    %ge3A_2459 = arith.constant 0.000000e+00 : f32
    %ge3A_2460 = vector.broadcast %ge3A_2459 : f32 to vector<116x128xf32>
    %ge3A_2461 = arith.cmpf oge, %dot_general3A_2458, %ge3A_2460 : vector<116x128xf32>
    %mul3A_2462 = arith.constant 2.000000e-01 : f32
    %mul3A_2463 = vector.broadcast %mul3A_2462 : f32 to vector<116x128xf32>
    %mul3A_2464 = arith.mulf %mul3A_2463, %dot_general3A_2458 : vector<116x128xf32>
    %select_n3A_2465 = arith.select %ge3A_2461, %dot_general3A_2458, %mul3A_2464 : vector<116x128xi1>, vector<116x128xf32>
    %reduce_sum3A_2466 = arith.constant dense<0.000000e+00> : vector<128xf32>
    %reduce_sum3A_2467 = vector.multi_reduction <add>, %select_n3A_2465, %reduce_sum3A_2466 [0] : vector<116x128xf32> to vector<128xf32>
    %div3A_2468 = arith.constant 1.160000e+02 : f32
    %div3A_2469 = vector.broadcast %div3A_2468 : f32 to vector<128xf32>
    %div3A_2470 = arith.divf %reduce_sum3A_2467, %div3A_2469 : vector<128xf32>
    %mul3A_2471 = arith.constant 16 : i32
    %mul3A_2472 = arith.muli %arg0, %mul3A_2471 : i32
    %add3A_2473 = arith.constant 8 : i32
    %add3A_2474 = arith.addi %mul3A_2472, %add3A_2473 : i32
    %swap3A_2475 = arith.constant 1 : index
    %swap3A_2476 = arith.index_cast %add3A_2474 : i32 to index
    %swap3A_2477 = arith.constant 0 : index
    %swap3A_2478 = vector.load %arg44[%swap3A_2475, %swap3A_2476, %swap3A_2477] : memref<3x256x128xf32, #tpu.memory_space<vmem>>, vector<1x1x128xf32>
    %swap3A_2479 = vector.shape_cast %swap3A_2478 : vector<1x1x128xf32> to vector<128xf32>
    %swap3A_2480 = vector.shape_cast %div3A_2470 : vector<128xf32> to vector<1x1x128xf32>
    tpu.vector_store %arg44[%swap3A_2475, %swap3A_2476, %swap3A_2477], %swap3A_2480 {strides = array<i32>} : memref<3x256x128xf32, #tpu.memory_space<vmem>>, vector<1x1x128xf32>,
    %convert_element_type3A_2481 = arith.truncf %dot_general3A_1626 : vector<116x116xf32> to vector<116x116xbf16>
    %dot_general3A_2482 = arith.constant dense<0.000000e+00> : vector<116x128xf32>
    %dot_general3A_2483 = tpu.matmul %convert_element_type3A_2481, %convert_element_type3A_2255, %dot_general3A_2482 {dimension_numbers = #tpu.dot_dimension_numbers<[1], [0], [0], [1], [0, 0, 1, 1], [], []>, transpose_lhs_hint = false} : vector<116x116xbf16>, vector<116x128xbf16>, vector<116x128xf32> -> vector<116x128xf32>
    %ge3A_2484 = arith.constant 0.000000e+00 : f32
    %ge3A_2485 = vector.broadcast %ge3A_2484 : f32 to vector<116x128xf32>
    %ge3A_2486 = arith.cmpf oge, %dot_general3A_2483, %ge3A_2485 : vector<116x128xf32>
    %mul3A_2487 = arith.constant 2.000000e-01 : f32
    %mul3A_2488 = vector.broadcast %mul3A_2487 : f32 to vector<116x128xf32>
    %mul3A_2489 = arith.mulf %mul3A_2488, %dot_general3A_2483 : vector<116x128xf32>
    %select_n3A_2490 = arith.select %ge3A_2486, %dot_general3A_2483, %mul3A_2489 : vector<116x128xi1>, vector<116x128xf32>
    %reduce_sum3A_2491 = arith.constant dense<0.000000e+00> : vector<128xf32>
    %reduce_sum3A_2492 = vector.multi_reduction <add>, %select_n3A_2490, %reduce_sum3A_2491 [0] : vector<116x128xf32> to vector<128xf32>
    %div3A_2493 = arith.constant 1.160000e+02 : f32
    %div3A_2494 = vector.broadcast %div3A_2493 : f32 to vector<128xf32>
    %div3A_2495 = arith.divf %reduce_sum3A_2492, %div3A_2494 : vector<128xf32>
    %mul3A_2496 = arith.constant 16 : i32
    %mul3A_2497 = arith.muli %arg0, %mul3A_2496 : i32
    %add3A_2498 = arith.constant 9 : i32
    %add3A_2499 = arith.addi %mul3A_2497, %add3A_2498 : i32
    %swap3A_2500 = arith.constant 1 : index
    %swap3A_2501 = arith.index_cast %add3A_2499 : i32 to index
    %swap3A_2502 = arith.constant 0 : index
    %swap3A_2503 = vector.load %arg44[%swap3A_2500, %swap3A_2501, %swap3A_2502] : memref<3x256x128xf32, #tpu.memory_space<vmem>>, vector<1x1x128xf32>
    %swap3A_2504 = vector.shape_cast %swap3A_2503 : vector<1x1x128xf32> to vector<128xf32>
    %swap3A_2505 = vector.shape_cast %div3A_2495 : vector<128xf32> to vector<1x1x128xf32>
    tpu.vector_store %arg44[%swap3A_2500, %swap3A_2501, %swap3A_2502], %swap3A_2505 {strides = array<i32>} : memref<3x256x128xf32, #tpu.memory_space<vmem>>, vector<1x1x128xf32>,
    %convert_element_type3A_2506 = arith.truncf %dot_general3A_1636 : vector<116x116xf32> to vector<116x116xbf16>
    %dot_general3A_2507 = arith.constant dense<0.000000e+00> : vector<116x128xf32>
    %dot_general3A_2508 = tpu.matmul %convert_element_type3A_2506, %convert_element_type3A_2255, %dot_general3A_2507 {dimension_numbers = #tpu.dot_dimension_numbers<[1], [0], [0], [1], [0, 0, 1, 1], [], []>, transpose_lhs_hint = false} : vector<116x116xbf16>, vector<116x128xbf16>, vector<116x128xf32> -> vector<116x128xf32>
    %ge3A_2509 = arith.constant 0.000000e+00 : f32
    %ge3A_2510 = vector.broadcast %ge3A_2509 : f32 to vector<116x128xf32>
    %ge3A_2511 = arith.cmpf oge, %dot_general3A_2508, %ge3A_2510 : vector<116x128xf32>
    %mul3A_2512 = arith.constant 2.000000e-01 : f32
    %mul3A_2513 = vector.broadcast %mul3A_2512 : f32 to vector<116x128xf32>
    %mul3A_2514 = arith.mulf %mul3A_2513, %dot_general3A_2508 : vector<116x128xf32>
    %select_n3A_2515 = arith.select %ge3A_2511, %dot_general3A_2508, %mul3A_2514 : vector<116x128xi1>, vector<116x128xf32>
    %reduce_sum3A_2516 = arith.constant dense<0.000000e+00> : vector<128xf32>
    %reduce_sum3A_2517 = vector.multi_reduction <add>, %select_n3A_2515, %reduce_sum3A_2516 [0] : vector<116x128xf32> to vector<128xf32>
    %div3A_2518 = arith.constant 1.160000e+02 : f32
    %div3A_2519 = vector.broadcast %div3A_2518 : f32 to vector<128xf32>
    %div3A_2520 = arith.divf %reduce_sum3A_2517, %div3A_2519 : vector<128xf32>
    %mul3A_2521 = arith.constant 16 : i32
    %mul3A_2522 = arith.muli %arg0, %mul3A_2521 : i32
    %add3A_2523 = arith.constant 10 : i32
    %add3A_2524 = arith.addi %mul3A_2522, %add3A_2523 : i32
    %swap3A_2525 = arith.constant 1 : index
    %swap3A_2526 = arith.index_cast %add3A_2524 : i32 to index
    %swap3A_2527 = arith.constant 0 : index
    %swap3A_2528 = vector.load %arg44[%swap3A_2525, %swap3A_2526, %swap3A_2527] : memref<3x256x128xf32, #tpu.memory_space<vmem>>, vector<1x1x128xf32>
    %swap3A_2529 = vector.shape_cast %swap3A_2528 : vector<1x1x128xf32> to vector<128xf32>
    %swap3A_2530 = vector.shape_cast %div3A_2520 : vector<128xf32> to vector<1x1x128xf32>
    tpu.vector_store %arg44[%swap3A_2525, %swap3A_2526, %swap3A_2527], %swap3A_2530 {strides = array<i32>} : memref<3x256x128xf32, #tpu.memory_space<vmem>>, vector<1x1x128xf32>,
    %convert_element_type3A_2531 = arith.truncf %dot_general3A_1646 : vector<116x116xf32> to vector<116x116xbf16>
    %dot_general3A_2532 = arith.constant dense<0.000000e+00> : vector<116x128xf32>
    %dot_general3A_2533 = tpu.matmul %convert_element_type3A_2531, %convert_element_type3A_2255, %dot_general3A_2532 {dimension_numbers = #tpu.dot_dimension_numbers<[1], [0], [0], [1], [0, 0, 1, 1], [], []>, transpose_lhs_hint = false} : vector<116x116xbf16>, vector<116x128xbf16>, vector<116x128xf32> -> vector<116x128xf32>
    %ge3A_2534 = arith.constant 0.000000e+00 : f32
    %ge3A_2535 = vector.broadcast %ge3A_2534 : f32 to vector<116x128xf32>
    %ge3A_2536 = arith.cmpf oge, %dot_general3A_2533, %ge3A_2535 : vector<116x128xf32>
    %mul3A_2537 = arith.constant 2.000000e-01 : f32
    %mul3A_2538 = vector.broadcast %mul3A_2537 : f32 to vector<116x128xf32>
    %mul3A_2539 = arith.mulf %mul3A_2538, %dot_general3A_2533 : vector<116x128xf32>
    %select_n3A_2540 = arith.select %ge3A_2536, %dot_general3A_2533, %mul3A_2539 : vector<116x128xi1>, vector<116x128xf32>
    %reduce_sum3A_2541 = arith.constant dense<0.000000e+00> : vector<128xf32>
    %reduce_sum3A_2542 = vector.multi_reduction <add>, %select_n3A_2540, %reduce_sum3A_2541 [0] : vector<116x128xf32> to vector<128xf32>
    %div3A_2543 = arith.constant 1.160000e+02 : f32
    %div3A_2544 = vector.broadcast %div3A_2543 : f32 to vector<128xf32>
    %div3A_2545 = arith.divf %reduce_sum3A_2542, %div3A_2544 : vector<128xf32>
    %mul3A_2546 = arith.constant 16 : i32
    %mul3A_2547 = arith.muli %arg0, %mul3A_2546 : i32
    %add3A_2548 = arith.constant 11 : i32
    %add3A_2549 = arith.addi %mul3A_2547, %add3A_2548 : i32
    %swap3A_2550 = arith.constant 1 : index
    %swap3A_2551 = arith.index_cast %add3A_2549 : i32 to index
    %swap3A_2552 = arith.constant 0 : index
    %swap3A_2553 = vector.load %arg44[%swap3A_2550, %swap3A_2551, %swap3A_2552] : memref<3x256x128xf32, #tpu.memory_space<vmem>>, vector<1x1x128xf32>
    %swap3A_2554 = vector.shape_cast %swap3A_2553 : vector<1x1x128xf32> to vector<128xf32>
    %swap3A_2555 = vector.shape_cast %div3A_2545 : vector<128xf32> to vector<1x1x128xf32>
    tpu.vector_store %arg44[%swap3A_2550, %swap3A_2551, %swap3A_2552], %swap3A_2555 {strides = array<i32>} : memref<3x256x128xf32, #tpu.memory_space<vmem>>, vector<1x1x128xf32>,
    %convert_element_type3A_2556 = arith.truncf %dot_general3A_1656 : vector<116x116xf32> to vector<116x116xbf16>
    %dot_general3A_2557 = arith.constant dense<0.000000e+00> : vector<116x128xf32>
    %dot_general3A_2558 = tpu.matmul %convert_element_type3A_2556, %convert_element_type3A_2255, %dot_general3A_2557 {dimension_numbers = #tpu.dot_dimension_numbers<[1], [0], [0], [1], [0, 0, 1, 1], [], []>, transpose_lhs_hint = false} : vector<116x116xbf16>, vector<116x128xbf16>, vector<116x128xf32> -> vector<116x128xf32>
    %ge3A_2559 = arith.constant 0.000000e+00 : f32
    %ge3A_2560 = vector.broadcast %ge3A_2559 : f32 to vector<116x128xf32>
    %ge3A_2561 = arith.cmpf oge, %dot_general3A_2558, %ge3A_2560 : vector<116x128xf32>
    %mul3A_2562 = arith.constant 2.000000e-01 : f32
    %mul3A_2563 = vector.broadcast %mul3A_2562 : f32 to vector<116x128xf32>
    %mul3A_2564 = arith.mulf %mul3A_2563, %dot_general3A_2558 : vector<116x128xf32>
    %select_n3A_2565 = arith.select %ge3A_2561, %dot_general3A_2558, %mul3A_2564 : vector<116x128xi1>, vector<116x128xf32>
    %reduce_sum3A_2566 = arith.constant dense<0.000000e+00> : vector<128xf32>
    %reduce_sum3A_2567 = vector.multi_reduction <add>, %select_n3A_2565, %reduce_sum3A_2566 [0] : vector<116x128xf32> to vector<128xf32>
    %div3A_2568 = arith.constant 1.160000e+02 : f32
    %div3A_2569 = vector.broadcast %div3A_2568 : f32 to vector<128xf32>
    %div3A_2570 = arith.divf %reduce_sum3A_2567, %div3A_2569 : vector<128xf32>
    %mul3A_2571 = arith.constant 16 : i32
    %mul3A_2572 = arith.muli %arg0, %mul3A_2571 : i32
    %add3A_2573 = arith.constant 12 : i32
    %add3A_2574 = arith.addi %mul3A_2572, %add3A_2573 : i32
    %swap3A_2575 = arith.constant 1 : index
    %swap3A_2576 = arith.index_cast %add3A_2574 : i32 to index
    %swap3A_2577 = arith.constant 0 : index
    %swap3A_2578 = vector.load %arg44[%swap3A_2575, %swap3A_2576, %swap3A_2577] : memref<3x256x128xf32, #tpu.memory_space<vmem>>, vector<1x1x128xf32>
    %swap3A_2579 = vector.shape_cast %swap3A_2578 : vector<1x1x128xf32> to vector<128xf32>
    %swap3A_2580 = vector.shape_cast %div3A_2570 : vector<128xf32> to vector<1x1x128xf32>
    tpu.vector_store %arg44[%swap3A_2575, %swap3A_2576, %swap3A_2577], %swap3A_2580 {strides = array<i32>} : memref<3x256x128xf32, #tpu.memory_space<vmem>>, vector<1x1x128xf32>,
    %convert_element_type3A_2581 = arith.truncf %dot_general3A_1666 : vector<116x116xf32> to vector<116x116xbf16>
    %dot_general3A_2582 = arith.constant dense<0.000000e+00> : vector<116x128xf32>
    %dot_general3A_2583 = tpu.matmul %convert_element_type3A_2581, %convert_element_type3A_2255, %dot_general3A_2582 {dimension_numbers = #tpu.dot_dimension_numbers<[1], [0], [0], [1], [0, 0, 1, 1], [], []>, transpose_lhs_hint = false} : vector<116x116xbf16>, vector<116x128xbf16>, vector<116x128xf32> -> vector<116x128xf32>
    %ge3A_2584 = arith.constant 0.000000e+00 : f32
    %ge3A_2585 = vector.broadcast %ge3A_2584 : f32 to vector<116x128xf32>
    %ge3A_2586 = arith.cmpf oge, %dot_general3A_2583, %ge3A_2585 : vector<116x128xf32>
    %mul3A_2587 = arith.constant 2.000000e-01 : f32
    %mul3A_2588 = vector.broadcast %mul3A_2587 : f32 to vector<116x128xf32>
    %mul3A_2589 = arith.mulf %mul3A_2588, %dot_general3A_2583 : vector<116x128xf32>
    %select_n3A_2590 = arith.select %ge3A_2586, %dot_general3A_2583, %mul3A_2589 : vector<116x128xi1>, vector<116x128xf32>
    %reduce_sum3A_2591 = arith.constant dense<0.000000e+00> : vector<128xf32>
    %reduce_sum3A_2592 = vector.multi_reduction <add>, %select_n3A_2590, %reduce_sum3A_2591 [0] : vector<116x128xf32> to vector<128xf32>
    %div3A_2593 = arith.constant 1.160000e+02 : f32
    %div3A_2594 = vector.broadcast %div3A_2593 : f32 to vector<128xf32>
    %div3A_2595 = arith.divf %reduce_sum3A_2592, %div3A_2594 : vector<128xf32>
    %mul3A_2596 = arith.constant 16 : i32
    %mul3A_2597 = arith.muli %arg0, %mul3A_2596 : i32
    %add3A_2598 = arith.constant 13 : i32
    %add3A_2599 = arith.addi %mul3A_2597, %add3A_2598 : i32
    %swap3A_2600 = arith.constant 1 : index
    %swap3A_2601 = arith.index_cast %add3A_2599 : i32 to index
    %swap3A_2602 = arith.constant 0 : index
    %swap3A_2603 = vector.load %arg44[%swap3A_2600, %swap3A_2601, %swap3A_2602] : memref<3x256x128xf32, #tpu.memory_space<vmem>>, vector<1x1x128xf32>
    %swap3A_2604 = vector.shape_cast %swap3A_2603 : vector<1x1x128xf32> to vector<128xf32>
    %swap3A_2605 = vector.shape_cast %div3A_2595 : vector<128xf32> to vector<1x1x128xf32>
    tpu.vector_store %arg44[%swap3A_2600, %swap3A_2601, %swap3A_2602], %swap3A_2605 {strides = array<i32>} : memref<3x256x128xf32, #tpu.memory_space<vmem>>, vector<1x1x128xf32>,
    %convert_element_type3A_2606 = arith.truncf %dot_general3A_1676 : vector<116x116xf32> to vector<116x116xbf16>
    %dot_general3A_2607 = arith.constant dense<0.000000e+00> : vector<116x128xf32>
    %dot_general3A_2608 = tpu.matmul %convert_element_type3A_2606, %convert_element_type3A_2255, %dot_general3A_2607 {dimension_numbers = #tpu.dot_dimension_numbers<[1], [0], [0], [1], [0, 0, 1, 1], [], []>, transpose_lhs_hint = false} : vector<116x116xbf16>, vector<116x128xbf16>, vector<116x128xf32> -> vector<116x128xf32>
    %ge3A_2609 = arith.constant 0.000000e+00 : f32
    %ge3A_2610 = vector.broadcast %ge3A_2609 : f32 to vector<116x128xf32>
    %ge3A_2611 = arith.cmpf oge, %dot_general3A_2608, %ge3A_2610 : vector<116x128xf32>
    %mul3A_2612 = arith.constant 2.000000e-01 : f32
    %mul3A_2613 = vector.broadcast %mul3A_2612 : f32 to vector<116x128xf32>
    %mul3A_2614 = arith.mulf %mul3A_2613, %dot_general3A_2608 : vector<116x128xf32>
    %select_n3A_2615 = arith.select %ge3A_2611, %dot_general3A_2608, %mul3A_2614 : vector<116x128xi1>, vector<116x128xf32>
    %reduce_sum3A_2616 = arith.constant dense<0.000000e+00> : vector<128xf32>
    %reduce_sum3A_2617 = vector.multi_reduction <add>, %select_n3A_2615, %reduce_sum3A_2616 [0] : vector<116x128xf32> to vector<128xf32>
    %div3A_2618 = arith.constant 1.160000e+02 : f32
    %div3A_2619 = vector.broadcast %div3A_2618 : f32 to vector<128xf32>
    %div3A_2620 = arith.divf %reduce_sum3A_2617, %div3A_2619 : vector<128xf32>
    %mul3A_2621 = arith.constant 16 : i32
    %mul3A_2622 = arith.muli %arg0, %mul3A_2621 : i32
    %add3A_2623 = arith.constant 14 : i32
    %add3A_2624 = arith.addi %mul3A_2622, %add3A_2623 : i32
    %swap3A_2625 = arith.constant 1 : index
    %swap3A_2626 = arith.index_cast %add3A_2624 : i32 to index
    %swap3A_2627 = arith.constant 0 : index
    %swap3A_2628 = vector.load %arg44[%swap3A_2625, %swap3A_2626, %swap3A_2627] : memref<3x256x128xf32, #tpu.memory_space<vmem>>, vector<1x1x128xf32>
    %swap3A_2629 = vector.shape_cast %swap3A_2628 : vector<1x1x128xf32> to vector<128xf32>
    %swap3A_2630 = vector.shape_cast %div3A_2620 : vector<128xf32> to vector<1x1x128xf32>
    tpu.vector_store %arg44[%swap3A_2625, %swap3A_2626, %swap3A_2627], %swap3A_2630 {strides = array<i32>} : memref<3x256x128xf32, #tpu.memory_space<vmem>>, vector<1x1x128xf32>,
    %convert_element_type3A_2631 = arith.truncf %dot_general3A_1686 : vector<116x116xf32> to vector<116x116xbf16>
    %dot_general3A_2632 = arith.constant dense<0.000000e+00> : vector<116x128xf32>
    %dot_general3A_2633 = tpu.matmul %convert_element_type3A_2631, %convert_element_type3A_2255, %dot_general3A_2632 {dimension_numbers = #tpu.dot_dimension_numbers<[1], [0], [0], [1], [0, 0, 1, 1], [], []>, transpose_lhs_hint = false} : vector<116x116xbf16>, vector<116x128xbf16>, vector<116x128xf32> -> vector<116x128xf32>
    %ge3A_2634 = arith.constant 0.000000e+00 : f32
    %ge3A_2635 = vector.broadcast %ge3A_2634 : f32 to vector<116x128xf32>
    %ge3A_2636 = arith.cmpf oge, %dot_general3A_2633, %ge3A_2635 : vector<116x128xf32>
    %mul3A_2637 = arith.constant 2.000000e-01 : f32
    %mul3A_2638 = vector.broadcast %mul3A_2637 : f32 to vector<116x128xf32>
    %mul3A_2639 = arith.mulf %mul3A_2638, %dot_general3A_2633 : vector<116x128xf32>
    %select_n3A_2640 = arith.select %ge3A_2636, %dot_general3A_2633, %mul3A_2639 : vector<116x128xi1>, vector<116x128xf32>
    %reduce_sum3A_2641 = arith.constant dense<0.000000e+00> : vector<128xf32>
    %reduce_sum3A_2642 = vector.multi_reduction <add>, %select_n3A_2640, %reduce_sum3A_2641 [0] : vector<116x128xf32> to vector<128xf32>
    %div3A_2643 = arith.constant 1.160000e+02 : f32
    %div3A_2644 = vector.broadcast %div3A_2643 : f32 to vector<128xf32>
    %div3A_2645 = arith.divf %reduce_sum3A_2642, %div3A_2644 : vector<128xf32>
    %mul3A_2646 = arith.constant 16 : i32
    %mul3A_2647 = arith.muli %arg0, %mul3A_2646 : i32
    %add3A_2648 = arith.constant 15 : i32
    %add3A_2649 = arith.addi %mul3A_2647, %add3A_2648 : i32
    %swap3A_2650 = arith.constant 1 : index
    %swap3A_2651 = arith.index_cast %add3A_2649 : i32 to index
    %swap3A_2652 = arith.constant 0 : index
    %swap3A_2653 = vector.load %arg44[%swap3A_2650, %swap3A_2651, %swap3A_2652] : memref<3x256x128xf32, #tpu.memory_space<vmem>>, vector<1x1x128xf32>
    %swap3A_2654 = vector.shape_cast %swap3A_2653 : vector<1x1x128xf32> to vector<128xf32>
    %swap3A_2655 = vector.shape_cast %div3A_2645 : vector<128xf32> to vector<1x1x128xf32>
    tpu.vector_store %arg44[%swap3A_2650, %swap3A_2651, %swap3A_2652], %swap3A_2655 {strides = array<i32>} : memref<3x256x128xf32, #tpu.memory_space<vmem>>, vector<1x1x128xf32>,
    %get3A_2656 = arith.constant 2 : index
    %get3A_2657 = arith.constant 0 : index
    %get3A_2658 = arith.constant 0 : index
    %get3A_2659 = vector.load %arg36[%get3A_2656, %get3A_2657, %get3A_2658] : memref<3x116x128xf32, #tpu.memory_space<vmem>>, vector<1x116x128xf32>
    %get3A_2660 = vector.shape_cast %get3A_2659 : vector<1x116x128xf32> to vector<116x128xf32>
    %convert_element_type3A_2661 = arith.truncf %get3A_2660 : vector<116x128xf32> to vector<116x128xbf16>
    %convert_element_type3A_2662 = arith.truncf %dot_general3A_1696 : vector<116x116xf32> to vector<116x116xbf16>
    %dot_general3A_2663 = arith.constant dense<0.000000e+00> : vector<116x128xf32>
    %dot_general3A_2664 = tpu.matmul %convert_element_type3A_2662, %convert_element_type3A_2661, %dot_general3A_2663 {dimension_numbers = #tpu.dot_dimension_numbers<[1], [0], [0], [1], [0, 0, 1, 1], [], []>, transpose_lhs_hint = false} : vector<116x116xbf16>, vector<116x128xbf16>, vector<116x128xf32> -> vector<116x128xf32>
    %ge3A_2665 = arith.constant 0.000000e+00 : f32
    %ge3A_2666 = vector.broadcast %ge3A_2665 : f32 to vector<116x128xf32>
    %ge3A_2667 = arith.cmpf oge, %dot_general3A_2664, %ge3A_2666 : vector<116x128xf32>
    %mul3A_2668 = arith.constant 2.000000e-01 : f32
    %mul3A_2669 = vector.broadcast %mul3A_2668 : f32 to vector<116x128xf32>
    %mul3A_2670 = arith.mulf %mul3A_2669, %dot_general3A_2664 : vector<116x128xf32>
    %select_n3A_2671 = arith.select %ge3A_2667, %dot_general3A_2664, %mul3A_2670 : vector<116x128xi1>, vector<116x128xf32>
    %reduce_sum3A_2672 = arith.constant dense<0.000000e+00> : vector<128xf32>
    %reduce_sum3A_2673 = vector.multi_reduction <add>, %select_n3A_2671, %reduce_sum3A_2672 [0] : vector<116x128xf32> to vector<128xf32>
    %div3A_2674 = arith.constant 1.160000e+02 : f32
    %div3A_2675 = vector.broadcast %div3A_2674 : f32 to vector<128xf32>
    %div3A_2676 = arith.divf %reduce_sum3A_2673, %div3A_2675 : vector<128xf32>
    %mul3A_2677 = arith.constant 16 : i32
    %mul3A_2678 = arith.muli %arg0, %mul3A_2677 : i32
    %add3A_2679 = arith.constant 0 : i32
    %add3A_2680 = arith.addi %mul3A_2678, %add3A_2679 : i32
    %swap3A_2681 = arith.constant 2 : index
    %swap3A_2682 = arith.index_cast %add3A_2680 : i32 to index
    %swap3A_2683 = arith.constant 0 : index
    %swap3A_2684 = vector.load %arg44[%swap3A_2681, %swap3A_2682, %swap3A_2683] : memref<3x256x128xf32, #tpu.memory_space<vmem>>, vector<1x1x128xf32>
    %swap3A_2685 = vector.shape_cast %swap3A_2684 : vector<1x1x128xf32> to vector<128xf32>
    %swap3A_2686 = vector.shape_cast %div3A_2676 : vector<128xf32> to vector<1x1x128xf32>
    tpu.vector_store %arg44[%swap3A_2681, %swap3A_2682, %swap3A_2683], %swap3A_2686 {strides = array<i32>} : memref<3x256x128xf32, #tpu.memory_space<vmem>>, vector<1x1x128xf32>,
    %convert_element_type3A_2687 = arith.truncf %dot_general3A_1706 : vector<116x116xf32> to vector<116x116xbf16>
    %dot_general3A_2688 = arith.constant dense<0.000000e+00> : vector<116x128xf32>
    %dot_general3A_2689 = tpu.matmul %convert_element_type3A_2687, %convert_element_type3A_2661, %dot_general3A_2688 {dimension_numbers = #tpu.dot_dimension_numbers<[1], [0], [0], [1], [0, 0, 1, 1], [], []>, transpose_lhs_hint = false} : vector<116x116xbf16>, vector<116x128xbf16>, vector<116x128xf32> -> vector<116x128xf32>
    %ge3A_2690 = arith.constant 0.000000e+00 : f32
    %ge3A_2691 = vector.broadcast %ge3A_2690 : f32 to vector<116x128xf32>
    %ge3A_2692 = arith.cmpf oge, %dot_general3A_2689, %ge3A_2691 : vector<116x128xf32>
    %mul3A_2693 = arith.constant 2.000000e-01 : f32
    %mul3A_2694 = vector.broadcast %mul3A_2693 : f32 to vector<116x128xf32>
    %mul3A_2695 = arith.mulf %mul3A_2694, %dot_general3A_2689 : vector<116x128xf32>
    %select_n3A_2696 = arith.select %ge3A_2692, %dot_general3A_2689, %mul3A_2695 : vector<116x128xi1>, vector<116x128xf32>
    %reduce_sum3A_2697 = arith.constant dense<0.000000e+00> : vector<128xf32>
    %reduce_sum3A_2698 = vector.multi_reduction <add>, %select_n3A_2696, %reduce_sum3A_2697 [0] : vector<116x128xf32> to vector<128xf32>
    %div3A_2699 = arith.constant 1.160000e+02 : f32
    %div3A_2700 = vector.broadcast %div3A_2699 : f32 to vector<128xf32>
    %div3A_2701 = arith.divf %reduce_sum3A_2698, %div3A_2700 : vector<128xf32>
    %mul3A_2702 = arith.constant 16 : i32
    %mul3A_2703 = arith.muli %arg0, %mul3A_2702 : i32
    %add3A_2704 = arith.constant 1 : i32
    %add3A_2705 = arith.addi %mul3A_2703, %add3A_2704 : i32
    %swap3A_2706 = arith.constant 2 : index
    %swap3A_2707 = arith.index_cast %add3A_2705 : i32 to index
    %swap3A_2708 = arith.constant 0 : index
    %swap3A_2709 = vector.load %arg44[%swap3A_2706, %swap3A_2707, %swap3A_2708] : memref<3x256x128xf32, #tpu.memory_space<vmem>>, vector<1x1x128xf32>
    %swap3A_2710 = vector.shape_cast %swap3A_2709 : vector<1x1x128xf32> to vector<128xf32>
    %swap3A_2711 = vector.shape_cast %div3A_2701 : vector<128xf32> to vector<1x1x128xf32>
    tpu.vector_store %arg44[%swap3A_2706, %swap3A_2707, %swap3A_2708], %swap3A_2711 {strides = array<i32>} : memref<3x256x128xf32, #tpu.memory_space<vmem>>, vector<1x1x128xf32>,
    %convert_element_type3A_2712 = arith.truncf %dot_general3A_1716 : vector<116x116xf32> to vector<116x116xbf16>
    %dot_general3A_2713 = arith.constant dense<0.000000e+00> : vector<116x128xf32>
    %dot_general3A_2714 = tpu.matmul %convert_element_type3A_2712, %convert_element_type3A_2661, %dot_general3A_2713 {dimension_numbers = #tpu.dot_dimension_numbers<[1], [0], [0], [1], [0, 0, 1, 1], [], []>, transpose_lhs_hint = false} : vector<116x116xbf16>, vector<116x128xbf16>, vector<116x128xf32> -> vector<116x128xf32>
    %ge3A_2715 = arith.constant 0.000000e+00 : f32
    %ge3A_2716 = vector.broadcast %ge3A_2715 : f32 to vector<116x128xf32>
    %ge3A_2717 = arith.cmpf oge, %dot_general3A_2714, %ge3A_2716 : vector<116x128xf32>
    %mul3A_2718 = arith.constant 2.000000e-01 : f32
    %mul3A_2719 = vector.broadcast %mul3A_2718 : f32 to vector<116x128xf32>
    %mul3A_2720 = arith.mulf %mul3A_2719, %dot_general3A_2714 : vector<116x128xf32>
    %select_n3A_2721 = arith.select %ge3A_2717, %dot_general3A_2714, %mul3A_2720 : vector<116x128xi1>, vector<116x128xf32>
    %reduce_sum3A_2722 = arith.constant dense<0.000000e+00> : vector<128xf32>
    %reduce_sum3A_2723 = vector.multi_reduction <add>, %select_n3A_2721, %reduce_sum3A_2722 [0] : vector<116x128xf32> to vector<128xf32>
    %div3A_2724 = arith.constant 1.160000e+02 : f32
    %div3A_2725 = vector.broadcast %div3A_2724 : f32 to vector<128xf32>
    %div3A_2726 = arith.divf %reduce_sum3A_2723, %div3A_2725 : vector<128xf32>
    %mul3A_2727 = arith.constant 16 : i32
    %mul3A_2728 = arith.muli %arg0, %mul3A_2727 : i32
    %add3A_2729 = arith.constant 2 : i32
    %add3A_2730 = arith.addi %mul3A_2728, %add3A_2729 : i32
    %swap3A_2731 = arith.constant 2 : index
    %swap3A_2732 = arith.index_cast %add3A_2730 : i32 to index
    %swap3A_2733 = arith.constant 0 : index
    %swap3A_2734 = vector.load %arg44[%swap3A_2731, %swap3A_2732, %swap3A_2733] : memref<3x256x128xf32, #tpu.memory_space<vmem>>, vector<1x1x128xf32>
    %swap3A_2735 = vector.shape_cast %swap3A_2734 : vector<1x1x128xf32> to vector<128xf32>
    %swap3A_2736 = vector.shape_cast %div3A_2726 : vector<128xf32> to vector<1x1x128xf32>
    tpu.vector_store %arg44[%swap3A_2731, %swap3A_2732, %swap3A_2733], %swap3A_2736 {strides = array<i32>} : memref<3x256x128xf32, #tpu.memory_space<vmem>>, vector<1x1x128xf32>,
    %convert_element_type3A_2737 = arith.truncf %dot_general3A_1726 : vector<116x116xf32> to vector<116x116xbf16>
    %dot_general3A_2738 = arith.constant dense<0.000000e+00> : vector<116x128xf32>
    %dot_general3A_2739 = tpu.matmul %convert_element_type3A_2737, %convert_element_type3A_2661, %dot_general3A_2738 {dimension_numbers = #tpu.dot_dimension_numbers<[1], [0], [0], [1], [0, 0, 1, 1], [], []>, transpose_lhs_hint = false} : vector<116x116xbf16>, vector<116x128xbf16>, vector<116x128xf32> -> vector<116x128xf32>
    %ge3A_2740 = arith.constant 0.000000e+00 : f32
    %ge3A_2741 = vector.broadcast %ge3A_2740 : f32 to vector<116x128xf32>
    %ge3A_2742 = arith.cmpf oge, %dot_general3A_2739, %ge3A_2741 : vector<116x128xf32>
    %mul3A_2743 = arith.constant 2.000000e-01 : f32
    %mul3A_2744 = vector.broadcast %mul3A_2743 : f32 to vector<116x128xf32>
    %mul3A_2745 = arith.mulf %mul3A_2744, %dot_general3A_2739 : vector<116x128xf32>
    %select_n3A_2746 = arith.select %ge3A_2742, %dot_general3A_2739, %mul3A_2745 : vector<116x128xi1>, vector<116x128xf32>
    %reduce_sum3A_2747 = arith.constant dense<0.000000e+00> : vector<128xf32>
    %reduce_sum3A_2748 = vector.multi_reduction <add>, %select_n3A_2746, %reduce_sum3A_2747 [0] : vector<116x128xf32> to vector<128xf32>
    %div3A_2749 = arith.constant 1.160000e+02 : f32
    %div3A_2750 = vector.broadcast %div3A_2749 : f32 to vector<128xf32>
    %div3A_2751 = arith.divf %reduce_sum3A_2748, %div3A_2750 : vector<128xf32>
    %mul3A_2752 = arith.constant 16 : i32
    %mul3A_2753 = arith.muli %arg0, %mul3A_2752 : i32
    %add3A_2754 = arith.constant 3 : i32
    %add3A_2755 = arith.addi %mul3A_2753, %add3A_2754 : i32
    %swap3A_2756 = arith.constant 2 : index
    %swap3A_2757 = arith.index_cast %add3A_2755 : i32 to index
    %swap3A_2758 = arith.constant 0 : index
    %swap3A_2759 = vector.load %arg44[%swap3A_2756, %swap3A_2757, %swap3A_2758] : memref<3x256x128xf32, #tpu.memory_space<vmem>>, vector<1x1x128xf32>
    %swap3A_2760 = vector.shape_cast %swap3A_2759 : vector<1x1x128xf32> to vector<128xf32>
    %swap3A_2761 = vector.shape_cast %div3A_2751 : vector<128xf32> to vector<1x1x128xf32>
    tpu.vector_store %arg44[%swap3A_2756, %swap3A_2757, %swap3A_2758], %swap3A_2761 {strides = array<i32>} : memref<3x256x128xf32, #tpu.memory_space<vmem>>, vector<1x1x128xf32>,
    %convert_element_type3A_2762 = arith.truncf %dot_general3A_1736 : vector<116x116xf32> to vector<116x116xbf16>
    %dot_general3A_2763 = arith.constant dense<0.000000e+00> : vector<116x128xf32>
    %dot_general3A_2764 = tpu.matmul %convert_element_type3A_2762, %convert_element_type3A_2661, %dot_general3A_2763 {dimension_numbers = #tpu.dot_dimension_numbers<[1], [0], [0], [1], [0, 0, 1, 1], [], []>, transpose_lhs_hint = false} : vector<116x116xbf16>, vector<116x128xbf16>, vector<116x128xf32> -> vector<116x128xf32>
    %ge3A_2765 = arith.constant 0.000000e+00 : f32
    %ge3A_2766 = vector.broadcast %ge3A_2765 : f32 to vector<116x128xf32>
    %ge3A_2767 = arith.cmpf oge, %dot_general3A_2764, %ge3A_2766 : vector<116x128xf32>
    %mul3A_2768 = arith.constant 2.000000e-01 : f32
    %mul3A_2769 = vector.broadcast %mul3A_2768 : f32 to vector<116x128xf32>
    %mul3A_2770 = arith.mulf %mul3A_2769, %dot_general3A_2764 : vector<116x128xf32>
    %select_n3A_2771 = arith.select %ge3A_2767, %dot_general3A_2764, %mul3A_2770 : vector<116x128xi1>, vector<116x128xf32>
    %reduce_sum3A_2772 = arith.constant dense<0.000000e+00> : vector<128xf32>
    %reduce_sum3A_2773 = vector.multi_reduction <add>, %select_n3A_2771, %reduce_sum3A_2772 [0] : vector<116x128xf32> to vector<128xf32>
    %div3A_2774 = arith.constant 1.160000e+02 : f32
    %div3A_2775 = vector.broadcast %div3A_2774 : f32 to vector<128xf32>
    %div3A_2776 = arith.divf %reduce_sum3A_2773, %div3A_2775 : vector<128xf32>
    %mul3A_2777 = arith.constant 16 : i32
    %mul3A_2778 = arith.muli %arg0, %mul3A_2777 : i32
    %add3A_2779 = arith.constant 4 : i32
    %add3A_2780 = arith.addi %mul3A_2778, %add3A_2779 : i32
    %swap3A_2781 = arith.constant 2 : index
    %swap3A_2782 = arith.index_cast %add3A_2780 : i32 to index
    %swap3A_2783 = arith.constant 0 : index
    %swap3A_2784 = vector.load %arg44[%swap3A_2781, %swap3A_2782, %swap3A_2783] : memref<3x256x128xf32, #tpu.memory_space<vmem>>, vector<1x1x128xf32>
    %swap3A_2785 = vector.shape_cast %swap3A_2784 : vector<1x1x128xf32> to vector<128xf32>
    %swap3A_2786 = vector.shape_cast %div3A_2776 : vector<128xf32> to vector<1x1x128xf32>
    tpu.vector_store %arg44[%swap3A_2781, %swap3A_2782, %swap3A_2783], %swap3A_2786 {strides = array<i32>} : memref<3x256x128xf32, #tpu.memory_space<vmem>>, vector<1x1x128xf32>,
    %convert_element_type3A_2787 = arith.truncf %dot_general3A_1746 : vector<116x116xf32> to vector<116x116xbf16>
    %dot_general3A_2788 = arith.constant dense<0.000000e+00> : vector<116x128xf32>
    %dot_general3A_2789 = tpu.matmul %convert_element_type3A_2787, %convert_element_type3A_2661, %dot_general3A_2788 {dimension_numbers = #tpu.dot_dimension_numbers<[1], [0], [0], [1], [0, 0, 1, 1], [], []>, transpose_lhs_hint = false} : vector<116x116xbf16>, vector<116x128xbf16>, vector<116x128xf32> -> vector<116x128xf32>
    %ge3A_2790 = arith.constant 0.000000e+00 : f32
    %ge3A_2791 = vector.broadcast %ge3A_2790 : f32 to vector<116x128xf32>
    %ge3A_2792 = arith.cmpf oge, %dot_general3A_2789, %ge3A_2791 : vector<116x128xf32>
    %mul3A_2793 = arith.constant 2.000000e-01 : f32
    %mul3A_2794 = vector.broadcast %mul3A_2793 : f32 to vector<116x128xf32>
    %mul3A_2795 = arith.mulf %mul3A_2794, %dot_general3A_2789 : vector<116x128xf32>
    %select_n3A_2796 = arith.select %ge3A_2792, %dot_general3A_2789, %mul3A_2795 : vector<116x128xi1>, vector<116x128xf32>
    %reduce_sum3A_2797 = arith.constant dense<0.000000e+00> : vector<128xf32>
    %reduce_sum3A_2798 = vector.multi_reduction <add>, %select_n3A_2796, %reduce_sum3A_2797 [0] : vector<116x128xf32> to vector<128xf32>
    %div3A_2799 = arith.constant 1.160000e+02 : f32
    %div3A_2800 = vector.broadcast %div3A_2799 : f32 to vector<128xf32>
    %div3A_2801 = arith.divf %reduce_sum3A_2798, %div3A_2800 : vector<128xf32>
    %mul3A_2802 = arith.constant 16 : i32
    %mul3A_2803 = arith.muli %arg0, %mul3A_2802 : i32
    %add3A_2804 = arith.constant 5 : i32
    %add3A_2805 = arith.addi %mul3A_2803, %add3A_2804 : i32
    %swap3A_2806 = arith.constant 2 : index
    %swap3A_2807 = arith.index_cast %add3A_2805 : i32 to index
    %swap3A_2808 = arith.constant 0 : index
    %swap3A_2809 = vector.load %arg44[%swap3A_2806, %swap3A_2807, %swap3A_2808] : memref<3x256x128xf32, #tpu.memory_space<vmem>>, vector<1x1x128xf32>
    %swap3A_2810 = vector.shape_cast %swap3A_2809 : vector<1x1x128xf32> to vector<128xf32>
    %swap3A_2811 = vector.shape_cast %div3A_2801 : vector<128xf32> to vector<1x1x128xf32>
    tpu.vector_store %arg44[%swap3A_2806, %swap3A_2807, %swap3A_2808], %swap3A_2811 {strides = array<i32>} : memref<3x256x128xf32, #tpu.memory_space<vmem>>, vector<1x1x128xf32>,
    %convert_element_type3A_2812 = arith.truncf %dot_general3A_1756 : vector<116x116xf32> to vector<116x116xbf16>
    %dot_general3A_2813 = arith.constant dense<0.000000e+00> : vector<116x128xf32>
    %dot_general3A_2814 = tpu.matmul %convert_element_type3A_2812, %convert_element_type3A_2661, %dot_general3A_2813 {dimension_numbers = #tpu.dot_dimension_numbers<[1], [0], [0], [1], [0, 0, 1, 1], [], []>, transpose_lhs_hint = false} : vector<116x116xbf16>, vector<116x128xbf16>, vector<116x128xf32> -> vector<116x128xf32>
    %ge3A_2815 = arith.constant 0.000000e+00 : f32
    %ge3A_2816 = vector.broadcast %ge3A_2815 : f32 to vector<116x128xf32>
    %ge3A_2817 = arith.cmpf oge, %dot_general3A_2814, %ge3A_2816 : vector<116x128xf32>
    %mul3A_2818 = arith.constant 2.000000e-01 : f32
    %mul3A_2819 = vector.broadcast %mul3A_2818 : f32 to vector<116x128xf32>
    %mul3A_2820 = arith.mulf %mul3A_2819, %dot_general3A_2814 : vector<116x128xf32>
    %select_n3A_2821 = arith.select %ge3A_2817, %dot_general3A_2814, %mul3A_2820 : vector<116x128xi1>, vector<116x128xf32>
    %reduce_sum3A_2822 = arith.constant dense<0.000000e+00> : vector<128xf32>
    %reduce_sum3A_2823 = vector.multi_reduction <add>, %select_n3A_2821, %reduce_sum3A_2822 [0] : vector<116x128xf32> to vector<128xf32>
    %div3A_2824 = arith.constant 1.160000e+02 : f32
    %div3A_2825 = vector.broadcast %div3A_2824 : f32 to vector<128xf32>
    %div3A_2826 = arith.divf %reduce_sum3A_2823, %div3A_2825 : vector<128xf32>
    %mul3A_2827 = arith.constant 16 : i32
    %mul3A_2828 = arith.muli %arg0, %mul3A_2827 : i32
    %add3A_2829 = arith.constant 6 : i32
    %add3A_2830 = arith.addi %mul3A_2828, %add3A_2829 : i32
    %swap3A_2831 = arith.constant 2 : index
    %swap3A_2832 = arith.index_cast %add3A_2830 : i32 to index
    %swap3A_2833 = arith.constant 0 : index
    %swap3A_2834 = vector.load %arg44[%swap3A_2831, %swap3A_2832, %swap3A_2833] : memref<3x256x128xf32, #tpu.memory_space<vmem>>, vector<1x1x128xf32>
    %swap3A_2835 = vector.shape_cast %swap3A_2834 : vector<1x1x128xf32> to vector<128xf32>
    %swap3A_2836 = vector.shape_cast %div3A_2826 : vector<128xf32> to vector<1x1x128xf32>
    tpu.vector_store %arg44[%swap3A_2831, %swap3A_2832, %swap3A_2833], %swap3A_2836 {strides = array<i32>} : memref<3x256x128xf32, #tpu.memory_space<vmem>>, vector<1x1x128xf32>,
    %convert_element_type3A_2837 = arith.truncf %dot_general3A_1766 : vector<116x116xf32> to vector<116x116xbf16>
    %dot_general3A_2838 = arith.constant dense<0.000000e+00> : vector<116x128xf32>
    %dot_general3A_2839 = tpu.matmul %convert_element_type3A_2837, %convert_element_type3A_2661, %dot_general3A_2838 {dimension_numbers = #tpu.dot_dimension_numbers<[1], [0], [0], [1], [0, 0, 1, 1], [], []>, transpose_lhs_hint = false} : vector<116x116xbf16>, vector<116x128xbf16>, vector<116x128xf32> -> vector<116x128xf32>
    %ge3A_2840 = arith.constant 0.000000e+00 : f32
    %ge3A_2841 = vector.broadcast %ge3A_2840 : f32 to vector<116x128xf32>
    %ge3A_2842 = arith.cmpf oge, %dot_general3A_2839, %ge3A_2841 : vector<116x128xf32>
    %mul3A_2843 = arith.constant 2.000000e-01 : f32
    %mul3A_2844 = vector.broadcast %mul3A_2843 : f32 to vector<116x128xf32>
    %mul3A_2845 = arith.mulf %mul3A_2844, %dot_general3A_2839 : vector<116x128xf32>
    %select_n3A_2846 = arith.select %ge3A_2842, %dot_general3A_2839, %mul3A_2845 : vector<116x128xi1>, vector<116x128xf32>
    %reduce_sum3A_2847 = arith.constant dense<0.000000e+00> : vector<128xf32>
    %reduce_sum3A_2848 = vector.multi_reduction <add>, %select_n3A_2846, %reduce_sum3A_2847 [0] : vector<116x128xf32> to vector<128xf32>
    %div3A_2849 = arith.constant 1.160000e+02 : f32
    %div3A_2850 = vector.broadcast %div3A_2849 : f32 to vector<128xf32>
    %div3A_2851 = arith.divf %reduce_sum3A_2848, %div3A_2850 : vector<128xf32>
    %mul3A_2852 = arith.constant 16 : i32
    %mul3A_2853 = arith.muli %arg0, %mul3A_2852 : i32
    %add3A_2854 = arith.constant 7 : i32
    %add3A_2855 = arith.addi %mul3A_2853, %add3A_2854 : i32
    %swap3A_2856 = arith.constant 2 : index
    %swap3A_2857 = arith.index_cast %add3A_2855 : i32 to index
    %swap3A_2858 = arith.constant 0 : index
    %swap3A_2859 = vector.load %arg44[%swap3A_2856, %swap3A_2857, %swap3A_2858] : memref<3x256x128xf32, #tpu.memory_space<vmem>>, vector<1x1x128xf32>
    %swap3A_2860 = vector.shape_cast %swap3A_2859 : vector<1x1x128xf32> to vector<128xf32>
    %swap3A_2861 = vector.shape_cast %div3A_2851 : vector<128xf32> to vector<1x1x128xf32>
    tpu.vector_store %arg44[%swap3A_2856, %swap3A_2857, %swap3A_2858], %swap3A_2861 {strides = array<i32>} : memref<3x256x128xf32, #tpu.memory_space<vmem>>, vector<1x1x128xf32>,
    %convert_element_type3A_2862 = arith.truncf %dot_general3A_1776 : vector<116x116xf32> to vector<116x116xbf16>
    %dot_general3A_2863 = arith.constant dense<0.000000e+00> : vector<116x128xf32>
    %dot_general3A_2864 = tpu.matmul %convert_element_type3A_2862, %convert_element_type3A_2661, %dot_general3A_2863 {dimension_numbers = #tpu.dot_dimension_numbers<[1], [0], [0], [1], [0, 0, 1, 1], [], []>, transpose_lhs_hint = false} : vector<116x116xbf16>, vector<116x128xbf16>, vector<116x128xf32> -> vector<116x128xf32>
    %ge3A_2865 = arith.constant 0.000000e+00 : f32
    %ge3A_2866 = vector.broadcast %ge3A_2865 : f32 to vector<116x128xf32>
    %ge3A_2867 = arith.cmpf oge, %dot_general3A_2864, %ge3A_2866 : vector<116x128xf32>
    %mul3A_2868 = arith.constant 2.000000e-01 : f32
    %mul3A_2869 = vector.broadcast %mul3A_2868 : f32 to vector<116x128xf32>
    %mul3A_2870 = arith.mulf %mul3A_2869, %dot_general3A_2864 : vector<116x128xf32>
    %select_n3A_2871 = arith.select %ge3A_2867, %dot_general3A_2864, %mul3A_2870 : vector<116x128xi1>, vector<116x128xf32>
    %reduce_sum3A_2872 = arith.constant dense<0.000000e+00> : vector<128xf32>
    %reduce_sum3A_2873 = vector.multi_reduction <add>, %select_n3A_2871, %reduce_sum3A_2872 [0] : vector<116x128xf32> to vector<128xf32>
    %div3A_2874 = arith.constant 1.160000e+02 : f32
    %div3A_2875 = vector.broadcast %div3A_2874 : f32 to vector<128xf32>
    %div3A_2876 = arith.divf %reduce_sum3A_2873, %div3A_2875 : vector<128xf32>
    %mul3A_2877 = arith.constant 16 : i32
    %mul3A_2878 = arith.muli %arg0, %mul3A_2877 : i32
    %add3A_2879 = arith.constant 8 : i32
    %add3A_2880 = arith.addi %mul3A_2878, %add3A_2879 : i32
    %swap3A_2881 = arith.constant 2 : index
    %swap3A_2882 = arith.index_cast %add3A_2880 : i32 to index
    %swap3A_2883 = arith.constant 0 : index
    %swap3A_2884 = vector.load %arg44[%swap3A_2881, %swap3A_2882, %swap3A_2883] : memref<3x256x128xf32, #tpu.memory_space<vmem>>, vector<1x1x128xf32>
    %swap3A_2885 = vector.shape_cast %swap3A_2884 : vector<1x1x128xf32> to vector<128xf32>
    %swap3A_2886 = vector.shape_cast %div3A_2876 : vector<128xf32> to vector<1x1x128xf32>
    tpu.vector_store %arg44[%swap3A_2881, %swap3A_2882, %swap3A_2883], %swap3A_2886 {strides = array<i32>} : memref<3x256x128xf32, #tpu.memory_space<vmem>>, vector<1x1x128xf32>,
    %convert_element_type3A_2887 = arith.truncf %dot_general3A_1786 : vector<116x116xf32> to vector<116x116xbf16>
    %dot_general3A_2888 = arith.constant dense<0.000000e+00> : vector<116x128xf32>
    %dot_general3A_2889 = tpu.matmul %convert_element_type3A_2887, %convert_element_type3A_2661, %dot_general3A_2888 {dimension_numbers = #tpu.dot_dimension_numbers<[1], [0], [0], [1], [0, 0, 1, 1], [], []>, transpose_lhs_hint = false} : vector<116x116xbf16>, vector<116x128xbf16>, vector<116x128xf32> -> vector<116x128xf32>
    %ge3A_2890 = arith.constant 0.000000e+00 : f32
    %ge3A_2891 = vector.broadcast %ge3A_2890 : f32 to vector<116x128xf32>
    %ge3A_2892 = arith.cmpf oge, %dot_general3A_2889, %ge3A_2891 : vector<116x128xf32>
    %mul3A_2893 = arith.constant 2.000000e-01 : f32
    %mul3A_2894 = vector.broadcast %mul3A_2893 : f32 to vector<116x128xf32>
    %mul3A_2895 = arith.mulf %mul3A_2894, %dot_general3A_2889 : vector<116x128xf32>
    %select_n3A_2896 = arith.select %ge3A_2892, %dot_general3A_2889, %mul3A_2895 : vector<116x128xi1>, vector<116x128xf32>
    %reduce_sum3A_2897 = arith.constant dense<0.000000e+00> : vector<128xf32>
    %reduce_sum3A_2898 = vector.multi_reduction <add>, %select_n3A_2896, %reduce_sum3A_2897 [0] : vector<116x128xf32> to vector<128xf32>
    %div3A_2899 = arith.constant 1.160000e+02 : f32
    %div3A_2900 = vector.broadcast %div3A_2899 : f32 to vector<128xf32>
    %div3A_2901 = arith.divf %reduce_sum3A_2898, %div3A_2900 : vector<128xf32>
    %mul3A_2902 = arith.constant 16 : i32
    %mul3A_2903 = arith.muli %arg0, %mul3A_2902 : i32
    %add3A_2904 = arith.constant 9 : i32
    %add3A_2905 = arith.addi %mul3A_2903, %add3A_2904 : i32
    %swap3A_2906 = arith.constant 2 : index
    %swap3A_2907 = arith.index_cast %add3A_2905 : i32 to index
    %swap3A_2908 = arith.constant 0 : index
    %swap3A_2909 = vector.load %arg44[%swap3A_2906, %swap3A_2907, %swap3A_2908] : memref<3x256x128xf32, #tpu.memory_space<vmem>>, vector<1x1x128xf32>
    %swap3A_2910 = vector.shape_cast %swap3A_2909 : vector<1x1x128xf32> to vector<128xf32>
    %swap3A_2911 = vector.shape_cast %div3A_2901 : vector<128xf32> to vector<1x1x128xf32>
    tpu.vector_store %arg44[%swap3A_2906, %swap3A_2907, %swap3A_2908], %swap3A_2911 {strides = array<i32>} : memref<3x256x128xf32, #tpu.memory_space<vmem>>, vector<1x1x128xf32>,
    %convert_element_type3A_2912 = arith.truncf %dot_general3A_1796 : vector<116x116xf32> to vector<116x116xbf16>
    %dot_general3A_2913 = arith.constant dense<0.000000e+00> : vector<116x128xf32>
    %dot_general3A_2914 = tpu.matmul %convert_element_type3A_2912, %convert_element_type3A_2661, %dot_general3A_2913 {dimension_numbers = #tpu.dot_dimension_numbers<[1], [0], [0], [1], [0, 0, 1, 1], [], []>, transpose_lhs_hint = false} : vector<116x116xbf16>, vector<116x128xbf16>, vector<116x128xf32> -> vector<116x128xf32>
    %ge3A_2915 = arith.constant 0.000000e+00 : f32
    %ge3A_2916 = vector.broadcast %ge3A_2915 : f32 to vector<116x128xf32>
    %ge3A_2917 = arith.cmpf oge, %dot_general3A_2914, %ge3A_2916 : vector<116x128xf32>
    %mul3A_2918 = arith.constant 2.000000e-01 : f32
    %mul3A_2919 = vector.broadcast %mul3A_2918 : f32 to vector<116x128xf32>
    %mul3A_2920 = arith.mulf %mul3A_2919, %dot_general3A_2914 : vector<116x128xf32>
    %select_n3A_2921 = arith.select %ge3A_2917, %dot_general3A_2914, %mul3A_2920 : vector<116x128xi1>, vector<116x128xf32>
    %reduce_sum3A_2922 = arith.constant dense<0.000000e+00> : vector<128xf32>
    %reduce_sum3A_2923 = vector.multi_reduction <add>, %select_n3A_2921, %reduce_sum3A_2922 [0] : vector<116x128xf32> to vector<128xf32>
    %div3A_2924 = arith.constant 1.160000e+02 : f32
    %div3A_2925 = vector.broadcast %div3A_2924 : f32 to vector<128xf32>
    %div3A_2926 = arith.divf %reduce_sum3A_2923, %div3A_2925 : vector<128xf32>
    %mul3A_2927 = arith.constant 16 : i32
    %mul3A_2928 = arith.muli %arg0, %mul3A_2927 : i32
    %add3A_2929 = arith.constant 10 : i32
    %add3A_2930 = arith.addi %mul3A_2928, %add3A_2929 : i32
    %swap3A_2931 = arith.constant 2 : index
    %swap3A_2932 = arith.index_cast %add3A_2930 : i32 to index
    %swap3A_2933 = arith.constant 0 : index
    %swap3A_2934 = vector.load %arg44[%swap3A_2931, %swap3A_2932, %swap3A_2933] : memref<3x256x128xf32, #tpu.memory_space<vmem>>, vector<1x1x128xf32>
    %swap3A_2935 = vector.shape_cast %swap3A_2934 : vector<1x1x128xf32> to vector<128xf32>
    %swap3A_2936 = vector.shape_cast %div3A_2926 : vector<128xf32> to vector<1x1x128xf32>
    tpu.vector_store %arg44[%swap3A_2931, %swap3A_2932, %swap3A_2933], %swap3A_2936 {strides = array<i32>} : memref<3x256x128xf32, #tpu.memory_space<vmem>>, vector<1x1x128xf32>,
    %convert_element_type3A_2937 = arith.truncf %dot_general3A_1806 : vector<116x116xf32> to vector<116x116xbf16>
    %dot_general3A_2938 = arith.constant dense<0.000000e+00> : vector<116x128xf32>
    %dot_general3A_2939 = tpu.matmul %convert_element_type3A_2937, %convert_element_type3A_2661, %dot_general3A_2938 {dimension_numbers = #tpu.dot_dimension_numbers<[1], [0], [0], [1], [0, 0, 1, 1], [], []>, transpose_lhs_hint = false} : vector<116x116xbf16>, vector<116x128xbf16>, vector<116x128xf32> -> vector<116x128xf32>
    %ge3A_2940 = arith.constant 0.000000e+00 : f32
    %ge3A_2941 = vector.broadcast %ge3A_2940 : f32 to vector<116x128xf32>
    %ge3A_2942 = arith.cmpf oge, %dot_general3A_2939, %ge3A_2941 : vector<116x128xf32>
    %mul3A_2943 = arith.constant 2.000000e-01 : f32
    %mul3A_2944 = vector.broadcast %mul3A_2943 : f32 to vector<116x128xf32>
    %mul3A_2945 = arith.mulf %mul3A_2944, %dot_general3A_2939 : vector<116x128xf32>
    %select_n3A_2946 = arith.select %ge3A_2942, %dot_general3A_2939, %mul3A_2945 : vector<116x128xi1>, vector<116x128xf32>
    %reduce_sum3A_2947 = arith.constant dense<0.000000e+00> : vector<128xf32>
    %reduce_sum3A_2948 = vector.multi_reduction <add>, %select_n3A_2946, %reduce_sum3A_2947 [0] : vector<116x128xf32> to vector<128xf32>
    %div3A_2949 = arith.constant 1.160000e+02 : f32
    %div3A_2950 = vector.broadcast %div3A_2949 : f32 to vector<128xf32>
    %div3A_2951 = arith.divf %reduce_sum3A_2948, %div3A_2950 : vector<128xf32>
    %mul3A_2952 = arith.constant 16 : i32
    %mul3A_2953 = arith.muli %arg0, %mul3A_2952 : i32
    %add3A_2954 = arith.constant 11 : i32
    %add3A_2955 = arith.addi %mul3A_2953, %add3A_2954 : i32
    %swap3A_2956 = arith.constant 2 : index
    %swap3A_2957 = arith.index_cast %add3A_2955 : i32 to index
    %swap3A_2958 = arith.constant 0 : index
    %swap3A_2959 = vector.load %arg44[%swap3A_2956, %swap3A_2957, %swap3A_2958] : memref<3x256x128xf32, #tpu.memory_space<vmem>>, vector<1x1x128xf32>
    %swap3A_2960 = vector.shape_cast %swap3A_2959 : vector<1x1x128xf32> to vector<128xf32>
    %swap3A_2961 = vector.shape_cast %div3A_2951 : vector<128xf32> to vector<1x1x128xf32>
    tpu.vector_store %arg44[%swap3A_2956, %swap3A_2957, %swap3A_2958], %swap3A_2961 {strides = array<i32>} : memref<3x256x128xf32, #tpu.memory_space<vmem>>, vector<1x1x128xf32>,
    %convert_element_type3A_2962 = arith.truncf %dot_general3A_1816 : vector<116x116xf32> to vector<116x116xbf16>
    %dot_general3A_2963 = arith.constant dense<0.000000e+00> : vector<116x128xf32>
    %dot_general3A_2964 = tpu.matmul %convert_element_type3A_2962, %convert_element_type3A_2661, %dot_general3A_2963 {dimension_numbers = #tpu.dot_dimension_numbers<[1], [0], [0], [1], [0, 0, 1, 1], [], []>, transpose_lhs_hint = false} : vector<116x116xbf16>, vector<116x128xbf16>, vector<116x128xf32> -> vector<116x128xf32>
    %ge3A_2965 = arith.constant 0.000000e+00 : f32
    %ge3A_2966 = vector.broadcast %ge3A_2965 : f32 to vector<116x128xf32>
    %ge3A_2967 = arith.cmpf oge, %dot_general3A_2964, %ge3A_2966 : vector<116x128xf32>
    %mul3A_2968 = arith.constant 2.000000e-01 : f32
    %mul3A_2969 = vector.broadcast %mul3A_2968 : f32 to vector<116x128xf32>
    %mul3A_2970 = arith.mulf %mul3A_2969, %dot_general3A_2964 : vector<116x128xf32>
    %select_n3A_2971 = arith.select %ge3A_2967, %dot_general3A_2964, %mul3A_2970 : vector<116x128xi1>, vector<116x128xf32>
    %reduce_sum3A_2972 = arith.constant dense<0.000000e+00> : vector<128xf32>
    %reduce_sum3A_2973 = vector.multi_reduction <add>, %select_n3A_2971, %reduce_sum3A_2972 [0] : vector<116x128xf32> to vector<128xf32>
    %div3A_2974 = arith.constant 1.160000e+02 : f32
    %div3A_2975 = vector.broadcast %div3A_2974 : f32 to vector<128xf32>
    %div3A_2976 = arith.divf %reduce_sum3A_2973, %div3A_2975 : vector<128xf32>
    %mul3A_2977 = arith.constant 16 : i32
    %mul3A_2978 = arith.muli %arg0, %mul3A_2977 : i32
    %add3A_2979 = arith.constant 12 : i32
    %add3A_2980 = arith.addi %mul3A_2978, %add3A_2979 : i32
    %swap3A_2981 = arith.constant 2 : index
    %swap3A_2982 = arith.index_cast %add3A_2980 : i32 to index
    %swap3A_2983 = arith.constant 0 : index
    %swap3A_2984 = vector.load %arg44[%swap3A_2981, %swap3A_2982, %swap3A_2983] : memref<3x256x128xf32, #tpu.memory_space<vmem>>, vector<1x1x128xf32>
    %swap3A_2985 = vector.shape_cast %swap3A_2984 : vector<1x1x128xf32> to vector<128xf32>
    %swap3A_2986 = vector.shape_cast %div3A_2976 : vector<128xf32> to vector<1x1x128xf32>
    tpu.vector_store %arg44[%swap3A_2981, %swap3A_2982, %swap3A_2983], %swap3A_2986 {strides = array<i32>} : memref<3x256x128xf32, #tpu.memory_space<vmem>>, vector<1x1x128xf32>,
    %convert_element_type3A_2987 = arith.truncf %dot_general3A_1826 : vector<116x116xf32> to vector<116x116xbf16>
    %dot_general3A_2988 = arith.constant dense<0.000000e+00> : vector<116x128xf32>
    %dot_general3A_2989 = tpu.matmul %convert_element_type3A_2987, %convert_element_type3A_2661, %dot_general3A_2988 {dimension_numbers = #tpu.dot_dimension_numbers<[1], [0], [0], [1], [0, 0, 1, 1], [], []>, transpose_lhs_hint = false} : vector<116x116xbf16>, vector<116x128xbf16>, vector<116x128xf32> -> vector<116x128xf32>
    %ge3A_2990 = arith.constant 0.000000e+00 : f32
    %ge3A_2991 = vector.broadcast %ge3A_2990 : f32 to vector<116x128xf32>
    %ge3A_2992 = arith.cmpf oge, %dot_general3A_2989, %ge3A_2991 : vector<116x128xf32>
    %mul3A_2993 = arith.constant 2.000000e-01 : f32
    %mul3A_2994 = vector.broadcast %mul3A_2993 : f32 to vector<116x128xf32>
    %mul3A_2995 = arith.mulf %mul3A_2994, %dot_general3A_2989 : vector<116x128xf32>
    %select_n3A_2996 = arith.select %ge3A_2992, %dot_general3A_2989, %mul3A_2995 : vector<116x128xi1>, vector<116x128xf32>
    %reduce_sum3A_2997 = arith.constant dense<0.000000e+00> : vector<128xf32>
    %reduce_sum3A_2998 = vector.multi_reduction <add>, %select_n3A_2996, %reduce_sum3A_2997 [0] : vector<116x128xf32> to vector<128xf32>
    %div3A_2999 = arith.constant 1.160000e+02 : f32
    %div3A_3000 = vector.broadcast %div3A_2999 : f32 to vector<128xf32>
    %div3A_3001 = arith.divf %reduce_sum3A_2998, %div3A_3000 : vector<128xf32>
    %mul3A_3002 = arith.constant 16 : i32
    %mul3A_3003 = arith.muli %arg0, %mul3A_3002 : i32
    %add3A_3004 = arith.constant 13 : i32
    %add3A_3005 = arith.addi %mul3A_3003, %add3A_3004 : i32
    %swap3A_3006 = arith.constant 2 : index
    %swap3A_3007 = arith.index_cast %add3A_3005 : i32 to index
    %swap3A_3008 = arith.constant 0 : index
    %swap3A_3009 = vector.load %arg44[%swap3A_3006, %swap3A_3007, %swap3A_3008] : memref<3x256x128xf32, #tpu.memory_space<vmem>>, vector<1x1x128xf32>
    %swap3A_3010 = vector.shape_cast %swap3A_3009 : vector<1x1x128xf32> to vector<128xf32>
    %swap3A_3011 = vector.shape_cast %div3A_3001 : vector<128xf32> to vector<1x1x128xf32>
    tpu.vector_store %arg44[%swap3A_3006, %swap3A_3007, %swap3A_3008], %swap3A_3011 {strides = array<i32>} : memref<3x256x128xf32, #tpu.memory_space<vmem>>, vector<1x1x128xf32>,
    %convert_element_type3A_3012 = arith.truncf %dot_general3A_1836 : vector<116x116xf32> to vector<116x116xbf16>
    %dot_general3A_3013 = arith.constant dense<0.000000e+00> : vector<116x128xf32>
    %dot_general3A_3014 = tpu.matmul %convert_element_type3A_3012, %convert_element_type3A_2661, %dot_general3A_3013 {dimension_numbers = #tpu.dot_dimension_numbers<[1], [0], [0], [1], [0, 0, 1, 1], [], []>, transpose_lhs_hint = false} : vector<116x116xbf16>, vector<116x128xbf16>, vector<116x128xf32> -> vector<116x128xf32>
    %ge3A_3015 = arith.constant 0.000000e+00 : f32
    %ge3A_3016 = vector.broadcast %ge3A_3015 : f32 to vector<116x128xf32>
    %ge3A_3017 = arith.cmpf oge, %dot_general3A_3014, %ge3A_3016 : vector<116x128xf32>
    %mul3A_3018 = arith.constant 2.000000e-01 : f32
    %mul3A_3019 = vector.broadcast %mul3A_3018 : f32 to vector<116x128xf32>
    %mul3A_3020 = arith.mulf %mul3A_3019, %dot_general3A_3014 : vector<116x128xf32>
    %select_n3A_3021 = arith.select %ge3A_3017, %dot_general3A_3014, %mul3A_3020 : vector<116x128xi1>, vector<116x128xf32>
    %reduce_sum3A_3022 = arith.constant dense<0.000000e+00> : vector<128xf32>
    %reduce_sum3A_3023 = vector.multi_reduction <add>, %select_n3A_3021, %reduce_sum3A_3022 [0] : vector<116x128xf32> to vector<128xf32>
    %div3A_3024 = arith.constant 1.160000e+02 : f32
    %div3A_3025 = vector.broadcast %div3A_3024 : f32 to vector<128xf32>
    %div3A_3026 = arith.divf %reduce_sum3A_3023, %div3A_3025 : vector<128xf32>
    %mul3A_3027 = arith.constant 16 : i32
    %mul3A_3028 = arith.muli %arg0, %mul3A_3027 : i32
    %add3A_3029 = arith.constant 14 : i32
    %add3A_3030 = arith.addi %mul3A_3028, %add3A_3029 : i32
    %swap3A_3031 = arith.constant 2 : index
    %swap3A_3032 = arith.index_cast %add3A_3030 : i32 to index
    %swap3A_3033 = arith.constant 0 : index
    %swap3A_3034 = vector.load %arg44[%swap3A_3031, %swap3A_3032, %swap3A_3033] : memref<3x256x128xf32, #tpu.memory_space<vmem>>, vector<1x1x128xf32>
    %swap3A_3035 = vector.shape_cast %swap3A_3034 : vector<1x1x128xf32> to vector<128xf32>
    %swap3A_3036 = vector.shape_cast %div3A_3026 : vector<128xf32> to vector<1x1x128xf32>
    tpu.vector_store %arg44[%swap3A_3031, %swap3A_3032, %swap3A_3033], %swap3A_3036 {strides = array<i32>} : memref<3x256x128xf32, #tpu.memory_space<vmem>>, vector<1x1x128xf32>,
    %convert_element_type3A_3037 = arith.truncf %dot_general3A_1846 : vector<116x116xf32> to vector<116x116xbf16>
    %dot_general3A_3038 = arith.constant dense<0.000000e+00> : vector<116x128xf32>
    %dot_general3A_3039 = tpu.matmul %convert_element_type3A_3037, %convert_element_type3A_2661, %dot_general3A_3038 {dimension_numbers = #tpu.dot_dimension_numbers<[1], [0], [0], [1], [0, 0, 1, 1], [], []>, transpose_lhs_hint = false} : vector<116x116xbf16>, vector<116x128xbf16>, vector<116x128xf32> -> vector<116x128xf32>
    %ge3A_3040 = arith.constant 0.000000e+00 : f32
    %ge3A_3041 = vector.broadcast %ge3A_3040 : f32 to vector<116x128xf32>
    %ge3A_3042 = arith.cmpf oge, %dot_general3A_3039, %ge3A_3041 : vector<116x128xf32>
    %mul3A_3043 = arith.constant 2.000000e-01 : f32
    %mul3A_3044 = vector.broadcast %mul3A_3043 : f32 to vector<116x128xf32>
    %mul3A_3045 = arith.mulf %mul3A_3044, %dot_general3A_3039 : vector<116x128xf32>
    %select_n3A_3046 = arith.select %ge3A_3042, %dot_general3A_3039, %mul3A_3045 : vector<116x128xi1>, vector<116x128xf32>
    %reduce_sum3A_3047 = arith.constant dense<0.000000e+00> : vector<128xf32>
    %reduce_sum3A_3048 = vector.multi_reduction <add>, %select_n3A_3046, %reduce_sum3A_3047 [0] : vector<116x128xf32> to vector<128xf32>
    %div3A_3049 = arith.constant 1.160000e+02 : f32
    %div3A_3050 = vector.broadcast %div3A_3049 : f32 to vector<128xf32>
    %div3A_3051 = arith.divf %reduce_sum3A_3048, %div3A_3050 : vector<128xf32>
    %mul3A_3052 = arith.constant 16 : i32
    %mul3A_3053 = arith.muli %arg0, %mul3A_3052 : i32
    %add3A_3054 = arith.constant 15 : i32
    %add3A_3055 = arith.addi %mul3A_3053, %add3A_3054 : i32
    %swap3A_3056 = arith.constant 2 : index
    %swap3A_3057 = arith.index_cast %add3A_3055 : i32 to index
    %swap3A_3058 = arith.constant 0 : index
    %swap3A_3059 = vector.load %arg44[%swap3A_3056, %swap3A_3057, %swap3A_3058] : memref<3x256x128xf32, #tpu.memory_space<vmem>>, vector<1x1x128xf32>
    %swap3A_3060 = vector.shape_cast %swap3A_3059 : vector<1x1x128xf32> to vector<128xf32>
    %swap3A_3061 = vector.shape_cast %div3A_3051 : vector<128xf32> to vector<1x1x128xf32>
    tpu.vector_store %arg44[%swap3A_3056, %swap3A_3057, %swap3A_3058], %swap3A_3061 {strides = array<i32>} : memref<3x256x128xf32, #tpu.memory_space<vmem>>, vector<1x1x128xf32>,
    %convert_element_type3A_3062 = arith.truncf %get3A_6 : vector<128x64xf32> to vector<128x64xbf16>
    %broadcast_in_dim3A_3063 = arith.constant 0.000000e+00 : f32
    %broadcast_in_dim3A_3064 = vector.broadcast %broadcast_in_dim3A_3063 : f32 to vector<1x64xf32>
    %broadcast_in_dim3A_3065 = arith.constant 0.000000e+00 : f32
    %broadcast_in_dim3A_3066 = vector.broadcast %broadcast_in_dim3A_3065 : f32 to vector<1x64xf32>
    %broadcast_in_dim3A_3067 = arith.constant 0.000000e+00 : f32
    %broadcast_in_dim3A_3068 = vector.broadcast %broadcast_in_dim3A_3067 : f32 to vector<1x64xf32>
    %convert_element_type3A_3069 = arith.truncf %select_n3A : vector<116x128xf32> to vector<116x128xbf16>
    %dot_general3A_3070 = arith.constant dense<0.000000e+00> : vector<116x64xf32>
    %dot_general3A_3071 = tpu.matmul %convert_element_type3A_3069, %convert_element_type3A_3062, %dot_general3A_3070 {dimension_numbers = #tpu.dot_dimension_numbers<[1], [0], [0], [1], [0, 0, 1, 1], [], []>, transpose_lhs_hint = false} : vector<116x128xbf16>, vector<128x64xbf16>, vector<116x64xf32> -> vector<116x64xf32>
    %tanh3A_3072 = math.tanh %dot_general3A_3071 : vector<116x64xf32>
    %reduce_sum3A_3073 = arith.constant dense<0.000000e+00> : vector<64xf32>
    %reduce_sum3A_3074 = vector.multi_reduction <add>, %tanh3A_3072, %reduce_sum3A_3073 [0] : vector<116x64xf32> to vector<64xf32>
    %broadcast_in_dim3A_3075 = vector.shape_cast %reduce_sum3A_3074 : vector<64xf32> to vector<1x64xf32>
    %mul3A_3076 = arith.mulf %broadcast_in_dim3A_3075, %get3A_3 : vector<1x64xf32>
    %add3A_3077 = arith.addf %broadcast_in_dim3A_3064, %mul3A_3076 : vector<1x64xf32>
    %convert_element_type3A_3078 = arith.truncf %select_n3A_1884 : vector<116x128xf32> to vector<116x128xbf16>
    %dot_general3A_3079 = arith.constant dense<0.000000e+00> : vector<116x64xf32>
    %dot_general3A_3080 = tpu.matmul %convert_element_type3A_3078, %convert_element_type3A_3062, %dot_general3A_3079 {dimension_numbers = #tpu.dot_dimension_numbers<[1], [0], [0], [1], [0, 0, 1, 1], [], []>, transpose_lhs_hint = false} : vector<116x128xbf16>, vector<128x64xbf16>, vector<116x64xf32> -> vector<116x64xf32>
    %tanh3A_3081 = math.tanh %dot_general3A_3080 : vector<116x64xf32>
    %reduce_sum3A_3082 = arith.constant dense<0.000000e+00> : vector<64xf32>
    %reduce_sum3A_3083 = vector.multi_reduction <add>, %tanh3A_3081, %reduce_sum3A_3082 [0] : vector<116x64xf32> to vector<64xf32>
    %broadcast_in_dim3A_3084 = vector.shape_cast %reduce_sum3A_3083 : vector<64xf32> to vector<1x64xf32>
    %mul3A_3085 = arith.mulf %broadcast_in_dim3A_3084, %get3A_3 : vector<1x64xf32>
    %add3A_3086 = arith.addf %add3A_3077, %mul3A_3085 : vector<1x64xf32>
    %convert_element_type3A_3087 = arith.truncf %select_n3A_1909 : vector<116x128xf32> to vector<116x128xbf16>
    %dot_general3A_3088 = arith.constant dense<0.000000e+00> : vector<116x64xf32>
    %dot_general3A_3089 = tpu.matmul %convert_element_type3A_3087, %convert_element_type3A_3062, %dot_general3A_3088 {dimension_numbers = #tpu.dot_dimension_numbers<[1], [0], [0], [1], [0, 0, 1, 1], [], []>, transpose_lhs_hint = false} : vector<116x128xbf16>, vector<128x64xbf16>, vector<116x64xf32> -> vector<116x64xf32>
    %tanh3A_3090 = math.tanh %dot_general3A_3089 : vector<116x64xf32>
    %reduce_sum3A_3091 = arith.constant dense<0.000000e+00> : vector<64xf32>
    %reduce_sum3A_3092 = vector.multi_reduction <add>, %tanh3A_3090, %reduce_sum3A_3091 [0] : vector<116x64xf32> to vector<64xf32>
    %broadcast_in_dim3A_3093 = vector.shape_cast %reduce_sum3A_3092 : vector<64xf32> to vector<1x64xf32>
    %mul3A_3094 = arith.mulf %broadcast_in_dim3A_3093, %get3A_3 : vector<1x64xf32>
    %add3A_3095 = arith.addf %add3A_3086, %mul3A_3094 : vector<1x64xf32>
    %convert_element_type3A_3096 = arith.truncf %select_n3A_1934 : vector<116x128xf32> to vector<116x128xbf16>
    %dot_general3A_3097 = arith.constant dense<0.000000e+00> : vector<116x64xf32>
    %dot_general3A_3098 = tpu.matmul %convert_element_type3A_3096, %convert_element_type3A_3062, %dot_general3A_3097 {dimension_numbers = #tpu.dot_dimension_numbers<[1], [0], [0], [1], [0, 0, 1, 1], [], []>, transpose_lhs_hint = false} : vector<116x128xbf16>, vector<128x64xbf16>, vector<116x64xf32> -> vector<116x64xf32>
    %tanh3A_3099 = math.tanh %dot_general3A_3098 : vector<116x64xf32>
    %reduce_sum3A_3100 = arith.constant dense<0.000000e+00> : vector<64xf32>
    %reduce_sum3A_3101 = vector.multi_reduction <add>, %tanh3A_3099, %reduce_sum3A_3100 [0] : vector<116x64xf32> to vector<64xf32>
    %broadcast_in_dim3A_3102 = vector.shape_cast %reduce_sum3A_3101 : vector<64xf32> to vector<1x64xf32>
    %mul3A_3103 = arith.mulf %broadcast_in_dim3A_3102, %get3A_3 : vector<1x64xf32>
    %add3A_3104 = arith.addf %add3A_3095, %mul3A_3103 : vector<1x64xf32>
    %convert_element_type3A_3105 = arith.truncf %select_n3A_1959 : vector<116x128xf32> to vector<116x128xbf16>
    %dot_general3A_3106 = arith.constant dense<0.000000e+00> : vector<116x64xf32>
    %dot_general3A_3107 = tpu.matmul %convert_element_type3A_3105, %convert_element_type3A_3062, %dot_general3A_3106 {dimension_numbers = #tpu.dot_dimension_numbers<[1], [0], [0], [1], [0, 0, 1, 1], [], []>, transpose_lhs_hint = false} : vector<116x128xbf16>, vector<128x64xbf16>, vector<116x64xf32> -> vector<116x64xf32>
    %tanh3A_3108 = math.tanh %dot_general3A_3107 : vector<116x64xf32>
    %reduce_sum3A_3109 = arith.constant dense<0.000000e+00> : vector<64xf32>
    %reduce_sum3A_3110 = vector.multi_reduction <add>, %tanh3A_3108, %reduce_sum3A_3109 [0] : vector<116x64xf32> to vector<64xf32>
    %broadcast_in_dim3A_3111 = vector.shape_cast %reduce_sum3A_3110 : vector<64xf32> to vector<1x64xf32>
    %mul3A_3112 = arith.mulf %broadcast_in_dim3A_3111, %get3A_3 : vector<1x64xf32>
    %add3A_3113 = arith.addf %add3A_3104, %mul3A_3112 : vector<1x64xf32>
    %convert_element_type3A_3114 = arith.truncf %select_n3A_1984 : vector<116x128xf32> to vector<116x128xbf16>
    %dot_general3A_3115 = arith.constant dense<0.000000e+00> : vector<116x64xf32>
    %dot_general3A_3116 = tpu.matmul %convert_element_type3A_3114, %convert_element_type3A_3062, %dot_general3A_3115 {dimension_numbers = #tpu.dot_dimension_numbers<[1], [0], [0], [1], [0, 0, 1, 1], [], []>, transpose_lhs_hint = false} : vector<116x128xbf16>, vector<128x64xbf16>, vector<116x64xf32> -> vector<116x64xf32>
    %tanh3A_3117 = math.tanh %dot_general3A_3116 : vector<116x64xf32>
    %reduce_sum3A_3118 = arith.constant dense<0.000000e+00> : vector<64xf32>
    %reduce_sum3A_3119 = vector.multi_reduction <add>, %tanh3A_3117, %reduce_sum3A_3118 [0] : vector<116x64xf32> to vector<64xf32>
    %broadcast_in_dim3A_3120 = vector.shape_cast %reduce_sum3A_3119 : vector<64xf32> to vector<1x64xf32>
    %mul3A_3121 = arith.mulf %broadcast_in_dim3A_3120, %get3A_3 : vector<1x64xf32>
    %add3A_3122 = arith.addf %add3A_3113, %mul3A_3121 : vector<1x64xf32>
    %convert_element_type3A_3123 = arith.truncf %select_n3A_2009 : vector<116x128xf32> to vector<116x128xbf16>
    %dot_general3A_3124 = arith.constant dense<0.000000e+00> : vector<116x64xf32>
    %dot_general3A_3125 = tpu.matmul %convert_element_type3A_3123, %convert_element_type3A_3062, %dot_general3A_3124 {dimension_numbers = #tpu.dot_dimension_numbers<[1], [0], [0], [1], [0, 0, 1, 1], [], []>, transpose_lhs_hint = false} : vector<116x128xbf16>, vector<128x64xbf16>, vector<116x64xf32> -> vector<116x64xf32>
    %tanh3A_3126 = math.tanh %dot_general3A_3125 : vector<116x64xf32>
    %reduce_sum3A_3127 = arith.constant dense<0.000000e+00> : vector<64xf32>
    %reduce_sum3A_3128 = vector.multi_reduction <add>, %tanh3A_3126, %reduce_sum3A_3127 [0] : vector<116x64xf32> to vector<64xf32>
    %broadcast_in_dim3A_3129 = vector.shape_cast %reduce_sum3A_3128 : vector<64xf32> to vector<1x64xf32>
    %mul3A_3130 = arith.mulf %broadcast_in_dim3A_3129, %get3A_3 : vector<1x64xf32>
    %add3A_3131 = arith.addf %add3A_3122, %mul3A_3130 : vector<1x64xf32>
    %convert_element_type3A_3132 = arith.truncf %select_n3A_2034 : vector<116x128xf32> to vector<116x128xbf16>
    %dot_general3A_3133 = arith.constant dense<0.000000e+00> : vector<116x64xf32>
    %dot_general3A_3134 = tpu.matmul %convert_element_type3A_3132, %convert_element_type3A_3062, %dot_general3A_3133 {dimension_numbers = #tpu.dot_dimension_numbers<[1], [0], [0], [1], [0, 0, 1, 1], [], []>, transpose_lhs_hint = false} : vector<116x128xbf16>, vector<128x64xbf16>, vector<116x64xf32> -> vector<116x64xf32>
    %tanh3A_3135 = math.tanh %dot_general3A_3134 : vector<116x64xf32>
    %reduce_sum3A_3136 = arith.constant dense<0.000000e+00> : vector<64xf32>
    %reduce_sum3A_3137 = vector.multi_reduction <add>, %tanh3A_3135, %reduce_sum3A_3136 [0] : vector<116x64xf32> to vector<64xf32>
    %broadcast_in_dim3A_3138 = vector.shape_cast %reduce_sum3A_3137 : vector<64xf32> to vector<1x64xf32>
    %mul3A_3139 = arith.mulf %broadcast_in_dim3A_3138, %get3A_3 : vector<1x64xf32>
    %add3A_3140 = arith.addf %add3A_3131, %mul3A_3139 : vector<1x64xf32>
    %convert_element_type3A_3141 = arith.truncf %select_n3A_2059 : vector<116x128xf32> to vector<116x128xbf16>
    %dot_general3A_3142 = arith.constant dense<0.000000e+00> : vector<116x64xf32>
    %dot_general3A_3143 = tpu.matmul %convert_element_type3A_3141, %convert_element_type3A_3062, %dot_general3A_3142 {dimension_numbers = #tpu.dot_dimension_numbers<[1], [0], [0], [1], [0, 0, 1, 1], [], []>, transpose_lhs_hint = false} : vector<116x128xbf16>, vector<128x64xbf16>, vector<116x64xf32> -> vector<116x64xf32>
    %tanh3A_3144 = math.tanh %dot_general3A_3143 : vector<116x64xf32>
    %reduce_sum3A_3145 = arith.constant dense<0.000000e+00> : vector<64xf32>
    %reduce_sum3A_3146 = vector.multi_reduction <add>, %tanh3A_3144, %reduce_sum3A_3145 [0] : vector<116x64xf32> to vector<64xf32>
    %broadcast_in_dim3A_3147 = vector.shape_cast %reduce_sum3A_3146 : vector<64xf32> to vector<1x64xf32>
    %mul3A_3148 = arith.mulf %broadcast_in_dim3A_3147, %get3A_3 : vector<1x64xf32>
    %add3A_3149 = arith.addf %add3A_3140, %mul3A_3148 : vector<1x64xf32>
    %convert_element_type3A_3150 = arith.truncf %select_n3A_2084 : vector<116x128xf32> to vector<116x128xbf16>
    %dot_general3A_3151 = arith.constant dense<0.000000e+00> : vector<116x64xf32>
    %dot_general3A_3152 = tpu.matmul %convert_element_type3A_3150, %convert_element_type3A_3062, %dot_general3A_3151 {dimension_numbers = #tpu.dot_dimension_numbers<[1], [0], [0], [1], [0, 0, 1, 1], [], []>, transpose_lhs_hint = false} : vector<116x128xbf16>, vector<128x64xbf16>, vector<116x64xf32> -> vector<116x64xf32>
    %tanh3A_3153 = math.tanh %dot_general3A_3152 : vector<116x64xf32>
    %reduce_sum3A_3154 = arith.constant dense<0.000000e+00> : vector<64xf32>
    %reduce_sum3A_3155 = vector.multi_reduction <add>, %tanh3A_3153, %reduce_sum3A_3154 [0] : vector<116x64xf32> to vector<64xf32>
    %broadcast_in_dim3A_3156 = vector.shape_cast %reduce_sum3A_3155 : vector<64xf32> to vector<1x64xf32>
    %mul3A_3157 = arith.mulf %broadcast_in_dim3A_3156, %get3A_3 : vector<1x64xf32>
    %add3A_3158 = arith.addf %add3A_3149, %mul3A_3157 : vector<1x64xf32>
    %convert_element_type3A_3159 = arith.truncf %select_n3A_2109 : vector<116x128xf32> to vector<116x128xbf16>
    %dot_general3A_3160 = arith.constant dense<0.000000e+00> : vector<116x64xf32>
    %dot_general3A_3161 = tpu.matmul %convert_element_type3A_3159, %convert_element_type3A_3062, %dot_general3A_3160 {dimension_numbers = #tpu.dot_dimension_numbers<[1], [0], [0], [1], [0, 0, 1, 1], [], []>, transpose_lhs_hint = false} : vector<116x128xbf16>, vector<128x64xbf16>, vector<116x64xf32> -> vector<116x64xf32>
    %tanh3A_3162 = math.tanh %dot_general3A_3161 : vector<116x64xf32>
    %reduce_sum3A_3163 = arith.constant dense<0.000000e+00> : vector<64xf32>
    %reduce_sum3A_3164 = vector.multi_reduction <add>, %tanh3A_3162, %reduce_sum3A_3163 [0] : vector<116x64xf32> to vector<64xf32>
    %broadcast_in_dim3A_3165 = vector.shape_cast %reduce_sum3A_3164 : vector<64xf32> to vector<1x64xf32>
    %mul3A_3166 = arith.mulf %broadcast_in_dim3A_3165, %get3A_3 : vector<1x64xf32>
    %add3A_3167 = arith.addf %add3A_3158, %mul3A_3166 : vector<1x64xf32>
    %convert_element_type3A_3168 = arith.truncf %select_n3A_2134 : vector<116x128xf32> to vector<116x128xbf16>
    %dot_general3A_3169 = arith.constant dense<0.000000e+00> : vector<116x64xf32>
    %dot_general3A_3170 = tpu.matmul %convert_element_type3A_3168, %convert_element_type3A_3062, %dot_general3A_3169 {dimension_numbers = #tpu.dot_dimension_numbers<[1], [0], [0], [1], [0, 0, 1, 1], [], []>, transpose_lhs_hint = false} : vector<116x128xbf16>, vector<128x64xbf16>, vector<116x64xf32> -> vector<116x64xf32>
    %tanh3A_3171 = math.tanh %dot_general3A_3170 : vector<116x64xf32>
    %reduce_sum3A_3172 = arith.constant dense<0.000000e+00> : vector<64xf32>
    %reduce_sum3A_3173 = vector.multi_reduction <add>, %tanh3A_3171, %reduce_sum3A_3172 [0] : vector<116x64xf32> to vector<64xf32>
    %broadcast_in_dim3A_3174 = vector.shape_cast %reduce_sum3A_3173 : vector<64xf32> to vector<1x64xf32>
    %mul3A_3175 = arith.mulf %broadcast_in_dim3A_3174, %get3A_3 : vector<1x64xf32>
    %add3A_3176 = arith.addf %add3A_3167, %mul3A_3175 : vector<1x64xf32>
    %convert_element_type3A_3177 = arith.truncf %select_n3A_2159 : vector<116x128xf32> to vector<116x128xbf16>
    %dot_general3A_3178 = arith.constant dense<0.000000e+00> : vector<116x64xf32>
    %dot_general3A_3179 = tpu.matmul %convert_element_type3A_3177, %convert_element_type3A_3062, %dot_general3A_3178 {dimension_numbers = #tpu.dot_dimension_numbers<[1], [0], [0], [1], [0, 0, 1, 1], [], []>, transpose_lhs_hint = false} : vector<116x128xbf16>, vector<128x64xbf16>, vector<116x64xf32> -> vector<116x64xf32>
    %tanh3A_3180 = math.tanh %dot_general3A_3179 : vector<116x64xf32>
    %reduce_sum3A_3181 = arith.constant dense<0.000000e+00> : vector<64xf32>
    %reduce_sum3A_3182 = vector.multi_reduction <add>, %tanh3A_3180, %reduce_sum3A_3181 [0] : vector<116x64xf32> to vector<64xf32>
    %broadcast_in_dim3A_3183 = vector.shape_cast %reduce_sum3A_3182 : vector<64xf32> to vector<1x64xf32>
    %mul3A_3184 = arith.mulf %broadcast_in_dim3A_3183, %get3A_3 : vector<1x64xf32>
    %add3A_3185 = arith.addf %add3A_3176, %mul3A_3184 : vector<1x64xf32>
    %convert_element_type3A_3186 = arith.truncf %select_n3A_2184 : vector<116x128xf32> to vector<116x128xbf16>
    %dot_general3A_3187 = arith.constant dense<0.000000e+00> : vector<116x64xf32>
    %dot_general3A_3188 = tpu.matmul %convert_element_type3A_3186, %convert_element_type3A_3062, %dot_general3A_3187 {dimension_numbers = #tpu.dot_dimension_numbers<[1], [0], [0], [1], [0, 0, 1, 1], [], []>, transpose_lhs_hint = false} : vector<116x128xbf16>, vector<128x64xbf16>, vector<116x64xf32> -> vector<116x64xf32>
    %tanh3A_3189 = math.tanh %dot_general3A_3188 : vector<116x64xf32>
    %reduce_sum3A_3190 = arith.constant dense<0.000000e+00> : vector<64xf32>
    %reduce_sum3A_3191 = vector.multi_reduction <add>, %tanh3A_3189, %reduce_sum3A_3190 [0] : vector<116x64xf32> to vector<64xf32>
    %broadcast_in_dim3A_3192 = vector.shape_cast %reduce_sum3A_3191 : vector<64xf32> to vector<1x64xf32>
    %mul3A_3193 = arith.mulf %broadcast_in_dim3A_3192, %get3A_3 : vector<1x64xf32>
    %add3A_3194 = arith.addf %add3A_3185, %mul3A_3193 : vector<1x64xf32>
    %convert_element_type3A_3195 = arith.truncf %select_n3A_2209 : vector<116x128xf32> to vector<116x128xbf16>
    %dot_general3A_3196 = arith.constant dense<0.000000e+00> : vector<116x64xf32>
    %dot_general3A_3197 = tpu.matmul %convert_element_type3A_3195, %convert_element_type3A_3062, %dot_general3A_3196 {dimension_numbers = #tpu.dot_dimension_numbers<[1], [0], [0], [1], [0, 0, 1, 1], [], []>, transpose_lhs_hint = false} : vector<116x128xbf16>, vector<128x64xbf16>, vector<116x64xf32> -> vector<116x64xf32>
    %tanh3A_3198 = math.tanh %dot_general3A_3197 : vector<116x64xf32>
    %reduce_sum3A_3199 = arith.constant dense<0.000000e+00> : vector<64xf32>
    %reduce_sum3A_3200 = vector.multi_reduction <add>, %tanh3A_3198, %reduce_sum3A_3199 [0] : vector<116x64xf32> to vector<64xf32>
    %broadcast_in_dim3A_3201 = vector.shape_cast %reduce_sum3A_3200 : vector<64xf32> to vector<1x64xf32>
    %mul3A_3202 = arith.mulf %broadcast_in_dim3A_3201, %get3A_3 : vector<1x64xf32>
    %add3A_3203 = arith.addf %add3A_3194, %mul3A_3202 : vector<1x64xf32>
    %convert_element_type3A_3204 = arith.truncf %select_n3A_2234 : vector<116x128xf32> to vector<116x128xbf16>
    %dot_general3A_3205 = arith.constant dense<0.000000e+00> : vector<116x64xf32>
    %dot_general3A_3206 = tpu.matmul %convert_element_type3A_3204, %convert_element_type3A_3062, %dot_general3A_3205 {dimension_numbers = #tpu.dot_dimension_numbers<[1], [0], [0], [1], [0, 0, 1, 1], [], []>, transpose_lhs_hint = false} : vector<116x128xbf16>, vector<128x64xbf16>, vector<116x64xf32> -> vector<116x64xf32>
    %tanh3A_3207 = math.tanh %dot_general3A_3206 : vector<116x64xf32>
    %reduce_sum3A_3208 = arith.constant dense<0.000000e+00> : vector<64xf32>
    %reduce_sum3A_3209 = vector.multi_reduction <add>, %tanh3A_3207, %reduce_sum3A_3208 [0] : vector<116x64xf32> to vector<64xf32>
    %broadcast_in_dim3A_3210 = vector.shape_cast %reduce_sum3A_3209 : vector<64xf32> to vector<1x64xf32>
    %mul3A_3211 = arith.mulf %broadcast_in_dim3A_3210, %get3A_3 : vector<1x64xf32>
    %add3A_3212 = arith.addf %add3A_3203, %mul3A_3211 : vector<1x64xf32>
    %convert_element_type3A_3213 = arith.truncf %select_n3A_2265 : vector<116x128xf32> to vector<116x128xbf16>
    %dot_general3A_3214 = arith.constant dense<0.000000e+00> : vector<116x64xf32>
    %dot_general3A_3215 = tpu.matmul %convert_element_type3A_3213, %convert_element_type3A_3062, %dot_general3A_3214 {dimension_numbers = #tpu.dot_dimension_numbers<[1], [0], [0], [1], [0, 0, 1, 1], [], []>, transpose_lhs_hint = false} : vector<116x128xbf16>, vector<128x64xbf16>, vector<116x64xf32> -> vector<116x64xf32>
    %tanh3A_3216 = math.tanh %dot_general3A_3215 : vector<116x64xf32>
    %reduce_sum3A_3217 = arith.constant dense<0.000000e+00> : vector<64xf32>
    %reduce_sum3A_3218 = vector.multi_reduction <add>, %tanh3A_3216, %reduce_sum3A_3217 [0] : vector<116x64xf32> to vector<64xf32>
    %broadcast_in_dim3A_3219 = vector.shape_cast %reduce_sum3A_3218 : vector<64xf32> to vector<1x64xf32>
    %mul3A_3220 = arith.mulf %broadcast_in_dim3A_3219, %get3A_3 : vector<1x64xf32>
    %add3A_3221 = arith.addf %broadcast_in_dim3A_3066, %mul3A_3220 : vector<1x64xf32>
    %convert_element_type3A_3222 = arith.truncf %select_n3A_2290 : vector<116x128xf32> to vector<116x128xbf16>
    %dot_general3A_3223 = arith.constant dense<0.000000e+00> : vector<116x64xf32>
    %dot_general3A_3224 = tpu.matmul %convert_element_type3A_3222, %convert_element_type3A_3062, %dot_general3A_3223 {dimension_numbers = #tpu.dot_dimension_numbers<[1], [0], [0], [1], [0, 0, 1, 1], [], []>, transpose_lhs_hint = false} : vector<116x128xbf16>, vector<128x64xbf16>, vector<116x64xf32> -> vector<116x64xf32>
    %tanh3A_3225 = math.tanh %dot_general3A_3224 : vector<116x64xf32>
    %reduce_sum3A_3226 = arith.constant dense<0.000000e+00> : vector<64xf32>
    %reduce_sum3A_3227 = vector.multi_reduction <add>, %tanh3A_3225, %reduce_sum3A_3226 [0] : vector<116x64xf32> to vector<64xf32>
    %broadcast_in_dim3A_3228 = vector.shape_cast %reduce_sum3A_3227 : vector<64xf32> to vector<1x64xf32>
    %mul3A_3229 = arith.mulf %broadcast_in_dim3A_3228, %get3A_3 : vector<1x64xf32>
    %add3A_3230 = arith.addf %add3A_3221, %mul3A_3229 : vector<1x64xf32>
    %convert_element_type3A_3231 = arith.truncf %select_n3A_2315 : vector<116x128xf32> to vector<116x128xbf16>
    %dot_general3A_3232 = arith.constant dense<0.000000e+00> : vector<116x64xf32>
    %dot_general3A_3233 = tpu.matmul %convert_element_type3A_3231, %convert_element_type3A_3062, %dot_general3A_3232 {dimension_numbers = #tpu.dot_dimension_numbers<[1], [0], [0], [1], [0, 0, 1, 1], [], []>, transpose_lhs_hint = false} : vector<116x128xbf16>, vector<128x64xbf16>, vector<116x64xf32> -> vector<116x64xf32>
    %tanh3A_3234 = math.tanh %dot_general3A_3233 : vector<116x64xf32>
    %reduce_sum3A_3235 = arith.constant dense<0.000000e+00> : vector<64xf32>
    %reduce_sum3A_3236 = vector.multi_reduction <add>, %tanh3A_3234, %reduce_sum3A_3235 [0] : vector<116x64xf32> to vector<64xf32>
    %broadcast_in_dim3A_3237 = vector.shape_cast %reduce_sum3A_3236 : vector<64xf32> to vector<1x64xf32>
    %mul3A_3238 = arith.mulf %broadcast_in_dim3A_3237, %get3A_3 : vector<1x64xf32>
    %add3A_3239 = arith.addf %add3A_3230, %mul3A_3238 : vector<1x64xf32>
    %convert_element_type3A_3240 = arith.truncf %select_n3A_2340 : vector<116x128xf32> to vector<116x128xbf16>
    %dot_general3A_3241 = arith.constant dense<0.000000e+00> : vector<116x64xf32>
    %dot_general3A_3242 = tpu.matmul %convert_element_type3A_3240, %convert_element_type3A_3062, %dot_general3A_3241 {dimension_numbers = #tpu.dot_dimension_numbers<[1], [0], [0], [1], [0, 0, 1, 1], [], []>, transpose_lhs_hint = false} : vector<116x128xbf16>, vector<128x64xbf16>, vector<116x64xf32> -> vector<116x64xf32>
    %tanh3A_3243 = math.tanh %dot_general3A_3242 : vector<116x64xf32>
    %reduce_sum3A_3244 = arith.constant dense<0.000000e+00> : vector<64xf32>
    %reduce_sum3A_3245 = vector.multi_reduction <add>, %tanh3A_3243, %reduce_sum3A_3244 [0] : vector<116x64xf32> to vector<64xf32>
    %broadcast_in_dim3A_3246 = vector.shape_cast %reduce_sum3A_3245 : vector<64xf32> to vector<1x64xf32>
    %mul3A_3247 = arith.mulf %broadcast_in_dim3A_3246, %get3A_3 : vector<1x64xf32>
    %add3A_3248 = arith.addf %add3A_3239, %mul3A_3247 : vector<1x64xf32>
    %convert_element_type3A_3249 = arith.truncf %select_n3A_2365 : vector<116x128xf32> to vector<116x128xbf16>
    %dot_general3A_3250 = arith.constant dense<0.000000e+00> : vector<116x64xf32>
    %dot_general3A_3251 = tpu.matmul %convert_element_type3A_3249, %convert_element_type3A_3062, %dot_general3A_3250 {dimension_numbers = #tpu.dot_dimension_numbers<[1], [0], [0], [1], [0, 0, 1, 1], [], []>, transpose_lhs_hint = false} : vector<116x128xbf16>, vector<128x64xbf16>, vector<116x64xf32> -> vector<116x64xf32>
    %tanh3A_3252 = math.tanh %dot_general3A_3251 : vector<116x64xf32>
    %reduce_sum3A_3253 = arith.constant dense<0.000000e+00> : vector<64xf32>
    %reduce_sum3A_3254 = vector.multi_reduction <add>, %tanh3A_3252, %reduce_sum3A_3253 [0] : vector<116x64xf32> to vector<64xf32>
    %broadcast_in_dim3A_3255 = vector.shape_cast %reduce_sum3A_3254 : vector<64xf32> to vector<1x64xf32>
    %mul3A_3256 = arith.mulf %broadcast_in_dim3A_3255, %get3A_3 : vector<1x64xf32>
    %add3A_3257 = arith.addf %add3A_3248, %mul3A_3256 : vector<1x64xf32>
    %convert_element_type3A_3258 = arith.truncf %select_n3A_2390 : vector<116x128xf32> to vector<116x128xbf16>
    %dot_general3A_3259 = arith.constant dense<0.000000e+00> : vector<116x64xf32>
    %dot_general3A_3260 = tpu.matmul %convert_element_type3A_3258, %convert_element_type3A_3062, %dot_general3A_3259 {dimension_numbers = #tpu.dot_dimension_numbers<[1], [0], [0], [1], [0, 0, 1, 1], [], []>, transpose_lhs_hint = false} : vector<116x128xbf16>, vector<128x64xbf16>, vector<116x64xf32> -> vector<116x64xf32>
    %tanh3A_3261 = math.tanh %dot_general3A_3260 : vector<116x64xf32>
    %reduce_sum3A_3262 = arith.constant dense<0.000000e+00> : vector<64xf32>
    %reduce_sum3A_3263 = vector.multi_reduction <add>, %tanh3A_3261, %reduce_sum3A_3262 [0] : vector<116x64xf32> to vector<64xf32>
    %broadcast_in_dim3A_3264 = vector.shape_cast %reduce_sum3A_3263 : vector<64xf32> to vector<1x64xf32>
    %mul3A_3265 = arith.mulf %broadcast_in_dim3A_3264, %get3A_3 : vector<1x64xf32>
    %add3A_3266 = arith.addf %add3A_3257, %mul3A_3265 : vector<1x64xf32>
    %convert_element_type3A_3267 = arith.truncf %select_n3A_2415 : vector<116x128xf32> to vector<116x128xbf16>
    %dot_general3A_3268 = arith.constant dense<0.000000e+00> : vector<116x64xf32>
    %dot_general3A_3269 = tpu.matmul %convert_element_type3A_3267, %convert_element_type3A_3062, %dot_general3A_3268 {dimension_numbers = #tpu.dot_dimension_numbers<[1], [0], [0], [1], [0, 0, 1, 1], [], []>, transpose_lhs_hint = false} : vector<116x128xbf16>, vector<128x64xbf16>, vector<116x64xf32> -> vector<116x64xf32>
    %tanh3A_3270 = math.tanh %dot_general3A_3269 : vector<116x64xf32>
    %reduce_sum3A_3271 = arith.constant dense<0.000000e+00> : vector<64xf32>
    %reduce_sum3A_3272 = vector.multi_reduction <add>, %tanh3A_3270, %reduce_sum3A_3271 [0] : vector<116x64xf32> to vector<64xf32>
    %broadcast_in_dim3A_3273 = vector.shape_cast %reduce_sum3A_3272 : vector<64xf32> to vector<1x64xf32>
    %mul3A_3274 = arith.mulf %broadcast_in_dim3A_3273, %get3A_3 : vector<1x64xf32>
    %add3A_3275 = arith.addf %add3A_3266, %mul3A_3274 : vector<1x64xf32>
    %convert_element_type3A_3276 = arith.truncf %select_n3A_2440 : vector<116x128xf32> to vector<116x128xbf16>
    %dot_general3A_3277 = arith.constant dense<0.000000e+00> : vector<116x64xf32>
    %dot_general3A_3278 = tpu.matmul %convert_element_type3A_3276, %convert_element_type3A_3062, %dot_general3A_3277 {dimension_numbers = #tpu.dot_dimension_numbers<[1], [0], [0], [1], [0, 0, 1, 1], [], []>, transpose_lhs_hint = false} : vector<116x128xbf16>, vector<128x64xbf16>, vector<116x64xf32> -> vector<116x64xf32>
    %tanh3A_3279 = math.tanh %dot_general3A_3278 : vector<116x64xf32>
    %reduce_sum3A_3280 = arith.constant dense<0.000000e+00> : vector<64xf32>
    %reduce_sum3A_3281 = vector.multi_reduction <add>, %tanh3A_3279, %reduce_sum3A_3280 [0] : vector<116x64xf32> to vector<64xf32>
    %broadcast_in_dim3A_3282 = vector.shape_cast %reduce_sum3A_3281 : vector<64xf32> to vector<1x64xf32>
    %mul3A_3283 = arith.mulf %broadcast_in_dim3A_3282, %get3A_3 : vector<1x64xf32>
    %add3A_3284 = arith.addf %add3A_3275, %mul3A_3283 : vector<1x64xf32>
    %convert_element_type3A_3285 = arith.truncf %select_n3A_2465 : vector<116x128xf32> to vector<116x128xbf16>
    %dot_general3A_3286 = arith.constant dense<0.000000e+00> : vector<116x64xf32>
    %dot_general3A_3287 = tpu.matmul %convert_element_type3A_3285, %convert_element_type3A_3062, %dot_general3A_3286 {dimension_numbers = #tpu.dot_dimension_numbers<[1], [0], [0], [1], [0, 0, 1, 1], [], []>, transpose_lhs_hint = false} : vector<116x128xbf16>, vector<128x64xbf16>, vector<116x64xf32> -> vector<116x64xf32>
    %tanh3A_3288 = math.tanh %dot_general3A_3287 : vector<116x64xf32>
    %reduce_sum3A_3289 = arith.constant dense<0.000000e+00> : vector<64xf32>
    %reduce_sum3A_3290 = vector.multi_reduction <add>, %tanh3A_3288, %reduce_sum3A_3289 [0] : vector<116x64xf32> to vector<64xf32>
    %broadcast_in_dim3A_3291 = vector.shape_cast %reduce_sum3A_3290 : vector<64xf32> to vector<1x64xf32>
    %mul3A_3292 = arith.mulf %broadcast_in_dim3A_3291, %get3A_3 : vector<1x64xf32>
    %add3A_3293 = arith.addf %add3A_3284, %mul3A_3292 : vector<1x64xf32>
    %convert_element_type3A_3294 = arith.truncf %select_n3A_2490 : vector<116x128xf32> to vector<116x128xbf16>
    %dot_general3A_3295 = arith.constant dense<0.000000e+00> : vector<116x64xf32>
    %dot_general3A_3296 = tpu.matmul %convert_element_type3A_3294, %convert_element_type3A_3062, %dot_general3A_3295 {dimension_numbers = #tpu.dot_dimension_numbers<[1], [0], [0], [1], [0, 0, 1, 1], [], []>, transpose_lhs_hint = false} : vector<116x128xbf16>, vector<128x64xbf16>, vector<116x64xf32> -> vector<116x64xf32>
    %tanh3A_3297 = math.tanh %dot_general3A_3296 : vector<116x64xf32>
    %reduce_sum3A_3298 = arith.constant dense<0.000000e+00> : vector<64xf32>
    %reduce_sum3A_3299 = vector.multi_reduction <add>, %tanh3A_3297, %reduce_sum3A_3298 [0] : vector<116x64xf32> to vector<64xf32>
    %broadcast_in_dim3A_3300 = vector.shape_cast %reduce_sum3A_3299 : vector<64xf32> to vector<1x64xf32>
    %mul3A_3301 = arith.mulf %broadcast_in_dim3A_3300, %get3A_3 : vector<1x64xf32>
    %add3A_3302 = arith.addf %add3A_3293, %mul3A_3301 : vector<1x64xf32>
    %convert_element_type3A_3303 = arith.truncf %select_n3A_2515 : vector<116x128xf32> to vector<116x128xbf16>
    %dot_general3A_3304 = arith.constant dense<0.000000e+00> : vector<116x64xf32>
    %dot_general3A_3305 = tpu.matmul %convert_element_type3A_3303, %convert_element_type3A_3062, %dot_general3A_3304 {dimension_numbers = #tpu.dot_dimension_numbers<[1], [0], [0], [1], [0, 0, 1, 1], [], []>, transpose_lhs_hint = false} : vector<116x128xbf16>, vector<128x64xbf16>, vector<116x64xf32> -> vector<116x64xf32>
    %tanh3A_3306 = math.tanh %dot_general3A_3305 : vector<116x64xf32>
    %reduce_sum3A_3307 = arith.constant dense<0.000000e+00> : vector<64xf32>
    %reduce_sum3A_3308 = vector.multi_reduction <add>, %tanh3A_3306, %reduce_sum3A_3307 [0] : vector<116x64xf32> to vector<64xf32>
    %broadcast_in_dim3A_3309 = vector.shape_cast %reduce_sum3A_3308 : vector<64xf32> to vector<1x64xf32>
    %mul3A_3310 = arith.mulf %broadcast_in_dim3A_3309, %get3A_3 : vector<1x64xf32>
    %add3A_3311 = arith.addf %add3A_3302, %mul3A_3310 : vector<1x64xf32>
    %convert_element_type3A_3312 = arith.truncf %select_n3A_2540 : vector<116x128xf32> to vector<116x128xbf16>
    %dot_general3A_3313 = arith.constant dense<0.000000e+00> : vector<116x64xf32>
    %dot_general3A_3314 = tpu.matmul %convert_element_type3A_3312, %convert_element_type3A_3062, %dot_general3A_3313 {dimension_numbers = #tpu.dot_dimension_numbers<[1], [0], [0], [1], [0, 0, 1, 1], [], []>, transpose_lhs_hint = false} : vector<116x128xbf16>, vector<128x64xbf16>, vector<116x64xf32> -> vector<116x64xf32>
    %tanh3A_3315 = math.tanh %dot_general3A_3314 : vector<116x64xf32>
    %reduce_sum3A_3316 = arith.constant dense<0.000000e+00> : vector<64xf32>
    %reduce_sum3A_3317 = vector.multi_reduction <add>, %tanh3A_3315, %reduce_sum3A_3316 [0] : vector<116x64xf32> to vector<64xf32>
    %broadcast_in_dim3A_3318 = vector.shape_cast %reduce_sum3A_3317 : vector<64xf32> to vector<1x64xf32>
    %mul3A_3319 = arith.mulf %broadcast_in_dim3A_3318, %get3A_3 : vector<1x64xf32>
    %add3A_3320 = arith.addf %add3A_3311, %mul3A_3319 : vector<1x64xf32>
    %convert_element_type3A_3321 = arith.truncf %select_n3A_2565 : vector<116x128xf32> to vector<116x128xbf16>
    %dot_general3A_3322 = arith.constant dense<0.000000e+00> : vector<116x64xf32>
    %dot_general3A_3323 = tpu.matmul %convert_element_type3A_3321, %convert_element_type3A_3062, %dot_general3A_3322 {dimension_numbers = #tpu.dot_dimension_numbers<[1], [0], [0], [1], [0, 0, 1, 1], [], []>, transpose_lhs_hint = false} : vector<116x128xbf16>, vector<128x64xbf16>, vector<116x64xf32> -> vector<116x64xf32>
    %tanh3A_3324 = math.tanh %dot_general3A_3323 : vector<116x64xf32>
    %reduce_sum3A_3325 = arith.constant dense<0.000000e+00> : vector<64xf32>
    %reduce_sum3A_3326 = vector.multi_reduction <add>, %tanh3A_3324, %reduce_sum3A_3325 [0] : vector<116x64xf32> to vector<64xf32>
    %broadcast_in_dim3A_3327 = vector.shape_cast %reduce_sum3A_3326 : vector<64xf32> to vector<1x64xf32>
    %mul3A_3328 = arith.mulf %broadcast_in_dim3A_3327, %get3A_3 : vector<1x64xf32>
    %add3A_3329 = arith.addf %add3A_3320, %mul3A_3328 : vector<1x64xf32>
    %convert_element_type3A_3330 = arith.truncf %select_n3A_2590 : vector<116x128xf32> to vector<116x128xbf16>
    %dot_general3A_3331 = arith.constant dense<0.000000e+00> : vector<116x64xf32>
    %dot_general3A_3332 = tpu.matmul %convert_element_type3A_3330, %convert_element_type3A_3062, %dot_general3A_3331 {dimension_numbers = #tpu.dot_dimension_numbers<[1], [0], [0], [1], [0, 0, 1, 1], [], []>, transpose_lhs_hint = false} : vector<116x128xbf16>, vector<128x64xbf16>, vector<116x64xf32> -> vector<116x64xf32>
    %tanh3A_3333 = math.tanh %dot_general3A_3332 : vector<116x64xf32>
    %reduce_sum3A_3334 = arith.constant dense<0.000000e+00> : vector<64xf32>
    %reduce_sum3A_3335 = vector.multi_reduction <add>, %tanh3A_3333, %reduce_sum3A_3334 [0] : vector<116x64xf32> to vector<64xf32>
    %broadcast_in_dim3A_3336 = vector.shape_cast %reduce_sum3A_3335 : vector<64xf32> to vector<1x64xf32>
    %mul3A_3337 = arith.mulf %broadcast_in_dim3A_3336, %get3A_3 : vector<1x64xf32>
    %add3A_3338 = arith.addf %add3A_3329, %mul3A_3337 : vector<1x64xf32>
    %convert_element_type3A_3339 = arith.truncf %select_n3A_2615 : vector<116x128xf32> to vector<116x128xbf16>
    %dot_general3A_3340 = arith.constant dense<0.000000e+00> : vector<116x64xf32>
    %dot_general3A_3341 = tpu.matmul %convert_element_type3A_3339, %convert_element_type3A_3062, %dot_general3A_3340 {dimension_numbers = #tpu.dot_dimension_numbers<[1], [0], [0], [1], [0, 0, 1, 1], [], []>, transpose_lhs_hint = false} : vector<116x128xbf16>, vector<128x64xbf16>, vector<116x64xf32> -> vector<116x64xf32>
    %tanh3A_3342 = math.tanh %dot_general3A_3341 : vector<116x64xf32>
    %reduce_sum3A_3343 = arith.constant dense<0.000000e+00> : vector<64xf32>
    %reduce_sum3A_3344 = vector.multi_reduction <add>, %tanh3A_3342, %reduce_sum3A_3343 [0] : vector<116x64xf32> to vector<64xf32>
    %broadcast_in_dim3A_3345 = vector.shape_cast %reduce_sum3A_3344 : vector<64xf32> to vector<1x64xf32>
    %mul3A_3346 = arith.mulf %broadcast_in_dim3A_3345, %get3A_3 : vector<1x64xf32>
    %add3A_3347 = arith.addf %add3A_3338, %mul3A_3346 : vector<1x64xf32>
    %convert_element_type3A_3348 = arith.truncf %select_n3A_2640 : vector<116x128xf32> to vector<116x128xbf16>
    %dot_general3A_3349 = arith.constant dense<0.000000e+00> : vector<116x64xf32>
    %dot_general3A_3350 = tpu.matmul %convert_element_type3A_3348, %convert_element_type3A_3062, %dot_general3A_3349 {dimension_numbers = #tpu.dot_dimension_numbers<[1], [0], [0], [1], [0, 0, 1, 1], [], []>, transpose_lhs_hint = false} : vector<116x128xbf16>, vector<128x64xbf16>, vector<116x64xf32> -> vector<116x64xf32>
    %tanh3A_3351 = math.tanh %dot_general3A_3350 : vector<116x64xf32>
    %reduce_sum3A_3352 = arith.constant dense<0.000000e+00> : vector<64xf32>
    %reduce_sum3A_3353 = vector.multi_reduction <add>, %tanh3A_3351, %reduce_sum3A_3352 [0] : vector<116x64xf32> to vector<64xf32>
    %broadcast_in_dim3A_3354 = vector.shape_cast %reduce_sum3A_3353 : vector<64xf32> to vector<1x64xf32>
    %mul3A_3355 = arith.mulf %broadcast_in_dim3A_3354, %get3A_3 : vector<1x64xf32>
    %add3A_3356 = arith.addf %add3A_3347, %mul3A_3355 : vector<1x64xf32>
    %convert_element_type3A_3357 = arith.truncf %select_n3A_2671 : vector<116x128xf32> to vector<116x128xbf16>
    %dot_general3A_3358 = arith.constant dense<0.000000e+00> : vector<116x64xf32>
    %dot_general3A_3359 = tpu.matmul %convert_element_type3A_3357, %convert_element_type3A_3062, %dot_general3A_3358 {dimension_numbers = #tpu.dot_dimension_numbers<[1], [0], [0], [1], [0, 0, 1, 1], [], []>, transpose_lhs_hint = false} : vector<116x128xbf16>, vector<128x64xbf16>, vector<116x64xf32> -> vector<116x64xf32>
    %tanh3A_3360 = math.tanh %dot_general3A_3359 : vector<116x64xf32>
    %reduce_sum3A_3361 = arith.constant dense<0.000000e+00> : vector<64xf32>
    %reduce_sum3A_3362 = vector.multi_reduction <add>, %tanh3A_3360, %reduce_sum3A_3361 [0] : vector<116x64xf32> to vector<64xf32>
    %broadcast_in_dim3A_3363 = vector.shape_cast %reduce_sum3A_3362 : vector<64xf32> to vector<1x64xf32>
    %mul3A_3364 = arith.mulf %broadcast_in_dim3A_3363, %get3A_3 : vector<1x64xf32>
    %add3A_3365 = arith.addf %broadcast_in_dim3A_3068, %mul3A_3364 : vector<1x64xf32>
    %convert_element_type3A_3366 = arith.truncf %select_n3A_2696 : vector<116x128xf32> to vector<116x128xbf16>
    %dot_general3A_3367 = arith.constant dense<0.000000e+00> : vector<116x64xf32>
    %dot_general3A_3368 = tpu.matmul %convert_element_type3A_3366, %convert_element_type3A_3062, %dot_general3A_3367 {dimension_numbers = #tpu.dot_dimension_numbers<[1], [0], [0], [1], [0, 0, 1, 1], [], []>, transpose_lhs_hint = false} : vector<116x128xbf16>, vector<128x64xbf16>, vector<116x64xf32> -> vector<116x64xf32>
    %tanh3A_3369 = math.tanh %dot_general3A_3368 : vector<116x64xf32>
    %reduce_sum3A_3370 = arith.constant dense<0.000000e+00> : vector<64xf32>
    %reduce_sum3A_3371 = vector.multi_reduction <add>, %tanh3A_3369, %reduce_sum3A_3370 [0] : vector<116x64xf32> to vector<64xf32>
    %broadcast_in_dim3A_3372 = vector.shape_cast %reduce_sum3A_3371 : vector<64xf32> to vector<1x64xf32>
    %mul3A_3373 = arith.mulf %broadcast_in_dim3A_3372, %get3A_3 : vector<1x64xf32>
    %add3A_3374 = arith.addf %add3A_3365, %mul3A_3373 : vector<1x64xf32>
    %convert_element_type3A_3375 = arith.truncf %select_n3A_2721 : vector<116x128xf32> to vector<116x128xbf16>
    %dot_general3A_3376 = arith.constant dense<0.000000e+00> : vector<116x64xf32>
    %dot_general3A_3377 = tpu.matmul %convert_element_type3A_3375, %convert_element_type3A_3062, %dot_general3A_3376 {dimension_numbers = #tpu.dot_dimension_numbers<[1], [0], [0], [1], [0, 0, 1, 1], [], []>, transpose_lhs_hint = false} : vector<116x128xbf16>, vector<128x64xbf16>, vector<116x64xf32> -> vector<116x64xf32>
    %tanh3A_3378 = math.tanh %dot_general3A_3377 : vector<116x64xf32>
    %reduce_sum3A_3379 = arith.constant dense<0.000000e+00> : vector<64xf32>
    %reduce_sum3A_3380 = vector.multi_reduction <add>, %tanh3A_3378, %reduce_sum3A_3379 [0] : vector<116x64xf32> to vector<64xf32>
    %broadcast_in_dim3A_3381 = vector.shape_cast %reduce_sum3A_3380 : vector<64xf32> to vector<1x64xf32>
    %mul3A_3382 = arith.mulf %broadcast_in_dim3A_3381, %get3A_3 : vector<1x64xf32>
    %add3A_3383 = arith.addf %add3A_3374, %mul3A_3382 : vector<1x64xf32>
    %convert_element_type3A_3384 = arith.truncf %select_n3A_2746 : vector<116x128xf32> to vector<116x128xbf16>
    %dot_general3A_3385 = arith.constant dense<0.000000e+00> : vector<116x64xf32>
    %dot_general3A_3386 = tpu.matmul %convert_element_type3A_3384, %convert_element_type3A_3062, %dot_general3A_3385 {dimension_numbers = #tpu.dot_dimension_numbers<[1], [0], [0], [1], [0, 0, 1, 1], [], []>, transpose_lhs_hint = false} : vector<116x128xbf16>, vector<128x64xbf16>, vector<116x64xf32> -> vector<116x64xf32>
    %tanh3A_3387 = math.tanh %dot_general3A_3386 : vector<116x64xf32>
    %reduce_sum3A_3388 = arith.constant dense<0.000000e+00> : vector<64xf32>
    %reduce_sum3A_3389 = vector.multi_reduction <add>, %tanh3A_3387, %reduce_sum3A_3388 [0] : vector<116x64xf32> to vector<64xf32>
    %broadcast_in_dim3A_3390 = vector.shape_cast %reduce_sum3A_3389 : vector<64xf32> to vector<1x64xf32>
    %mul3A_3391 = arith.mulf %broadcast_in_dim3A_3390, %get3A_3 : vector<1x64xf32>
    %add3A_3392 = arith.addf %add3A_3383, %mul3A_3391 : vector<1x64xf32>
    %convert_element_type3A_3393 = arith.truncf %select_n3A_2771 : vector<116x128xf32> to vector<116x128xbf16>
    %dot_general3A_3394 = arith.constant dense<0.000000e+00> : vector<116x64xf32>
    %dot_general3A_3395 = tpu.matmul %convert_element_type3A_3393, %convert_element_type3A_3062, %dot_general3A_3394 {dimension_numbers = #tpu.dot_dimension_numbers<[1], [0], [0], [1], [0, 0, 1, 1], [], []>, transpose_lhs_hint = false} : vector<116x128xbf16>, vector<128x64xbf16>, vector<116x64xf32> -> vector<116x64xf32>
    %tanh3A_3396 = math.tanh %dot_general3A_3395 : vector<116x64xf32>
    %reduce_sum3A_3397 = arith.constant dense<0.000000e+00> : vector<64xf32>
    %reduce_sum3A_3398 = vector.multi_reduction <add>, %tanh3A_3396, %reduce_sum3A_3397 [0] : vector<116x64xf32> to vector<64xf32>
    %broadcast_in_dim3A_3399 = vector.shape_cast %reduce_sum3A_3398 : vector<64xf32> to vector<1x64xf32>
    %mul3A_3400 = arith.mulf %broadcast_in_dim3A_3399, %get3A_3 : vector<1x64xf32>
    %add3A_3401 = arith.addf %add3A_3392, %mul3A_3400 : vector<1x64xf32>
    %convert_element_type3A_3402 = arith.truncf %select_n3A_2796 : vector<116x128xf32> to vector<116x128xbf16>
    %dot_general3A_3403 = arith.constant dense<0.000000e+00> : vector<116x64xf32>
    %dot_general3A_3404 = tpu.matmul %convert_element_type3A_3402, %convert_element_type3A_3062, %dot_general3A_3403 {dimension_numbers = #tpu.dot_dimension_numbers<[1], [0], [0], [1], [0, 0, 1, 1], [], []>, transpose_lhs_hint = false} : vector<116x128xbf16>, vector<128x64xbf16>, vector<116x64xf32> -> vector<116x64xf32>
    %tanh3A_3405 = math.tanh %dot_general3A_3404 : vector<116x64xf32>
    %reduce_sum3A_3406 = arith.constant dense<0.000000e+00> : vector<64xf32>
    %reduce_sum3A_3407 = vector.multi_reduction <add>, %tanh3A_3405, %reduce_sum3A_3406 [0] : vector<116x64xf32> to vector<64xf32>
    %broadcast_in_dim3A_3408 = vector.shape_cast %reduce_sum3A_3407 : vector<64xf32> to vector<1x64xf32>
    %mul3A_3409 = arith.mulf %broadcast_in_dim3A_3408, %get3A_3 : vector<1x64xf32>
    %add3A_3410 = arith.addf %add3A_3401, %mul3A_3409 : vector<1x64xf32>
    %convert_element_type3A_3411 = arith.truncf %select_n3A_2821 : vector<116x128xf32> to vector<116x128xbf16>
    %dot_general3A_3412 = arith.constant dense<0.000000e+00> : vector<116x64xf32>
    %dot_general3A_3413 = tpu.matmul %convert_element_type3A_3411, %convert_element_type3A_3062, %dot_general3A_3412 {dimension_numbers = #tpu.dot_dimension_numbers<[1], [0], [0], [1], [0, 0, 1, 1], [], []>, transpose_lhs_hint = false} : vector<116x128xbf16>, vector<128x64xbf16>, vector<116x64xf32> -> vector<116x64xf32>
    %tanh3A_3414 = math.tanh %dot_general3A_3413 : vector<116x64xf32>
    %reduce_sum3A_3415 = arith.constant dense<0.000000e+00> : vector<64xf32>
    %reduce_sum3A_3416 = vector.multi_reduction <add>, %tanh3A_3414, %reduce_sum3A_3415 [0] : vector<116x64xf32> to vector<64xf32>
    %broadcast_in_dim3A_3417 = vector.shape_cast %reduce_sum3A_3416 : vector<64xf32> to vector<1x64xf32>
    %mul3A_3418 = arith.mulf %broadcast_in_dim3A_3417, %get3A_3 : vector<1x64xf32>
    %add3A_3419 = arith.addf %add3A_3410, %mul3A_3418 : vector<1x64xf32>
    %convert_element_type3A_3420 = arith.truncf %select_n3A_2846 : vector<116x128xf32> to vector<116x128xbf16>
    %dot_general3A_3421 = arith.constant dense<0.000000e+00> : vector<116x64xf32>
    %dot_general3A_3422 = tpu.matmul %convert_element_type3A_3420, %convert_element_type3A_3062, %dot_general3A_3421 {dimension_numbers = #tpu.dot_dimension_numbers<[1], [0], [0], [1], [0, 0, 1, 1], [], []>, transpose_lhs_hint = false} : vector<116x128xbf16>, vector<128x64xbf16>, vector<116x64xf32> -> vector<116x64xf32>
    %tanh3A_3423 = math.tanh %dot_general3A_3422 : vector<116x64xf32>
    %reduce_sum3A_3424 = arith.constant dense<0.000000e+00> : vector<64xf32>
    %reduce_sum3A_3425 = vector.multi_reduction <add>, %tanh3A_3423, %reduce_sum3A_3424 [0] : vector<116x64xf32> to vector<64xf32>
    %broadcast_in_dim3A_3426 = vector.shape_cast %reduce_sum3A_3425 : vector<64xf32> to vector<1x64xf32>
    %mul3A_3427 = arith.mulf %broadcast_in_dim3A_3426, %get3A_3 : vector<1x64xf32>
    %add3A_3428 = arith.addf %add3A_3419, %mul3A_3427 : vector<1x64xf32>
    %convert_element_type3A_3429 = arith.truncf %select_n3A_2871 : vector<116x128xf32> to vector<116x128xbf16>
    %dot_general3A_3430 = arith.constant dense<0.000000e+00> : vector<116x64xf32>
    %dot_general3A_3431 = tpu.matmul %convert_element_type3A_3429, %convert_element_type3A_3062, %dot_general3A_3430 {dimension_numbers = #tpu.dot_dimension_numbers<[1], [0], [0], [1], [0, 0, 1, 1], [], []>, transpose_lhs_hint = false} : vector<116x128xbf16>, vector<128x64xbf16>, vector<116x64xf32> -> vector<116x64xf32>
    %tanh3A_3432 = math.tanh %dot_general3A_3431 : vector<116x64xf32>
    %reduce_sum3A_3433 = arith.constant dense<0.000000e+00> : vector<64xf32>
    %reduce_sum3A_3434 = vector.multi_reduction <add>, %tanh3A_3432, %reduce_sum3A_3433 [0] : vector<116x64xf32> to vector<64xf32>
    %broadcast_in_dim3A_3435 = vector.shape_cast %reduce_sum3A_3434 : vector<64xf32> to vector<1x64xf32>
    %mul3A_3436 = arith.mulf %broadcast_in_dim3A_3435, %get3A_3 : vector<1x64xf32>
    %add3A_3437 = arith.addf %add3A_3428, %mul3A_3436 : vector<1x64xf32>
    %convert_element_type3A_3438 = arith.truncf %select_n3A_2896 : vector<116x128xf32> to vector<116x128xbf16>
    %dot_general3A_3439 = arith.constant dense<0.000000e+00> : vector<116x64xf32>
    %dot_general3A_3440 = tpu.matmul %convert_element_type3A_3438, %convert_element_type3A_3062, %dot_general3A_3439 {dimension_numbers = #tpu.dot_dimension_numbers<[1], [0], [0], [1], [0, 0, 1, 1], [], []>, transpose_lhs_hint = false} : vector<116x128xbf16>, vector<128x64xbf16>, vector<116x64xf32> -> vector<116x64xf32>
    %tanh3A_3441 = math.tanh %dot_general3A_3440 : vector<116x64xf32>
    %reduce_sum3A_3442 = arith.constant dense<0.000000e+00> : vector<64xf32>
    %reduce_sum3A_3443 = vector.multi_reduction <add>, %tanh3A_3441, %reduce_sum3A_3442 [0] : vector<116x64xf32> to vector<64xf32>
    %broadcast_in_dim3A_3444 = vector.shape_cast %reduce_sum3A_3443 : vector<64xf32> to vector<1x64xf32>
    %mul3A_3445 = arith.mulf %broadcast_in_dim3A_3444, %get3A_3 : vector<1x64xf32>
    %add3A_3446 = arith.addf %add3A_3437, %mul3A_3445 : vector<1x64xf32>
    %convert_element_type3A_3447 = arith.truncf %select_n3A_2921 : vector<116x128xf32> to vector<116x128xbf16>
    %dot_general3A_3448 = arith.constant dense<0.000000e+00> : vector<116x64xf32>
    %dot_general3A_3449 = tpu.matmul %convert_element_type3A_3447, %convert_element_type3A_3062, %dot_general3A_3448 {dimension_numbers = #tpu.dot_dimension_numbers<[1], [0], [0], [1], [0, 0, 1, 1], [], []>, transpose_lhs_hint = false} : vector<116x128xbf16>, vector<128x64xbf16>, vector<116x64xf32> -> vector<116x64xf32>
    %tanh3A_3450 = math.tanh %dot_general3A_3449 : vector<116x64xf32>
    %reduce_sum3A_3451 = arith.constant dense<0.000000e+00> : vector<64xf32>
    %reduce_sum3A_3452 = vector.multi_reduction <add>, %tanh3A_3450, %reduce_sum3A_3451 [0] : vector<116x64xf32> to vector<64xf32>
    %broadcast_in_dim3A_3453 = vector.shape_cast %reduce_sum3A_3452 : vector<64xf32> to vector<1x64xf32>
    %mul3A_3454 = arith.mulf %broadcast_in_dim3A_3453, %get3A_3 : vector<1x64xf32>
    %add3A_3455 = arith.addf %add3A_3446, %mul3A_3454 : vector<1x64xf32>
    %convert_element_type3A_3456 = arith.truncf %select_n3A_2946 : vector<116x128xf32> to vector<116x128xbf16>
    %dot_general3A_3457 = arith.constant dense<0.000000e+00> : vector<116x64xf32>
    %dot_general3A_3458 = tpu.matmul %convert_element_type3A_3456, %convert_element_type3A_3062, %dot_general3A_3457 {dimension_numbers = #tpu.dot_dimension_numbers<[1], [0], [0], [1], [0, 0, 1, 1], [], []>, transpose_lhs_hint = false} : vector<116x128xbf16>, vector<128x64xbf16>, vector<116x64xf32> -> vector<116x64xf32>
    %tanh3A_3459 = math.tanh %dot_general3A_3458 : vector<116x64xf32>
    %reduce_sum3A_3460 = arith.constant dense<0.000000e+00> : vector<64xf32>
    %reduce_sum3A_3461 = vector.multi_reduction <add>, %tanh3A_3459, %reduce_sum3A_3460 [0] : vector<116x64xf32> to vector<64xf32>
    %broadcast_in_dim3A_3462 = vector.shape_cast %reduce_sum3A_3461 : vector<64xf32> to vector<1x64xf32>
    %mul3A_3463 = arith.mulf %broadcast_in_dim3A_3462, %get3A_3 : vector<1x64xf32>
    %add3A_3464 = arith.addf %add3A_3455, %mul3A_3463 : vector<1x64xf32>
    %convert_element_type3A_3465 = arith.truncf %select_n3A_2971 : vector<116x128xf32> to vector<116x128xbf16>
    %dot_general3A_3466 = arith.constant dense<0.000000e+00> : vector<116x64xf32>
    %dot_general3A_3467 = tpu.matmul %convert_element_type3A_3465, %convert_element_type3A_3062, %dot_general3A_3466 {dimension_numbers = #tpu.dot_dimension_numbers<[1], [0], [0], [1], [0, 0, 1, 1], [], []>, transpose_lhs_hint = false} : vector<116x128xbf16>, vector<128x64xbf16>, vector<116x64xf32> -> vector<116x64xf32>
    %tanh3A_3468 = math.tanh %dot_general3A_3467 : vector<116x64xf32>
    %reduce_sum3A_3469 = arith.constant dense<0.000000e+00> : vector<64xf32>
    %reduce_sum3A_3470 = vector.multi_reduction <add>, %tanh3A_3468, %reduce_sum3A_3469 [0] : vector<116x64xf32> to vector<64xf32>
    %broadcast_in_dim3A_3471 = vector.shape_cast %reduce_sum3A_3470 : vector<64xf32> to vector<1x64xf32>
    %mul3A_3472 = arith.mulf %broadcast_in_dim3A_3471, %get3A_3 : vector<1x64xf32>
    %add3A_3473 = arith.addf %add3A_3464, %mul3A_3472 : vector<1x64xf32>
    %convert_element_type3A_3474 = arith.truncf %select_n3A_2996 : vector<116x128xf32> to vector<116x128xbf16>
    %dot_general3A_3475 = arith.constant dense<0.000000e+00> : vector<116x64xf32>
    %dot_general3A_3476 = tpu.matmul %convert_element_type3A_3474, %convert_element_type3A_3062, %dot_general3A_3475 {dimension_numbers = #tpu.dot_dimension_numbers<[1], [0], [0], [1], [0, 0, 1, 1], [], []>, transpose_lhs_hint = false} : vector<116x128xbf16>, vector<128x64xbf16>, vector<116x64xf32> -> vector<116x64xf32>
    %tanh3A_3477 = math.tanh %dot_general3A_3476 : vector<116x64xf32>
    %reduce_sum3A_3478 = arith.constant dense<0.000000e+00> : vector<64xf32>
    %reduce_sum3A_3479 = vector.multi_reduction <add>, %tanh3A_3477, %reduce_sum3A_3478 [0] : vector<116x64xf32> to vector<64xf32>
    %broadcast_in_dim3A_3480 = vector.shape_cast %reduce_sum3A_3479 : vector<64xf32> to vector<1x64xf32>
    %mul3A_3481 = arith.mulf %broadcast_in_dim3A_3480, %get3A_3 : vector<1x64xf32>
    %add3A_3482 = arith.addf %add3A_3473, %mul3A_3481 : vector<1x64xf32>
    %convert_element_type3A_3483 = arith.truncf %select_n3A_3021 : vector<116x128xf32> to vector<116x128xbf16>
    %dot_general3A_3484 = arith.constant dense<0.000000e+00> : vector<116x64xf32>
    %dot_general3A_3485 = tpu.matmul %convert_element_type3A_3483, %convert_element_type3A_3062, %dot_general3A_3484 {dimension_numbers = #tpu.dot_dimension_numbers<[1], [0], [0], [1], [0, 0, 1, 1], [], []>, transpose_lhs_hint = false} : vector<116x128xbf16>, vector<128x64xbf16>, vector<116x64xf32> -> vector<116x64xf32>
    %tanh3A_3486 = math.tanh %dot_general3A_3485 : vector<116x64xf32>
    %reduce_sum3A_3487 = arith.constant dense<0.000000e+00> : vector<64xf32>
    %reduce_sum3A_3488 = vector.multi_reduction <add>, %tanh3A_3486, %reduce_sum3A_3487 [0] : vector<116x64xf32> to vector<64xf32>
    %broadcast_in_dim3A_3489 = vector.shape_cast %reduce_sum3A_3488 : vector<64xf32> to vector<1x64xf32>
    %mul3A_3490 = arith.mulf %broadcast_in_dim3A_3489, %get3A_3 : vector<1x64xf32>
    %add3A_3491 = arith.addf %add3A_3482, %mul3A_3490 : vector<1x64xf32>
    %convert_element_type3A_3492 = arith.truncf %select_n3A_3046 : vector<116x128xf32> to vector<116x128xbf16>
    %dot_general3A_3493 = arith.constant dense<0.000000e+00> : vector<116x64xf32>
    %dot_general3A_3494 = tpu.matmul %convert_element_type3A_3492, %convert_element_type3A_3062, %dot_general3A_3493 {dimension_numbers = #tpu.dot_dimension_numbers<[1], [0], [0], [1], [0, 0, 1, 1], [], []>, transpose_lhs_hint = false} : vector<116x128xbf16>, vector<128x64xbf16>, vector<116x64xf32> -> vector<116x64xf32>
    %tanh3A_3495 = math.tanh %dot_general3A_3494 : vector<116x64xf32>
    %reduce_sum3A_3496 = arith.constant dense<0.000000e+00> : vector<64xf32>
    %reduce_sum3A_3497 = vector.multi_reduction <add>, %tanh3A_3495, %reduce_sum3A_3496 [0] : vector<116x64xf32> to vector<64xf32>
    %broadcast_in_dim3A_3498 = vector.shape_cast %reduce_sum3A_3497 : vector<64xf32> to vector<1x64xf32>
    %mul3A_3499 = arith.mulf %broadcast_in_dim3A_3498, %get3A_3 : vector<1x64xf32>
    %add3A_3500 = arith.addf %add3A_3491, %mul3A_3499 : vector<1x64xf32>
    %get3A_3501 = arith.constant 0 : index
    %get3A_3502 = arith.constant 0 : index
    %get3A_3503 = vector.load %arg45[%get3A_3501, %get3A_3502] : memref<3x64xf32, #tpu.memory_space<vmem>>, vector<3x64xf32>
    %concatenate3A = tpu.concatenate %add3A_3212, %add3A_3356, %add3A_3500 in 0 : vector<1x64xf32>, vector<1x64xf32>, vector<1x64xf32> -> vector<3x64xf32>
    %add3A_3504 = arith.addf %get3A_3503, %concatenate3A : vector<3x64xf32>
    %swap3A_3505 = arith.constant 0 : index
    %swap3A_3506 = arith.constant 0 : index
    %swap3A_3507 = vector.load %arg45[%swap3A_3505, %swap3A_3506] : memref<3x64xf32, #tpu.memory_space<vmem>>, vector<3x64xf32>
    tpu.vector_store %arg45[%swap3A_3505, %swap3A_3506], %add3A_3504 {strides = array<i32>} : memref<3x64xf32, #tpu.memory_space<vmem>>, vector<3x64xf32>,
    %eq3A_3508 = arith.constant 15 : i32
    %eq3A_3509 = arith.cmpi eq, %arg0, %eq3A_3508 : i32
    %convert_element_type3A_3510 = arith.extui %eq3A_3509 : i1 to i32
    %cond3A_3511 = arith.constant 0 : i32
    %cond3A_3512 = arith.cmpi ne, %convert_element_type3A_3510, %cond3A_3511 : i32
    scf.if %cond3A_3512 {
      %get3A_3513 = arith.constant 0 : index
      %get3A_3514 = arith.constant 0 : index
      %get3A_3515 = vector.load %arg45[%get3A_3513, %get3A_3514] : memref<3x64xf32, #tpu.memory_space<vmem>>, vector<3x64xf32>
      %reduce_sum3A_3516 = arith.constant dense<0.000000e+00> : vector<3xf32>
      %reduce_sum3A_3517 = vector.multi_reduction <add>, %get3A_3515, %reduce_sum3A_3516 [1] : vector<3x64xf32> to vector<3xf32>
      %broadcast_in_dim3A_3518 = vector.shape_cast %reduce_sum3A_3517 : vector<3xf32> to vector<3x1xf32>
      %div3A_3519 = arith.constant 2.969600e+04 : f32
      %div3A_3520 = vector.broadcast %div3A_3519 : f32 to vector<3x1xf32>
      %div3A_3521 = arith.divf %broadcast_in_dim3A_3518, %div3A_3520 : vector<3x1xf32>
      %reduce_max3A_3522 = arith.constant dense<0xFF800000> : vector<1xf32>
      %reduce_max3A_3523 = vector.multi_reduction <maximumf>, %div3A_3521, %reduce_max3A_3522 [0] : vector<3x1xf32> to vector<1xf32>
      %broadcast_in_dim3A_3524 = vector.shape_cast %reduce_max3A_3523 : vector<1xf32> to vector<1x1xf32>
      %sub3A = vector.broadcast %broadcast_in_dim3A_3524 : vector<1x1xf32> to vector<3x1xf32>
      %sub3A_3525 = arith.subf %div3A_3521, %sub3A : vector<3x1xf32>
      %exp3A = math.exp %sub3A_3525 : vector<3x1xf32>
      %reduce_sum3A_3526 = arith.constant dense<0.000000e+00> : vector<1xf32>
      %reduce_sum3A_3527 = vector.multi_reduction <add>, %exp3A, %reduce_sum3A_3526 [0] : vector<3x1xf32> to vector<1xf32>
      %broadcast_in_dim3A_3528 = vector.shape_cast %reduce_sum3A_3527 : vector<1xf32> to vector<1x1xf32>
      %div3A_3529 = vector.broadcast %broadcast_in_dim3A_3528 : vector<1x1xf32> to vector<3x1xf32>
      %div3A_3530 = arith.divf %exp3A, %div3A_3529 : vector<3x1xf32>
      %get3A_3531 = arith.constant 0 : index
      %get3A_3532 = arith.constant 0 : index
      %get3A_3533 = arith.constant 0 : index
      %get3A_3534 = vector.load %arg44[%get3A_3531, %get3A_3532, %get3A_3533] : memref<3x256x128xf32, #tpu.memory_space<vmem>>, vector<3x256x128xf32>
      %broadcast_in_dim3A_3535 = vector.shape_cast %div3A_3530 : vector<3x1xf32> to vector<3x1x1xf32>
      %mul3A_3536 = vector.broadcast %broadcast_in_dim3A_3535 : vector<3x1x1xf32> to vector<3x256x128xf32>
      %mul3A_3537 = arith.mulf %mul3A_3536, %get3A_3534 : vector<3x256x128xf32>
      %reduce_sum3A_3538 = arith.constant dense<0.000000e+00> : vector<256x128xf32>
      %reduce_sum3A_3539 = vector.multi_reduction <add>, %mul3A_3537, %reduce_sum3A_3538 [0] : vector<3x256x128xf32> to vector<256x128xf32>
      %swap3A_3540 = arith.constant 0 : index
      %swap3A_3541 = arith.constant 0 : index
      %swap3A_3542 = vector.load %arg42[%swap3A_3540, %swap3A_3541] : memref<256x128xf32, #tpu.memory_space<vmem>>, vector<256x128xf32>
      tpu.vector_store %arg42[%swap3A_3540, %swap3A_3541], %reduce_sum3A_3539 {strides = array<i32>} : memref<256x128xf32, #tpu.memory_space<vmem>>, vector<256x128xf32>,
      %get3A_3543 = arith.constant 0 : index
      %get3A_3544 = arith.constant 0 : index
      %get3A_3545 = vector.load %arg39[%get3A_3543, %get3A_3544] : memref<128x2xf32, #tpu.memory_space<vmem>>, vector<128x2xf32>
      %dot_general3A_3546 = arith.constant dense<0.000000e+00> : vector<256x2xf32>
      %dot_general3A_3547 = tpu.matmul %reduce_sum3A_3539, %get3A_3545, %dot_general3A_3546 {dimension_numbers = #tpu.dot_dimension_numbers<[1], [0], [0], [1], [0, 0, 1, 1], [], []>, transpose_lhs_hint = false} : vector<256x128xf32>, vector<128x2xf32>, vector<256x2xf32> -> vector<256x2xf32>
      %get3A_3548 = arith.constant 0 : index
      %get3A_3549 = arith.constant 0 : index
      %get3A_3550 = vector.load %arg40[%get3A_3548, %get3A_3549] : memref<1x2xf32, #tpu.memory_space<vmem>>, vector<1x2xf32>
      %add3A_3551 = vector.broadcast %get3A_3550 : vector<1x2xf32> to vector<256x2xf32>
      %add3A_3552 = arith.addf %dot_general3A_3547, %add3A_3551 : vector<256x2xf32>
      %swap3A_3553 = arith.constant 0 : index
      %swap3A_3554 = arith.constant 0 : index
      %swap3A_3555 = vector.load %arg43[%swap3A_3553, %swap3A_3554] : memref<256x2xf32, #tpu.memory_space<vmem>>, vector<256x2xf32>
      tpu.vector_store %arg43[%swap3A_3553, %swap3A_3554], %add3A_3552 {strides = array<i32>} : memref<256x2xf32, #tpu.memory_space<vmem>>, vector<256x2xf32>,
    } else {
    }
    return
  }
  func.func @transform_0(%arg0: i32, %arg1: memref<256xi32, #tpu.memory_space<smem>>) -> (i32, i32, i32, i32) {
    %mul3A = arith.constant 16 : i32
    %mul3A_0 = arith.muli %arg0, %mul3A : i32
    %add3A = arith.constant 0 : i32
    %add3A_1 = arith.addi %mul3A_0, %add3A : i32
    %get3A = arith.index_cast %add3A_1 : i32 to index
    %get3A_2 = memref.load %arg1[%get3A] : memref<256xi32, #tpu.memory_space<smem>>
    %c0_i32 = arith.constant 0 : i32
    %c0_i32_3 = arith.constant 0 : i32
    %c0_i32_4 = arith.constant 0 : i32
    %c0_i32_5 = arith.constant 0 : i32
    return %get3A_2, %c0_i32, %c0_i32_3, %c0_i32_4 : i32, i32, i32, i32
  }
  func.func @transform_1(%arg0: i32, %arg1: memref<256xi32, #tpu.memory_space<smem>>) -> (i32, i32, i32, i32) {
    %mul3A = arith.constant 16 : i32
    %mul3A_0 = arith.muli %arg0, %mul3A : i32
    %add3A = arith.constant 1 : i32
    %add3A_1 = arith.addi %mul3A_0, %add3A : i32
    %get3A = arith.index_cast %add3A_1 : i32 to index
    %get3A_2 = memref.load %arg1[%get3A] : memref<256xi32, #tpu.memory_space<smem>>
    %c0_i32 = arith.constant 0 : i32
    %c0_i32_3 = arith.constant 0 : i32
    %c0_i32_4 = arith.constant 0 : i32
    %c0_i32_5 = arith.constant 0 : i32
    return %get3A_2, %c0_i32, %c0_i32_3, %c0_i32_4 : i32, i32, i32, i32
  }
  func.func @transform_2(%arg0: i32, %arg1: memref<256xi32, #tpu.memory_space<smem>>) -> (i32, i32, i32, i32) {
    %mul3A = arith.constant 16 : i32
    %mul3A_0 = arith.muli %arg0, %mul3A : i32
    %add3A = arith.constant 2 : i32
    %add3A_1 = arith.addi %mul3A_0, %add3A : i32
    %get3A = arith.index_cast %add3A_1 : i32 to index
    %get3A_2 = memref.load %arg1[%get3A] : memref<256xi32, #tpu.memory_space<smem>>
    %c0_i32 = arith.constant 0 : i32
    %c0_i32_3 = arith.constant 0 : i32
    %c0_i32_4 = arith.constant 0 : i32
    %c0_i32_5 = arith.constant 0 : i32
    return %get3A_2, %c0_i32, %c0_i32_3, %c0_i32_4 : i32, i32, i32, i32
  }
  func.func @transform_3(%arg0: i32, %arg1: memref<256xi32, #tpu.memory_space<smem>>) -> (i32, i32, i32, i32) {
    %mul3A = arith.constant 16 : i32
    %mul3A_0 = arith.muli %arg0, %mul3A : i32
    %add3A = arith.constant 3 : i32
    %add3A_1 = arith.addi %mul3A_0, %add3A : i32
    %get3A = arith.index_cast %add3A_1 : i32 to index
    %get3A_2 = memref.load %arg1[%get3A] : memref<256xi32, #tpu.memory_space<smem>>
    %c0_i32 = arith.constant 0 : i32
    %c0_i32_3 = arith.constant 0 : i32
    %c0_i32_4 = arith.constant 0 : i32
    %c0_i32_5 = arith.constant 0 : i32
    return %get3A_2, %c0_i32, %c0_i32_3, %c0_i32_4 : i32, i32, i32, i32
  }
  func.func @transform_4(%arg0: i32, %arg1: memref<256xi32, #tpu.memory_space<smem>>) -> (i32, i32, i32, i32) {
    %mul3A = arith.constant 16 : i32
    %mul3A_0 = arith.muli %arg0, %mul3A : i32
    %add3A = arith.constant 4 : i32
    %add3A_1 = arith.addi %mul3A_0, %add3A : i32
    %get3A = arith.index_cast %add3A_1 : i32 to index
    %get3A_2 = memref.load %arg1[%get3A] : memref<256xi32, #tpu.memory_space<smem>>
    %c0_i32 = arith.constant 0 : i32
    %c0_i32_3 = arith.constant 0 : i32
    %c0_i32_4 = arith.constant 0 : i32
    %c0_i32_5 = arith.constant 0 : i32
    return %get3A_2, %c0_i32, %c0_i32_3, %c0_i32_4 : i32, i32, i32, i32
  }
  func.func @transform_5(%arg0: i32, %arg1: memref<256xi32, #tpu.memory_space<smem>>) -> (i32, i32, i32, i32) {
    %mul3A = arith.constant 16 : i32
    %mul3A_0 = arith.muli %arg0, %mul3A : i32
    %add3A = arith.constant 5 : i32
    %add3A_1 = arith.addi %mul3A_0, %add3A : i32
    %get3A = arith.index_cast %add3A_1 : i32 to index
    %get3A_2 = memref.load %arg1[%get3A] : memref<256xi32, #tpu.memory_space<smem>>
    %c0_i32 = arith.constant 0 : i32
    %c0_i32_3 = arith.constant 0 : i32
    %c0_i32_4 = arith.constant 0 : i32
    %c0_i32_5 = arith.constant 0 : i32
    return %get3A_2, %c0_i32, %c0_i32_3, %c0_i32_4 : i32, i32, i32, i32
  }
  func.func @transform_6(%arg0: i32, %arg1: memref<256xi32, #tpu.memory_space<smem>>) -> (i32, i32, i32, i32) {
    %mul3A = arith.constant 16 : i32
    %mul3A_0 = arith.muli %arg0, %mul3A : i32
    %add3A = arith.constant 6 : i32
    %add3A_1 = arith.addi %mul3A_0, %add3A : i32
    %get3A = arith.index_cast %add3A_1 : i32 to index
    %get3A_2 = memref.load %arg1[%get3A] : memref<256xi32, #tpu.memory_space<smem>>
    %c0_i32 = arith.constant 0 : i32
    %c0_i32_3 = arith.constant 0 : i32
    %c0_i32_4 = arith.constant 0 : i32
    %c0_i32_5 = arith.constant 0 : i32
    return %get3A_2, %c0_i32, %c0_i32_3, %c0_i32_4 : i32, i32, i32, i32
  }
  func.func @transform_7(%arg0: i32, %arg1: memref<256xi32, #tpu.memory_space<smem>>) -> (i32, i32, i32, i32) {
    %mul3A = arith.constant 16 : i32
    %mul3A_0 = arith.muli %arg0, %mul3A : i32
    %add3A = arith.constant 7 : i32
    %add3A_1 = arith.addi %mul3A_0, %add3A : i32
    %get3A = arith.index_cast %add3A_1 : i32 to index
    %get3A_2 = memref.load %arg1[%get3A] : memref<256xi32, #tpu.memory_space<smem>>
    %c0_i32 = arith.constant 0 : i32
    %c0_i32_3 = arith.constant 0 : i32
    %c0_i32_4 = arith.constant 0 : i32
    %c0_i32_5 = arith.constant 0 : i32
    return %get3A_2, %c0_i32, %c0_i32_3, %c0_i32_4 : i32, i32, i32, i32
  }
  func.func @transform_8(%arg0: i32, %arg1: memref<256xi32, #tpu.memory_space<smem>>) -> (i32, i32, i32, i32) {
    %mul3A = arith.constant 16 : i32
    %mul3A_0 = arith.muli %arg0, %mul3A : i32
    %add3A = arith.constant 8 : i32
    %add3A_1 = arith.addi %mul3A_0, %add3A : i32
    %get3A = arith.index_cast %add3A_1 : i32 to index
    %get3A_2 = memref.load %arg1[%get3A] : memref<256xi32, #tpu.memory_space<smem>>
    %c0_i32 = arith.constant 0 : i32
    %c0_i32_3 = arith.constant 0 : i32
    %c0_i32_4 = arith.constant 0 : i32
    %c0_i32_5 = arith.constant 0 : i32
    return %get3A_2, %c0_i32, %c0_i32_3, %c0_i32_4 : i32, i32, i32, i32
  }
  func.func @transform_9(%arg0: i32, %arg1: memref<256xi32, #tpu.memory_space<smem>>) -> (i32, i32, i32, i32) {
    %mul3A = arith.constant 16 : i32
    %mul3A_0 = arith.muli %arg0, %mul3A : i32
    %add3A = arith.constant 9 : i32
    %add3A_1 = arith.addi %mul3A_0, %add3A : i32
    %get3A = arith.index_cast %add3A_1 : i32 to index
    %get3A_2 = memref.load %arg1[%get3A] : memref<256xi32, #tpu.memory_space<smem>>
    %c0_i32 = arith.constant 0 : i32
    %c0_i32_3 = arith.constant 0 : i32
    %c0_i32_4 = arith.constant 0 : i32
    %c0_i32_5 = arith.constant 0 : i32
    return %get3A_2, %c0_i32, %c0_i32_3, %c0_i32_4 : i32, i32, i32, i32
  }
  func.func @transform_10(%arg0: i32, %arg1: memref<256xi32, #tpu.memory_space<smem>>) -> (i32, i32, i32, i32) {
    %mul3A = arith.constant 16 : i32
    %mul3A_0 = arith.muli %arg0, %mul3A : i32
    %add3A = arith.constant 10 : i32
    %add3A_1 = arith.addi %mul3A_0, %add3A : i32
    %get3A = arith.index_cast %add3A_1 : i32 to index
    %get3A_2 = memref.load %arg1[%get3A] : memref<256xi32, #tpu.memory_space<smem>>
    %c0_i32 = arith.constant 0 : i32
    %c0_i32_3 = arith.constant 0 : i32
    %c0_i32_4 = arith.constant 0 : i32
    %c0_i32_5 = arith.constant 0 : i32
    return %get3A_2, %c0_i32, %c0_i32_3, %c0_i32_4 : i32, i32, i32, i32
  }
  func.func @transform_11(%arg0: i32, %arg1: memref<256xi32, #tpu.memory_space<smem>>) -> (i32, i32, i32, i32) {
    %mul3A = arith.constant 16 : i32
    %mul3A_0 = arith.muli %arg0, %mul3A : i32
    %add3A = arith.constant 11 : i32
    %add3A_1 = arith.addi %mul3A_0, %add3A : i32
    %get3A = arith.index_cast %add3A_1 : i32 to index
    %get3A_2 = memref.load %arg1[%get3A] : memref<256xi32, #tpu.memory_space<smem>>
    %c0_i32 = arith.constant 0 : i32
    %c0_i32_3 = arith.constant 0 : i32
    %c0_i32_4 = arith.constant 0 : i32
    %c0_i32_5 = arith.constant 0 : i32
    return %get3A_2, %c0_i32, %c0_i32_3, %c0_i32_4 : i32, i32, i32, i32
  }
  func.func @transform_12(%arg0: i32, %arg1: memref<256xi32, #tpu.memory_space<smem>>) -> (i32, i32, i32, i32) {
    %mul3A = arith.constant 16 : i32
    %mul3A_0 = arith.muli %arg0, %mul3A : i32
    %add3A = arith.constant 12 : i32
    %add3A_1 = arith.addi %mul3A_0, %add3A : i32
    %get3A = arith.index_cast %add3A_1 : i32 to index
    %get3A_2 = memref.load %arg1[%get3A] : memref<256xi32, #tpu.memory_space<smem>>
    %c0_i32 = arith.constant 0 : i32
    %c0_i32_3 = arith.constant 0 : i32
    %c0_i32_4 = arith.constant 0 : i32
    %c0_i32_5 = arith.constant 0 : i32
    return %get3A_2, %c0_i32, %c0_i32_3, %c0_i32_4 : i32, i32, i32, i32
  }
  func.func @transform_13(%arg0: i32, %arg1: memref<256xi32, #tpu.memory_space<smem>>) -> (i32, i32, i32, i32) {
    %mul3A = arith.constant 16 : i32
    %mul3A_0 = arith.muli %arg0, %mul3A : i32
    %add3A = arith.constant 13 : i32
    %add3A_1 = arith.addi %mul3A_0, %add3A : i32
    %get3A = arith.index_cast %add3A_1 : i32 to index
    %get3A_2 = memref.load %arg1[%get3A] : memref<256xi32, #tpu.memory_space<smem>>
    %c0_i32 = arith.constant 0 : i32
    %c0_i32_3 = arith.constant 0 : i32
    %c0_i32_4 = arith.constant 0 : i32
    %c0_i32_5 = arith.constant 0 : i32
    return %get3A_2, %c0_i32, %c0_i32_3, %c0_i32_4 : i32, i32, i32, i32
  }
  func.func @transform_14(%arg0: i32, %arg1: memref<256xi32, #tpu.memory_space<smem>>) -> (i32, i32, i32, i32) {
    %mul3A = arith.constant 16 : i32
    %mul3A_0 = arith.muli %arg0, %mul3A : i32
    %add3A = arith.constant 14 : i32
    %add3A_1 = arith.addi %mul3A_0, %add3A : i32
    %get3A = arith.index_cast %add3A_1 : i32 to index
    %get3A_2 = memref.load %arg1[%get3A] : memref<256xi32, #tpu.memory_space<smem>>
    %c0_i32 = arith.constant 0 : i32
    %c0_i32_3 = arith.constant 0 : i32
    %c0_i32_4 = arith.constant 0 : i32
    %c0_i32_5 = arith.constant 0 : i32
    return %get3A_2, %c0_i32, %c0_i32_3, %c0_i32_4 : i32, i32, i32, i32
  }
  func.func @transform_15(%arg0: i32, %arg1: memref<256xi32, #tpu.memory_space<smem>>) -> (i32, i32, i32, i32) {
    %mul3A = arith.constant 16 : i32
    %mul3A_0 = arith.muli %arg0, %mul3A : i32
    %add3A = arith.constant 15 : i32
    %add3A_1 = arith.addi %mul3A_0, %add3A : i32
    %get3A = arith.index_cast %add3A_1 : i32 to index
    %get3A_2 = memref.load %arg1[%get3A] : memref<256xi32, #tpu.memory_space<smem>>
    %c0_i32 = arith.constant 0 : i32
    %c0_i32_3 = arith.constant 0 : i32
    %c0_i32_4 = arith.constant 0 : i32
    %c0_i32_5 = arith.constant 0 : i32
    return %get3A_2, %c0_i32, %c0_i32_3, %c0_i32_4 : i32, i32, i32, i32
  }
  func.func @transform_16(%arg0: i32, %arg1: memref<256xi32, #tpu.memory_space<smem>>) -> (i32, i32, i32, i32) {
    %mul3A = arith.constant 16 : i32
    %mul3A_0 = arith.muli %arg0, %mul3A : i32
    %add3A = arith.constant 0 : i32
    %add3A_1 = arith.addi %mul3A_0, %add3A : i32
    %get3A = arith.index_cast %add3A_1 : i32 to index
    %get3A_2 = memref.load %arg1[%get3A] : memref<256xi32, #tpu.memory_space<smem>>
    %c0_i32 = arith.constant 0 : i32
    %c0_i32_3 = arith.constant 0 : i32
    %c0_i32_4 = arith.constant 0 : i32
    %c0_i32_5 = arith.constant 0 : i32
    return %get3A_2, %c0_i32, %c0_i32_3, %c0_i32_4 : i32, i32, i32, i32
  }
  func.func @transform_17(%arg0: i32, %arg1: memref<256xi32, #tpu.memory_space<smem>>) -> (i32, i32, i32, i32) {
    %mul3A = arith.constant 16 : i32
    %mul3A_0 = arith.muli %arg0, %mul3A : i32
    %add3A = arith.constant 1 : i32
    %add3A_1 = arith.addi %mul3A_0, %add3A : i32
    %get3A = arith.index_cast %add3A_1 : i32 to index
    %get3A_2 = memref.load %arg1[%get3A] : memref<256xi32, #tpu.memory_space<smem>>
    %c0_i32 = arith.constant 0 : i32
    %c0_i32_3 = arith.constant 0 : i32
    %c0_i32_4 = arith.constant 0 : i32
    %c0_i32_5 = arith.constant 0 : i32
    return %get3A_2, %c0_i32, %c0_i32_3, %c0_i32_4 : i32, i32, i32, i32
  }
  func.func @transform_18(%arg0: i32, %arg1: memref<256xi32, #tpu.memory_space<smem>>) -> (i32, i32, i32, i32) {
    %mul3A = arith.constant 16 : i32
    %mul3A_0 = arith.muli %arg0, %mul3A : i32
    %add3A = arith.constant 2 : i32
    %add3A_1 = arith.addi %mul3A_0, %add3A : i32
    %get3A = arith.index_cast %add3A_1 : i32 to index
    %get3A_2 = memref.load %arg1[%get3A] : memref<256xi32, #tpu.memory_space<smem>>
    %c0_i32 = arith.constant 0 : i32
    %c0_i32_3 = arith.constant 0 : i32
    %c0_i32_4 = arith.constant 0 : i32
    %c0_i32_5 = arith.constant 0 : i32
    return %get3A_2, %c0_i32, %c0_i32_3, %c0_i32_4 : i32, i32, i32, i32
  }
  func.func @transform_19(%arg0: i32, %arg1: memref<256xi32, #tpu.memory_space<smem>>) -> (i32, i32, i32, i32) {
    %mul3A = arith.constant 16 : i32
    %mul3A_0 = arith.muli %arg0, %mul3A : i32
    %add3A = arith.constant 3 : i32
    %add3A_1 = arith.addi %mul3A_0, %add3A : i32
    %get3A = arith.index_cast %add3A_1 : i32 to index
    %get3A_2 = memref.load %arg1[%get3A] : memref<256xi32, #tpu.memory_space<smem>>
    %c0_i32 = arith.constant 0 : i32
    %c0_i32_3 = arith.constant 0 : i32
    %c0_i32_4 = arith.constant 0 : i32
    %c0_i32_5 = arith.constant 0 : i32
    return %get3A_2, %c0_i32, %c0_i32_3, %c0_i32_4 : i32, i32, i32, i32
  }
  func.func @transform_20(%arg0: i32, %arg1: memref<256xi32, #tpu.memory_space<smem>>) -> (i32, i32, i32, i32) {
    %mul3A = arith.constant 16 : i32
    %mul3A_0 = arith.muli %arg0, %mul3A : i32
    %add3A = arith.constant 4 : i32
    %add3A_1 = arith.addi %mul3A_0, %add3A : i32
    %get3A = arith.index_cast %add3A_1 : i32 to index
    %get3A_2 = memref.load %arg1[%get3A] : memref<256xi32, #tpu.memory_space<smem>>
    %c0_i32 = arith.constant 0 : i32
    %c0_i32_3 = arith.constant 0 : i32
    %c0_i32_4 = arith.constant 0 : i32
    %c0_i32_5 = arith.constant 0 : i32
    return %get3A_2, %c0_i32, %c0_i32_3, %c0_i32_4 : i32, i32, i32, i32
  }
  func.func @transform_21(%arg0: i32, %arg1: memref<256xi32, #tpu.memory_space<smem>>) -> (i32, i32, i32, i32) {
    %mul3A = arith.constant 16 : i32
    %mul3A_0 = arith.muli %arg0, %mul3A : i32
    %add3A = arith.constant 5 : i32
    %add3A_1 = arith.addi %mul3A_0, %add3A : i32
    %get3A = arith.index_cast %add3A_1 : i32 to index
    %get3A_2 = memref.load %arg1[%get3A] : memref<256xi32, #tpu.memory_space<smem>>
    %c0_i32 = arith.constant 0 : i32
    %c0_i32_3 = arith.constant 0 : i32
    %c0_i32_4 = arith.constant 0 : i32
    %c0_i32_5 = arith.constant 0 : i32
    return %get3A_2, %c0_i32, %c0_i32_3, %c0_i32_4 : i32, i32, i32, i32
  }
  func.func @transform_22(%arg0: i32, %arg1: memref<256xi32, #tpu.memory_space<smem>>) -> (i32, i32, i32, i32) {
    %mul3A = arith.constant 16 : i32
    %mul3A_0 = arith.muli %arg0, %mul3A : i32
    %add3A = arith.constant 6 : i32
    %add3A_1 = arith.addi %mul3A_0, %add3A : i32
    %get3A = arith.index_cast %add3A_1 : i32 to index
    %get3A_2 = memref.load %arg1[%get3A] : memref<256xi32, #tpu.memory_space<smem>>
    %c0_i32 = arith.constant 0 : i32
    %c0_i32_3 = arith.constant 0 : i32
    %c0_i32_4 = arith.constant 0 : i32
    %c0_i32_5 = arith.constant 0 : i32
    return %get3A_2, %c0_i32, %c0_i32_3, %c0_i32_4 : i32, i32, i32, i32
  }
  func.func @transform_23(%arg0: i32, %arg1: memref<256xi32, #tpu.memory_space<smem>>) -> (i32, i32, i32, i32) {
    %mul3A = arith.constant 16 : i32
    %mul3A_0 = arith.muli %arg0, %mul3A : i32
    %add3A = arith.constant 7 : i32
    %add3A_1 = arith.addi %mul3A_0, %add3A : i32
    %get3A = arith.index_cast %add3A_1 : i32 to index
    %get3A_2 = memref.load %arg1[%get3A] : memref<256xi32, #tpu.memory_space<smem>>
    %c0_i32 = arith.constant 0 : i32
    %c0_i32_3 = arith.constant 0 : i32
    %c0_i32_4 = arith.constant 0 : i32
    %c0_i32_5 = arith.constant 0 : i32
    return %get3A_2, %c0_i32, %c0_i32_3, %c0_i32_4 : i32, i32, i32, i32
  }
  func.func @transform_24(%arg0: i32, %arg1: memref<256xi32, #tpu.memory_space<smem>>) -> (i32, i32, i32, i32) {
    %mul3A = arith.constant 16 : i32
    %mul3A_0 = arith.muli %arg0, %mul3A : i32
    %add3A = arith.constant 8 : i32
    %add3A_1 = arith.addi %mul3A_0, %add3A : i32
    %get3A = arith.index_cast %add3A_1 : i32 to index
    %get3A_2 = memref.load %arg1[%get3A] : memref<256xi32, #tpu.memory_space<smem>>
    %c0_i32 = arith.constant 0 : i32
    %c0_i32_3 = arith.constant 0 : i32
    %c0_i32_4 = arith.constant 0 : i32
    %c0_i32_5 = arith.constant 0 : i32
    return %get3A_2, %c0_i32, %c0_i32_3, %c0_i32_4 : i32, i32, i32, i32
  }
  func.func @transform_25(%arg0: i32, %arg1: memref<256xi32, #tpu.memory_space<smem>>) -> (i32, i32, i32, i32) {
    %mul3A = arith.constant 16 : i32
    %mul3A_0 = arith.muli %arg0, %mul3A : i32
    %add3A = arith.constant 9 : i32
    %add3A_1 = arith.addi %mul3A_0, %add3A : i32
    %get3A = arith.index_cast %add3A_1 : i32 to index
    %get3A_2 = memref.load %arg1[%get3A] : memref<256xi32, #tpu.memory_space<smem>>
    %c0_i32 = arith.constant 0 : i32
    %c0_i32_3 = arith.constant 0 : i32
    %c0_i32_4 = arith.constant 0 : i32
    %c0_i32_5 = arith.constant 0 : i32
    return %get3A_2, %c0_i32, %c0_i32_3, %c0_i32_4 : i32, i32, i32, i32
  }
  func.func @transform_26(%arg0: i32, %arg1: memref<256xi32, #tpu.memory_space<smem>>) -> (i32, i32, i32, i32) {
    %mul3A = arith.constant 16 : i32
    %mul3A_0 = arith.muli %arg0, %mul3A : i32
    %add3A = arith.constant 10 : i32
    %add3A_1 = arith.addi %mul3A_0, %add3A : i32
    %get3A = arith.index_cast %add3A_1 : i32 to index
    %get3A_2 = memref.load %arg1[%get3A] : memref<256xi32, #tpu.memory_space<smem>>
    %c0_i32 = arith.constant 0 : i32
    %c0_i32_3 = arith.constant 0 : i32
    %c0_i32_4 = arith.constant 0 : i32
    %c0_i32_5 = arith.constant 0 : i32
    return %get3A_2, %c0_i32, %c0_i32_3, %c0_i32_4 : i32, i32, i32, i32
  }
  func.func @transform_27(%arg0: i32, %arg1: memref<256xi32, #tpu.memory_space<smem>>) -> (i32, i32, i32, i32) {
    %mul3A = arith.constant 16 : i32
    %mul3A_0 = arith.muli %arg0, %mul3A : i32
    %add3A = arith.constant 11 : i32
    %add3A_1 = arith.addi %mul3A_0, %add3A : i32
    %get3A = arith.index_cast %add3A_1 : i32 to index
    %get3A_2 = memref.load %arg1[%get3A] : memref<256xi32, #tpu.memory_space<smem>>
    %c0_i32 = arith.constant 0 : i32
    %c0_i32_3 = arith.constant 0 : i32
    %c0_i32_4 = arith.constant 0 : i32
    %c0_i32_5 = arith.constant 0 : i32
    return %get3A_2, %c0_i32, %c0_i32_3, %c0_i32_4 : i32, i32, i32, i32
  }
  func.func @transform_28(%arg0: i32, %arg1: memref<256xi32, #tpu.memory_space<smem>>) -> (i32, i32, i32, i32) {
    %mul3A = arith.constant 16 : i32
    %mul3A_0 = arith.muli %arg0, %mul3A : i32
    %add3A = arith.constant 12 : i32
    %add3A_1 = arith.addi %mul3A_0, %add3A : i32
    %get3A = arith.index_cast %add3A_1 : i32 to index
    %get3A_2 = memref.load %arg1[%get3A] : memref<256xi32, #tpu.memory_space<smem>>
    %c0_i32 = arith.constant 0 : i32
    %c0_i32_3 = arith.constant 0 : i32
    %c0_i32_4 = arith.constant 0 : i32
    %c0_i32_5 = arith.constant 0 : i32
    return %get3A_2, %c0_i32, %c0_i32_3, %c0_i32_4 : i32, i32, i32, i32
  }
  func.func @transform_29(%arg0: i32, %arg1: memref<256xi32, #tpu.memory_space<smem>>) -> (i32, i32, i32, i32) {
    %mul3A = arith.constant 16 : i32
    %mul3A_0 = arith.muli %arg0, %mul3A : i32
    %add3A = arith.constant 13 : i32
    %add3A_1 = arith.addi %mul3A_0, %add3A : i32
    %get3A = arith.index_cast %add3A_1 : i32 to index
    %get3A_2 = memref.load %arg1[%get3A] : memref<256xi32, #tpu.memory_space<smem>>
    %c0_i32 = arith.constant 0 : i32
    %c0_i32_3 = arith.constant 0 : i32
    %c0_i32_4 = arith.constant 0 : i32
    %c0_i32_5 = arith.constant 0 : i32
    return %get3A_2, %c0_i32, %c0_i32_3, %c0_i32_4 : i32, i32, i32, i32
  }
  func.func @transform_30(%arg0: i32, %arg1: memref<256xi32, #tpu.memory_space<smem>>) -> (i32, i32, i32, i32) {
    %mul3A = arith.constant 16 : i32
    %mul3A_0 = arith.muli %arg0, %mul3A : i32
    %add3A = arith.constant 14 : i32
    %add3A_1 = arith.addi %mul3A_0, %add3A : i32
    %get3A = arith.index_cast %add3A_1 : i32 to index
    %get3A_2 = memref.load %arg1[%get3A] : memref<256xi32, #tpu.memory_space<smem>>
    %c0_i32 = arith.constant 0 : i32
    %c0_i32_3 = arith.constant 0 : i32
    %c0_i32_4 = arith.constant 0 : i32
    %c0_i32_5 = arith.constant 0 : i32
    return %get3A_2, %c0_i32, %c0_i32_3, %c0_i32_4 : i32, i32, i32, i32
  }
  func.func @transform_31(%arg0: i32, %arg1: memref<256xi32, #tpu.memory_space<smem>>) -> (i32, i32, i32, i32) {
    %mul3A = arith.constant 16 : i32
    %mul3A_0 = arith.muli %arg0, %mul3A : i32
    %add3A = arith.constant 15 : i32
    %add3A_1 = arith.addi %mul3A_0, %add3A : i32
    %get3A = arith.index_cast %add3A_1 : i32 to index
    %get3A_2 = memref.load %arg1[%get3A] : memref<256xi32, #tpu.memory_space<smem>>
    %c0_i32 = arith.constant 0 : i32
    %c0_i32_3 = arith.constant 0 : i32
    %c0_i32_4 = arith.constant 0 : i32
    %c0_i32_5 = arith.constant 0 : i32
    return %get3A_2, %c0_i32, %c0_i32_3, %c0_i32_4 : i32, i32, i32, i32
  }
  func.func @transform_32(%arg0: i32, %arg1: memref<256xi32, #tpu.memory_space<smem>>) -> (i32, i32, i32) {
    %c0_i32 = arith.constant 0 : i32
    %c0_i32_0 = arith.constant 0 : i32
    %c0_i32_1 = arith.constant 0 : i32
    %c0_i32_2 = arith.constant 0 : i32
    return %c0_i32, %c0_i32_0, %c0_i32_1 : i32, i32, i32
  }
  func.func @transform_33(%arg0: i32, %arg1: memref<256xi32, #tpu.memory_space<smem>>) -> (i32, i32) {
    %c0_i32 = arith.constant 0 : i32
    %c0_i32_0 = arith.constant 0 : i32
    %c0_i32_1 = arith.constant 0 : i32
    return %c0_i32, %c0_i32_0 : i32, i32
  }
  func.func @transform_34(%arg0: i32, %arg1: memref<256xi32, #tpu.memory_space<smem>>) -> (i32, i32, i32) {
    %c0_i32 = arith.constant 0 : i32
    %c0_i32_0 = arith.constant 0 : i32
    %c0_i32_1 = arith.constant 0 : i32
    %c0_i32_2 = arith.constant 0 : i32
    return %c0_i32, %c0_i32_0, %c0_i32_1 : i32, i32, i32
  }
  func.func @transform_35(%arg0: i32, %arg1: memref<256xi32, #tpu.memory_space<smem>>) -> (i32, i32) {
    %c0_i32 = arith.constant 0 : i32
    %c0_i32_0 = arith.constant 0 : i32
    %c0_i32_1 = arith.constant 0 : i32
    return %c0_i32, %c0_i32_0 : i32, i32
  }
  func.func @transform_36(%arg0: i32, %arg1: memref<256xi32, #tpu.memory_space<smem>>) -> (i32, i32) {
    %c0_i32 = arith.constant 0 : i32
    %c0_i32_0 = arith.constant 0 : i32
    %c0_i32_1 = arith.constant 0 : i32
    return %c0_i32, %c0_i32_0 : i32, i32
  }
  func.func @transform_37(%arg0: i32, %arg1: memref<256xi32, #tpu.memory_space<smem>>) -> (i32, i32) {
    %c0_i32 = arith.constant 0 : i32
    %c0_i32_0 = arith.constant 0 : i32
    %c0_i32_1 = arith.constant 0 : i32
    return %c0_i32, %c0_i32_0 : i32, i32
  }
  func.func @transform_38(%arg0: i32, %arg1: memref<256xi32, #tpu.memory_space<smem>>) -> (i32, i32) {
    %c0_i32 = arith.constant 0 : i32
    %c0_i32_0 = arith.constant 0 : i32
    %c0_i32_1 = arith.constant 0 : i32
    return %c0_i32, %c0_i32_0 : i32, i32
  }
  func.func @transform_39(%arg0: i32, %arg1: memref<256xi32, #tpu.memory_space<smem>>) -> (i32, i32, i32, i32) {
    %c0_i32 = arith.constant 0 : i32
    %c0_i32_0 = arith.constant 0 : i32
    %c0_i32_1 = arith.constant 0 : i32
    %c0_i32_2 = arith.constant 0 : i32
    return %arg0, %c0_i32, %c0_i32_0, %c0_i32_1 : i32, i32, i32, i32
  }
  func.func @transform_40(%arg0: i32, %arg1: memref<256xi32, #tpu.memory_space<smem>>) -> (i32, i32) {
    %c0_i32 = arith.constant 0 : i32
    %c0_i32_0 = arith.constant 0 : i32
    %c0_i32_1 = arith.constant 0 : i32
    return %c0_i32, %c0_i32_0 : i32, i32
  }
  func.func @transform_41(%arg0: i32, %arg1: memref<256xi32, #tpu.memory_space<smem>>) -> (i32, i32) {
    %c0_i32 = arith.constant 0 : i32
    %c0_i32_0 = arith.constant 0 : i32
    %c0_i32_1 = arith.constant 0 : i32
    return %c0_i32, %c0_i32_0 : i32, i32
  }
}

</mosaic_0001>

<sc_bundles>
// kernel: kernel.4.cloned.1.call-start
scs
__scs_entry_jumppad:
0x0: {  	(pc) =	sbr.rel $0x88, $3  }
0x1: {  	(tag) =	ssettag $0x0;
	lr =	simm.s32 $0x1  }
0x2: {  	[smem:$0x3F94] =	sst lr;
	_ =	strace $0xD0000000  }
0x3: {  	_ = 	snop  }
0x4: {  	_ = 	snop  }
0x5: {  	_ = 	snop  }
0x6: {  	_ = 	snop  }
0x7: {  	_ = 	snop  }
__scs_overlays_trampoline_lowered:
0x8: {  	[smem:$0x3FA3] =	sst s0  }
0x9: {  	[smem:$0x3FA4] =	sst s1  }
0xa: {  	[smem:$0x3FA5] =	sst s2  }
0xb: {  	[smem:$0x3FA6] =	sst s3  }
0xc: {  	[smem:$0x3FA7] =	sst s4  }
0xd: {  	[smem:$0x3FA8] =	sst s5  }
0xe: {  	[smem:$0x3FA9] =	sst s6  }
0xf: {  	[smem:$0x3FAA] =	sst s7  }
0x10: {  	[smem:$0x3FAB] =	sst s8  }
0x11: {  	[smem:$0x3FAC] =	sst s9;
	s0 =	simm.s32 @!p0 $0x0  }
0x12: {  	s1 =	sld [smem:$0x3F92];
	s0 =	simm.s32 @p0 $0x1  }
0x13: {  	[smem:$0x3FAD] =	sst s0;
	s0 =	simm.s32 @!p1 $0x0  }
0x14: {  	s2 =	sld [smem:$0x3F91];
	s0 =	simm.s32 @p1 $0x1  }
0x15: {  	[smem:$0x3FAE] =	sst s0;
	s0 =	simm.s32 @!p2 $0x0  }
0x16: {  	s3 =	sld [smem:$0x3FDB];
	s0 =	simm.s32 @p2 $0x1  }
0x17: {  	s4 =	simm.s32 $0x1BF5;
	[smem:$0x3FB0] =	sst s0  }
0x18: {  	s0 =	sld [smem:$0x3F93];
	_ =	swait.ge [sflag:s4], $0x0  }
0x19: {  	s7 =	sld [smem:$0x3F94]  }
0x1a: {  	s8 =	sadd.s32 $0xFFFFE003, lr  }
0x1b: {  	s9 =	sadd.s32 $0xFFFFFEF7, lr;
	s5 =	simm.s32 $0xFFFFFFFF;
	p2 =	slt.u32 s8, $0xFFFFF086  }
0x1c: {  	p1 =	slt.u32 s9, $0xF7A;
	s5 =	simm.s32 @!p2 $0x0  }
0x1d: {  	s5 =	simm.s32 @p1 $0x1;
	p0 =	seq.s32 s7, s2  }
0x1e: {  	s7 =	smul.u32 @!p0 $0xF7A, s2;
	p2 =	seq.s32 @!p0 s5, $0x0  }
0x1f: {  	s9 =	smul.u32 $0xF7A, s1;
	s8 =	simm.s32 @!p0 $0x1BF5;
	p2 =	por !p2, p0  }
0x20: {  	[sflag:s8] =	ssyncset.s32 @!p0 $0xFFFFF086;
	s6 =	sadd.s32 @!p0 s3, s7;
	s7 =	simm.s32 @!p0 $0x108  }
0x21: {  	s3 =	sadd.s32 s3, s9;
	s6 =	sadd.s32 @!p0 $0x88, s6;
	s7 =	simm.s32 @p2 $0x1082  }
0x22: {  	[simem:s7], [sflag:s8] =	dma.local @!p0 [hbm:s6], $0xF7A  }
0x23: {  	s9 =	sor.u32 $0xD0000000, s2;
	s6 =	simm.s32 $0x108;
	_ =	swait.ge @!p0 [sflag:s8], $0x0  }
0x24: {  	s3 =	sadd.s32 $0x88, s3;
	s6 =	simm.s32 @!p1 $0x1082;
	[sflag:s4] =	ssyncset.s32 $0xFFFFF086  }
0x25: {  	[simem:s6], [sflag:s4] =	dma.local [hbm:s3], $0xF7A  }
0x26: {  	[smem:$0x3F94] =	sst s1;
	(tag) =	ssettag s2;
	_ =	strace s9  }
0x27: {  	s1 =	sld [smem:$0x3FA4]  }
0x28: {  	s2 =	sld [smem:$0x3FA5]  }
0x29: {  	s4 =	sld [smem:$0x3FA7]  }
0x2a: {  	p0 =	seq.s32 s5, $0x0;
	s5 =	sld [smem:$0x3FA8]  }
0x2b: {  	s6 =	sld [smem:$0x3FA9]  }
0x2c: {  	s7 =	sld [smem:$0x3FAA]  }
0x2d: {  	s3 =	simm.s32 $0x108;
	s8 =	sld [smem:$0x3FAB]  }
0x2e: {  	s3 =	simm.s32 @!p0 $0x1082;
	s9 =	sld [smem:$0x3FAC]  }
0x2f: {  	lr =	sadd.s32 s0, s3;
	s0 =	sld [smem:$0x3FA3]  }
0x30: {  	s3 =	sld [smem:$0x3FA6]  }
0x31: {  	[smem:$0x3FAF] =	sst s10  }
0x32: {  	s10 =	sld [smem:$0x3FAD];
	_ =	sdelay $0x3  }
0x33: {  	p0 =	seq.s32 s10, $0x1;
	s10 =	sld [smem:$0x3FAF];
	_ =	sdelay $0x3  }
0x34: {  	[smem:$0x3FAF] =	sst s10  }
0x35: {  	s10 =	sld [smem:$0x3FAE];
	_ =	sdelay $0x3  }
0x36: {  	p1 =	seq.s32 s10, $0x1;
	s10 =	sld [smem:$0x3FAF];
	_ =	sdelay $0x3  }
0x37: {  	[smem:$0x3FAF] =	sst s10  }
0x38: {  	s10 =	sld [smem:$0x3FB0]  }
0x39: {  	_ = 	snop;
	(pc) =	sbr.ind lr, $3  }
0x3a: {  	_ = 	snop  }
0x3b: {  	_ = 	snop  }
0x3c: {  	p2 =	seq.s32 s10, $0x1;
	s10 =	sld [smem:$0x3FAF]  }
0x3d: {  	_ =	shalt  }
0x3e: {  	_ =	shalt  }
0x3f: {  	_ =	shalt  }
0x40: {  	_ =	shalt  }
0x41: {  	_ =	shalt  }
0x42: {  	_ =	shalt  }
0x43: {  	_ =	shalt  }
0x44: {  	_ =	shalt  }
0x45: {  	_ =	shalt  }
0x46: {  	_ =	shalt  }
0x47: {  	_ =	shalt  }
0x48: {  	_ =	shalt  }
0x49: {  	_ =	shalt  }
0x4a: {  	_ =	shalt  }
0x4b: {  	_ =	shalt  }
0x4c: {  	_ =	shalt  }
0x4d: {  	_ =	shalt  }
0x4e: {  	_ =	shalt  }
0x4f: {  	_ =	shalt  }
0x50: {  	_ =	shalt  }
0x51: {  	_ =	shalt  }
0x52: {  	_ =	shalt  }
0x53: {  	_ =	shalt  }
0x54: {  	_ =	shalt  }
0x55: {  	_ =	shalt  }
0x56: {  	_ =	shalt  }
0x57: {  	_ =	shalt  }
0x58: {  	_ =	shalt  }
0x59: {  	_ =	shalt  }
0x5a: {  	_ =	shalt  }
0x5b: {  	_ =	shalt  }
0x5c: {  	_ =	shalt  }
0x5d: {  	_ =	shalt  }
0x5e: {  	_ =	shalt  }
0x5f: {  	_ =	shalt  }
0x60: {  	_ =	shalt  }
0x61: {  	_ =	shalt  }
0x62: {  	_ =	shalt  }
0x63: {  	_ =	shalt  }
0x64: {  	_ =	shalt  }
0x65: {  	_ =	shalt  }
0x66: {  	_ =	shalt  }
0x67: {  	_ =	shalt  }
0x68: {  	_ =	shalt  }
0x69: {  	_ =	shalt  }
0x6a: {  	_ =	shalt  }
0x6b: {  	_ =	shalt  }
0x6c: {  	_ =	shalt  }
0x6d: {  	_ =	shalt  }
0x6e: {  	_ =	shalt  }
0x6f: {  	_ =	shalt  }
0x70: {  	_ =	shalt  }
0x71: {  	_ =	shalt  }
0x72: {  	_ =	shalt  }
0x73: {  	_ =	shalt  }
0x74: {  	_ =	shalt  }
0x75: {  	_ =	shalt  }
0x76: {  	_ =	shalt  }
0x77: {  	_ =	shalt  }
0x78: {  	_ =	shalt  }
0x79: {  	_ =	shalt  }
0x7a: {  	_ =	shalt  }
0x7b: {  	_ =	shalt  }
0x7c: {  	_ =	shalt  }
0x7d: {  	_ =	shalt  }
0x7e: {  	_ =	shalt  }
0x7f: {  	_ =	shalt  }
0x80: {  	_ =	shalt  }
0x81: {  	_ =	shalt  }
0x82: {  	_ =	shalt  }
0x83: {  	_ =	shalt  }
0x84: {  	_ =	shalt  }
0x85: {  	_ =	shalt  }
0x86: {  	_ =	shalt  }
0x87: {  	_ =	shalt  }
.Lfunc_end0:
.L_simem_size_0:
called_computation_lowered:
.L_overlay_start_0:
0x88: {  	s2 =	sld [smem:$0x3FD9]  }
0x89: {  	s3 =	sld [smem:$0x3FFE];
	_ =	sdelay $0x1  }
0x8a: {  	s1 =	srdreg.scid  }
0x8b: {  	s0 =	sand.u32 $0x1, s1  }
0x8c: {  	s16 =	sshll.u32 s0, $0xA;
	s2 =	sadd.s32 s3, s2  }
0x8d: {  	s2 =	sadd.s32 s2, s16  }
0x8e: {  	[smem:$0x3FBB] =	sst s2  }
0x8f: {  	_ = 	snop  }
0x90: {  	(tm) =	ssettm $0x1  }
0x91: {  	s17 =	sld [smem:$0x3FFB];
	_ =	sdelay $0x3  }
0x92: {  	_ =	strace s17  }
0x93: {  	s2 =	sld [smem:$0x3FFC];
	_ =	sdelay $0x3  }
0x94: {  	_ =	strace s2  }
0x95: {  	s2 =	sld [smem:$0x3FFD];
	_ =	sdelay $0x3  }
0x96: {  	_ =	strace s2  }
0x97: {  	_ =	strace $0x8FFFFFFF  }
0x98: {  	s18 =	sld [smem:$0x3FDB];
	_ =	sdelay $0x1  }
0x99: {  	s19 =	simm.s32 $_scs_section_size  }
0x9a: {  	s4 =	simm.s32 $_size__tile_overlayer_lowered;
	s5 =	simm.s32 $_tile_overlayer_lowered  }
0x9b: {  	s22 =	simm.s32 $0x1BFF;
	s21 =	sshll.u32 s5, $0x1;
	s2 =	sadd.s32 s19, s18  }
0x9c: {  	s6 =	simm.s32 $0x0;
	s20 =	sshll.u32 s4, $0x1;
	s4 =	sadd.s32 s21, s2  }
0x9d: {  	[timem:s6], [sflag:s22] =	dma.local [hbm:s4], s20  }
0x9e: {  	_ =	swait.ge [sflag:s22], s20  }
0x9f: {  	s3 =	ssub.s32 $0x0, s20;
	[sflag:s22] =	ssyncset.done $0x0  }
0xa0: {  	[sflag:s22] =	ssyncadd.s32 s3;
	_ =	sdelay $0x1  }
0xa1: {  	s23 =	simm.s32 $0x1B8B  }
0xa2: {  	_ =	swait.ge [sflag:s23], $0x1  }
0xa3: {  	[sflag:s23] =	ssyncset.done $0x0  }
0xa4: {  	s25 =	simm.s32 $0x1B8E;
	s24 =	sld [smem:$0x3FFE];
	[sflag:s23] =	ssyncadd.s32 $0xFFFFFFFF  }
0xa5: {  	s26 =	simm.s32 $execute0_lowered;
	[smem:$0x3FD2] =	sst s25  }
0xa6: {  	s4 =	sshll.u32 s26, $0x1;
	_ =	strace $0x80000046;
	[dreg:$0x1] =	wrdreg $0xFFFFFFFF  }
0xa7: {  	s28 =	simm.s32 $_size_execute0_lowered;
	s2 =	sadd.s32 s2, s4;
	[dreg:$0x0] =	wrdreg $0x0  }
0xa8: {  	s4 =	sshll.u32 s28, $0x1;
	[dreg:$0x2] =	wrdreg s2  }
0xa9: {  	[dreg:$0x3] =	wrdreg s4  }
0xaa: {  	[dreg:$0x4] =	wrdreg $0xC0  }
0xab: {  	_ =	task [dreg:s6], $0x5FFFF  }
0xac: {  	[dreg:$0x1] =	wrdreg $0xFFFFFFFF  }
0xad: {  	[dreg:$0x0] =	wrdreg $0x60  }
0xae: {  	[dreg:$0x2] =	wrdreg s24  }
0xaf: {  	[dreg:$0x3] =	wrdreg $0x9  }
0xb0: {  	_ =	task.clear_ibuf [dreg:s6], $0x4FFFF;
	_ =	strace $0x90000046  }
0xb1: {  	s29 =	simm.s32 $0x9;
	_ =	strace $0x80000048  }
0xb2: {  	_ =	swait.ge [sflag:s29], $0x1  }
0xb3: {  	[sflag:s29] =	ssyncadd.s32 $0xFFFFFFFF  }
0xb4: {  	_ =	strace $0x90000048  }
0xb5: {  	_ =	sfence  }
0xb6: {  	s30 =	sld [smem:$0x0];
	_ =	sdelay $0x2  }
0xb7: {  	s31 =	sshll.u32 s1, $0xD;
	s1 =	sshrl.u32 s1, $0x2  }
0xb8: {  	s3 =	sand.u32 $0x4000, s31;
	s1 =	sadd.s32 s1, s30  }
0xb9: {  	s0 =	sor.u32 s3, s0;
	s1 =	sshll.u32 s1, $0x11  }
0xba: {  	s0 =	sor.u32 s1, s0  }
0xbb: {  	s0 =	sadd.s32 $0x8F2B, s0  }
0xbc: {  	[sflag:s0] =	ssyncadd.remote.s32 $0x1  }
0xbd: {  	_ =	sfence.sel $0xFFFF  }
0xbe: {  	[dreg:$0x0] =	wrdreg $0xFFFFFFFF;
	(pc) =	sbr.abs _section_cstart, $3  }
0xbf: {  	[dreg:$0x1] =	wrdreg $0xFFFFFFFF  }
0xc0: {  	_ =	task.clear_ibuf [dreg:s6], $0x2FFFF;
	_ =	strace $0x9FFFFFFF  }
0xc1: {  	(tm) =	ssettm $0x7FFFFFFF  }
tec
execute0_lowered:
.L_overlay_start_1:
0x0: {  	(tag) =	ssettag $0x1  }
0x1: {  	s0 =	srdreg.scid  }
0x2: {  	s1 =	stileid.u32;
	s4 =	sand.u32 $0x1, s0  }
0x3: {  	s19 =	sshll.u32 s1, $0x4;
	s20 =	sshll.u32 s4, $0x3  }
0x4: {  	s0 =	sor.u32 s20, s19  }
0x5: {  	s11 =	rddreg [dreg:$0x0];
	s2 =	simm.s32 $0x0;
	s3 =	smul.u32 $0x1680, s0  }
0x6: {  	[smem:$0x7FF] =	sst s2;
	s19 =	sadd.s32 $0x1600, s11  }
0x7: {  	_ =	strace $0x80000047;
	s7 =	sadd.s32 s19, s3  }
0x8: {  	s0 =	smul.u32 $0xB400, s0;
	s5 =	sadd.s32 $0x780, s7;
	[dreg:$0x6] =	wrdreg s7  }
0x9: {  	[tilespmem:s2], [sflag:$0x1] =	stream.linear.gather [hbm4b:s7+s2], $0x3A00, $0x38;
	[tilespmem:$0x16800] =	vst v63  }
0xa: {  	s21 =	sadd.s32 $0xF00, s7;
	[dreg:$0x2] =	wrdreg s5  }
0xb: {  	s0 =	sshrl.u32 s0, $0x3;
	[dreg:$0x3] =	wrdreg s21  }
0xc: {  	s1 =	sadd.s32 $0x1680, s0;
	s6 =	rddreg [dreg:$0x2]  }
0xd: {  	s10 =	sadd.s32 s19, s1;
	s8 =	rddreg [dreg:$0x3]  }
0xe: {  	s5 =	simm.s32 $0x3C00;
	s22 =	sadd.s32 $0x780, s10;
	[dreg:$0x7] =	wrdreg s10  }
0xf: {  	[tilespmem:s5], [sflag:$0x1] =	stream.linear.gather [hbm4b:s6+s2], $0x3A00, $0x38;
	[tilespmem:$0x16800] =	vst v63  }
0x10: {  	s23 =	sadd.s32 $0xF00, s10;
	[dreg:$0x4] =	wrdreg s22;
	s6 =	simm.s32 $0x7800  }
0x11: {  	[tilespmem:s6], [sflag:$0x1] =	stream.linear.gather [hbm4b:s8+s2], $0x3A00, $0x38;
	[tilespmem:$0x16800] =	vst v63  }
0x12: {  	s7 =	simm.s32 $0xB400;
	[dreg:$0x5] =	wrdreg s23  }
0x13: {  	[tilespmem:s7], [sflag:$0x2] =	stream.linear.gather [hbm4b:s10+s2], $0x3A00, $0x38;
	[tilespmem:$0x16800] =	vst v63  }
0x14: {  	s9 =	rddreg [dreg:$0x4];
	s8 =	simm.s32 $0xF000  }
0x15: {  	[tilespmem:s8], [sflag:$0x2] =	stream.linear.gather [hbm4b:s9+s2], $0x3A00, $0x38;
	[tilespmem:$0x16800] =	vst v63  }
0x16: {  	s12 =	rddreg [dreg:$0x5];
	s10 =	simm.s32 $0x1;
	s9 =	simm.s32 $0x12C00  }
0x17: {  	[tilespmem:s9], [sflag:$0x2] =	stream.linear.gather [hbm4b:s12+s2], $0x3A00, $0x38;
	[tilespmem:$0x16800] =	vst v63  }
0x18: {  	s12 =	sadd.s32 $0x15FA600, s11;
	_ =	swait.ge [sflag:s10], $0xAE00  }
0x19: {  	s14 =	sadd.s32 s12, s3;
	[sflag:s10] =	ssyncset.done $0x0  }
0x1a: {  	s13 =	sadd.s32 $0x780, s14;
	[dreg:$0x8] =	wrdreg s14;
	[sflag:s10] =	ssyncadd.s32 $0xFFFF5200  }
0x1b: {  	[hbm4b:s14+s2] =	stream.linear.scatter [tilespmem:s2], [sflag:$0x3], $0x3A00, $0x38;
	[tilespmem:$0x16800] =	vst v63  }
0x1c: {  	[dreg:$0x9] =	wrdreg s13;
	s14 =	sadd.s32 $0xF00, s14  }
0x1d: {  	[hbm4b:s13+s2] =	stream.linear.scatter [tilespmem:s5], [sflag:$0x3], $0x3A00, $0x38;
	[tilespmem:$0x16800] =	vst v63  }
0x1e: {  	[dreg:$0xa] =	wrdreg s14;
	s13 =	simm.s32 $0x3  }
0x1f: {  	[hbm4b:s14+s2] =	stream.linear.scatter [tilespmem:s6], [sflag:$0x3], $0x3A00, $0x38;
	[tilespmem:$0x16800] =	vst v63  }
0x20: {  	s14 =	sadd.s32 $0x2D00, s0;
	_ =	swait.ge [sflag:s13], $0xAE00  }
0x21: {  	s15 =	sadd.s32 s19, s14;
	[sflag:s13] =	ssyncset.done $0x0  }
0x22: {  	s16 =	sadd.s32 $0x780, s15;
	[dreg:$0xb] =	wrdreg s15;
	[sflag:s13] =	ssyncadd.s32 $0xFFFF5200  }
0x23: {  	[tilespmem:s2], [sflag:$0x1] =	stream.linear.gather [hbm4b:s15+s2], $0x3A00, $0x38;
	[tilespmem:$0x16800] =	vst v63  }
0x24: {  	[dreg:$0xc] =	wrdreg s16;
	s15 =	sadd.s32 $0xF00, s15  }
0x25: {  	[tilespmem:s5], [sflag:$0x1] =	stream.linear.gather [hbm4b:s16+s2], $0x3A00, $0x38;
	[tilespmem:$0x16800] =	vst v63  }
0x26: {  	s18 =	simm.s32 $0x2;
	[dreg:$0xd] =	wrdreg s15  }
0x27: {  	[tilespmem:s6], [sflag:$0x1] =	stream.linear.gather [hbm4b:s15+s2], $0x3A00, $0x38;
	[tilespmem:$0x16800] =	vst v63  }
0x28: {  	s24 =	sadd.s32 s12, s1;
	_ =	swait.ge [sflag:s18], $0xAE00  }
0x29: {  	s25 =	sadd.s32 $0x780, s24;
	[sflag:s18] =	ssyncset.done $0x0  }
0x2a: {  	[dreg:$0xf] =	wrdreg s25;
	[sflag:s18] =	ssyncadd.s32 $0xFFFF5200  }
0x2b: {  	[hbm4b:s24+s2] =	stream.linear.scatter [tilespmem:s7], [sflag:$0x3], $0x3A00, $0x38;
	[tilespmem:$0x16800] =	vst v63  }
0x2c: {  	s15 =	sadd.s32 $0xF00, s24;
	[dreg:$0xe] =	wrdreg s24  }
0x2d: {  	[hbm4b:s25+s2] =	stream.linear.scatter [tilespmem:s8], [sflag:$0x3], $0x3A00, $0x38;
	[tilespmem:$0x16800] =	vst v63  }
0x2e: {  	[dreg:$0x10] =	wrdreg s15  }
0x2f: {  	[hbm4b:s15+s2] =	stream.linear.scatter [tilespmem:s9], [sflag:$0x3], $0x3A00, $0x38;
	[tilespmem:$0x16800] =	vst v63  }
0x30: {  	s15 =	sadd.s32 $0x4380, s0;
	_ =	swait.ge [sflag:s13], $0xAE00  }
0x31: {  	s26 =	sadd.s32 s19, s15;
	[sflag:s13] =	ssyncset.done $0x0  }
0x32: {  	s17 =	sadd.s32 $0x780, s26;
	[dreg:$0x11] =	wrdreg s26;
	[sflag:s13] =	ssyncadd.s32 $0xFFFF5200  }
0x33: {  	[tilespmem:s7], [sflag:$0x2] =	stream.linear.gather [hbm4b:s26+s2], $0x3A00, $0x38;
	[tilespmem:$0x16800] =	vst v63  }
0x34: {  	s16 =	sadd.s32 $0xF00, s26;
	[dreg:$0x12] =	wrdreg s17  }
0x35: {  	[tilespmem:s8], [sflag:$0x2] =	stream.linear.gather [hbm4b:s17+s2], $0x3A00, $0x38;
	[tilespmem:$0x16800] =	vst v63  }
0x36: {  	[dreg:$0x13] =	wrdreg s16  }
0x37: {  	[tilespmem:s9], [sflag:$0x2] =	stream.linear.gather [hbm4b:s16+s2], $0x3A00, $0x38;
	[tilespmem:$0x16800] =	vst v63  }
0x38: {  	s20 =	sadd.s32 s12, s14;
	_ =	swait.ge [sflag:s10], $0xAE00  }
0x39: {  	s21 =	sadd.s32 $0x780, s20;
	[sflag:s10] =	ssyncset.done $0x0  }
0x3a: {  	[dreg:$0x15] =	wrdreg s21;
	[sflag:s10] =	ssyncadd.s32 $0xFFFF5200  }
0x3b: {  	[hbm4b:s20+s2] =	stream.linear.scatter [tilespmem:s2], [sflag:$0x3], $0x3A00, $0x38;
	[tilespmem:$0x16800] =	vst v63  }
0x3c: {  	s16 =	sadd.s32 $0xF00, s20;
	[dreg:$0x14] =	wrdreg s20  }
0x3d: {  	[hbm4b:s21+s2] =	stream.linear.scatter [tilespmem:s5], [sflag:$0x3], $0x3A00, $0x38;
	[tilespmem:$0x16800] =	vst v63  }
0x3e: {  	[dreg:$0x16] =	wrdreg s16  }
0x3f: {  	[hbm4b:s16+s2] =	stream.linear.scatter [tilespmem:s6], [sflag:$0x3], $0x3A00, $0x38;
	[tilespmem:$0x16800] =	vst v63  }
0x40: {  	s16 =	sadd.s32 $0x5A00, s0;
	_ =	swait.ge [sflag:s13], $0xAE00  }
0x41: {  	s22 =	sadd.s32 s19, s16;
	[sflag:s13] =	ssyncset.done $0x0  }
0x42: {  	s20 =	sadd.s32 $0x780, s22;
	[dreg:$0x17] =	wrdreg s22;
	[sflag:s13] =	ssyncadd.s32 $0xFFFF5200  }
0x43: {  	[tilespmem:s2], [sflag:$0x1] =	stream.linear.gather [hbm4b:s22+s2], $0x3A00, $0x38;
	[tilespmem:$0x16800] =	vst v63  }
0x44: {  	s17 =	sadd.s32 $0xF00, s22;
	[dreg:$0x18] =	wrdreg s20  }
0x45: {  	[tilespmem:s5], [sflag:$0x1] =	stream.linear.gather [hbm4b:s20+s2], $0x3A00, $0x38;
	[tilespmem:$0x16800] =	vst v63  }
0x46: {  	[dreg:$0x19] =	wrdreg s17  }
0x47: {  	[tilespmem:s6], [sflag:$0x1] =	stream.linear.gather [hbm4b:s17+s2], $0x3A00, $0x38;
	[tilespmem:$0x16800] =	vst v63  }
0x48: {  	s23 =	sadd.s32 s12, s15;
	_ =	swait.ge [sflag:s18], $0xAE00  }
0x49: {  	s24 =	sadd.s32 $0x780, s23;
	[sflag:s18] =	ssyncset.done $0x0  }
0x4a: {  	[dreg:$0x1b] =	wrdreg s24;
	[sflag:s18] =	ssyncadd.s32 $0xFFFF5200  }
0x4b: {  	[hbm4b:s23+s2] =	stream.linear.scatter [tilespmem:s7], [sflag:$0x3], $0x3A00, $0x38;
	[tilespmem:$0x16800] =	vst v63  }
0x4c: {  	s17 =	sadd.s32 $0xF00, s23;
	[dreg:$0x1a] =	wrdreg s23  }
0x4d: {  	[hbm4b:s24+s2] =	stream.linear.scatter [tilespmem:s8], [sflag:$0x3], $0x3A00, $0x38;
	[tilespmem:$0x16800] =	vst v63  }
0x4e: {  	[dreg:$0x1c] =	wrdreg s17  }
0x4f: {  	[hbm4b:s17+s2] =	stream.linear.scatter [tilespmem:s9], [sflag:$0x3], $0x3A00, $0x38;
	[tilespmem:$0x16800] =	vst v63  }
0x50: {  	s17 =	sadd.s32 $0x7080, s0;
	_ =	swait.ge [sflag:s13], $0xAE00  }
0x51: {  	s25 =	sadd.s32 s19, s17;
	[sflag:s13] =	ssyncset.done $0x0  }
0x52: {  	s21 =	sadd.s32 $0x780, s25;
	[dreg:$0x1d] =	wrdreg s25;
	[sflag:s13] =	ssyncadd.s32 $0xFFFF5200  }
0x53: {  	[tilespmem:s7], [sflag:$0x2] =	stream.linear.gather [hbm4b:s25+s2], $0x3A00, $0x38;
	[tilespmem:$0x16800] =	vst v63  }
0x54: {  	s20 =	sadd.s32 $0xF00, s25;
	[dreg:$0x1e] =	wrdreg s21  }
0x55: {  	[tilespmem:s8], [sflag:$0x2] =	stream.linear.gather [hbm4b:s21+s2], $0x3A00, $0x38;
	[tilespmem:$0x16800] =	vst v63  }
0x56: {  	[dreg:$0x1f] =	wrdreg s20  }
0x57: {  	[tilespmem:s9], [sflag:$0x2] =	stream.linear.gather [hbm4b:s20+s2], $0x3A00, $0x38;
	[tilespmem:$0x16800] =	vst v63  }
0x58: {  	s26 =	sadd.s32 s12, s16;
	_ =	swait.ge [sflag:s10], $0xAE00  }
0x59: {  	s22 =	sadd.s32 $0x780, s26;
	[sflag:s10] =	ssyncset.done $0x0  }
0x5a: {  	[smem:$0x7CF] =	sst s22;
	[sflag:s10] =	ssyncadd.s32 $0xFFFF5200  }
0x5b: {  	[hbm4b:s26+s2] =	stream.linear.scatter [tilespmem:s2], [sflag:$0x3], $0x3A00, $0x38;
	[tilespmem:$0x16800] =	vst v63  }
0x5c: {  	s20 =	sadd.s32 $0xF00, s26;
	[smem:$0x7D0] =	sst s26  }
0x5d: {  	[hbm4b:s22+s2] =	stream.linear.scatter [tilespmem:s5], [sflag:$0x3], $0x3A00, $0x38;
	[tilespmem:$0x16800] =	vst v63  }
0x5e: {  	[smem:$0x7D1] =	sst s20;
	s22 =	sadd.s32 $0x8700, s0  }
0x5f: {  	[hbm4b:s20+s2] =	stream.linear.scatter [tilespmem:s6], [sflag:$0x3], $0x3A00, $0x38;
	[tilespmem:$0x16800] =	vst v63  }
0x60: {  	s23 =	sadd.s32 s19, s22;
	_ =	swait.ge [sflag:s13], $0xAE00  }
0x61: {  	s24 =	sadd.s32 $0x780, s23;
	[sflag:s13] =	ssyncset.done $0x0  }
0x62: {  	[smem:$0x7D2] =	sst s24;
	[sflag:s13] =	ssyncadd.s32 $0xFFFF5200  }
0x63: {  	[tilespmem:s2], [sflag:$0x1] =	stream.linear.gather [hbm4b:s23+s2], $0x3A00, $0x38;
	[tilespmem:$0x16800] =	vst v63  }
0x64: {  	s20 =	sadd.s32 $0xF00, s23;
	[smem:$0x7D3] =	sst s23  }
0x65: {  	[tilespmem:s5], [sflag:$0x1] =	stream.linear.gather [hbm4b:s24+s2], $0x3A00, $0x38;
	[tilespmem:$0x16800] =	vst v63  }
0x66: {  	[smem:$0x7D4] =	sst s20  }
0x67: {  	[tilespmem:s6], [sflag:$0x1] =	stream.linear.gather [hbm4b:s20+s2], $0x3A00, $0x38;
	[tilespmem:$0x16800] =	vst v63  }
0x68: {  	s25 =	sadd.s32 s12, s17;
	_ =	swait.ge [sflag:s18], $0xAE00  }
0x69: {  	s26 =	sadd.s32 $0x780, s25;
	[sflag:s18] =	ssyncset.done $0x0  }
0x6a: {  	[smem:$0x7D5] =	sst s26;
	[sflag:s18] =	ssyncadd.s32 $0xFFFF5200  }
0x6b: {  	[hbm4b:s25+s2] =	stream.linear.scatter [tilespmem:s7], [sflag:$0x3], $0x3A00, $0x38;
	[tilespmem:$0x16800] =	vst v63  }
0x6c: {  	s20 =	sadd.s32 $0xF00, s25;
	[smem:$0x7D6] =	sst s25  }
0x6d: {  	[hbm4b:s26+s2] =	stream.linear.scatter [tilespmem:s8], [sflag:$0x3], $0x3A00, $0x38;
	[tilespmem:$0x16800] =	vst v63  }
0x6e: {  	s29 =	sadd.s32 $0x9D80, s0;
	[smem:$0x7D7] =	sst s20  }
0x6f: {  	[hbm4b:s20+s2] =	stream.linear.scatter [tilespmem:s9], [sflag:$0x3], $0x3A00, $0x38;
	[tilespmem:$0x16800] =	vst v63  }
0x70: {  	s19 =	sadd.s32 s19, s29;
	_ =	swait.ge [sflag:s13], $0xAE00  }
0x71: {  	s21 =	sadd.s32 $0x780, s19;
	[sflag:s13] =	ssyncset.done $0x0  }
0x72: {  	[smem:$0x7D8] =	sst s21;
	[sflag:s13] =	ssyncadd.s32 $0xFFFF5200  }
0x73: {  	[tilespmem:s7], [sflag:$0x2] =	stream.linear.gather [hbm4b:s19+s2], $0x3A00, $0x38;
	[tilespmem:$0x16800] =	vst v63  }
0x74: {  	[smem:$0x7D9] =	sst s19;
	s19 =	sadd.s32 $0xF00, s19  }
0x75: {  	[tilespmem:s8], [sflag:$0x2] =	stream.linear.gather [hbm4b:s21+s2], $0x3A00, $0x38;
	[tilespmem:$0x16800] =	vst v63  }
0x76: {  	[smem:$0x7DA] =	sst s19  }
0x77: {  	[tilespmem:s9], [sflag:$0x2] =	stream.linear.gather [hbm4b:s19+s2], $0x3A00, $0x38;
	[tilespmem:$0x16800] =	vst v63  }
0x78: {  	s23 =	sadd.s32 s12, s22;
	_ =	swait.ge [sflag:s10], $0xAE00  }
0x79: {  	s24 =	sadd.s32 $0x780, s23;
	[sflag:s10] =	ssyncset.done $0x0  }
0x7a: {  	[smem:$0x7DB] =	sst s24;
	[sflag:s10] =	ssyncadd.s32 $0xFFFF5200  }
0x7b: {  	[hbm4b:s23+s2] =	stream.linear.scatter [tilespmem:s2], [sflag:$0x3], $0x3A00, $0x38;
	[tilespmem:$0x16800] =	vst v63  }
0x7c: {  	s19 =	sadd.s32 $0xF00, s23;
	[smem:$0x7DC] =	sst s23  }
0x7d: {  	[hbm4b:s24+s2] =	stream.linear.scatter [tilespmem:s5], [sflag:$0x3], $0x3A00, $0x38;
	[tilespmem:$0x16800] =	vst v63  }
0x7e: {  	s11 =	sadd.s32 $0xAFDE00, s11;
	[smem:$0x7DD] =	sst s19  }
0x7f: {  	[hbm4b:s19+s2] =	stream.linear.scatter [tilespmem:s6], [sflag:$0x3], $0x3A00, $0x38;
	[tilespmem:$0x16800] =	vst v63  }
0x80: {  	s3 =	sadd.s32 s11, s3;
	_ =	swait.ge [sflag:s13], $0xAE00  }
0x81: {  	s25 =	sadd.s32 $0x780, s3;
	[sflag:s13] =	ssyncset.done $0x0  }
0x82: {  	[smem:$0x7DE] =	sst s25;
	[sflag:s13] =	ssyncadd.s32 $0xFFFF5200  }
0x83: {  	[tilespmem:s2], [sflag:$0x1] =	stream.linear.gather [hbm4b:s3+s2], $0x3A00, $0x38;
	[tilespmem:$0x16800] =	vst v63  }
0x84: {  	[smem:$0x7DF] =	sst s3;
	s3 =	sadd.s32 $0xF00, s3  }
0x85: {  	[tilespmem:s5], [sflag:$0x1] =	stream.linear.gather [hbm4b:s25+s2], $0x3A00, $0x38;
	[tilespmem:$0x16800] =	vst v63  }
0x86: {  	[smem:$0x7E0] =	sst s3  }
0x87: {  	[tilespmem:s6], [sflag:$0x1] =	stream.linear.gather [hbm4b:s3+s2], $0x3A00, $0x38;
	[tilespmem:$0x16800] =	vst v63  }
0x88: {  	s26 =	sadd.s32 s12, s29;
	_ =	swait.ge [sflag:s18], $0xAE00  }
0x89: {  	s20 =	sadd.s32 $0x780, s26;
	[sflag:s18] =	ssyncset.done $0x0  }
0x8a: {  	[smem:$0x7E1] =	sst s20;
	[sflag:s18] =	ssyncadd.s32 $0xFFFF5200  }
0x8b: {  	[hbm4b:s26+s2] =	stream.linear.scatter [tilespmem:s7], [sflag:$0x3], $0x3A00, $0x38;
	[tilespmem:$0x16800] =	vst v63  }
0x8c: {  	s3 =	sadd.s32 $0xF00, s26;
	[smem:$0x7E2] =	sst s26  }
0x8d: {  	[hbm4b:s20+s2] =	stream.linear.scatter [tilespmem:s8], [sflag:$0x3], $0x3A00, $0x38;
	[tilespmem:$0x16800] =	vst v63  }
0x8e: {  	[smem:$0x7E3] =	sst s3  }
0x8f: {  	[hbm4b:s3+s2] =	stream.linear.scatter [tilespmem:s9], [sflag:$0x3], $0x3A00, $0x38;
	[tilespmem:$0x16800] =	vst v63  }
0x90: {  	s1 =	sadd.s32 s11, s1;
	_ =	swait.ge [sflag:s13], $0xAE00  }
0x91: {  	s21 =	sadd.s32 $0x780, s1;
	[sflag:s13] =	ssyncset.done $0x0  }
0x92: {  	[smem:$0x7E4] =	sst s21;
	[sflag:s13] =	ssyncadd.s32 $0xFFFF5200  }
0x93: {  	[tilespmem:s7], [sflag:$0x2] =	stream.linear.gather [hbm4b:s1+s2], $0x3A00, $0x38;
	[tilespmem:$0x16800] =	vst v63  }
0x94: {  	[smem:$0x7E5] =	sst s1;
	s1 =	sadd.s32 $0xF00, s1  }
0x95: {  	[tilespmem:s8], [sflag:$0x2] =	stream.linear.gather [hbm4b:s21+s2], $0x3A00, $0x38;
	[tilespmem:$0x16800] =	vst v63  }
0x96: {  	s12 =	sadd.s32 s12, s0;
	[smem:$0x7E6] =	sst s1  }
0x97: {  	[tilespmem:s9], [sflag:$0x2] =	stream.linear.gather [hbm4b:s1+s2], $0x3A00, $0x38;
	[tilespmem:$0x16800] =	vst v63  }
0x98: {  	s0 =	sadd.s32 $0x168000, s12;
	_ =	swait.ge [sflag:s10], $0xAE00  }
0x99: {  	s23 =	sadd.s32 $0x780, s0;
	[sflag:s10] =	ssyncset.done $0x0  }
0x9a: {  	[smem:$0x7E7] =	sst s23;
	[sflag:s10] =	ssyncadd.s32 $0xFFFF5200  }
0x9b: {  	[hbm4b:s0+s2] =	stream.linear.scatter [tilespmem:s2], [sflag:$0x3], $0x3A00, $0x38;
	[tilespmem:$0x16800] =	vst v63  }
0x9c: {  	[smem:$0x7E8] =	sst s0;
	s0 =	sadd.s32 $0xF00, s0  }
0x9d: {  	[hbm4b:s23+s2] =	stream.linear.scatter [tilespmem:s5], [sflag:$0x3], $0x3A00, $0x38;
	[tilespmem:$0x16800] =	vst v63  }
0x9e: {  	[smem:$0x7E9] =	sst s0  }
0x9f: {  	[hbm4b:s0+s2] =	stream.linear.scatter [tilespmem:s6], [sflag:$0x3], $0x3A00, $0x38;
	[tilespmem:$0x16800] =	vst v63  }
0xa0: {  	s24 =	sadd.s32 s11, s14;
	_ =	swait.ge [sflag:s13], $0xAE00  }
0xa1: {  	s25 =	sadd.s32 $0x780, s24;
	[sflag:s13] =	ssyncset.done $0x0  }
0xa2: {  	[smem:$0x7EA] =	sst s25;
	[sflag:s13] =	ssyncadd.s32 $0xFFFF5200  }
0xa3: {  	[tilespmem:s2], [sflag:$0x1] =	stream.linear.gather [hbm4b:s24+s2], $0x3A00, $0x38;
	[tilespmem:$0x16800] =	vst v63  }
0xa4: {  	s0 =	sadd.s32 $0xF00, s24;
	[smem:$0x7EB] =	sst s24  }
0xa5: {  	[tilespmem:s5], [sflag:$0x1] =	stream.linear.gather [hbm4b:s25+s2], $0x3A00, $0x38;
	[tilespmem:$0x16800] =	vst v63  }
0xa6: {  	[smem:$0x7EC] =	sst s0  }
0xa7: {  	[tilespmem:s6], [sflag:$0x1] =	stream.linear.gather [hbm4b:s0+s2], $0x3A00, $0x38;
	[tilespmem:$0x16800] =	vst v63  }
0xa8: {  	s26 =	sadd.s32 $0x169680, s12;
	_ =	swait.ge [sflag:s18], $0xAE00  }
0xa9: {  	s3 =	sadd.s32 $0x780, s26;
	[sflag:s18] =	ssyncset.done $0x0  }
0xaa: {  	[smem:$0x7ED] =	sst s3;
	[sflag:s18] =	ssyncadd.s32 $0xFFFF5200  }
0xab: {  	[hbm4b:s26+s2] =	stream.linear.scatter [tilespmem:s7], [sflag:$0x3], $0x3A00, $0x38;
	[tilespmem:$0x16800] =	vst v63  }
0xac: {  	s0 =	sadd.s32 $0xF00, s26;
	[smem:$0x7EE] =	sst s26  }
0xad: {  	[hbm4b:s3+s2] =	stream.linear.scatter [tilespmem:s8], [sflag:$0x3], $0x3A00, $0x38;
	[tilespmem:$0x16800] =	vst v63  }
0xae: {  	[smem:$0x7EF] =	sst s0  }
0xaf: {  	[hbm4b:s0+s2] =	stream.linear.scatter [tilespmem:s9], [sflag:$0x3], $0x3A00, $0x38;
	[tilespmem:$0x16800] =	vst v63  }
0xb0: {  	s14 =	sadd.s32 s11, s15;
	_ =	swait.ge [sflag:s13], $0xAE00  }
0xb1: {  	s15 =	sadd.s32 $0x780, s14;
	[sflag:s13] =	ssyncset.done $0x0  }
0xb2: {  	[smem:$0x7F0] =	sst s15;
	[sflag:s13] =	ssyncadd.s32 $0xFFFF5200  }
0xb3: {  	[tilespmem:s7], [sflag:$0x2] =	stream.linear.gather [hbm4b:s14+s2], $0x3A00, $0x38;
	[tilespmem:$0x16800] =	vst v63  }
0xb4: {  	s0 =	sadd.s32 $0xF00, s14;
	[smem:$0x7F1] =	sst s14  }
0xb5: {  	[tilespmem:s8], [sflag:$0x2] =	stream.linear.gather [hbm4b:s15+s2], $0x3A00, $0x38;
	[tilespmem:$0x16800] =	vst v63  }
0xb6: {  	[smem:$0x7F2] =	sst s0  }
0xb7: {  	[tilespmem:s9], [sflag:$0x2] =	stream.linear.gather [hbm4b:s0+s2], $0x3A00, $0x38;
	[tilespmem:$0x16800] =	vst v63  }
0xb8: {  	s19 =	sadd.s32 $0x16AD00, s12;
	_ =	swait.ge [sflag:s10], $0xAE00  }
0xb9: {  	s20 =	sadd.s32 $0x780, s19;
	[sflag:s10] =	ssyncset.done $0x0  }
0xba: {  	[smem:$0x7F3] =	sst s20;
	[sflag:s10] =	ssyncadd.s32 $0xFFFF5200  }
0xbb: {  	[hbm4b:s19+s2] =	stream.linear.scatter [tilespmem:s2], [sflag:$0x3], $0x3A00, $0x38;
	[tilespmem:$0x16800] =	vst v63  }
0xbc: {  	s0 =	sadd.s32 $0xF00, s19;
	[smem:$0x7F4] =	sst s19  }
0xbd: {  	[hbm4b:s20+s2] =	stream.linear.scatter [tilespmem:s5], [sflag:$0x3], $0x3A00, $0x38;
	[tilespmem:$0x16800] =	vst v63  }
0xbe: {  	[smem:$0x7F5] =	sst s0  }
0xbf: {  	[hbm4b:s0+s2] =	stream.linear.scatter [tilespmem:s6], [sflag:$0x3], $0x3A00, $0x38;
	[tilespmem:$0x16800] =	vst v63  }
0xc0: {  	s21 =	sadd.s32 s11, s16;
	_ =	swait.ge [sflag:s13], $0xAE00  }
0xc1: {  	s23 =	sadd.s32 $0x780, s21;
	[sflag:s13] =	ssyncset.done $0x0  }
0xc2: {  	[smem:$0x7F6] =	sst s23;
	[sflag:s13] =	ssyncadd.s32 $0xFFFF5200  }
0xc3: {  	[tilespmem:s2], [sflag:$0x1] =	stream.linear.gather [hbm4b:s21+s2], $0x3A00, $0x38;
	[tilespmem:$0x16800] =	vst v63  }
0xc4: {  	s0 =	sadd.s32 $0xF00, s21;
	[smem:$0x7F7] =	sst s21  }
0xc5: {  	[tilespmem:s5], [sflag:$0x1] =	stream.linear.gather [hbm4b:s23+s2], $0x3A00, $0x38;
	[tilespmem:$0x16800] =	vst v63  }
0xc6: {  	[smem:$0x7F8] =	sst s0  }
0xc7: {  	[tilespmem:s6], [sflag:$0x1] =	stream.linear.gather [hbm4b:s0+s2], $0x3A00, $0x38;
	[tilespmem:$0x16800] =	vst v63  }
0xc8: {  	s24 =	sadd.s32 $0x16C380, s12;
	_ =	swait.ge [sflag:s18], $0xAE00  }
0xc9: {  	s25 =	sadd.s32 $0x780, s24;
	[sflag:s18] =	ssyncset.done $0x0  }
0xca: {  	[smem:$0x7F9] =	sst s25;
	[sflag:s18] =	ssyncadd.s32 $0xFFFF5200  }
0xcb: {  	[hbm4b:s24+s2] =	stream.linear.scatter [tilespmem:s7], [sflag:$0x3], $0x3A00, $0x38;
	[tilespmem:$0x16800] =	vst v63  }
0xcc: {  	s0 =	sadd.s32 $0xF00, s24;
	[smem:$0x7FA] =	sst s24  }
0xcd: {  	[hbm4b:s25+s2] =	stream.linear.scatter [tilespmem:s8], [sflag:$0x3], $0x3A00, $0x38;
	[tilespmem:$0x16800] =	vst v63  }
0xce: {  	[smem:$0x7FB] =	sst s0  }
0xcf: {  	[hbm4b:s0+s2] =	stream.linear.scatter [tilespmem:s9], [sflag:$0x3], $0x3A00, $0x38;
	[tilespmem:$0x16800] =	vst v63  }
0xd0: {  	_ =	swait.ge [sflag:s13], $0xAE00  }
0xd1: {  	s26 =	sadd.s32 s11, s17;
	[sflag:s13] =	ssyncset.done $0x0  }
0xd2: {  	s3 =	sadd.s32 $0x780, s26;
	[sflag:s13] =	ssyncadd.s32 $0xFFFF5200  }
0xd3: {  	[tilespmem:s7], [sflag:$0x2] =	stream.linear.gather [hbm4b:s26+s2], $0x3A00, $0x38;
	[tilespmem:$0x16800] =	vst v63  }
0xd4: {  	[smem:$0x7FC] =	sst s3  }
0xd5: {  	[tilespmem:s8], [sflag:$0x2] =	stream.linear.gather [hbm4b:s3+s2], $0x3A00, $0x38;
	[tilespmem:$0x16800] =	vst v63  }
0xd6: {  	s0 =	sadd.s32 $0xF00, s26;
	[smem:$0x7FD] =	sst s26  }
0xd7: {  	[tilespmem:s9], [sflag:$0x2] =	stream.linear.gather [hbm4b:s0+s2], $0x3A00, $0x38;
	[tilespmem:$0x16800] =	vst v63  }
0xd8: {  	_ =	swait.ge [sflag:s10], $0xAE00  }
0xd9: {  	[sflag:s10] =	ssyncset.done $0x0  }
0xda: {  	s19 =	sadd.s32 $0x16DA00, s12;
	[sflag:s10] =	ssyncadd.s32 $0xFFFF5200  }
0xdb: {  	[hbm4b:s19+s2] =	stream.linear.scatter [tilespmem:s2], [sflag:$0x3], $0x3A00, $0x38;
	[tilespmem:$0x16800] =	vst v63  }
0xdc: {  	s20 =	sadd.s32 $0x780, s19  }
0xdd: {  	[hbm4b:s20+s2] =	stream.linear.scatter [tilespmem:s5], [sflag:$0x3], $0x3A00, $0x38;
	[tilespmem:$0x16800] =	vst v63  }
0xde: {  	s21 =	sadd.s32 $0xF00, s19  }
0xdf: {  	[hbm4b:s21+s2] =	stream.linear.scatter [tilespmem:s6], [sflag:$0x3], $0x3A00, $0x38;
	[tilespmem:$0x16800] =	vst v63  }
0xe0: {  	_ =	swait.ge [sflag:s13], $0xAE00  }
0xe1: {  	[sflag:s13] =	ssyncset.done $0x0  }
0xe2: {  	s22 =	sadd.s32 s11, s22;
	[sflag:s13] =	ssyncadd.s32 $0xFFFF5200  }
0xe3: {  	[tilespmem:s2], [sflag:$0x1] =	stream.linear.gather [hbm4b:s22+s2], $0x3A00, $0x38;
	[tilespmem:$0x16800] =	vst v63  }
0xe4: {  	s23 =	sadd.s32 $0x780, s22  }
0xe5: {  	[tilespmem:s5], [sflag:$0x1] =	stream.linear.gather [hbm4b:s23+s2], $0x3A00, $0x38;
	[tilespmem:$0x16800] =	vst v63  }
0xe6: {  	s24 =	sadd.s32 $0xF00, s22  }
0xe7: {  	[tilespmem:s6], [sflag:$0x1] =	stream.linear.gather [hbm4b:s24+s2], $0x3A00, $0x38;
	[tilespmem:$0x16800] =	vst v63  }
0xe8: {  	_ =	swait.ge [sflag:s18], $0xAE00  }
0xe9: {  	[sflag:s18] =	ssyncset.done $0x0  }
0xea: {  	s25 =	sadd.s32 $0x16F080, s12;
	[sflag:s18] =	ssyncadd.s32 $0xFFFF5200  }
0xeb: {  	[hbm4b:s25+s2] =	stream.linear.scatter [tilespmem:s7], [sflag:$0x3], $0x3A00, $0x38;
	[tilespmem:$0x16800] =	vst v63  }
0xec: {  	s26 =	sadd.s32 $0x780, s25  }
0xed: {  	[hbm4b:s26+s2] =	stream.linear.scatter [tilespmem:s8], [sflag:$0x3], $0x3A00, $0x38;
	[tilespmem:$0x16800] =	vst v63  }
0xee: {  	s28 =	sadd.s32 $0xF00, s25  }
0xef: {  	[hbm4b:s28+s2] =	stream.linear.scatter [tilespmem:s9], [sflag:$0x3], $0x3A00, $0x38;
	[tilespmem:$0x16800] =	vst v63  }
0xf0: {  	_ =	swait.ge [sflag:s13], $0xAE00  }
0xf1: {  	[sflag:s13] =	ssyncset.done $0x0  }
0xf2: {  	s29 =	sadd.s32 s11, s29;
	[sflag:s13] =	ssyncadd.s32 $0xFFFF5200  }
0xf3: {  	[tilespmem:s7], [sflag:$0x2] =	stream.linear.gather [hbm4b:s29+s2], $0x3A00, $0x38;
	[tilespmem:$0x16800] =	vst v63  }
0xf4: {  	s30 =	sadd.s32 $0x780, s29  }
0xf5: {  	[tilespmem:s8], [sflag:$0x2] =	stream.linear.gather [hbm4b:s30+s2], $0x3A00, $0x38;
	[tilespmem:$0x16800] =	vst v63  }
0xf6: {  	s31 =	sadd.s32 $0xF00, s29  }
0xf7: {  	[tilespmem:s9], [sflag:$0x2] =	stream.linear.gather [hbm4b:s31+s2], $0x3A00, $0x38;
	[tilespmem:$0x16800] =	vst v63  }
0xf8: {  	_ =	swait.ge [sflag:s10], $0xAE00  }
0xf9: {  	[sflag:s10] =	ssyncset.done $0x0  }
0xfa: {  	s1 =	sadd.s32 $0x170700, s12;
	[sflag:s10] =	ssyncadd.s32 $0xFFFF5200  }
0xfb: {  	[hbm4b:s1+s2] =	stream.linear.scatter [tilespmem:s2], [sflag:$0x3], $0x3A00, $0x38;
	[tilespmem:$0x16800] =	vst v63  }
0xfc: {  	s17 =	smov.u32 s0;
	s0 =	sadd.s32 $0x780, s1  }
0xfd: {  	[hbm4b:s0+s2] =	stream.linear.scatter [tilespmem:s5], [sflag:$0x3], $0x3A00, $0x38;
	[tilespmem:$0x16800] =	vst v63  }
0xfe: {  	s3 =	sadd.s32 $0xF00, s1  }
0xff: {  	[hbm4b:s3+s2] =	stream.linear.scatter [tilespmem:s6], [sflag:$0x3], $0x3A00, $0x38;
	[tilespmem:$0x16800] =	vst v63  }
0x100: {  	_ =	swait.ge [sflag:s13], $0xAE00  }
0x101: {  	[sflag:s13] =	ssyncset.done $0x0  }
0x102: {  	s14 =	ssub.s32 $0x2, s4;
	[sflag:s13] =	ssyncadd.s32 $0xFFFF5200  }
0x103: {  	s15 =	sshrl.u32 s14, $0x1;
	_ =	swait.ge [sflag:s18], $0xAE00  }
0x104: {  	s4 =	sadd.s32 $0x171D80, s12;
	s12 =	ssub.s32 s14, s15;
	[sflag:s18] =	ssyncset.done $0x0  }
0x105: {  	s16 =	smax.u32 s12, $0x1;
	[sflag:s18] =	ssyncadd.s32 $0xFFFF5200  }
0x106: {  	[hbm4b:s4+s2] =	stream.linear.scatter [tilespmem:s7], [sflag:$0x3], $0x3A00, $0x38;
	[tilespmem:$0x16800] =	vst v63  }
0x107: {  	s11 =	sadd.s32 $0x780, s4;
	p0 =	sne.s32 s16, $0x1  }
0x108: {  	[hbm4b:s11+s2] =	stream.linear.scatter [tilespmem:s8], [sflag:$0x3], $0x3A00, $0x38;
	[tilespmem:$0x16800] =	vst v63  }
.Ltmp0:
0x109: {  	_ = 	snop;
	(pc) =	sbr.rel @!p0 .LBB2_2-.Ltmp0, $4  }
0x10a: {  	s12 =	sadd.s32 $0xF00, s4  }
0x10b: {  	[hbm4b:s12+s2] =	stream.linear.scatter [tilespmem:s9], [sflag:$0x3], $0x3A00, $0x38;
	[tilespmem:$0x16800] =	vst v63  }
0x10c: {  	_ =	swait.ge [sflag:s13], $0xAE00  }
0x10d: {  	s14 =	sadd.s32 $0xFFFFFFFF, s16;
	[sflag:s13] =	ssyncset.done $0x0  }
.LBB2_1:
0x10e: {  	[sflag:s13] =	ssyncadd.s32 $0xFFFF5200;
	s16 =	rddreg [dreg:$0x6]  }
0x10f: {  	[tilespmem:s2], [sflag:$0x1] =	stream.linear.gather [hbm4b:s16+s2], $0x3A00, $0x38;
	[tilespmem:$0x16800] =	vst v63  }
0x110: {  	s15 =	rddreg [dreg:$0x2]  }
0x111: {  	[tilespmem:s5], [sflag:$0x1] =	stream.linear.gather [hbm4b:s15+s2], $0x3A00, $0x38;
	[tilespmem:$0x16800] =	vst v63  }
0x112: {  	s16 =	rddreg [dreg:$0x3]  }
0x113: {  	[tilespmem:s6], [sflag:$0x1] =	stream.linear.gather [hbm4b:s16+s2], $0x3A00, $0x38;
	[tilespmem:$0x16800] =	vst v63  }
0x114: {  	s16 =	rddreg [dreg:$0x7]  }
0x115: {  	[tilespmem:s7], [sflag:$0x2] =	stream.linear.gather [hbm4b:s16+s2], $0x3A00, $0x38;
	[tilespmem:$0x16800] =	vst v63  }
0x116: {  	s15 =	rddreg [dreg:$0x4]  }
0x117: {  	[tilespmem:s8], [sflag:$0x2] =	stream.linear.gather [hbm4b:s15+s2], $0x3A00, $0x38;
	[tilespmem:$0x16800] =	vst v63  }
0x118: {  	s16 =	rddreg [dreg:$0x5]  }
0x119: {  	[tilespmem:s9], [sflag:$0x2] =	stream.linear.gather [hbm4b:s16+s2], $0x3A00, $0x38;
	[tilespmem:$0x16800] =	vst v63  }
0x11a: {  	_ =	swait.ge [sflag:s10], $0xAE00  }
0x11b: {  	[sflag:s10] =	ssyncset.done $0x0  }
0x11c: {  	s16 =	rddreg [dreg:$0x8];
	[sflag:s10] =	ssyncadd.s32 $0xFFFF5200  }
0x11d: {  	[hbm4b:s16+s2] =	stream.linear.scatter [tilespmem:s2], [sflag:$0x3], $0x3A00, $0x38;
	[tilespmem:$0x16800] =	vst v63  }
0x11e: {  	s16 =	rddreg [dreg:$0x9]  }
0x11f: {  	[hbm4b:s16+s2] =	stream.linear.scatter [tilespmem:s5], [sflag:$0x3], $0x3A00, $0x38;
	[tilespmem:$0x16800] =	vst v63  }
0x120: {  	s16 =	rddreg [dreg:$0xa]  }
0x121: {  	[hbm4b:s16+s2] =	stream.linear.scatter [tilespmem:s6], [sflag:$0x3], $0x3A00, $0x38;
	[tilespmem:$0x16800] =	vst v63  }
0x122: {  	_ =	swait.ge [sflag:s13], $0xAE00  }
0x123: {  	[sflag:s13] =	ssyncset.done $0x0  }
0x124: {  	s16 =	rddreg [dreg:$0xb];
	[sflag:s13] =	ssyncadd.s32 $0xFFFF5200  }
0x125: {  	[tilespmem:s2], [sflag:$0x1] =	stream.linear.gather [hbm4b:s16+s2], $0x3A00, $0x38;
	[tilespmem:$0x16800] =	vst v63  }
0x126: {  	s16 =	rddreg [dreg:$0xc]  }
0x127: {  	[tilespmem:s5], [sflag:$0x1] =	stream.linear.gather [hbm4b:s16+s2], $0x3A00, $0x38;
	[tilespmem:$0x16800] =	vst v63  }
0x128: {  	s16 =	rddreg [dreg:$0xd]  }
0x129: {  	[tilespmem:s6], [sflag:$0x1] =	stream.linear.gather [hbm4b:s16+s2], $0x3A00, $0x38;
	[tilespmem:$0x16800] =	vst v63  }
0x12a: {  	_ =	swait.ge [sflag:s18], $0xAE00  }
0x12b: {  	[sflag:s18] =	ssyncset.done $0x0  }
0x12c: {  	s16 =	rddreg [dreg:$0xe];
	[sflag:s18] =	ssyncadd.s32 $0xFFFF5200  }
0x12d: {  	[hbm4b:s16+s2] =	stream.linear.scatter [tilespmem:s7], [sflag:$0x3], $0x3A00, $0x38;
	[tilespmem:$0x16800] =	vst v63  }
0x12e: {  	s16 =	rddreg [dreg:$0xf]  }
0x12f: {  	[hbm4b:s16+s2] =	stream.linear.scatter [tilespmem:s8], [sflag:$0x3], $0x3A00, $0x38;
	[tilespmem:$0x16800] =	vst v63  }
0x130: {  	s16 =	rddreg [dreg:$0x10]  }
0x131: {  	[hbm4b:s16+s2] =	stream.linear.scatter [tilespmem:s9], [sflag:$0x3], $0x3A00, $0x38;
	[tilespmem:$0x16800] =	vst v63  }
0x132: {  	_ =	swait.ge [sflag:s13], $0xAE00  }
0x133: {  	[sflag:s13] =	ssyncset.done $0x0  }
0x134: {  	s16 =	rddreg [dreg:$0x11];
	[sflag:s13] =	ssyncadd.s32 $0xFFFF5200  }
0x135: {  	[tilespmem:s7], [sflag:$0x2] =	stream.linear.gather [hbm4b:s16+s2], $0x3A00, $0x38;
	[tilespmem:$0x16800] =	vst v63  }
0x136: {  	s16 =	rddreg [dreg:$0x12]  }
0x137: {  	[tilespmem:s8], [sflag:$0x2] =	stream.linear.gather [hbm4b:s16+s2], $0x3A00, $0x38;
	[tilespmem:$0x16800] =	vst v63  }
0x138: {  	s16 =	rddreg [dreg:$0x13]  }
0x139: {  	[tilespmem:s9], [sflag:$0x2] =	stream.linear.gather [hbm4b:s16+s2], $0x3A00, $0x38;
	[tilespmem:$0x16800] =	vst v63  }
0x13a: {  	_ =	swait.ge [sflag:s10], $0xAE00  }
0x13b: {  	[sflag:s10] =	ssyncset.done $0x0  }
0x13c: {  	s16 =	rddreg [dreg:$0x14];
	[sflag:s10] =	ssyncadd.s32 $0xFFFF5200  }
0x13d: {  	[hbm4b:s16+s2] =	stream.linear.scatter [tilespmem:s2], [sflag:$0x3], $0x3A00, $0x38;
	[tilespmem:$0x16800] =	vst v63  }
0x13e: {  	s16 =	rddreg [dreg:$0x15]  }
0x13f: {  	[hbm4b:s16+s2] =	stream.linear.scatter [tilespmem:s5], [sflag:$0x3], $0x3A00, $0x38;
	[tilespmem:$0x16800] =	vst v63  }
0x140: {  	s16 =	rddreg [dreg:$0x16]  }
0x141: {  	[hbm4b:s16+s2] =	stream.linear.scatter [tilespmem:s6], [sflag:$0x3], $0x3A00, $0x38;
	[tilespmem:$0x16800] =	vst v63  }
0x142: {  	_ =	swait.ge [sflag:s13], $0xAE00  }
0x143: {  	[sflag:s13] =	ssyncset.done $0x0  }
0x144: {  	s16 =	rddreg [dreg:$0x17];
	[sflag:s13] =	ssyncadd.s32 $0xFFFF5200  }
0x145: {  	[tilespmem:s2], [sflag:$0x1] =	stream.linear.gather [hbm4b:s16+s2], $0x3A00, $0x38;
	[tilespmem:$0x16800] =	vst v63  }
0x146: {  	s16 =	rddreg [dreg:$0x18]  }
0x147: {  	[tilespmem:s5], [sflag:$0x1] =	stream.linear.gather [hbm4b:s16+s2], $0x3A00, $0x38;
	[tilespmem:$0x16800] =	vst v63  }
0x148: {  	s16 =	rddreg [dreg:$0x19]  }
0x149: {  	[tilespmem:s6], [sflag:$0x1] =	stream.linear.gather [hbm4b:s16+s2], $0x3A00, $0x38;
	[tilespmem:$0x16800] =	vst v63  }
0x14a: {  	_ =	swait.ge [sflag:s18], $0xAE00  }
0x14b: {  	[sflag:s18] =	ssyncset.done $0x0  }
0x14c: {  	s16 =	rddreg [dreg:$0x1a];
	[sflag:s18] =	ssyncadd.s32 $0xFFFF5200  }
0x14d: {  	[hbm4b:s16+s2] =	stream.linear.scatter [tilespmem:s7], [sflag:$0x3], $0x3A00, $0x38;
	[tilespmem:$0x16800] =	vst v63  }
0x14e: {  	s16 =	rddreg [dreg:$0x1b]  }
0x14f: {  	[hbm4b:s16+s2] =	stream.linear.scatter [tilespmem:s8], [sflag:$0x3], $0x3A00, $0x38;
	[tilespmem:$0x16800] =	vst v63  }
0x150: {  	s16 =	rddreg [dreg:$0x1c]  }
0x151: {  	[hbm4b:s16+s2] =	stream.linear.scatter [tilespmem:s9], [sflag:$0x3], $0x3A00, $0x38;
	[tilespmem:$0x16800] =	vst v63  }
0x152: {  	_ =	swait.ge [sflag:s13], $0xAE00  }
0x153: {  	[sflag:s13] =	ssyncset.done $0x0  }
0x154: {  	s16 =	rddreg [dreg:$0x1d];
	[sflag:s13] =	ssyncadd.s32 $0xFFFF5200  }
0x155: {  	[tilespmem:s7], [sflag:$0x2] =	stream.linear.gather [hbm4b:s16+s2], $0x3A00, $0x38;
	[tilespmem:$0x16800] =	vst v63  }
0x156: {  	s16 =	rddreg [dreg:$0x1e]  }
0x157: {  	[tilespmem:s8], [sflag:$0x2] =	stream.linear.gather [hbm4b:s16+s2], $0x3A00, $0x38;
	[tilespmem:$0x16800] =	vst v63  }
0x158: {  	s16 =	rddreg [dreg:$0x1f]  }
0x159: {  	[tilespmem:s9], [sflag:$0x2] =	stream.linear.gather [hbm4b:s16+s2], $0x3A00, $0x38;
	[tilespmem:$0x16800] =	vst v63  }
0x15a: {  	_ =	swait.ge [sflag:s10], $0xAE00  }
0x15b: {  	s16 =	sld [smem:$0x7D0]  }
0x15c: {  	[sflag:s10] =	ssyncset.done $0x0  }
0x15d: {  	[sflag:s10] =	ssyncadd.s32 $0xFFFF5200  }
0x15e: {  	[hbm4b:s16+s2] =	stream.linear.scatter [tilespmem:s2], [sflag:$0x3], $0x3A00, $0x38;
	[tilespmem:$0x16800] =	vst v63  }
0x15f: {  	s16 =	sld [smem:$0x7CF];
	_ =	sdelay $0x2  }
0x160: {  	[hbm4b:s16+s2] =	stream.linear.scatter [tilespmem:s5], [sflag:$0x3], $0x3A00, $0x38;
	[tilespmem:$0x16800] =	vst v63  }
0x161: {  	s16 =	sld [smem:$0x7D1];
	_ =	sdelay $0x2  }
0x162: {  	[hbm4b:s16+s2] =	stream.linear.scatter [tilespmem:s6], [sflag:$0x3], $0x3A00, $0x38;
	[tilespmem:$0x16800] =	vst v63  }
0x163: {  	_ =	swait.ge [sflag:s13], $0xAE00  }
0x164: {  	s16 =	sld [smem:$0x7D3]  }
0x165: {  	[sflag:s13] =	ssyncset.done $0x0  }
0x166: {  	[sflag:s13] =	ssyncadd.s32 $0xFFFF5200  }
0x167: {  	[tilespmem:s2], [sflag:$0x1] =	stream.linear.gather [hbm4b:s16+s2], $0x3A00, $0x38;
	[tilespmem:$0x16800] =	vst v63  }
0x168: {  	s16 =	sld [smem:$0x7D2];
	_ =	sdelay $0x2  }
0x169: {  	[tilespmem:s5], [sflag:$0x1] =	stream.linear.gather [hbm4b:s16+s2], $0x3A00, $0x38;
	[tilespmem:$0x16800] =	vst v63  }
0x16a: {  	s16 =	sld [smem:$0x7D4];
	_ =	sdelay $0x2  }
0x16b: {  	[tilespmem:s6], [sflag:$0x1] =	stream.linear.gather [hbm4b:s16+s2], $0x3A00, $0x38;
	[tilespmem:$0x16800] =	vst v63  }
0x16c: {  	_ =	swait.ge [sflag:s18], $0xAE00  }
0x16d: {  	s16 =	sld [smem:$0x7D6]  }
0x16e: {  	[sflag:s18] =	ssyncset.done $0x0  }
0x16f: {  	[sflag:s18] =	ssyncadd.s32 $0xFFFF5200  }
0x170: {  	[hbm4b:s16+s2] =	stream.linear.scatter [tilespmem:s7], [sflag:$0x3], $0x3A00, $0x38;
	[tilespmem:$0x16800] =	vst v63  }
0x171: {  	s16 =	sld [smem:$0x7D5];
	_ =	sdelay $0x2  }
0x172: {  	[hbm4b:s16+s2] =	stream.linear.scatter [tilespmem:s8], [sflag:$0x3], $0x3A00, $0x38;
	[tilespmem:$0x16800] =	vst v63  }
0x173: {  	s16 =	sld [smem:$0x7D7];
	_ =	sdelay $0x2  }
0x174: {  	[hbm4b:s16+s2] =	stream.linear.scatter [tilespmem:s9], [sflag:$0x3], $0x3A00, $0x38;
	[tilespmem:$0x16800] =	vst v63  }
0x175: {  	_ =	swait.ge [sflag:s13], $0xAE00  }
0x176: {  	s16 =	sld [smem:$0x7D9]  }
0x177: {  	[sflag:s13] =	ssyncset.done $0x0  }
0x178: {  	[sflag:s13] =	ssyncadd.s32 $0xFFFF5200  }
0x179: {  	[tilespmem:s7], [sflag:$0x2] =	stream.linear.gather [hbm4b:s16+s2], $0x3A00, $0x38;
	[tilespmem:$0x16800] =	vst v63  }
0x17a: {  	s16 =	sld [smem:$0x7D8];
	_ =	sdelay $0x2  }
0x17b: {  	[tilespmem:s8], [sflag:$0x2] =	stream.linear.gather [hbm4b:s16+s2], $0x3A00, $0x38;
	[tilespmem:$0x16800] =	vst v63  }
0x17c: {  	s16 =	sld [smem:$0x7DA];
	_ =	sdelay $0x2  }
0x17d: {  	[tilespmem:s9], [sflag:$0x2] =	stream.linear.gather [hbm4b:s16+s2], $0x3A00, $0x38;
	[tilespmem:$0x16800] =	vst v63  }
0x17e: {  	_ =	swait.ge [sflag:s10], $0xAE00  }
0x17f: {  	s16 =	sld [smem:$0x7DC]  }
0x180: {  	[sflag:s10] =	ssyncset.done $0x0  }
0x181: {  	[sflag:s10] =	ssyncadd.s32 $0xFFFF5200  }
0x182: {  	[hbm4b:s16+s2] =	stream.linear.scatter [tilespmem:s2], [sflag:$0x3], $0x3A00, $0x38;
	[tilespmem:$0x16800] =	vst v63  }
0x183: {  	s16 =	sld [smem:$0x7DB];
	_ =	sdelay $0x2  }
0x184: {  	[hbm4b:s16+s2] =	stream.linear.scatter [tilespmem:s5], [sflag:$0x3], $0x3A00, $0x38;
	[tilespmem:$0x16800] =	vst v63  }
0x185: {  	s16 =	sld [smem:$0x7DD];
	_ =	sdelay $0x2  }
0x186: {  	[hbm4b:s16+s2] =	stream.linear.scatter [tilespmem:s6], [sflag:$0x3], $0x3A00, $0x38;
	[tilespmem:$0x16800] =	vst v63  }
0x187: {  	_ =	swait.ge [sflag:s13], $0xAE00  }
0x188: {  	s16 =	sld [smem:$0x7DF]  }
0x189: {  	[sflag:s13] =	ssyncset.done $0x0  }
0x18a: {  	[sflag:s13] =	ssyncadd.s32 $0xFFFF5200  }
0x18b: {  	[tilespmem:s2], [sflag:$0x1] =	stream.linear.gather [hbm4b:s16+s2], $0x3A00, $0x38;
	[tilespmem:$0x16800] =	vst v63  }
0x18c: {  	s16 =	sld [smem:$0x7DE];
	_ =	sdelay $0x2  }
0x18d: {  	[tilespmem:s5], [sflag:$0x1] =	stream.linear.gather [hbm4b:s16+s2], $0x3A00, $0x38;
	[tilespmem:$0x16800] =	vst v63  }
0x18e: {  	s16 =	sld [smem:$0x7E0];
	_ =	sdelay $0x2  }
0x18f: {  	[tilespmem:s6], [sflag:$0x1] =	stream.linear.gather [hbm4b:s16+s2], $0x3A00, $0x38;
	[tilespmem:$0x16800] =	vst v63  }
0x190: {  	_ =	swait.ge [sflag:s18], $0xAE00  }
0x191: {  	s16 =	sld [smem:$0x7E2]  }
0x192: {  	[sflag:s18] =	ssyncset.done $0x0  }
0x193: {  	[sflag:s18] =	ssyncadd.s32 $0xFFFF5200  }
0x194: {  	[hbm4b:s16+s2] =	stream.linear.scatter [tilespmem:s7], [sflag:$0x3], $0x3A00, $0x38;
	[tilespmem:$0x16800] =	vst v63  }
0x195: {  	s16 =	sld [smem:$0x7E1];
	_ =	sdelay $0x2  }
0x196: {  	[hbm4b:s16+s2] =	stream.linear.scatter [tilespmem:s8], [sflag:$0x3], $0x3A00, $0x38;
	[tilespmem:$0x16800] =	vst v63  }
0x197: {  	s16 =	sld [smem:$0x7E3];
	_ =	sdelay $0x2  }
0x198: {  	[hbm4b:s16+s2] =	stream.linear.scatter [tilespmem:s9], [sflag:$0x3], $0x3A00, $0x38;
	[tilespmem:$0x16800] =	vst v63  }
0x199: {  	_ =	swait.ge [sflag:s13], $0xAE00  }
0x19a: {  	s16 =	sld [smem:$0x7E5]  }
0x19b: {  	[sflag:s13] =	ssyncset.done $0x0  }
0x19c: {  	[sflag:s13] =	ssyncadd.s32 $0xFFFF5200  }
0x19d: {  	[tilespmem:s7], [sflag:$0x2] =	stream.linear.gather [hbm4b:s16+s2], $0x3A00, $0x38;
	[tilespmem:$0x16800] =	vst v63  }
0x19e: {  	s16 =	sld [smem:$0x7E4];
	_ =	sdelay $0x2  }
0x19f: {  	[tilespmem:s8], [sflag:$0x2] =	stream.linear.gather [hbm4b:s16+s2], $0x3A00, $0x38;
	[tilespmem:$0x16800] =	vst v63  }
0x1a0: {  	s16 =	sld [smem:$0x7E6];
	_ =	sdelay $0x2  }
0x1a1: {  	[tilespmem:s9], [sflag:$0x2] =	stream.linear.gather [hbm4b:s16+s2], $0x3A00, $0x38;
	[tilespmem:$0x16800] =	vst v63  }
0x1a2: {  	_ =	swait.ge [sflag:s10], $0xAE00  }
0x1a3: {  	s16 =	sld [smem:$0x7E8]  }
0x1a4: {  	[sflag:s10] =	ssyncset.done $0x0  }
0x1a5: {  	[sflag:s10] =	ssyncadd.s32 $0xFFFF5200  }
0x1a6: {  	[hbm4b:s16+s2] =	stream.linear.scatter [tilespmem:s2], [sflag:$0x3], $0x3A00, $0x38;
	[tilespmem:$0x16800] =	vst v63  }
0x1a7: {  	s16 =	sld [smem:$0x7E7];
	_ =	sdelay $0x2  }
0x1a8: {  	[hbm4b:s16+s2] =	stream.linear.scatter [tilespmem:s5], [sflag:$0x3], $0x3A00, $0x38;
	[tilespmem:$0x16800] =	vst v63  }
0x1a9: {  	s16 =	sld [smem:$0x7E9];
	_ =	sdelay $0x2  }
0x1aa: {  	[hbm4b:s16+s2] =	stream.linear.scatter [tilespmem:s6], [sflag:$0x3], $0x3A00, $0x38;
	[tilespmem:$0x16800] =	vst v63  }
0x1ab: {  	_ =	swait.ge [sflag:s13], $0xAE00  }
0x1ac: {  	s16 =	sld [smem:$0x7EB]  }
0x1ad: {  	[sflag:s13] =	ssyncset.done $0x0  }
0x1ae: {  	[sflag:s13] =	ssyncadd.s32 $0xFFFF5200  }
0x1af: {  	[tilespmem:s2], [sflag:$0x1] =	stream.linear.gather [hbm4b:s16+s2], $0x3A00, $0x38;
	[tilespmem:$0x16800] =	vst v63  }
0x1b0: {  	s16 =	sld [smem:$0x7EA];
	_ =	sdelay $0x2  }
0x1b1: {  	[tilespmem:s5], [sflag:$0x1] =	stream.linear.gather [hbm4b:s16+s2], $0x3A00, $0x38;
	[tilespmem:$0x16800] =	vst v63  }
0x1b2: {  	s16 =	sld [smem:$0x7EC];
	_ =	sdelay $0x2  }
0x1b3: {  	[tilespmem:s6], [sflag:$0x1] =	stream.linear.gather [hbm4b:s16+s2], $0x3A00, $0x38;
	[tilespmem:$0x16800] =	vst v63  }
0x1b4: {  	_ =	swait.ge [sflag:s18], $0xAE00  }
0x1b5: {  	s16 =	sld [smem:$0x7EE]  }
0x1b6: {  	[sflag:s18] =	ssyncset.done $0x0  }
0x1b7: {  	[sflag:s18] =	ssyncadd.s32 $0xFFFF5200  }
0x1b8: {  	[hbm4b:s16+s2] =	stream.linear.scatter [tilespmem:s7], [sflag:$0x3], $0x3A00, $0x38;
	[tilespmem:$0x16800] =	vst v63  }
0x1b9: {  	s16 =	sld [smem:$0x7ED];
	_ =	sdelay $0x2  }
0x1ba: {  	[hbm4b:s16+s2] =	stream.linear.scatter [tilespmem:s8], [sflag:$0x3], $0x3A00, $0x38;
	[tilespmem:$0x16800] =	vst v63  }
0x1bb: {  	s16 =	sld [smem:$0x7EF];
	_ =	sdelay $0x2  }
0x1bc: {  	[hbm4b:s16+s2] =	stream.linear.scatter [tilespmem:s9], [sflag:$0x3], $0x3A00, $0x38;
	[tilespmem:$0x16800] =	vst v63  }
0x1bd: {  	_ =	swait.ge [sflag:s13], $0xAE00  }
0x1be: {  	s16 =	sld [smem:$0x7F1]  }
0x1bf: {  	[sflag:s13] =	ssyncset.done $0x0  }
0x1c0: {  	[sflag:s13] =	ssyncadd.s32 $0xFFFF5200  }
0x1c1: {  	[tilespmem:s7], [sflag:$0x2] =	stream.linear.gather [hbm4b:s16+s2], $0x3A00, $0x38;
	[tilespmem:$0x16800] =	vst v63  }
0x1c2: {  	s16 =	sld [smem:$0x7F0];
	_ =	sdelay $0x2  }
0x1c3: {  	[tilespmem:s8], [sflag:$0x2] =	stream.linear.gather [hbm4b:s16+s2], $0x3A00, $0x38;
	[tilespmem:$0x16800] =	vst v63  }
0x1c4: {  	s16 =	sld [smem:$0x7F2];
	_ =	sdelay $0x2  }
0x1c5: {  	[tilespmem:s9], [sflag:$0x2] =	stream.linear.gather [hbm4b:s16+s2], $0x3A00, $0x38;
	[tilespmem:$0x16800] =	vst v63  }
0x1c6: {  	_ =	swait.ge [sflag:s10], $0xAE00  }
0x1c7: {  	s16 =	sld [smem:$0x7F4]  }
0x1c8: {  	[sflag:s10] =	ssyncset.done $0x0  }
0x1c9: {  	[sflag:s10] =	ssyncadd.s32 $0xFFFF5200  }
0x1ca: {  	[hbm4b:s16+s2] =	stream.linear.scatter [tilespmem:s2], [sflag:$0x3], $0x3A00, $0x38;
	[tilespmem:$0x16800] =	vst v63  }
0x1cb: {  	s16 =	sld [smem:$0x7F3];
	_ =	sdelay $0x2  }
0x1cc: {  	[hbm4b:s16+s2] =	stream.linear.scatter [tilespmem:s5], [sflag:$0x3], $0x3A00, $0x38;
	[tilespmem:$0x16800] =	vst v63  }
0x1cd: {  	s16 =	sld [smem:$0x7F5];
	_ =	sdelay $0x2  }
0x1ce: {  	[hbm4b:s16+s2] =	stream.linear.scatter [tilespmem:s6], [sflag:$0x3], $0x3A00, $0x38;
	[tilespmem:$0x16800] =	vst v63  }
0x1cf: {  	_ =	swait.ge [sflag:s13], $0xAE00  }
0x1d0: {  	s16 =	sld [smem:$0x7F7]  }
0x1d1: {  	[sflag:s13] =	ssyncset.done $0x0  }
0x1d2: {  	[sflag:s13] =	ssyncadd.s32 $0xFFFF5200  }
0x1d3: {  	[tilespmem:s2], [sflag:$0x1] =	stream.linear.gather [hbm4b:s16+s2], $0x3A00, $0x38;
	[tilespmem:$0x16800] =	vst v63  }
0x1d4: {  	s16 =	sld [smem:$0x7F6];
	_ =	sdelay $0x2  }
0x1d5: {  	[tilespmem:s5], [sflag:$0x1] =	stream.linear.gather [hbm4b:s16+s2], $0x3A00, $0x38;
	[tilespmem:$0x16800] =	vst v63  }
0x1d6: {  	s16 =	sld [smem:$0x7F8];
	_ =	sdelay $0x2  }
0x1d7: {  	[tilespmem:s6], [sflag:$0x1] =	stream.linear.gather [hbm4b:s16+s2], $0x3A00, $0x38;
	[tilespmem:$0x16800] =	vst v63  }
0x1d8: {  	_ =	swait.ge [sflag:s18], $0xAE00  }
0x1d9: {  	s16 =	sld [smem:$0x7FA]  }
0x1da: {  	[sflag:s18] =	ssyncset.done $0x0  }
0x1db: {  	[sflag:s18] =	ssyncadd.s32 $0xFFFF5200  }
0x1dc: {  	[hbm4b:s16+s2] =	stream.linear.scatter [tilespmem:s7], [sflag:$0x3], $0x3A00, $0x38;
	[tilespmem:$0x16800] =	vst v63  }
0x1dd: {  	s16 =	sld [smem:$0x7F9];
	_ =	sdelay $0x2  }
0x1de: {  	[hbm4b:s16+s2] =	stream.linear.scatter [tilespmem:s8], [sflag:$0x3], $0x3A00, $0x38;
	[tilespmem:$0x16800] =	vst v63  }
0x1df: {  	s16 =	sld [smem:$0x7FB];
	_ =	sdelay $0x2  }
0x1e0: {  	[hbm4b:s16+s2] =	stream.linear.scatter [tilespmem:s9], [sflag:$0x3], $0x3A00, $0x38;
	[tilespmem:$0x16800] =	vst v63  }
0x1e1: {  	_ =	swait.ge [sflag:s13], $0xAE00  }
0x1e2: {  	s16 =	sld [smem:$0x7FD]  }
0x1e3: {  	[sflag:s13] =	ssyncset.done $0x0  }
0x1e4: {  	[sflag:s13] =	ssyncadd.s32 $0xFFFF5200  }
0x1e5: {  	[tilespmem:s7], [sflag:$0x2] =	stream.linear.gather [hbm4b:s16+s2], $0x3A00, $0x38;
	[tilespmem:$0x16800] =	vst v63  }
0x1e6: {  	s16 =	sld [smem:$0x7FC];
	_ =	sdelay $0x2  }
0x1e7: {  	[tilespmem:s8], [sflag:$0x2] =	stream.linear.gather [hbm4b:s16+s2], $0x3A00, $0x38;
	[tilespmem:$0x16800] =	vst v63  }
0x1e8: {  	_ = 	snop  }
0x1e9: {  	[tilespmem:s9], [sflag:$0x2] =	stream.linear.gather [hbm4b:s17+s2], $0x3A00, $0x38;
	[tilespmem:$0x16800] =	vst v63  }
0x1ea: {  	_ =	swait.ge [sflag:s10], $0xAE00  }
0x1eb: {  	[sflag:s10] =	ssyncset.done $0x0  }
0x1ec: {  	[sflag:s10] =	ssyncadd.s32 $0xFFFF5200  }
0x1ed: {  	[hbm4b:s19+s2] =	stream.linear.scatter [tilespmem:s2], [sflag:$0x3], $0x3A00, $0x38;
	[tilespmem:$0x16800] =	vst v63  }
0x1ee: {  	_ = 	snop  }
0x1ef: {  	[hbm4b:s20+s2] =	stream.linear.scatter [tilespmem:s5], [sflag:$0x3], $0x3A00, $0x38;
	[tilespmem:$0x16800] =	vst v63  }
0x1f0: {  	_ = 	snop  }
0x1f1: {  	[hbm4b:s21+s2] =	stream.linear.scatter [tilespmem:s6], [sflag:$0x3], $0x3A00, $0x38;
	[tilespmem:$0x16800] =	vst v63  }
0x1f2: {  	_ =	swait.ge [sflag:s13], $0xAE00  }
0x1f3: {  	[sflag:s13] =	ssyncset.done $0x0  }
0x1f4: {  	[sflag:s13] =	ssyncadd.s32 $0xFFFF5200  }
0x1f5: {  	[tilespmem:s2], [sflag:$0x1] =	stream.linear.gather [hbm4b:s22+s2], $0x3A00, $0x38;
	[tilespmem:$0x16800] =	vst v63  }
0x1f6: {  	_ = 	snop  }
0x1f7: {  	[tilespmem:s5], [sflag:$0x1] =	stream.linear.gather [hbm4b:s23+s2], $0x3A00, $0x38;
	[tilespmem:$0x16800] =	vst v63  }
0x1f8: {  	_ = 	snop  }
0x1f9: {  	[tilespmem:s6], [sflag:$0x1] =	stream.linear.gather [hbm4b:s24+s2], $0x3A00, $0x38;
	[tilespmem:$0x16800] =	vst v63  }
0x1fa: {  	_ =	swait.ge [sflag:s18], $0xAE00  }
0x1fb: {  	[sflag:s18] =	ssyncset.done $0x0  }
0x1fc: {  	[sflag:s18] =	ssyncadd.s32 $0xFFFF5200  }
0x1fd: {  	[hbm4b:s25+s2] =	stream.linear.scatter [tilespmem:s7], [sflag:$0x3], $0x3A00, $0x38;
	[tilespmem:$0x16800] =	vst v63  }
0x1fe: {  	_ = 	snop  }
0x1ff: {  	[hbm4b:s26+s2] =	stream.linear.scatter [tilespmem:s8], [sflag:$0x3], $0x3A00, $0x38;
	[tilespmem:$0x16800] =	vst v63  }
0x200: {  	_ = 	snop  }
0x201: {  	[hbm4b:s28+s2] =	stream.linear.scatter [tilespmem:s9], [sflag:$0x3], $0x3A00, $0x38;
	[tilespmem:$0x16800] =	vst v63  }
0x202: {  	_ =	swait.ge [sflag:s13], $0xAE00  }
0x203: {  	[sflag:s13] =	ssyncset.done $0x0  }
0x204: {  	[sflag:s13] =	ssyncadd.s32 $0xFFFF5200  }
0x205: {  	[tilespmem:s7], [sflag:$0x2] =	stream.linear.gather [hbm4b:s29+s2], $0x3A00, $0x38;
	[tilespmem:$0x16800] =	vst v63  }
0x206: {  	_ = 	snop  }
0x207: {  	[tilespmem:s8], [sflag:$0x2] =	stream.linear.gather [hbm4b:s30+s2], $0x3A00, $0x38;
	[tilespmem:$0x16800] =	vst v63  }
0x208: {  	_ = 	snop  }
0x209: {  	[tilespmem:s9], [sflag:$0x2] =	stream.linear.gather [hbm4b:s31+s2], $0x3A00, $0x38;
	[tilespmem:$0x16800] =	vst v63  }
0x20a: {  	_ =	swait.ge [sflag:s10], $0xAE00  }
0x20b: {  	[sflag:s10] =	ssyncset.done $0x0  }
0x20c: {  	[sflag:s10] =	ssyncadd.s32 $0xFFFF5200  }
0x20d: {  	[hbm4b:s1+s2] =	stream.linear.scatter [tilespmem:s2], [sflag:$0x3], $0x3A00, $0x38;
	[tilespmem:$0x16800] =	vst v63  }
0x20e: {  	_ = 	snop  }
0x20f: {  	[hbm4b:s0+s2] =	stream.linear.scatter [tilespmem:s5], [sflag:$0x3], $0x3A00, $0x38;
	[tilespmem:$0x16800] =	vst v63  }
0x210: {  	_ = 	snop  }
0x211: {  	[hbm4b:s3+s2] =	stream.linear.scatter [tilespmem:s6], [sflag:$0x3], $0x3A00, $0x38;
	[tilespmem:$0x16800] =	vst v63  }
0x212: {  	_ =	swait.ge [sflag:s13], $0xAE00  }
0x213: {  	[sflag:s13] =	ssyncset.done $0x0  }
0x214: {  	[sflag:s13] =	ssyncadd.s32 $0xFFFF5200  }
0x215: {  	_ =	swait.ge [sflag:s18], $0xAE00  }
0x216: {  	[sflag:s18] =	ssyncset.done $0x0  }
0x217: {  	[sflag:s18] =	ssyncadd.s32 $0xFFFF5200  }
0x218: {  	[hbm4b:s4+s2] =	stream.linear.scatter [tilespmem:s7], [sflag:$0x3], $0x3A00, $0x38;
	[tilespmem:$0x16800] =	vst v63  }
0x219: {  	p0 =	sne.s32 s14, $0x1  }
0x21a: {  	[hbm4b:s11+s2] =	stream.linear.scatter [tilespmem:s8], [sflag:$0x3], $0x3A00, $0x38;
	[tilespmem:$0x16800] =	vst v63  }
.Ltmp1:
0x21b: {  	_ = 	snop;
	(pc) =	sbr.rel @p0 .LBB2_1-.Ltmp1, $4  }
0x21c: {  	_ = 	snop  }
0x21d: {  	[hbm4b:s12+s2] =	stream.linear.scatter [tilespmem:s9], [sflag:$0x3], $0x3A00, $0x38;
	[tilespmem:$0x16800] =	vst v63  }
0x21e: {  	_ =	swait.ge [sflag:s13], $0xAE00  }
0x21f: {  	s14 =	sadd.s32 $0xFFFFFFFF, s14;
	[sflag:s13] =	ssyncset.done $0x0  }
.LBB2_2:
0x220: {  	[sflag:s13] =	ssyncadd.s32 $0xFFFF5200  }
0x221: {  	_ =	sfence.sel $0x180000  }
0x222: {  	[bflag:$0x0] =	sbarrier.arrive $0xFFFF  }
0x223: {  	_ =	strace $0x90000047  }
0x224: {  	s0 =	stileid.u32;
	[bflag:$0x2] =	sbarrier.arrive $0xFFFF  }
0x225: {  	p0 =	sne.s32 s0, $0x0;
	s0 =	rddreg [dreg:$0x1]  }
0x226: {  	s0 =	sadd.s32 @!p0 $0x100000, s0  }
0x227: {  	[sflag:s0] =	ssyncadd.tile.s32 @!p0 $0x1;
	_ =	shalt  }
.Lfunc_end2:
_tile_overlayer_lowered:
.L_overlay_start_2:
0x228: {  	(tag) =	ssettag $0x2  }
0x229: {  	s0 =	rddreg [dreg:$0x0];
	s2 =	stileid.u32  }
0x22a: {  	s1 =	rddreg [dreg:$0x1];
	p0 =	sne.s32 s2, $0x0  }
0x22b: {  	s3 =	rddreg [dreg:$0x2];
	[bflag:$0x3] =	sbarrier.arrive $0xFFFF;
	s2 =	simm.s32 @!p0 $0x1C03  }
0x22c: {  	[timem:s3], [sflag:s2] =	dma.local @!p0 [hbm:s0], s1  }
0x22d: {  	s0 =	simm.s32 @!p0 $0x3  }
0x22e: {  	_ =	swait.ge @!p0 [sflag:s0], s1  }
0x22f: {  	s1 =	ssub.s32 @!p0 $0x0, s1;
	[sflag:s0] =	ssyncset.done @!p0 $0x0  }
0x230: {  	[sflag:s0] =	ssyncadd.s32 @!p0 s1  }
0x231: {  	[bflag:$0x3] =	sbarrier.arrive $0xFFFF  }
0x232: {  	_ =	shalt  }

</sc_bundles>
